<compile_context>
chip_gen: v7x
topology: tpu7x:2x2x1
jax: 0.10.2.dev20260603
libtpu: 0.0.44.dev20260713+nightly
codegen_flags: <defaults>
</compile_context>

<pallas_src>
import functools

import jax
import jax.numpy as jnp
from jax import lax
from jax.experimental import pallas as pl
from jax.experimental.pallas import tpu as pltpu
from jax.experimental.pallas import tpu_sc as plsc

C = 128
RES = 256
NC = 2
NS = 16
NW = NC * NS
CB = 32
NCHUNK = 100
PW = CB * NCHUNK
N_PAD = NW * PW


def _tri_body(t0, t1, t2, m0h, m1h, m2h, outh,
              m0v, m1v, m2v, idxv, wv, taps, outv0, outv1,
              sem0, sem1, osem0, osem1):
    wid = lax.axis_index("c") * NS + lax.axis_index("s")
    base = wid * PW

    pltpu.sync_copy(m0h.at[pl.ds(base, PW)], m0v)
    pltpu.sync_copy(m1h.at[pl.ds(base, PW)], m1v)
    pltpu.sync_copy(m2h.at[pl.ds(base, PW)], m2v)

    tables = (t0, t1, t2)
    sems = (sem0, sem1)
    outvs = (outv0, outv1)
    osems = (osem0, osem1)

    def compute_idx(ci, half):
        for g in range(CB // 16):
            s = ci * CB + g * 16
            mm0 = jnp.clip(m0v[pl.ds(s, 16)], 0.0, 1.0 - 1e-6) * RES
            mm1 = jnp.clip(m1v[pl.ds(s, 16)], 0.0, 1.0 - 1e-6) * RES
            mm2 = jnp.clip(m2v[pl.ds(s, 16)], 0.0, 1.0 - 1e-6) * RES
            proj = ((mm0, mm1), (mm1, mm2), (mm2, mm0))
            for k in range(3):
                px, py = proj[k]
                xi = px.astype(jnp.int32)
                yi = py.astype(jnp.int32)
                wx = px - xi.astype(jnp.float32)
                wy = py - yi.astype(jnp.float32)
                xok = xi < RES - 1
                yok = yi < RES - 1
                xs = jnp.where(xok, 1, 0)
                ys = jnp.where(yok, RES, 0)
                wx1 = jnp.where(xok, wx, 0.0)
                wy1 = jnp.where(yok, wy, 0.0)
                i00 = yi * RES + xi
                row = half * 3 + k
                idxv[row, pl.ds(0 * CB + g * 16, 16)] = i00
                idxv[row, pl.ds(1 * CB + g * 16, 16)] = i00 + xs
                idxv[row, pl.ds(2 * CB + g * 16, 16)] = i00 + ys
                idxv[row, pl.ds(3 * CB + g * 16, 16)] = i00 + xs + ys
                wrow = half * 12
                gs = pl.ds(g * 16, 16)
                wv[wrow + 4 * k + 0, gs] = (1.0 - wx) * (1.0 - wy)
                wv[wrow + 4 * k + 1, gs] = wx1 * (1.0 - wy)
                wv[wrow + 4 * k + 2, gs] = (1.0 - wx) * wy1
                wv[wrow + 4 * k + 3, gs] = wx1 * wy1

    def fire(half):
        for k in range(3):
            for t in range(4):
                pltpu.async_copy(
                    tables[k].at[idxv.at[half * 3 + k, pl.ds(t * CB, CB)]],
                    taps.at[pl.ds(((half * 3 + k) * 4 + t) * CB, CB)],
                    sems[half])

    def drain(half):
        for k in range(3):
            for t in range(4):
                pltpu.make_async_copy(
                    tables[k].at[idxv.at[half * 3 + k, pl.ds(t * CB, CB)]],
                    taps.at[pl.ds(((half * 3 + k) * 4 + t) * CB, CB)],
                    sems[half]).wait()

    def combine(ci, half):
        ov = outvs[half]
        for g in range(CB // 16):
            rvec = lax.iota(jnp.int32, 16) + g * 16
            rows = [rvec + (half * 12 + j) * CB for j in range(12)]
            ws = [wv[half * 12 + j, pl.ds(g * 16, 16)] for j in range(12)]

            @plsc.parallel_loop(0, C, unroll=2)
            def cbody(c, rows=rows, ws=ws):
                cvec = (jnp.full((16,), c, jnp.int32)
                        + lax.iota(jnp.int32, 16)) & (C - 1)
                f = None
                for k in range(3):
                    acc = None
                    for t in range(4):
                        j = 4 * k + t
                        v = plsc.load_gather(taps, [rows[j], cvec])
                        term = ws[j] * v
                        acc = term if acc is None else acc + term
                    f = acc if f is None else f * acc
                plsc.store_scatter(ov, [rvec, cvec], f)

        pltpu.async_copy(ov, outh.at[pl.ds(base + ci * CB, CB)],
                         osems[half])

    def out_wait(half):
        pltpu.make_async_copy(outvs[half], outh.at[pl.ds(base, CB)],
                              osems[half]).wait()

    compute_idx(0, 0)
    fire(0)

    def step_body(s, carry):
        c0 = 2 * s
        compute_idx(c0 + 1, 1)
        fire(1)
        drain(0)

        @pl.when(s > 0)
        def _():
            out_wait(0)

        combine(c0, 0)

        @pl.when(s < NCHUNK // 2 - 1)
        def _():
            compute_idx(c0 + 2, 0)
            fire(0)

        drain(1)

        @pl.when(s > 0)
        def _():
            out_wait(1)

        combine(c0 + 1, 1)
        return carry

    lax.fori_loop(0, NCHUNK // 2, step_body, 0)
    out_wait(0)
    out_wait(1)


_tri = pl.kernel(
    _tri_body,
    out_type=jax.ShapeDtypeStruct((N_PAD, C), jnp.float32),
    mesh=plsc.VectorSubcoreMesh(core_axis_name="c", subcore_axis_name="s"),
    compiler_params=pltpu.CompilerParams(needs_layout_passes=False,
                                         disable_bounds_checks=True),
    scratch_types=[
        pltpu.VMEM((PW,), jnp.float32),
        pltpu.VMEM((PW,), jnp.float32),
        pltpu.VMEM((PW,), jnp.float32),
        pltpu.VMEM((6, 4 * CB), jnp.int32),
        pltpu.VMEM((24, CB), jnp.float32),
        pltpu.VMEM((24 * CB, C), jnp.float32),
        pltpu.VMEM((CB, C), jnp.float32),
        pltpu.VMEM((CB, C), jnp.float32),
        pltpu.SemaphoreType.DMA,
        pltpu.SemaphoreType.DMA,
        pltpu.SemaphoreType.DMA,
        pltpu.SemaphoreType.DMA,
    ],
)


def kernel(mu, P0, P1, P2):
    n = mu.shape[0]
    tb0 = jnp.transpose(P0.reshape(C, RES * RES))
    tb1 = jnp.transpose(P1.reshape(C, RES * RES))
    tb2 = jnp.transpose(P2.reshape(C, RES * RES))
    mt = jnp.pad(mu, ((0, N_PAD - n), (0, 0))).T
    out = _tri(tb0, tb1, tb2, mt[0], mt[1], mt[2])
    return out[:n]

# --- scband reference (transcript-rebuilt; emitter-appended) ---
"""Pipeline reference for scband-triplane-representation-89498528514734 (READ-ONLY COPY).

The authoritative reference and input builder live on the scoring server;
editing this copy changes nothing except your own understanding.
"""

import jax, jax.numpy as jnp
import numpy as np

HIDDEN = 128
RES = 256
N_POINTS = 100000


def setup_inputs(seed: int = 0) -> dict:
    key = jax.random.key(seed)
    k1, k2, k3, k4 = jax.random.split(key, 4)
    mu = jax.random.uniform(k1, (N_POINTS, 3), dtype=jnp.float32)
    P0 = jax.random.normal(k2, (HIDDEN, RES, RES), dtype=jnp.float32)
    P1 = jax.random.normal(k3, (HIDDEN, RES, RES), dtype=jnp.float32)
    P2 = jax.random.normal(k4, (HIDDEN, RES, RES), dtype=jnp.float32)
    return {"mu": mu, "P0": P0, "P1": P1, "P2": P2}


def _bilinear_sample(plane, px, py, res):
    # plane: [C, H, W]; px -> x (width), py -> y (height), pixel coords,
    # align_corners=True semantics with zero padding for out-of-range taps
    x0 = jnp.floor(px)
    y0 = jnp.floor(py)
    wx = px - x0
    wy = py - y0

    def g(xi, yi):
        valid = (xi >= 0) & (xi <= res - 1) & (yi >= 0) & (yi <= res - 1)
        xc = jnp.clip(xi, 0, res - 1).astype(jnp.int32)
        yc = jnp.clip(yi, 0, res - 1).astype(jnp.int32)
        v = plane[:, yc, xc]  # [C, N] gather
        return jnp.where(valid[None, :], v, 0.0)

    v00 = g(x0, y0)
    v01 = g(x0 + 1.0, y0)
    v10 = g(x0, y0 + 1.0)
    v11 = g(x0 + 1.0, y0 + 1.0)
    out = (v00 * (1.0 - wx) * (1.0 - wy)
           + v01 * wx * (1.0 - wy)
           + v10 * (1.0 - wx) * wy
           + v11 * wx * wy)
    return out.T  # [N, C]


def reference(mu, P0, P1, P2):
    res = P0.shape[-1]
    mu = jnp.clip(mu, 0.0, 1.0 - 1e-06)
    mu_scaled = mu * res
    perms = [(0, 1), (1, 2), (2, 0)]
    planes = [P0, P1, P2]
    feats = []
    for plane, (a, b) in zip(planes, perms):
        # grid x component = proj[:,0] = mu_scaled[:,a]; grid y = proj[:,1] = mu_scaled[:,b]
        px = mu_scaled[:, a]
        py = mu_scaled[:, b]
        feats.append(_bilinear_sample(plane, px, py, res))
    return feats[0] * feats[1] * feats[2]

if __name__ == "__main__":
    import jax
    _d = setup_inputs()
    print(jax.jit(kernel)(*tuple(_d.values())))

</pallas_src>

<mosaic_0001>
#map = affine_map<(d0, d1) -> (0, 0)>
#map1 = affine_map<(d0, d1) -> (0)>
module attributes {stable_mosaic.version = 14 : i64} {
  func.func @_tri_body(%arg0: i32, %arg1: i32, %arg2: memref<65536x128xf32, #tpu.memory_space<hbm>>, %arg3: memref<65536x128xf32, #tpu.memory_space<hbm>>, %arg4: memref<65536x128xf32, #tpu.memory_space<hbm>>, %arg5: memref<102400xf32, #tpu.memory_space<hbm>>, %arg6: memref<102400xf32, #tpu.memory_space<hbm>>, %arg7: memref<102400xf32, #tpu.memory_space<hbm>>, %arg8: memref<102400x128xf32, #tpu.memory_space<hbm>>, %arg9: memref<3200xf32, #tpu.memory_space<vmem>>, %arg10: memref<3200xf32, #tpu.memory_space<vmem>>, %arg11: memref<3200xf32, #tpu.memory_space<vmem>>, %arg12: memref<6x128xi32, #tpu.memory_space<vmem>>, %arg13: memref<24x32xf32, #tpu.memory_space<vmem>>, %arg14: memref<768x128xf32, #tpu.memory_space<vmem>>, %arg15: memref<32x128xf32, #tpu.memory_space<vmem>>, %arg16: memref<32x128xf32, #tpu.memory_space<vmem>>, %arg17: memref<!tpu.dma_semaphore, #tpu.memory_space<semaphore_mem>>, %arg18: memref<!tpu.dma_semaphore, #tpu.memory_space<semaphore_mem>>, %arg19: memref<!tpu.dma_semaphore, #tpu.memory_space<semaphore_mem>>, %arg20: memref<!tpu.dma_semaphore, #tpu.memory_space<semaphore_mem>>) attributes {dimension_semantics = [#tpu.dimension_semantics<core_parallel>, #tpu.dimension_semantics<subcore_parallel>], iteration_bounds = array<i64: 2, 16>, scalar_prefetch = 0 : i64, scratch_operands = 12 : i64, tpu.core_type = #tpu.core_type<sc_vector_subcore>, window_params = [{transform_indices = #map}, {transform_indices = #map}, {transform_indices = #map}, {transform_indices = #map1}, {transform_indices = #map1}, {transform_indices = #map1}, {transform_indices = #map}]} {
    %mul3A = arith.constant 16 : i32
    %mul3A_0 = arith.muli %arg0, %mul3A : i32
    %add3A = arith.addi %mul3A_0, %arg1 : i32
    %mul3A_1 = arith.constant 3200 : i32
    %mul3A_2 = arith.muli %add3A, %mul3A_1 : i32
    "tpu.region"() ({
      %run_scoped3A = tpu.sem_alloc : memref<!tpu.dma_semaphore, #tpu.memory_space<semaphore_mem>>
      %dma_start3A_694 = tpu.memref_slice %arg5[%mul3A_2] : memref<102400xf32, #tpu.memory_space<hbm>> -> memref<3200xf32, #tpu.memory_space<hbm>>
      %dma_start3A_695 = tpu.memref_slice %arg5[%mul3A_2] : memref<102400xf32, #tpu.memory_space<hbm>> -> memref<3200xf32, #tpu.memory_space<hbm>>
      tpu.enqueue_dma source(%dma_start3A_695 : memref<3200xf32, #tpu.memory_space<hbm>>) target(%arg9 : memref<3200xf32, #tpu.memory_space<vmem>>) target_semaphore(%run_scoped3A : memref<!tpu.dma_semaphore, #tpu.memory_space<semaphore_mem>>)
      %dma_wait3A_696 = tpu.memref_slice %arg5[%mul3A_2] : memref<102400xf32, #tpu.memory_space<hbm>> -> memref<3200xf32, #tpu.memory_space<hbm>>
      %dma_wait3A_697 = tpu.memref_slice %arg5[%mul3A_2] : memref<102400xf32, #tpu.memory_space<hbm>> -> memref<3200xf32, #tpu.memory_space<hbm>>
      tpu.wait_dma2 semaphore(%run_scoped3A : memref<!tpu.dma_semaphore, #tpu.memory_space<semaphore_mem>>) src(%dma_wait3A_697 : memref<3200xf32, #tpu.memory_space<hbm>>) dst(%arg9 : memref<3200xf32, #tpu.memory_space<vmem>>)
      tpu.yield
    }) : () -> ()
    "tpu.region"() ({
      %run_scoped3A = tpu.sem_alloc : memref<!tpu.dma_semaphore, #tpu.memory_space<semaphore_mem>>
      %dma_start3A_694 = tpu.memref_slice %arg6[%mul3A_2] : memref<102400xf32, #tpu.memory_space<hbm>> -> memref<3200xf32, #tpu.memory_space<hbm>>
      %dma_start3A_695 = tpu.memref_slice %arg6[%mul3A_2] : memref<102400xf32, #tpu.memory_space<hbm>> -> memref<3200xf32, #tpu.memory_space<hbm>>
      tpu.enqueue_dma source(%dma_start3A_695 : memref<3200xf32, #tpu.memory_space<hbm>>) target(%arg10 : memref<3200xf32, #tpu.memory_space<vmem>>) target_semaphore(%run_scoped3A : memref<!tpu.dma_semaphore, #tpu.memory_space<semaphore_mem>>)
      %dma_wait3A_696 = tpu.memref_slice %arg6[%mul3A_2] : memref<102400xf32, #tpu.memory_space<hbm>> -> memref<3200xf32, #tpu.memory_space<hbm>>
      %dma_wait3A_697 = tpu.memref_slice %arg6[%mul3A_2] : memref<102400xf32, #tpu.memory_space<hbm>> -> memref<3200xf32, #tpu.memory_space<hbm>>
      tpu.wait_dma2 semaphore(%run_scoped3A : memref<!tpu.dma_semaphore, #tpu.memory_space<semaphore_mem>>) src(%dma_wait3A_697 : memref<3200xf32, #tpu.memory_space<hbm>>) dst(%arg10 : memref<3200xf32, #tpu.memory_space<vmem>>)
      tpu.yield
    }) : () -> ()
    "tpu.region"() ({
      %run_scoped3A = tpu.sem_alloc : memref<!tpu.dma_semaphore, #tpu.memory_space<semaphore_mem>>
      %dma_start3A_694 = tpu.memref_slice %arg7[%mul3A_2] : memref<102400xf32, #tpu.memory_space<hbm>> -> memref<3200xf32, #tpu.memory_space<hbm>>
      %dma_start3A_695 = tpu.memref_slice %arg7[%mul3A_2] : memref<102400xf32, #tpu.memory_space<hbm>> -> memref<3200xf32, #tpu.memory_space<hbm>>
      tpu.enqueue_dma source(%dma_start3A_695 : memref<3200xf32, #tpu.memory_space<hbm>>) target(%arg11 : memref<3200xf32, #tpu.memory_space<vmem>>) target_semaphore(%run_scoped3A : memref<!tpu.dma_semaphore, #tpu.memory_space<semaphore_mem>>)
      %dma_wait3A_696 = tpu.memref_slice %arg7[%mul3A_2] : memref<102400xf32, #tpu.memory_space<hbm>> -> memref<3200xf32, #tpu.memory_space<hbm>>
      %dma_wait3A_697 = tpu.memref_slice %arg7[%mul3A_2] : memref<102400xf32, #tpu.memory_space<hbm>> -> memref<3200xf32, #tpu.memory_space<hbm>>
      tpu.wait_dma2 semaphore(%run_scoped3A : memref<!tpu.dma_semaphore, #tpu.memory_space<semaphore_mem>>) src(%dma_wait3A_697 : memref<3200xf32, #tpu.memory_space<hbm>>) dst(%arg11 : memref<3200xf32, #tpu.memory_space<vmem>>)
      tpu.yield
    }) : () -> ()
    %get3A = arith.constant 0 : index
    %get3A_3 = tpu.vector_load %arg9[%get3A] {strides = array<i32>} : memref<3200xf32, #tpu.memory_space<vmem>>, vector<16xf32>,
    %jit3A = arith.constant 0.000000e+00 : f32
    %jit3A_4 = arith.constant 0.999998986 : f32
    %max3A = vector.broadcast %jit3A : f32 to vector<16xf32>
    %max3A_5 = arith.maximumf %max3A, %get3A_3 : vector<16xf32>
    %min3A = vector.broadcast %jit3A_4 : f32 to vector<16xf32>
    %min3A_6 = arith.minimumf %min3A, %max3A_5 : vector<16xf32>
    %mul3A_7 = arith.constant 2.560000e+02 : f32
    %mul3A_8 = vector.broadcast %mul3A_7 : f32 to vector<16xf32>
    %mul3A_9 = arith.mulf %min3A_6, %mul3A_8 : vector<16xf32>
    %get3A_10 = arith.constant 0 : index
    %get3A_11 = tpu.vector_load %arg10[%get3A_10] {strides = array<i32>} : memref<3200xf32, #tpu.memory_space<vmem>>, vector<16xf32>,
    %jit3A_12 = arith.constant 0.000000e+00 : f32
    %jit3A_13 = arith.constant 0.999998986 : f32
    %max3A_14 = vector.broadcast %jit3A_12 : f32 to vector<16xf32>
    %max3A_15 = arith.maximumf %max3A_14, %get3A_11 : vector<16xf32>
    %min3A_16 = vector.broadcast %jit3A_13 : f32 to vector<16xf32>
    %min3A_17 = arith.minimumf %min3A_16, %max3A_15 : vector<16xf32>
    %mul3A_18 = arith.constant 2.560000e+02 : f32
    %mul3A_19 = vector.broadcast %mul3A_18 : f32 to vector<16xf32>
    %mul3A_20 = arith.mulf %min3A_17, %mul3A_19 : vector<16xf32>
    %get3A_21 = arith.constant 0 : index
    %get3A_22 = tpu.vector_load %arg11[%get3A_21] {strides = array<i32>} : memref<3200xf32, #tpu.memory_space<vmem>>, vector<16xf32>,
    %jit3A_23 = arith.constant 0.000000e+00 : f32
    %jit3A_24 = arith.constant 0.999998986 : f32
    %max3A_25 = vector.broadcast %jit3A_23 : f32 to vector<16xf32>
    %max3A_26 = arith.maximumf %max3A_25, %get3A_22 : vector<16xf32>
    %min3A_27 = vector.broadcast %jit3A_24 : f32 to vector<16xf32>
    %min3A_28 = arith.minimumf %min3A_27, %max3A_26 : vector<16xf32>
    %mul3A_29 = arith.constant 2.560000e+02 : f32
    %mul3A_30 = vector.broadcast %mul3A_29 : f32 to vector<16xf32>
    %mul3A_31 = arith.mulf %min3A_28, %mul3A_30 : vector<16xf32>
    %convert_element_type3A = arith.fptosi %mul3A_9 : vector<16xf32> to vector<16xi32>
    %convert_element_type3A_32 = arith.fptosi %mul3A_20 : vector<16xf32> to vector<16xi32>
    %convert_element_type3A_33 = arith.sitofp %convert_element_type3A : vector<16xi32> to vector<16xf32>
    %sub3A = arith.subf %mul3A_9, %convert_element_type3A_33 : vector<16xf32>
    %convert_element_type3A_34 = arith.sitofp %convert_element_type3A_32 : vector<16xi32> to vector<16xf32>
    %sub3A_35 = arith.subf %mul3A_20, %convert_element_type3A_34 : vector<16xf32>
    %lt3A = arith.constant 255 : i32
    %lt3A_36 = vector.broadcast %lt3A : i32 to vector<16xi32>
    %lt3A_37 = arith.cmpi slt, %convert_element_type3A, %lt3A_36 : vector<16xi32>
    %lt3A_38 = arith.constant 255 : i32
    %lt3A_39 = vector.broadcast %lt3A_38 : i32 to vector<16xi32>
    %lt3A_40 = arith.cmpi slt, %convert_element_type3A_32, %lt3A_39 : vector<16xi32>
    %jit3A_41 = arith.constant 1 : i32
    %jit3A_42 = arith.constant 0 : i32
    %broadcast_in_dim3A = vector.broadcast %jit3A_41 : i32 to vector<16xi32>
    %broadcast_in_dim3A_43 = vector.broadcast %jit3A_42 : i32 to vector<16xi32>
    %select_n3A = arith.select %lt3A_37, %broadcast_in_dim3A, %broadcast_in_dim3A_43 : vector<16xi1>, vector<16xi32>
    %jit3A_44 = arith.constant 256 : i32
    %jit3A_45 = arith.constant 0 : i32
    %broadcast_in_dim3A_46 = vector.broadcast %jit3A_44 : i32 to vector<16xi32>
    %broadcast_in_dim3A_47 = vector.broadcast %jit3A_45 : i32 to vector<16xi32>
    %select_n3A_48 = arith.select %lt3A_40, %broadcast_in_dim3A_46, %broadcast_in_dim3A_47 : vector<16xi1>, vector<16xi32>
    %jit3A_49 = arith.constant 0.000000e+00 : f32
    %broadcast_in_dim3A_50 = vector.broadcast %jit3A_49 : f32 to vector<16xf32>
    %select_n3A_51 = arith.select %lt3A_37, %sub3A, %broadcast_in_dim3A_50 : vector<16xi1>, vector<16xf32>
    %jit3A_52 = arith.constant 0.000000e+00 : f32
    %broadcast_in_dim3A_53 = vector.broadcast %jit3A_52 : f32 to vector<16xf32>
    %select_n3A_54 = arith.select %lt3A_40, %sub3A_35, %broadcast_in_dim3A_53 : vector<16xi1>, vector<16xf32>
    %mul3A_55 = arith.constant 256 : i32
    %mul3A_56 = vector.broadcast %mul3A_55 : i32 to vector<16xi32>
    %mul3A_57 = arith.muli %convert_element_type3A_32, %mul3A_56 : vector<16xi32>
    %add3A_58 = arith.addi %mul3A_57, %convert_element_type3A : vector<16xi32>
    %swap3A = arith.constant 0 : i32
    %swap3A_59 = arith.index_cast %swap3A : i32 to index
    %swap3A_60 = arith.constant 0 : index
    %swap3A_61 = tpu.vector_load %arg12[%swap3A_59, %swap3A_60] {strides = array<i32>} : memref<6x128xi32, #tpu.memory_space<vmem>>, vector<16xi32>,
    tpu.vector_store %arg12[%swap3A_59, %swap3A_60], %add3A_58 {strides = array<i32>} : memref<6x128xi32, #tpu.memory_space<vmem>>, vector<16xi32>,
    %add3A_62 = arith.addi %add3A_58, %select_n3A : vector<16xi32>
    %swap3A_63 = arith.constant 0 : i32
    %swap3A_64 = arith.index_cast %swap3A_63 : i32 to index
    %swap3A_65 = arith.constant 32 : index
    %swap3A_66 = tpu.vector_load %arg12[%swap3A_64, %swap3A_65] {strides = array<i32>} : memref<6x128xi32, #tpu.memory_space<vmem>>, vector<16xi32>,
    tpu.vector_store %arg12[%swap3A_64, %swap3A_65], %add3A_62 {strides = array<i32>} : memref<6x128xi32, #tpu.memory_space<vmem>>, vector<16xi32>,
    %add3A_67 = arith.addi %add3A_58, %select_n3A_48 : vector<16xi32>
    %swap3A_68 = arith.constant 0 : i32
    %swap3A_69 = arith.index_cast %swap3A_68 : i32 to index
    %swap3A_70 = arith.constant 64 : index
    %swap3A_71 = tpu.vector_load %arg12[%swap3A_69, %swap3A_70] {strides = array<i32>} : memref<6x128xi32, #tpu.memory_space<vmem>>, vector<16xi32>,
    tpu.vector_store %arg12[%swap3A_69, %swap3A_70], %add3A_67 {strides = array<i32>} : memref<6x128xi32, #tpu.memory_space<vmem>>, vector<16xi32>,
    %add3A_72 = arith.addi %add3A_58, %select_n3A : vector<16xi32>
    %add3A_73 = arith.addi %add3A_72, %select_n3A_48 : vector<16xi32>
    %swap3A_74 = arith.constant 0 : i32
    %swap3A_75 = arith.index_cast %swap3A_74 : i32 to index
    %swap3A_76 = arith.constant 96 : index
    %swap3A_77 = tpu.vector_load %arg12[%swap3A_75, %swap3A_76] {strides = array<i32>} : memref<6x128xi32, #tpu.memory_space<vmem>>, vector<16xi32>,
    tpu.vector_store %arg12[%swap3A_75, %swap3A_76], %add3A_73 {strides = array<i32>} : memref<6x128xi32, #tpu.memory_space<vmem>>, vector<16xi32>,
    %sub3A_78 = arith.constant 1.000000e+00 : f32
    %sub3A_79 = vector.broadcast %sub3A_78 : f32 to vector<16xf32>
    %sub3A_80 = arith.subf %sub3A_79, %sub3A : vector<16xf32>
    %sub3A_81 = arith.constant 1.000000e+00 : f32
    %sub3A_82 = vector.broadcast %sub3A_81 : f32 to vector<16xf32>
    %sub3A_83 = arith.subf %sub3A_82, %sub3A_35 : vector<16xf32>
    %mul3A_84 = arith.mulf %sub3A_80, %sub3A_83 : vector<16xf32>
    %swap3A_85 = arith.constant 0 : i32
    %swap3A_86 = arith.index_cast %swap3A_85 : i32 to index
    %swap3A_87 = arith.constant 0 : index
    %swap3A_88 = tpu.vector_load %arg13[%swap3A_86, %swap3A_87] {strides = array<i32>} : memref<24x32xf32, #tpu.memory_space<vmem>>, vector<16xf32>,
    tpu.vector_store %arg13[%swap3A_86, %swap3A_87], %mul3A_84 {strides = array<i32>} : memref<24x32xf32, #tpu.memory_space<vmem>>, vector<16xf32>,
    %sub3A_89 = arith.constant 1.000000e+00 : f32
    %sub3A_90 = vector.broadcast %sub3A_89 : f32 to vector<16xf32>
    %sub3A_91 = arith.subf %sub3A_90, %sub3A_35 : vector<16xf32>
    %mul3A_92 = arith.mulf %select_n3A_51, %sub3A_91 : vector<16xf32>
    %swap3A_93 = arith.constant 1 : i32
    %swap3A_94 = arith.index_cast %swap3A_93 : i32 to index
    %swap3A_95 = arith.constant 0 : index
    %swap3A_96 = tpu.vector_load %arg13[%swap3A_94, %swap3A_95] {strides = array<i32>} : memref<24x32xf32, #tpu.memory_space<vmem>>, vector<16xf32>,
    tpu.vector_store %arg13[%swap3A_94, %swap3A_95], %mul3A_92 {strides = array<i32>} : memref<24x32xf32, #tpu.memory_space<vmem>>, vector<16xf32>,
    %sub3A_97 = arith.constant 1.000000e+00 : f32
    %sub3A_98 = vector.broadcast %sub3A_97 : f32 to vector<16xf32>
    %sub3A_99 = arith.subf %sub3A_98, %sub3A : vector<16xf32>
    %mul3A_100 = arith.mulf %sub3A_99, %select_n3A_54 : vector<16xf32>
    %swap3A_101 = arith.constant 2 : i32
    %swap3A_102 = arith.index_cast %swap3A_101 : i32 to index
    %swap3A_103 = arith.constant 0 : index
    %swap3A_104 = tpu.vector_load %arg13[%swap3A_102, %swap3A_103] {strides = array<i32>} : memref<24x32xf32, #tpu.memory_space<vmem>>, vector<16xf32>,
    tpu.vector_store %arg13[%swap3A_102, %swap3A_103], %mul3A_100 {strides = array<i32>} : memref<24x32xf32, #tpu.memory_space<vmem>>, vector<16xf32>,
    %mul3A_105 = arith.mulf %select_n3A_51, %select_n3A_54 : vector<16xf32>
    %swap3A_106 = arith.constant 3 : i32
    %swap3A_107 = arith.index_cast %swap3A_106 : i32 to index
    %swap3A_108 = arith.constant 0 : index
    %swap3A_109 = tpu.vector_load %arg13[%swap3A_107, %swap3A_108] {strides = array<i32>} : memref<24x32xf32, #tpu.memory_space<vmem>>, vector<16xf32>,
    tpu.vector_store %arg13[%swap3A_107, %swap3A_108], %mul3A_105 {strides = array<i32>} : memref<24x32xf32, #tpu.memory_space<vmem>>, vector<16xf32>,
    %convert_element_type3A_110 = arith.fptosi %mul3A_20 : vector<16xf32> to vector<16xi32>
    %convert_element_type3A_111 = arith.fptosi %mul3A_31 : vector<16xf32> to vector<16xi32>
    %convert_element_type3A_112 = arith.sitofp %convert_element_type3A_110 : vector<16xi32> to vector<16xf32>
    %sub3A_113 = arith.subf %mul3A_20, %convert_element_type3A_112 : vector<16xf32>
    %convert_element_type3A_114 = arith.sitofp %convert_element_type3A_111 : vector<16xi32> to vector<16xf32>
    %sub3A_115 = arith.subf %mul3A_31, %convert_element_type3A_114 : vector<16xf32>
    %lt3A_116 = arith.constant 255 : i32
    %lt3A_117 = vector.broadcast %lt3A_116 : i32 to vector<16xi32>
    %lt3A_118 = arith.cmpi slt, %convert_element_type3A_110, %lt3A_117 : vector<16xi32>
    %lt3A_119 = arith.constant 255 : i32
    %lt3A_120 = vector.broadcast %lt3A_119 : i32 to vector<16xi32>
    %lt3A_121 = arith.cmpi slt, %convert_element_type3A_111, %lt3A_120 : vector<16xi32>
    %jit3A_122 = arith.constant 1 : i32
    %jit3A_123 = arith.constant 0 : i32
    %broadcast_in_dim3A_124 = vector.broadcast %jit3A_122 : i32 to vector<16xi32>
    %broadcast_in_dim3A_125 = vector.broadcast %jit3A_123 : i32 to vector<16xi32>
    %select_n3A_126 = arith.select %lt3A_118, %broadcast_in_dim3A_124, %broadcast_in_dim3A_125 : vector<16xi1>, vector<16xi32>
    %jit3A_127 = arith.constant 256 : i32
    %jit3A_128 = arith.constant 0 : i32
    %broadcast_in_dim3A_129 = vector.broadcast %jit3A_127 : i32 to vector<16xi32>
    %broadcast_in_dim3A_130 = vector.broadcast %jit3A_128 : i32 to vector<16xi32>
    %select_n3A_131 = arith.select %lt3A_121, %broadcast_in_dim3A_129, %broadcast_in_dim3A_130 : vector<16xi1>, vector<16xi32>
    %jit3A_132 = arith.constant 0.000000e+00 : f32
    %broadcast_in_dim3A_133 = vector.broadcast %jit3A_132 : f32 to vector<16xf32>
    %select_n3A_134 = arith.select %lt3A_118, %sub3A_113, %broadcast_in_dim3A_133 : vector<16xi1>, vector<16xf32>
    %jit3A_135 = arith.constant 0.000000e+00 : f32
    %broadcast_in_dim3A_136 = vector.broadcast %jit3A_135 : f32 to vector<16xf32>
    %select_n3A_137 = arith.select %lt3A_121, %sub3A_115, %broadcast_in_dim3A_136 : vector<16xi1>, vector<16xf32>
    %mul3A_138 = arith.constant 256 : i32
    %mul3A_139 = vector.broadcast %mul3A_138 : i32 to vector<16xi32>
    %mul3A_140 = arith.muli %convert_element_type3A_111, %mul3A_139 : vector<16xi32>
    %add3A_141 = arith.addi %mul3A_140, %convert_element_type3A_110 : vector<16xi32>
    %swap3A_142 = arith.constant 1 : i32
    %swap3A_143 = arith.index_cast %swap3A_142 : i32 to index
    %swap3A_144 = arith.constant 0 : index
    %swap3A_145 = tpu.vector_load %arg12[%swap3A_143, %swap3A_144] {strides = array<i32>} : memref<6x128xi32, #tpu.memory_space<vmem>>, vector<16xi32>,
    tpu.vector_store %arg12[%swap3A_143, %swap3A_144], %add3A_141 {strides = array<i32>} : memref<6x128xi32, #tpu.memory_space<vmem>>, vector<16xi32>,
    %add3A_146 = arith.addi %add3A_141, %select_n3A_126 : vector<16xi32>
    %swap3A_147 = arith.constant 1 : i32
    %swap3A_148 = arith.index_cast %swap3A_147 : i32 to index
    %swap3A_149 = arith.constant 32 : index
    %swap3A_150 = tpu.vector_load %arg12[%swap3A_148, %swap3A_149] {strides = array<i32>} : memref<6x128xi32, #tpu.memory_space<vmem>>, vector<16xi32>,
    tpu.vector_store %arg12[%swap3A_148, %swap3A_149], %add3A_146 {strides = array<i32>} : memref<6x128xi32, #tpu.memory_space<vmem>>, vector<16xi32>,
    %add3A_151 = arith.addi %add3A_141, %select_n3A_131 : vector<16xi32>
    %swap3A_152 = arith.constant 1 : i32
    %swap3A_153 = arith.index_cast %swap3A_152 : i32 to index
    %swap3A_154 = arith.constant 64 : index
    %swap3A_155 = tpu.vector_load %arg12[%swap3A_153, %swap3A_154] {strides = array<i32>} : memref<6x128xi32, #tpu.memory_space<vmem>>, vector<16xi32>,
    tpu.vector_store %arg12[%swap3A_153, %swap3A_154], %add3A_151 {strides = array<i32>} : memref<6x128xi32, #tpu.memory_space<vmem>>, vector<16xi32>,
    %add3A_156 = arith.addi %add3A_141, %select_n3A_126 : vector<16xi32>
    %add3A_157 = arith.addi %add3A_156, %select_n3A_131 : vector<16xi32>
    %swap3A_158 = arith.constant 1 : i32
    %swap3A_159 = arith.index_cast %swap3A_158 : i32 to index
    %swap3A_160 = arith.constant 96 : index
    %swap3A_161 = tpu.vector_load %arg12[%swap3A_159, %swap3A_160] {strides = array<i32>} : memref<6x128xi32, #tpu.memory_space<vmem>>, vector<16xi32>,
    tpu.vector_store %arg12[%swap3A_159, %swap3A_160], %add3A_157 {strides = array<i32>} : memref<6x128xi32, #tpu.memory_space<vmem>>, vector<16xi32>,
    %sub3A_162 = arith.constant 1.000000e+00 : f32
    %sub3A_163 = vector.broadcast %sub3A_162 : f32 to vector<16xf32>
    %sub3A_164 = arith.subf %sub3A_163, %sub3A_113 : vector<16xf32>
    %sub3A_165 = arith.constant 1.000000e+00 : f32
    %sub3A_166 = vector.broadcast %sub3A_165 : f32 to vector<16xf32>
    %sub3A_167 = arith.subf %sub3A_166, %sub3A_115 : vector<16xf32>
    %mul3A_168 = arith.mulf %sub3A_164, %sub3A_167 : vector<16xf32>
    %swap3A_169 = arith.constant 4 : i32
    %swap3A_170 = arith.index_cast %swap3A_169 : i32 to index
    %swap3A_171 = arith.constant 0 : index
    %swap3A_172 = tpu.vector_load %arg13[%swap3A_170, %swap3A_171] {strides = array<i32>} : memref<24x32xf32, #tpu.memory_space<vmem>>, vector<16xf32>,
    tpu.vector_store %arg13[%swap3A_170, %swap3A_171], %mul3A_168 {strides = array<i32>} : memref<24x32xf32, #tpu.memory_space<vmem>>, vector<16xf32>,
    %sub3A_173 = arith.constant 1.000000e+00 : f32
    %sub3A_174 = vector.broadcast %sub3A_173 : f32 to vector<16xf32>
    %sub3A_175 = arith.subf %sub3A_174, %sub3A_115 : vector<16xf32>
    %mul3A_176 = arith.mulf %select_n3A_134, %sub3A_175 : vector<16xf32>
    %swap3A_177 = arith.constant 5 : i32
    %swap3A_178 = arith.index_cast %swap3A_177 : i32 to index
    %swap3A_179 = arith.constant 0 : index
    %swap3A_180 = tpu.vector_load %arg13[%swap3A_178, %swap3A_179] {strides = array<i32>} : memref<24x32xf32, #tpu.memory_space<vmem>>, vector<16xf32>,
    tpu.vector_store %arg13[%swap3A_178, %swap3A_179], %mul3A_176 {strides = array<i32>} : memref<24x32xf32, #tpu.memory_space<vmem>>, vector<16xf32>,
    %sub3A_181 = arith.constant 1.000000e+00 : f32
    %sub3A_182 = vector.broadcast %sub3A_181 : f32 to vector<16xf32>
    %sub3A_183 = arith.subf %sub3A_182, %sub3A_113 : vector<16xf32>
    %mul3A_184 = arith.mulf %sub3A_183, %select_n3A_137 : vector<16xf32>
    %swap3A_185 = arith.constant 6 : i32
    %swap3A_186 = arith.index_cast %swap3A_185 : i32 to index
    %swap3A_187 = arith.constant 0 : index
    %swap3A_188 = tpu.vector_load %arg13[%swap3A_186, %swap3A_187] {strides = array<i32>} : memref<24x32xf32, #tpu.memory_space<vmem>>, vector<16xf32>,
    tpu.vector_store %arg13[%swap3A_186, %swap3A_187], %mul3A_184 {strides = array<i32>} : memref<24x32xf32, #tpu.memory_space<vmem>>, vector<16xf32>,
    %mul3A_189 = arith.mulf %select_n3A_134, %select_n3A_137 : vector<16xf32>
    %swap3A_190 = arith.constant 7 : i32
    %swap3A_191 = arith.index_cast %swap3A_190 : i32 to index
    %swap3A_192 = arith.constant 0 : index
    %swap3A_193 = tpu.vector_load %arg13[%swap3A_191, %swap3A_192] {strides = array<i32>} : memref<24x32xf32, #tpu.memory_space<vmem>>, vector<16xf32>,
    tpu.vector_store %arg13[%swap3A_191, %swap3A_192], %mul3A_189 {strides = array<i32>} : memref<24x32xf32, #tpu.memory_space<vmem>>, vector<16xf32>,
    %convert_element_type3A_194 = arith.fptosi %mul3A_31 : vector<16xf32> to vector<16xi32>
    %convert_element_type3A_195 = arith.fptosi %mul3A_9 : vector<16xf32> to vector<16xi32>
    %convert_element_type3A_196 = arith.sitofp %convert_element_type3A_194 : vector<16xi32> to vector<16xf32>
    %sub3A_197 = arith.subf %mul3A_31, %convert_element_type3A_196 : vector<16xf32>
    %convert_element_type3A_198 = arith.sitofp %convert_element_type3A_195 : vector<16xi32> to vector<16xf32>
    %sub3A_199 = arith.subf %mul3A_9, %convert_element_type3A_198 : vector<16xf32>
    %lt3A_200 = arith.constant 255 : i32
    %lt3A_201 = vector.broadcast %lt3A_200 : i32 to vector<16xi32>
    %lt3A_202 = arith.cmpi slt, %convert_element_type3A_194, %lt3A_201 : vector<16xi32>
    %lt3A_203 = arith.constant 255 : i32
    %lt3A_204 = vector.broadcast %lt3A_203 : i32 to vector<16xi32>
    %lt3A_205 = arith.cmpi slt, %convert_element_type3A_195, %lt3A_204 : vector<16xi32>
    %jit3A_206 = arith.constant 1 : i32
    %jit3A_207 = arith.constant 0 : i32
    %broadcast_in_dim3A_208 = vector.broadcast %jit3A_206 : i32 to vector<16xi32>
    %broadcast_in_dim3A_209 = vector.broadcast %jit3A_207 : i32 to vector<16xi32>
    %select_n3A_210 = arith.select %lt3A_202, %broadcast_in_dim3A_208, %broadcast_in_dim3A_209 : vector<16xi1>, vector<16xi32>
    %jit3A_211 = arith.constant 256 : i32
    %jit3A_212 = arith.constant 0 : i32
    %broadcast_in_dim3A_213 = vector.broadcast %jit3A_211 : i32 to vector<16xi32>
    %broadcast_in_dim3A_214 = vector.broadcast %jit3A_212 : i32 to vector<16xi32>
    %select_n3A_215 = arith.select %lt3A_205, %broadcast_in_dim3A_213, %broadcast_in_dim3A_214 : vector<16xi1>, vector<16xi32>
    %jit3A_216 = arith.constant 0.000000e+00 : f32
    %broadcast_in_dim3A_217 = vector.broadcast %jit3A_216 : f32 to vector<16xf32>
    %select_n3A_218 = arith.select %lt3A_202, %sub3A_197, %broadcast_in_dim3A_217 : vector<16xi1>, vector<16xf32>
    %jit3A_219 = arith.constant 0.000000e+00 : f32
    %broadcast_in_dim3A_220 = vector.broadcast %jit3A_219 : f32 to vector<16xf32>
    %select_n3A_221 = arith.select %lt3A_205, %sub3A_199, %broadcast_in_dim3A_220 : vector<16xi1>, vector<16xf32>
    %mul3A_222 = arith.constant 256 : i32
    %mul3A_223 = vector.broadcast %mul3A_222 : i32 to vector<16xi32>
    %mul3A_224 = arith.muli %convert_element_type3A_195, %mul3A_223 : vector<16xi32>
    %add3A_225 = arith.addi %mul3A_224, %convert_element_type3A_194 : vector<16xi32>
    %swap3A_226 = arith.constant 2 : i32
    %swap3A_227 = arith.index_cast %swap3A_226 : i32 to index
    %swap3A_228 = arith.constant 0 : index
    %swap3A_229 = tpu.vector_load %arg12[%swap3A_227, %swap3A_228] {strides = array<i32>} : memref<6x128xi32, #tpu.memory_space<vmem>>, vector<16xi32>,
    tpu.vector_store %arg12[%swap3A_227, %swap3A_228], %add3A_225 {strides = array<i32>} : memref<6x128xi32, #tpu.memory_space<vmem>>, vector<16xi32>,
    %add3A_230 = arith.addi %add3A_225, %select_n3A_210 : vector<16xi32>
    %swap3A_231 = arith.constant 2 : i32
    %swap3A_232 = arith.index_cast %swap3A_231 : i32 to index
    %swap3A_233 = arith.constant 32 : index
    %swap3A_234 = tpu.vector_load %arg12[%swap3A_232, %swap3A_233] {strides = array<i32>} : memref<6x128xi32, #tpu.memory_space<vmem>>, vector<16xi32>,
    tpu.vector_store %arg12[%swap3A_232, %swap3A_233], %add3A_230 {strides = array<i32>} : memref<6x128xi32, #tpu.memory_space<vmem>>, vector<16xi32>,
    %add3A_235 = arith.addi %add3A_225, %select_n3A_215 : vector<16xi32>
    %swap3A_236 = arith.constant 2 : i32
    %swap3A_237 = arith.index_cast %swap3A_236 : i32 to index
    %swap3A_238 = arith.constant 64 : index
    %swap3A_239 = tpu.vector_load %arg12[%swap3A_237, %swap3A_238] {strides = array<i32>} : memref<6x128xi32, #tpu.memory_space<vmem>>, vector<16xi32>,
    tpu.vector_store %arg12[%swap3A_237, %swap3A_238], %add3A_235 {strides = array<i32>} : memref<6x128xi32, #tpu.memory_space<vmem>>, vector<16xi32>,
    %add3A_240 = arith.addi %add3A_225, %select_n3A_210 : vector<16xi32>
    %add3A_241 = arith.addi %add3A_240, %select_n3A_215 : vector<16xi32>
    %swap3A_242 = arith.constant 2 : i32
    %swap3A_243 = arith.index_cast %swap3A_242 : i32 to index
    %swap3A_244 = arith.constant 96 : index
    %swap3A_245 = tpu.vector_load %arg12[%swap3A_243, %swap3A_244] {strides = array<i32>} : memref<6x128xi32, #tpu.memory_space<vmem>>, vector<16xi32>,
    tpu.vector_store %arg12[%swap3A_243, %swap3A_244], %add3A_241 {strides = array<i32>} : memref<6x128xi32, #tpu.memory_space<vmem>>, vector<16xi32>,
    %sub3A_246 = arith.constant 1.000000e+00 : f32
    %sub3A_247 = vector.broadcast %sub3A_246 : f32 to vector<16xf32>
    %sub3A_248 = arith.subf %sub3A_247, %sub3A_197 : vector<16xf32>
    %sub3A_249 = arith.constant 1.000000e+00 : f32
    %sub3A_250 = vector.broadcast %sub3A_249 : f32 to vector<16xf32>
    %sub3A_251 = arith.subf %sub3A_250, %sub3A_199 : vector<16xf32>
    %mul3A_252 = arith.mulf %sub3A_248, %sub3A_251 : vector<16xf32>
    %swap3A_253 = arith.constant 8 : i32
    %swap3A_254 = arith.index_cast %swap3A_253 : i32 to index
    %swap3A_255 = arith.constant 0 : index
    %swap3A_256 = tpu.vector_load %arg13[%swap3A_254, %swap3A_255] {strides = array<i32>} : memref<24x32xf32, #tpu.memory_space<vmem>>, vector<16xf32>,
    tpu.vector_store %arg13[%swap3A_254, %swap3A_255], %mul3A_252 {strides = array<i32>} : memref<24x32xf32, #tpu.memory_space<vmem>>, vector<16xf32>,
    %sub3A_257 = arith.constant 1.000000e+00 : f32
    %sub3A_258 = vector.broadcast %sub3A_257 : f32 to vector<16xf32>
    %sub3A_259 = arith.subf %sub3A_258, %sub3A_199 : vector<16xf32>
    %mul3A_260 = arith.mulf %select_n3A_218, %sub3A_259 : vector<16xf32>
    %swap3A_261 = arith.constant 9 : i32
    %swap3A_262 = arith.index_cast %swap3A_261 : i32 to index
    %swap3A_263 = arith.constant 0 : index
    %swap3A_264 = tpu.vector_load %arg13[%swap3A_262, %swap3A_263] {strides = array<i32>} : memref<24x32xf32, #tpu.memory_space<vmem>>, vector<16xf32>,
    tpu.vector_store %arg13[%swap3A_262, %swap3A_263], %mul3A_260 {strides = array<i32>} : memref<24x32xf32, #tpu.memory_space<vmem>>, vector<16xf32>,
    %sub3A_265 = arith.constant 1.000000e+00 : f32
    %sub3A_266 = vector.broadcast %sub3A_265 : f32 to vector<16xf32>
    %sub3A_267 = arith.subf %sub3A_266, %sub3A_197 : vector<16xf32>
    %mul3A_268 = arith.mulf %sub3A_267, %select_n3A_221 : vector<16xf32>
    %swap3A_269 = arith.constant 10 : i32
    %swap3A_270 = arith.index_cast %swap3A_269 : i32 to index
    %swap3A_271 = arith.constant 0 : index
    %swap3A_272 = tpu.vector_load %arg13[%swap3A_270, %swap3A_271] {strides = array<i32>} : memref<24x32xf32, #tpu.memory_space<vmem>>, vector<16xf32>,
    tpu.vector_store %arg13[%swap3A_270, %swap3A_271], %mul3A_268 {strides = array<i32>} : memref<24x32xf32, #tpu.memory_space<vmem>>, vector<16xf32>,
    %mul3A_273 = arith.mulf %select_n3A_218, %select_n3A_221 : vector<16xf32>
    %swap3A_274 = arith.constant 11 : i32
    %swap3A_275 = arith.index_cast %swap3A_274 : i32 to index
    %swap3A_276 = arith.constant 0 : index
    %swap3A_277 = tpu.vector_load %arg13[%swap3A_275, %swap3A_276] {strides = array<i32>} : memref<24x32xf32, #tpu.memory_space<vmem>>, vector<16xf32>,
    tpu.vector_store %arg13[%swap3A_275, %swap3A_276], %mul3A_273 {strides = array<i32>} : memref<24x32xf32, #tpu.memory_space<vmem>>, vector<16xf32>,
    %get3A_278 = arith.constant 16 : index
    %get3A_279 = tpu.vector_load %arg9[%get3A_278] {strides = array<i32>} : memref<3200xf32, #tpu.memory_space<vmem>>, vector<16xf32>,
    %jit3A_280 = arith.constant 0.000000e+00 : f32
    %jit3A_281 = arith.constant 0.999998986 : f32
    %max3A_282 = vector.broadcast %jit3A_280 : f32 to vector<16xf32>
    %max3A_283 = arith.maximumf %max3A_282, %get3A_279 : vector<16xf32>
    %min3A_284 = vector.broadcast %jit3A_281 : f32 to vector<16xf32>
    %min3A_285 = arith.minimumf %min3A_284, %max3A_283 : vector<16xf32>
    %mul3A_286 = arith.constant 2.560000e+02 : f32
    %mul3A_287 = vector.broadcast %mul3A_286 : f32 to vector<16xf32>
    %mul3A_288 = arith.mulf %min3A_285, %mul3A_287 : vector<16xf32>
    %get3A_289 = arith.constant 16 : index
    %get3A_290 = tpu.vector_load %arg10[%get3A_289] {strides = array<i32>} : memref<3200xf32, #tpu.memory_space<vmem>>, vector<16xf32>,
    %jit3A_291 = arith.constant 0.000000e+00 : f32
    %jit3A_292 = arith.constant 0.999998986 : f32
    %max3A_293 = vector.broadcast %jit3A_291 : f32 to vector<16xf32>
    %max3A_294 = arith.maximumf %max3A_293, %get3A_290 : vector<16xf32>
    %min3A_295 = vector.broadcast %jit3A_292 : f32 to vector<16xf32>
    %min3A_296 = arith.minimumf %min3A_295, %max3A_294 : vector<16xf32>
    %mul3A_297 = arith.constant 2.560000e+02 : f32
    %mul3A_298 = vector.broadcast %mul3A_297 : f32 to vector<16xf32>
    %mul3A_299 = arith.mulf %min3A_296, %mul3A_298 : vector<16xf32>
    %get3A_300 = arith.constant 16 : index
    %get3A_301 = tpu.vector_load %arg11[%get3A_300] {strides = array<i32>} : memref<3200xf32, #tpu.memory_space<vmem>>, vector<16xf32>,
    %jit3A_302 = arith.constant 0.000000e+00 : f32
    %jit3A_303 = arith.constant 0.999998986 : f32
    %max3A_304 = vector.broadcast %jit3A_302 : f32 to vector<16xf32>
    %max3A_305 = arith.maximumf %max3A_304, %get3A_301 : vector<16xf32>
    %min3A_306 = vector.broadcast %jit3A_303 : f32 to vector<16xf32>
    %min3A_307 = arith.minimumf %min3A_306, %max3A_305 : vector<16xf32>
    %mul3A_308 = arith.constant 2.560000e+02 : f32
    %mul3A_309 = vector.broadcast %mul3A_308 : f32 to vector<16xf32>
    %mul3A_310 = arith.mulf %min3A_307, %mul3A_309 : vector<16xf32>
    %convert_element_type3A_311 = arith.fptosi %mul3A_288 : vector<16xf32> to vector<16xi32>
    %convert_element_type3A_312 = arith.fptosi %mul3A_299 : vector<16xf32> to vector<16xi32>
    %convert_element_type3A_313 = arith.sitofp %convert_element_type3A_311 : vector<16xi32> to vector<16xf32>
    %sub3A_314 = arith.subf %mul3A_288, %convert_element_type3A_313 : vector<16xf32>
    %convert_element_type3A_315 = arith.sitofp %convert_element_type3A_312 : vector<16xi32> to vector<16xf32>
    %sub3A_316 = arith.subf %mul3A_299, %convert_element_type3A_315 : vector<16xf32>
    %lt3A_317 = arith.constant 255 : i32
    %lt3A_318 = vector.broadcast %lt3A_317 : i32 to vector<16xi32>
    %lt3A_319 = arith.cmpi slt, %convert_element_type3A_311, %lt3A_318 : vector<16xi32>
    %lt3A_320 = arith.constant 255 : i32
    %lt3A_321 = vector.broadcast %lt3A_320 : i32 to vector<16xi32>
    %lt3A_322 = arith.cmpi slt, %convert_element_type3A_312, %lt3A_321 : vector<16xi32>
    %jit3A_323 = arith.constant 1 : i32
    %jit3A_324 = arith.constant 0 : i32
    %broadcast_in_dim3A_325 = vector.broadcast %jit3A_323 : i32 to vector<16xi32>
    %broadcast_in_dim3A_326 = vector.broadcast %jit3A_324 : i32 to vector<16xi32>
    %select_n3A_327 = arith.select %lt3A_319, %broadcast_in_dim3A_325, %broadcast_in_dim3A_326 : vector<16xi1>, vector<16xi32>
    %jit3A_328 = arith.constant 256 : i32
    %jit3A_329 = arith.constant 0 : i32
    %broadcast_in_dim3A_330 = vector.broadcast %jit3A_328 : i32 to vector<16xi32>
    %broadcast_in_dim3A_331 = vector.broadcast %jit3A_329 : i32 to vector<16xi32>
    %select_n3A_332 = arith.select %lt3A_322, %broadcast_in_dim3A_330, %broadcast_in_dim3A_331 : vector<16xi1>, vector<16xi32>
    %jit3A_333 = arith.constant 0.000000e+00 : f32
    %broadcast_in_dim3A_334 = vector.broadcast %jit3A_333 : f32 to vector<16xf32>
    %select_n3A_335 = arith.select %lt3A_319, %sub3A_314, %broadcast_in_dim3A_334 : vector<16xi1>, vector<16xf32>
    %jit3A_336 = arith.constant 0.000000e+00 : f32
    %broadcast_in_dim3A_337 = vector.broadcast %jit3A_336 : f32 to vector<16xf32>
    %select_n3A_338 = arith.select %lt3A_322, %sub3A_316, %broadcast_in_dim3A_337 : vector<16xi1>, vector<16xf32>
    %mul3A_339 = arith.constant 256 : i32
    %mul3A_340 = vector.broadcast %mul3A_339 : i32 to vector<16xi32>
    %mul3A_341 = arith.muli %convert_element_type3A_312, %mul3A_340 : vector<16xi32>
    %add3A_342 = arith.addi %mul3A_341, %convert_element_type3A_311 : vector<16xi32>
    %swap3A_343 = arith.constant 0 : i32
    %swap3A_344 = arith.index_cast %swap3A_343 : i32 to index
    %swap3A_345 = arith.constant 16 : index
    %swap3A_346 = tpu.vector_load %arg12[%swap3A_344, %swap3A_345] {strides = array<i32>} : memref<6x128xi32, #tpu.memory_space<vmem>>, vector<16xi32>,
    tpu.vector_store %arg12[%swap3A_344, %swap3A_345], %add3A_342 {strides = array<i32>} : memref<6x128xi32, #tpu.memory_space<vmem>>, vector<16xi32>,
    %add3A_347 = arith.addi %add3A_342, %select_n3A_327 : vector<16xi32>
    %swap3A_348 = arith.constant 0 : i32
    %swap3A_349 = arith.index_cast %swap3A_348 : i32 to index
    %swap3A_350 = arith.constant 48 : index
    %swap3A_351 = tpu.vector_load %arg12[%swap3A_349, %swap3A_350] {strides = array<i32>} : memref<6x128xi32, #tpu.memory_space<vmem>>, vector<16xi32>,
    tpu.vector_store %arg12[%swap3A_349, %swap3A_350], %add3A_347 {strides = array<i32>} : memref<6x128xi32, #tpu.memory_space<vmem>>, vector<16xi32>,
    %add3A_352 = arith.addi %add3A_342, %select_n3A_332 : vector<16xi32>
    %swap3A_353 = arith.constant 0 : i32
    %swap3A_354 = arith.index_cast %swap3A_353 : i32 to index
    %swap3A_355 = arith.constant 80 : index
    %swap3A_356 = tpu.vector_load %arg12[%swap3A_354, %swap3A_355] {strides = array<i32>} : memref<6x128xi32, #tpu.memory_space<vmem>>, vector<16xi32>,
    tpu.vector_store %arg12[%swap3A_354, %swap3A_355], %add3A_352 {strides = array<i32>} : memref<6x128xi32, #tpu.memory_space<vmem>>, vector<16xi32>,
    %add3A_357 = arith.addi %add3A_342, %select_n3A_327 : vector<16xi32>
    %add3A_358 = arith.addi %add3A_357, %select_n3A_332 : vector<16xi32>
    %swap3A_359 = arith.constant 0 : i32
    %swap3A_360 = arith.index_cast %swap3A_359 : i32 to index
    %swap3A_361 = arith.constant 112 : index
    %swap3A_362 = tpu.vector_load %arg12[%swap3A_360, %swap3A_361] {strides = array<i32>} : memref<6x128xi32, #tpu.memory_space<vmem>>, vector<16xi32>,
    tpu.vector_store %arg12[%swap3A_360, %swap3A_361], %add3A_358 {strides = array<i32>} : memref<6x128xi32, #tpu.memory_space<vmem>>, vector<16xi32>,
    %sub3A_363 = arith.constant 1.000000e+00 : f32
    %sub3A_364 = vector.broadcast %sub3A_363 : f32 to vector<16xf32>
    %sub3A_365 = arith.subf %sub3A_364, %sub3A_314 : vector<16xf32>
    %sub3A_366 = arith.constant 1.000000e+00 : f32
    %sub3A_367 = vector.broadcast %sub3A_366 : f32 to vector<16xf32>
    %sub3A_368 = arith.subf %sub3A_367, %sub3A_316 : vector<16xf32>
    %mul3A_369 = arith.mulf %sub3A_365, %sub3A_368 : vector<16xf32>
    %swap3A_370 = arith.constant 0 : i32
    %swap3A_371 = arith.index_cast %swap3A_370 : i32 to index
    %swap3A_372 = arith.constant 16 : index
    %swap3A_373 = tpu.vector_load %arg13[%swap3A_371, %swap3A_372] {strides = array<i32>} : memref<24x32xf32, #tpu.memory_space<vmem>>, vector<16xf32>,
    tpu.vector_store %arg13[%swap3A_371, %swap3A_372], %mul3A_369 {strides = array<i32>} : memref<24x32xf32, #tpu.memory_space<vmem>>, vector<16xf32>,
    %sub3A_374 = arith.constant 1.000000e+00 : f32
    %sub3A_375 = vector.broadcast %sub3A_374 : f32 to vector<16xf32>
    %sub3A_376 = arith.subf %sub3A_375, %sub3A_316 : vector<16xf32>
    %mul3A_377 = arith.mulf %select_n3A_335, %sub3A_376 : vector<16xf32>
    %swap3A_378 = arith.constant 1 : i32
    %swap3A_379 = arith.index_cast %swap3A_378 : i32 to index
    %swap3A_380 = arith.constant 16 : index
    %swap3A_381 = tpu.vector_load %arg13[%swap3A_379, %swap3A_380] {strides = array<i32>} : memref<24x32xf32, #tpu.memory_space<vmem>>, vector<16xf32>,
    tpu.vector_store %arg13[%swap3A_379, %swap3A_380], %mul3A_377 {strides = array<i32>} : memref<24x32xf32, #tpu.memory_space<vmem>>, vector<16xf32>,
    %sub3A_382 = arith.constant 1.000000e+00 : f32
    %sub3A_383 = vector.broadcast %sub3A_382 : f32 to vector<16xf32>
    %sub3A_384 = arith.subf %sub3A_383, %sub3A_314 : vector<16xf32>
    %mul3A_385 = arith.mulf %sub3A_384, %select_n3A_338 : vector<16xf32>
    %swap3A_386 = arith.constant 2 : i32
    %swap3A_387 = arith.index_cast %swap3A_386 : i32 to index
    %swap3A_388 = arith.constant 16 : index
    %swap3A_389 = tpu.vector_load %arg13[%swap3A_387, %swap3A_388] {strides = array<i32>} : memref<24x32xf32, #tpu.memory_space<vmem>>, vector<16xf32>,
    tpu.vector_store %arg13[%swap3A_387, %swap3A_388], %mul3A_385 {strides = array<i32>} : memref<24x32xf32, #tpu.memory_space<vmem>>, vector<16xf32>,
    %mul3A_390 = arith.mulf %select_n3A_335, %select_n3A_338 : vector<16xf32>
    %swap3A_391 = arith.constant 3 : i32
    %swap3A_392 = arith.index_cast %swap3A_391 : i32 to index
    %swap3A_393 = arith.constant 16 : index
    %swap3A_394 = tpu.vector_load %arg13[%swap3A_392, %swap3A_393] {strides = array<i32>} : memref<24x32xf32, #tpu.memory_space<vmem>>, vector<16xf32>,
    tpu.vector_store %arg13[%swap3A_392, %swap3A_393], %mul3A_390 {strides = array<i32>} : memref<24x32xf32, #tpu.memory_space<vmem>>, vector<16xf32>,
    %convert_element_type3A_395 = arith.fptosi %mul3A_299 : vector<16xf32> to vector<16xi32>
    %convert_element_type3A_396 = arith.fptosi %mul3A_310 : vector<16xf32> to vector<16xi32>
    %convert_element_type3A_397 = arith.sitofp %convert_element_type3A_395 : vector<16xi32> to vector<16xf32>
    %sub3A_398 = arith.subf %mul3A_299, %convert_element_type3A_397 : vector<16xf32>
    %convert_element_type3A_399 = arith.sitofp %convert_element_type3A_396 : vector<16xi32> to vector<16xf32>
    %sub3A_400 = arith.subf %mul3A_310, %convert_element_type3A_399 : vector<16xf32>
    %lt3A_401 = arith.constant 255 : i32
    %lt3A_402 = vector.broadcast %lt3A_401 : i32 to vector<16xi32>
    %lt3A_403 = arith.cmpi slt, %convert_element_type3A_395, %lt3A_402 : vector<16xi32>
    %lt3A_404 = arith.constant 255 : i32
    %lt3A_405 = vector.broadcast %lt3A_404 : i32 to vector<16xi32>
    %lt3A_406 = arith.cmpi slt, %convert_element_type3A_396, %lt3A_405 : vector<16xi32>
    %jit3A_407 = arith.constant 1 : i32
    %jit3A_408 = arith.constant 0 : i32
    %broadcast_in_dim3A_409 = vector.broadcast %jit3A_407 : i32 to vector<16xi32>
    %broadcast_in_dim3A_410 = vector.broadcast %jit3A_408 : i32 to vector<16xi32>
    %select_n3A_411 = arith.select %lt3A_403, %broadcast_in_dim3A_409, %broadcast_in_dim3A_410 : vector<16xi1>, vector<16xi32>
    %jit3A_412 = arith.constant 256 : i32
    %jit3A_413 = arith.constant 0 : i32
    %broadcast_in_dim3A_414 = vector.broadcast %jit3A_412 : i32 to vector<16xi32>
    %broadcast_in_dim3A_415 = vector.broadcast %jit3A_413 : i32 to vector<16xi32>
    %select_n3A_416 = arith.select %lt3A_406, %broadcast_in_dim3A_414, %broadcast_in_dim3A_415 : vector<16xi1>, vector<16xi32>
    %jit3A_417 = arith.constant 0.000000e+00 : f32
    %broadcast_in_dim3A_418 = vector.broadcast %jit3A_417 : f32 to vector<16xf32>
    %select_n3A_419 = arith.select %lt3A_403, %sub3A_398, %broadcast_in_dim3A_418 : vector<16xi1>, vector<16xf32>
    %jit3A_420 = arith.constant 0.000000e+00 : f32
    %broadcast_in_dim3A_421 = vector.broadcast %jit3A_420 : f32 to vector<16xf32>
    %select_n3A_422 = arith.select %lt3A_406, %sub3A_400, %broadcast_in_dim3A_421 : vector<16xi1>, vector<16xf32>
    %mul3A_423 = arith.constant 256 : i32
    %mul3A_424 = vector.broadcast %mul3A_423 : i32 to vector<16xi32>
    %mul3A_425 = arith.muli %convert_element_type3A_396, %mul3A_424 : vector<16xi32>
    %add3A_426 = arith.addi %mul3A_425, %convert_element_type3A_395 : vector<16xi32>
    %swap3A_427 = arith.constant 1 : i32
    %swap3A_428 = arith.index_cast %swap3A_427 : i32 to index
    %swap3A_429 = arith.constant 16 : index
    %swap3A_430 = tpu.vector_load %arg12[%swap3A_428, %swap3A_429] {strides = array<i32>} : memref<6x128xi32, #tpu.memory_space<vmem>>, vector<16xi32>,
    tpu.vector_store %arg12[%swap3A_428, %swap3A_429], %add3A_426 {strides = array<i32>} : memref<6x128xi32, #tpu.memory_space<vmem>>, vector<16xi32>,
    %add3A_431 = arith.addi %add3A_426, %select_n3A_411 : vector<16xi32>
    %swap3A_432 = arith.constant 1 : i32
    %swap3A_433 = arith.index_cast %swap3A_432 : i32 to index
    %swap3A_434 = arith.constant 48 : index
    %swap3A_435 = tpu.vector_load %arg12[%swap3A_433, %swap3A_434] {strides = array<i32>} : memref<6x128xi32, #tpu.memory_space<vmem>>, vector<16xi32>,
    tpu.vector_store %arg12[%swap3A_433, %swap3A_434], %add3A_431 {strides = array<i32>} : memref<6x128xi32, #tpu.memory_space<vmem>>, vector<16xi32>,
    %add3A_436 = arith.addi %add3A_426, %select_n3A_416 : vector<16xi32>
    %swap3A_437 = arith.constant 1 : i32
    %swap3A_438 = arith.index_cast %swap3A_437 : i32 to index
    %swap3A_439 = arith.constant 80 : index
    %swap3A_440 = tpu.vector_load %arg12[%swap3A_438, %swap3A_439] {strides = array<i32>} : memref<6x128xi32, #tpu.memory_space<vmem>>, vector<16xi32>,
    tpu.vector_store %arg12[%swap3A_438, %swap3A_439], %add3A_436 {strides = array<i32>} : memref<6x128xi32, #tpu.memory_space<vmem>>, vector<16xi32>,
    %add3A_441 = arith.addi %add3A_426, %select_n3A_411 : vector<16xi32>
    %add3A_442 = arith.addi %add3A_441, %select_n3A_416 : vector<16xi32>
    %swap3A_443 = arith.constant 1 : i32
    %swap3A_444 = arith.index_cast %swap3A_443 : i32 to index
    %swap3A_445 = arith.constant 112 : index
    %swap3A_446 = tpu.vector_load %arg12[%swap3A_444, %swap3A_445] {strides = array<i32>} : memref<6x128xi32, #tpu.memory_space<vmem>>, vector<16xi32>,
    tpu.vector_store %arg12[%swap3A_444, %swap3A_445], %add3A_442 {strides = array<i32>} : memref<6x128xi32, #tpu.memory_space<vmem>>, vector<16xi32>,
    %sub3A_447 = arith.constant 1.000000e+00 : f32
    %sub3A_448 = vector.broadcast %sub3A_447 : f32 to vector<16xf32>
    %sub3A_449 = arith.subf %sub3A_448, %sub3A_398 : vector<16xf32>
    %sub3A_450 = arith.constant 1.000000e+00 : f32
    %sub3A_451 = vector.broadcast %sub3A_450 : f32 to vector<16xf32>
    %sub3A_452 = arith.subf %sub3A_451, %sub3A_400 : vector<16xf32>
    %mul3A_453 = arith.mulf %sub3A_449, %sub3A_452 : vector<16xf32>
    %swap3A_454 = arith.constant 4 : i32
    %swap3A_455 = arith.index_cast %swap3A_454 : i32 to index
    %swap3A_456 = arith.constant 16 : index
    %swap3A_457 = tpu.vector_load %arg13[%swap3A_455, %swap3A_456] {strides = array<i32>} : memref<24x32xf32, #tpu.memory_space<vmem>>, vector<16xf32>,
    tpu.vector_store %arg13[%swap3A_455, %swap3A_456], %mul3A_453 {strides = array<i32>} : memref<24x32xf32, #tpu.memory_space<vmem>>, vector<16xf32>,
    %sub3A_458 = arith.constant 1.000000e+00 : f32
    %sub3A_459 = vector.broadcast %sub3A_458 : f32 to vector<16xf32>
    %sub3A_460 = arith.subf %sub3A_459, %sub3A_400 : vector<16xf32>
    %mul3A_461 = arith.mulf %select_n3A_419, %sub3A_460 : vector<16xf32>
    %swap3A_462 = arith.constant 5 : i32
    %swap3A_463 = arith.index_cast %swap3A_462 : i32 to index
    %swap3A_464 = arith.constant 16 : index
    %swap3A_465 = tpu.vector_load %arg13[%swap3A_463, %swap3A_464] {strides = array<i32>} : memref<24x32xf32, #tpu.memory_space<vmem>>, vector<16xf32>,
    tpu.vector_store %arg13[%swap3A_463, %swap3A_464], %mul3A_461 {strides = array<i32>} : memref<24x32xf32, #tpu.memory_space<vmem>>, vector<16xf32>,
    %sub3A_466 = arith.constant 1.000000e+00 : f32
    %sub3A_467 = vector.broadcast %sub3A_466 : f32 to vector<16xf32>
    %sub3A_468 = arith.subf %sub3A_467, %sub3A_398 : vector<16xf32>
    %mul3A_469 = arith.mulf %sub3A_468, %select_n3A_422 : vector<16xf32>
    %swap3A_470 = arith.constant 6 : i32
    %swap3A_471 = arith.index_cast %swap3A_470 : i32 to index
    %swap3A_472 = arith.constant 16 : index
    %swap3A_473 = tpu.vector_load %arg13[%swap3A_471, %swap3A_472] {strides = array<i32>} : memref<24x32xf32, #tpu.memory_space<vmem>>, vector<16xf32>,
    tpu.vector_store %arg13[%swap3A_471, %swap3A_472], %mul3A_469 {strides = array<i32>} : memref<24x32xf32, #tpu.memory_space<vmem>>, vector<16xf32>,
    %mul3A_474 = arith.mulf %select_n3A_419, %select_n3A_422 : vector<16xf32>
    %swap3A_475 = arith.constant 7 : i32
    %swap3A_476 = arith.index_cast %swap3A_475 : i32 to index
    %swap3A_477 = arith.constant 16 : index
    %swap3A_478 = tpu.vector_load %arg13[%swap3A_476, %swap3A_477] {strides = array<i32>} : memref<24x32xf32, #tpu.memory_space<vmem>>, vector<16xf32>,
    tpu.vector_store %arg13[%swap3A_476, %swap3A_477], %mul3A_474 {strides = array<i32>} : memref<24x32xf32, #tpu.memory_space<vmem>>, vector<16xf32>,
    %convert_element_type3A_479 = arith.fptosi %mul3A_310 : vector<16xf32> to vector<16xi32>
    %convert_element_type3A_480 = arith.fptosi %mul3A_288 : vector<16xf32> to vector<16xi32>
    %convert_element_type3A_481 = arith.sitofp %convert_element_type3A_479 : vector<16xi32> to vector<16xf32>
    %sub3A_482 = arith.subf %mul3A_310, %convert_element_type3A_481 : vector<16xf32>
    %convert_element_type3A_483 = arith.sitofp %convert_element_type3A_480 : vector<16xi32> to vector<16xf32>
    %sub3A_484 = arith.subf %mul3A_288, %convert_element_type3A_483 : vector<16xf32>
    %lt3A_485 = arith.constant 255 : i32
    %lt3A_486 = vector.broadcast %lt3A_485 : i32 to vector<16xi32>
    %lt3A_487 = arith.cmpi slt, %convert_element_type3A_479, %lt3A_486 : vector<16xi32>
    %lt3A_488 = arith.constant 255 : i32
    %lt3A_489 = vector.broadcast %lt3A_488 : i32 to vector<16xi32>
    %lt3A_490 = arith.cmpi slt, %convert_element_type3A_480, %lt3A_489 : vector<16xi32>
    %jit3A_491 = arith.constant 1 : i32
    %jit3A_492 = arith.constant 0 : i32
    %broadcast_in_dim3A_493 = vector.broadcast %jit3A_491 : i32 to vector<16xi32>
    %broadcast_in_dim3A_494 = vector.broadcast %jit3A_492 : i32 to vector<16xi32>
    %select_n3A_495 = arith.select %lt3A_487, %broadcast_in_dim3A_493, %broadcast_in_dim3A_494 : vector<16xi1>, vector<16xi32>
    %jit3A_496 = arith.constant 256 : i32
    %jit3A_497 = arith.constant 0 : i32
    %broadcast_in_dim3A_498 = vector.broadcast %jit3A_496 : i32 to vector<16xi32>
    %broadcast_in_dim3A_499 = vector.broadcast %jit3A_497 : i32 to vector<16xi32>
    %select_n3A_500 = arith.select %lt3A_490, %broadcast_in_dim3A_498, %broadcast_in_dim3A_499 : vector<16xi1>, vector<16xi32>
    %jit3A_501 = arith.constant 0.000000e+00 : f32
    %broadcast_in_dim3A_502 = vector.broadcast %jit3A_501 : f32 to vector<16xf32>
    %select_n3A_503 = arith.select %lt3A_487, %sub3A_482, %broadcast_in_dim3A_502 : vector<16xi1>, vector<16xf32>
    %jit3A_504 = arith.constant 0.000000e+00 : f32
    %broadcast_in_dim3A_505 = vector.broadcast %jit3A_504 : f32 to vector<16xf32>
    %select_n3A_506 = arith.select %lt3A_490, %sub3A_484, %broadcast_in_dim3A_505 : vector<16xi1>, vector<16xf32>
    %mul3A_507 = arith.constant 256 : i32
    %mul3A_508 = vector.broadcast %mul3A_507 : i32 to vector<16xi32>
    %mul3A_509 = arith.muli %convert_element_type3A_480, %mul3A_508 : vector<16xi32>
    %add3A_510 = arith.addi %mul3A_509, %convert_element_type3A_479 : vector<16xi32>
    %swap3A_511 = arith.constant 2 : i32
    %swap3A_512 = arith.index_cast %swap3A_511 : i32 to index
    %swap3A_513 = arith.constant 16 : index
    %swap3A_514 = tpu.vector_load %arg12[%swap3A_512, %swap3A_513] {strides = array<i32>} : memref<6x128xi32, #tpu.memory_space<vmem>>, vector<16xi32>,
    tpu.vector_store %arg12[%swap3A_512, %swap3A_513], %add3A_510 {strides = array<i32>} : memref<6x128xi32, #tpu.memory_space<vmem>>, vector<16xi32>,
    %add3A_515 = arith.addi %add3A_510, %select_n3A_495 : vector<16xi32>
    %swap3A_516 = arith.constant 2 : i32
    %swap3A_517 = arith.index_cast %swap3A_516 : i32 to index
    %swap3A_518 = arith.constant 48 : index
    %swap3A_519 = tpu.vector_load %arg12[%swap3A_517, %swap3A_518] {strides = array<i32>} : memref<6x128xi32, #tpu.memory_space<vmem>>, vector<16xi32>,
    tpu.vector_store %arg12[%swap3A_517, %swap3A_518], %add3A_515 {strides = array<i32>} : memref<6x128xi32, #tpu.memory_space<vmem>>, vector<16xi32>,
    %add3A_520 = arith.addi %add3A_510, %select_n3A_500 : vector<16xi32>
    %swap3A_521 = arith.constant 2 : i32
    %swap3A_522 = arith.index_cast %swap3A_521 : i32 to index
    %swap3A_523 = arith.constant 80 : index
    %swap3A_524 = tpu.vector_load %arg12[%swap3A_522, %swap3A_523] {strides = array<i32>} : memref<6x128xi32, #tpu.memory_space<vmem>>, vector<16xi32>,
    tpu.vector_store %arg12[%swap3A_522, %swap3A_523], %add3A_520 {strides = array<i32>} : memref<6x128xi32, #tpu.memory_space<vmem>>, vector<16xi32>,
    %add3A_525 = arith.addi %add3A_510, %select_n3A_495 : vector<16xi32>
    %add3A_526 = arith.addi %add3A_525, %select_n3A_500 : vector<16xi32>
    %swap3A_527 = arith.constant 2 : i32
    %swap3A_528 = arith.index_cast %swap3A_527 : i32 to index
    %swap3A_529 = arith.constant 112 : index
    %swap3A_530 = tpu.vector_load %arg12[%swap3A_528, %swap3A_529] {strides = array<i32>} : memref<6x128xi32, #tpu.memory_space<vmem>>, vector<16xi32>,
    tpu.vector_store %arg12[%swap3A_528, %swap3A_529], %add3A_526 {strides = array<i32>} : memref<6x128xi32, #tpu.memory_space<vmem>>, vector<16xi32>,
    %sub3A_531 = arith.constant 1.000000e+00 : f32
    %sub3A_532 = vector.broadcast %sub3A_531 : f32 to vector<16xf32>
    %sub3A_533 = arith.subf %sub3A_532, %sub3A_482 : vector<16xf32>
    %sub3A_534 = arith.constant 1.000000e+00 : f32
    %sub3A_535 = vector.broadcast %sub3A_534 : f32 to vector<16xf32>
    %sub3A_536 = arith.subf %sub3A_535, %sub3A_484 : vector<16xf32>
    %mul3A_537 = arith.mulf %sub3A_533, %sub3A_536 : vector<16xf32>
    %swap3A_538 = arith.constant 8 : i32
    %swap3A_539 = arith.index_cast %swap3A_538 : i32 to index
    %swap3A_540 = arith.constant 16 : index
    %swap3A_541 = tpu.vector_load %arg13[%swap3A_539, %swap3A_540] {strides = array<i32>} : memref<24x32xf32, #tpu.memory_space<vmem>>, vector<16xf32>,
    tpu.vector_store %arg13[%swap3A_539, %swap3A_540], %mul3A_537 {strides = array<i32>} : memref<24x32xf32, #tpu.memory_space<vmem>>, vector<16xf32>,
    %sub3A_542 = arith.constant 1.000000e+00 : f32
    %sub3A_543 = vector.broadcast %sub3A_542 : f32 to vector<16xf32>
    %sub3A_544 = arith.subf %sub3A_543, %sub3A_484 : vector<16xf32>
    %mul3A_545 = arith.mulf %select_n3A_503, %sub3A_544 : vector<16xf32>
    %swap3A_546 = arith.constant 9 : i32
    %swap3A_547 = arith.index_cast %swap3A_546 : i32 to index
    %swap3A_548 = arith.constant 16 : index
    %swap3A_549 = tpu.vector_load %arg13[%swap3A_547, %swap3A_548] {strides = array<i32>} : memref<24x32xf32, #tpu.memory_space<vmem>>, vector<16xf32>,
    tpu.vector_store %arg13[%swap3A_547, %swap3A_548], %mul3A_545 {strides = array<i32>} : memref<24x32xf32, #tpu.memory_space<vmem>>, vector<16xf32>,
    %sub3A_550 = arith.constant 1.000000e+00 : f32
    %sub3A_551 = vector.broadcast %sub3A_550 : f32 to vector<16xf32>
    %sub3A_552 = arith.subf %sub3A_551, %sub3A_482 : vector<16xf32>
    %mul3A_553 = arith.mulf %sub3A_552, %select_n3A_506 : vector<16xf32>
    %swap3A_554 = arith.constant 10 : i32
    %swap3A_555 = arith.index_cast %swap3A_554 : i32 to index
    %swap3A_556 = arith.constant 16 : index
    %swap3A_557 = tpu.vector_load %arg13[%swap3A_555, %swap3A_556] {strides = array<i32>} : memref<24x32xf32, #tpu.memory_space<vmem>>, vector<16xf32>,
    tpu.vector_store %arg13[%swap3A_555, %swap3A_556], %mul3A_553 {strides = array<i32>} : memref<24x32xf32, #tpu.memory_space<vmem>>, vector<16xf32>,
    %mul3A_558 = arith.mulf %select_n3A_503, %select_n3A_506 : vector<16xf32>
    %swap3A_559 = arith.constant 11 : i32
    %swap3A_560 = arith.index_cast %swap3A_559 : i32 to index
    %swap3A_561 = arith.constant 16 : index
    %swap3A_562 = tpu.vector_load %arg13[%swap3A_560, %swap3A_561] {strides = array<i32>} : memref<24x32xf32, #tpu.memory_space<vmem>>, vector<16xf32>,
    tpu.vector_store %arg13[%swap3A_560, %swap3A_561], %mul3A_558 {strides = array<i32>} : memref<24x32xf32, #tpu.memory_space<vmem>>, vector<16xf32>,
    %dma_start3A = arith.constant 0 : i32
    %dma_start3A_563 = arith.constant 0 : i32
    %dma_start3A_564 = arith.constant 0 : i32
    %dma_start3A_565 = tpu.memref_slice %arg14[%dma_start3A_563, %dma_start3A_564] : memref<768x128xf32, #tpu.memory_space<vmem>> -> memref<32x128xf32, #tpu.memory_space<vmem>>
    %dma_start3A_566 = arith.constant 0 : i32
    %dma_start3A_567 = tpu.memref_slice %arg12[%dma_start3A, %dma_start3A_566] : memref<6x128xi32, #tpu.memory_space<vmem>> -> memref<1x32xi32, #tpu.memory_space<vmem>>
    %dma_start3A_568 = tpu.memref_squeeze %dma_start3A_567 : memref<1x32xi32, #tpu.memory_space<vmem>> -> memref<32xi32, #tpu.memory_space<vmem>>
    %dma_start3A_569 = arith.constant 0 : i32
    %dma_start3A_570 = arith.constant 0 : i32
    %dma_start3A_571 = tpu.memref_slice %arg2[%dma_start3A_569, %dma_start3A_570] : memref<65536x128xf32, #tpu.memory_space<hbm>> -> memref<65536x128xf32, #tpu.memory_space<hbm>>
    tpu.enqueue_indirect_dma source(%dma_start3A_571 : memref<65536x128xf32, #tpu.memory_space<hbm>>) target(%dma_start3A_565 : memref<32x128xf32, #tpu.memory_space<vmem>>) offsets(%dma_start3A_568 : memref<32xi32, #tpu.memory_space<vmem>>) semaphore(%arg17 : memref<!tpu.dma_semaphore, #tpu.memory_space<semaphore_mem>>)
    %dma_start3A_572 = arith.constant 0 : i32
    %dma_start3A_573 = arith.constant 32 : i32
    %dma_start3A_574 = arith.constant 0 : i32
    %dma_start3A_575 = tpu.memref_slice %arg14[%dma_start3A_573, %dma_start3A_574] : memref<768x128xf32, #tpu.memory_space<vmem>> -> memref<32x128xf32, #tpu.memory_space<vmem>>
    %dma_start3A_576 = arith.constant 32 : i32
    %dma_start3A_577 = tpu.memref_slice %arg12[%dma_start3A_572, %dma_start3A_576] : memref<6x128xi32, #tpu.memory_space<vmem>> -> memref<1x32xi32, #tpu.memory_space<vmem>>
    %dma_start3A_578 = tpu.memref_squeeze %dma_start3A_577 : memref<1x32xi32, #tpu.memory_space<vmem>> -> memref<32xi32, #tpu.memory_space<vmem>>
    %dma_start3A_579 = arith.constant 0 : i32
    %dma_start3A_580 = arith.constant 0 : i32
    %dma_start3A_581 = tpu.memref_slice %arg2[%dma_start3A_579, %dma_start3A_580] : memref<65536x128xf32, #tpu.memory_space<hbm>> -> memref<65536x128xf32, #tpu.memory_space<hbm>>
    tpu.enqueue_indirect_dma source(%dma_start3A_581 : memref<65536x128xf32, #tpu.memory_space<hbm>>) target(%dma_start3A_575 : memref<32x128xf32, #tpu.memory_space<vmem>>) offsets(%dma_start3A_578 : memref<32xi32, #tpu.memory_space<vmem>>) semaphore(%arg17 : memref<!tpu.dma_semaphore, #tpu.memory_space<semaphore_mem>>)
    %dma_start3A_582 = arith.constant 0 : i32
    %dma_start3A_583 = arith.constant 64 : i32
    %dma_start3A_584 = arith.constant 0 : i32
    %dma_start3A_585 = tpu.memref_slice %arg14[%dma_start3A_583, %dma_start3A_584] : memref<768x128xf32, #tpu.memory_space<vmem>> -> memref<32x128xf32, #tpu.memory_space<vmem>>
    %dma_start3A_586 = arith.constant 64 : i32
    %dma_start3A_587 = tpu.memref_slice %arg12[%dma_start3A_582, %dma_start3A_586] : memref<6x128xi32, #tpu.memory_space<vmem>> -> memref<1x32xi32, #tpu.memory_space<vmem>>
    %dma_start3A_588 = tpu.memref_squeeze %dma_start3A_587 : memref<1x32xi32, #tpu.memory_space<vmem>> -> memref<32xi32, #tpu.memory_space<vmem>>
    %dma_start3A_589 = arith.constant 0 : i32
    %dma_start3A_590 = arith.constant 0 : i32
    %dma_start3A_591 = tpu.memref_slice %arg2[%dma_start3A_589, %dma_start3A_590] : memref<65536x128xf32, #tpu.memory_space<hbm>> -> memref<65536x128xf32, #tpu.memory_space<hbm>>
    tpu.enqueue_indirect_dma source(%dma_start3A_591 : memref<65536x128xf32, #tpu.memory_space<hbm>>) target(%dma_start3A_585 : memref<32x128xf32, #tpu.memory_space<vmem>>) offsets(%dma_start3A_588 : memref<32xi32, #tpu.memory_space<vmem>>) semaphore(%arg17 : memref<!tpu.dma_semaphore, #tpu.memory_space<semaphore_mem>>)
    %dma_start3A_592 = arith.constant 0 : i32
    %dma_start3A_593 = arith.constant 96 : i32
    %dma_start3A_594 = arith.constant 0 : i32
    %dma_start3A_595 = tpu.memref_slice %arg14[%dma_start3A_593, %dma_start3A_594] : memref<768x128xf32, #tpu.memory_space<vmem>> -> memref<32x128xf32, #tpu.memory_space<vmem>>
    %dma_start3A_596 = arith.constant 96 : i32
    %dma_start3A_597 = tpu.memref_slice %arg12[%dma_start3A_592, %dma_start3A_596] : memref<6x128xi32, #tpu.memory_space<vmem>> -> memref<1x32xi32, #tpu.memory_space<vmem>>
    %dma_start3A_598 = tpu.memref_squeeze %dma_start3A_597 : memref<1x32xi32, #tpu.memory_space<vmem>> -> memref<32xi32, #tpu.memory_space<vmem>>
    %dma_start3A_599 = arith.constant 0 : i32
    %dma_start3A_600 = arith.constant 0 : i32
    %dma_start3A_601 = tpu.memref_slice %arg2[%dma_start3A_599, %dma_start3A_600] : memref<65536x128xf32, #tpu.memory_space<hbm>> -> memref<65536x128xf32, #tpu.memory_space<hbm>>
    tpu.enqueue_indirect_dma source(%dma_start3A_601 : memref<65536x128xf32, #tpu.memory_space<hbm>>) target(%dma_start3A_595 : memref<32x128xf32, #tpu.memory_space<vmem>>) offsets(%dma_start3A_598 : memref<32xi32, #tpu.memory_space<vmem>>) semaphore(%arg17 : memref<!tpu.dma_semaphore, #tpu.memory_space<semaphore_mem>>)
    %dma_start3A_602 = arith.constant 1 : i32
    %dma_start3A_603 = arith.constant 128 : i32
    %dma_start3A_604 = arith.constant 0 : i32
    %dma_start3A_605 = tpu.memref_slice %arg14[%dma_start3A_603, %dma_start3A_604] : memref<768x128xf32, #tpu.memory_space<vmem>> -> memref<32x128xf32, #tpu.memory_space<vmem>>
    %dma_start3A_606 = arith.constant 0 : i32
    %dma_start3A_607 = tpu.memref_slice %arg12[%dma_start3A_602, %dma_start3A_606] : memref<6x128xi32, #tpu.memory_space<vmem>> -> memref<1x32xi32, #tpu.memory_space<vmem>>
    %dma_start3A_608 = tpu.memref_squeeze %dma_start3A_607 : memref<1x32xi32, #tpu.memory_space<vmem>> -> memref<32xi32, #tpu.memory_space<vmem>>
    %dma_start3A_609 = arith.constant 0 : i32
    %dma_start3A_610 = arith.constant 0 : i32
    %dma_start3A_611 = tpu.memref_slice %arg3[%dma_start3A_609, %dma_start3A_610] : memref<65536x128xf32, #tpu.memory_space<hbm>> -> memref<65536x128xf32, #tpu.memory_space<hbm>>
    tpu.enqueue_indirect_dma source(%dma_start3A_611 : memref<65536x128xf32, #tpu.memory_space<hbm>>) target(%dma_start3A_605 : memref<32x128xf32, #tpu.memory_space<vmem>>) offsets(%dma_start3A_608 : memref<32xi32, #tpu.memory_space<vmem>>) semaphore(%arg17 : memref<!tpu.dma_semaphore, #tpu.memory_space<semaphore_mem>>)
    %dma_start3A_612 = arith.constant 1 : i32
    %dma_start3A_613 = arith.constant 160 : i32
    %dma_start3A_614 = arith.constant 0 : i32
    %dma_start3A_615 = tpu.memref_slice %arg14[%dma_start3A_613, %dma_start3A_614] : memref<768x128xf32, #tpu.memory_space<vmem>> -> memref<32x128xf32, #tpu.memory_space<vmem>>
    %dma_start3A_616 = arith.constant 32 : i32
    %dma_start3A_617 = tpu.memref_slice %arg12[%dma_start3A_612, %dma_start3A_616] : memref<6x128xi32, #tpu.memory_space<vmem>> -> memref<1x32xi32, #tpu.memory_space<vmem>>
    %dma_start3A_618 = tpu.memref_squeeze %dma_start3A_617 : memref<1x32xi32, #tpu.memory_space<vmem>> -> memref<32xi32, #tpu.memory_space<vmem>>
    %dma_start3A_619 = arith.constant 0 : i32
    %dma_start3A_620 = arith.constant 0 : i32
    %dma_start3A_621 = tpu.memref_slice %arg3[%dma_start3A_619, %dma_start3A_620] : memref<65536x128xf32, #tpu.memory_space<hbm>> -> memref<65536x128xf32, #tpu.memory_space<hbm>>
    tpu.enqueue_indirect_dma source(%dma_start3A_621 : memref<65536x128xf32, #tpu.memory_space<hbm>>) target(%dma_start3A_615 : memref<32x128xf32, #tpu.memory_space<vmem>>) offsets(%dma_start3A_618 : memref<32xi32, #tpu.memory_space<vmem>>) semaphore(%arg17 : memref<!tpu.dma_semaphore, #tpu.memory_space<semaphore_mem>>)
    %dma_start3A_622 = arith.constant 1 : i32
    %dma_start3A_623 = arith.constant 192 : i32
    %dma_start3A_624 = arith.constant 0 : i32
    %dma_start3A_625 = tpu.memref_slice %arg14[%dma_start3A_623, %dma_start3A_624] : memref<768x128xf32, #tpu.memory_space<vmem>> -> memref<32x128xf32, #tpu.memory_space<vmem>>
    %dma_start3A_626 = arith.constant 64 : i32
    %dma_start3A_627 = tpu.memref_slice %arg12[%dma_start3A_622, %dma_start3A_626] : memref<6x128xi32, #tpu.memory_space<vmem>> -> memref<1x32xi32, #tpu.memory_space<vmem>>
    %dma_start3A_628 = tpu.memref_squeeze %dma_start3A_627 : memref<1x32xi32, #tpu.memory_space<vmem>> -> memref<32xi32, #tpu.memory_space<vmem>>
    %dma_start3A_629 = arith.constant 0 : i32
    %dma_start3A_630 = arith.constant 0 : i32
    %dma_start3A_631 = tpu.memref_slice %arg3[%dma_start3A_629, %dma_start3A_630] : memref<65536x128xf32, #tpu.memory_space<hbm>> -> memref<65536x128xf32, #tpu.memory_space<hbm>>
    tpu.enqueue_indirect_dma source(%dma_start3A_631 : memref<65536x128xf32, #tpu.memory_space<hbm>>) target(%dma_start3A_625 : memref<32x128xf32, #tpu.memory_space<vmem>>) offsets(%dma_start3A_628 : memref<32xi32, #tpu.memory_space<vmem>>) semaphore(%arg17 : memref<!tpu.dma_semaphore, #tpu.memory_space<semaphore_mem>>)
    %dma_start3A_632 = arith.constant 1 : i32
    %dma_start3A_633 = arith.constant 224 : i32
    %dma_start3A_634 = arith.constant 0 : i32
    %dma_start3A_635 = tpu.memref_slice %arg14[%dma_start3A_633, %dma_start3A_634] : memref<768x128xf32, #tpu.memory_space<vmem>> -> memref<32x128xf32, #tpu.memory_space<vmem>>
    %dma_start3A_636 = arith.constant 96 : i32
    %dma_start3A_637 = tpu.memref_slice %arg12[%dma_start3A_632, %dma_start3A_636] : memref<6x128xi32, #tpu.memory_space<vmem>> -> memref<1x32xi32, #tpu.memory_space<vmem>>
    %dma_start3A_638 = tpu.memref_squeeze %dma_start3A_637 : memref<1x32xi32, #tpu.memory_space<vmem>> -> memref<32xi32, #tpu.memory_space<vmem>>
    %dma_start3A_639 = arith.constant 0 : i32
    %dma_start3A_640 = arith.constant 0 : i32
    %dma_start3A_641 = tpu.memref_slice %arg3[%dma_start3A_639, %dma_start3A_640] : memref<65536x128xf32, #tpu.memory_space<hbm>> -> memref<65536x128xf32, #tpu.memory_space<hbm>>
    tpu.enqueue_indirect_dma source(%dma_start3A_641 : memref<65536x128xf32, #tpu.memory_space<hbm>>) target(%dma_start3A_635 : memref<32x128xf32, #tpu.memory_space<vmem>>) offsets(%dma_start3A_638 : memref<32xi32, #tpu.memory_space<vmem>>) semaphore(%arg17 : memref<!tpu.dma_semaphore, #tpu.memory_space<semaphore_mem>>)
    %dma_start3A_642 = arith.constant 2 : i32
    %dma_start3A_643 = arith.constant 256 : i32
    %dma_start3A_644 = arith.constant 0 : i32
    %dma_start3A_645 = tpu.memref_slice %arg14[%dma_start3A_643, %dma_start3A_644] : memref<768x128xf32, #tpu.memory_space<vmem>> -> memref<32x128xf32, #tpu.memory_space<vmem>>
    %dma_start3A_646 = arith.constant 0 : i32
    %dma_start3A_647 = tpu.memref_slice %arg12[%dma_start3A_642, %dma_start3A_646] : memref<6x128xi32, #tpu.memory_space<vmem>> -> memref<1x32xi32, #tpu.memory_space<vmem>>
    %dma_start3A_648 = tpu.memref_squeeze %dma_start3A_647 : memref<1x32xi32, #tpu.memory_space<vmem>> -> memref<32xi32, #tpu.memory_space<vmem>>
    %dma_start3A_649 = arith.constant 0 : i32
    %dma_start3A_650 = arith.constant 0 : i32
    %dma_start3A_651 = tpu.memref_slice %arg4[%dma_start3A_649, %dma_start3A_650] : memref<65536x128xf32, #tpu.memory_space<hbm>> -> memref<65536x128xf32, #tpu.memory_space<hbm>>
    tpu.enqueue_indirect_dma source(%dma_start3A_651 : memref<65536x128xf32, #tpu.memory_space<hbm>>) target(%dma_start3A_645 : memref<32x128xf32, #tpu.memory_space<vmem>>) offsets(%dma_start3A_648 : memref<32xi32, #tpu.memory_space<vmem>>) semaphore(%arg17 : memref<!tpu.dma_semaphore, #tpu.memory_space<semaphore_mem>>)
    %dma_start3A_652 = arith.constant 2 : i32
    %dma_start3A_653 = arith.constant 288 : i32
    %dma_start3A_654 = arith.constant 0 : i32
    %dma_start3A_655 = tpu.memref_slice %arg14[%dma_start3A_653, %dma_start3A_654] : memref<768x128xf32, #tpu.memory_space<vmem>> -> memref<32x128xf32, #tpu.memory_space<vmem>>
    %dma_start3A_656 = arith.constant 32 : i32
    %dma_start3A_657 = tpu.memref_slice %arg12[%dma_start3A_652, %dma_start3A_656] : memref<6x128xi32, #tpu.memory_space<vmem>> -> memref<1x32xi32, #tpu.memory_space<vmem>>
    %dma_start3A_658 = tpu.memref_squeeze %dma_start3A_657 : memref<1x32xi32, #tpu.memory_space<vmem>> -> memref<32xi32, #tpu.memory_space<vmem>>
    %dma_start3A_659 = arith.constant 0 : i32
    %dma_start3A_660 = arith.constant 0 : i32
    %dma_start3A_661 = tpu.memref_slice %arg4[%dma_start3A_659, %dma_start3A_660] : memref<65536x128xf32, #tpu.memory_space<hbm>> -> memref<65536x128xf32, #tpu.memory_space<hbm>>
    tpu.enqueue_indirect_dma source(%dma_start3A_661 : memref<65536x128xf32, #tpu.memory_space<hbm>>) target(%dma_start3A_655 : memref<32x128xf32, #tpu.memory_space<vmem>>) offsets(%dma_start3A_658 : memref<32xi32, #tpu.memory_space<vmem>>) semaphore(%arg17 : memref<!tpu.dma_semaphore, #tpu.memory_space<semaphore_mem>>)
    %dma_start3A_662 = arith.constant 2 : i32
    %dma_start3A_663 = arith.constant 320 : i32
    %dma_start3A_664 = arith.constant 0 : i32
    %dma_start3A_665 = tpu.memref_slice %arg14[%dma_start3A_663, %dma_start3A_664] : memref<768x128xf32, #tpu.memory_space<vmem>> -> memref<32x128xf32, #tpu.memory_space<vmem>>
    %dma_start3A_666 = arith.constant 64 : i32
    %dma_start3A_667 = tpu.memref_slice %arg12[%dma_start3A_662, %dma_start3A_666] : memref<6x128xi32, #tpu.memory_space<vmem>> -> memref<1x32xi32, #tpu.memory_space<vmem>>
    %dma_start3A_668 = tpu.memref_squeeze %dma_start3A_667 : memref<1x32xi32, #tpu.memory_space<vmem>> -> memref<32xi32, #tpu.memory_space<vmem>>
    %dma_start3A_669 = arith.constant 0 : i32
    %dma_start3A_670 = arith.constant 0 : i32
    %dma_start3A_671 = tpu.memref_slice %arg4[%dma_start3A_669, %dma_start3A_670] : memref<65536x128xf32, #tpu.memory_space<hbm>> -> memref<65536x128xf32, #tpu.memory_space<hbm>>
    tpu.enqueue_indirect_dma source(%dma_start3A_671 : memref<65536x128xf32, #tpu.memory_space<hbm>>) target(%dma_start3A_665 : memref<32x128xf32, #tpu.memory_space<vmem>>) offsets(%dma_start3A_668 : memref<32xi32, #tpu.memory_space<vmem>>) semaphore(%arg17 : memref<!tpu.dma_semaphore, #tpu.memory_space<semaphore_mem>>)
    %dma_start3A_672 = arith.constant 2 : i32
    %dma_start3A_673 = arith.constant 352 : i32
    %dma_start3A_674 = arith.constant 0 : i32
    %dma_start3A_675 = tpu.memref_slice %arg14[%dma_start3A_673, %dma_start3A_674] : memref<768x128xf32, #tpu.memory_space<vmem>> -> memref<32x128xf32, #tpu.memory_space<vmem>>
    %dma_start3A_676 = arith.constant 96 : i32
    %dma_start3A_677 = tpu.memref_slice %arg12[%dma_start3A_672, %dma_start3A_676] : memref<6x128xi32, #tpu.memory_space<vmem>> -> memref<1x32xi32, #tpu.memory_space<vmem>>
    %dma_start3A_678 = tpu.memref_squeeze %dma_start3A_677 : memref<1x32xi32, #tpu.memory_space<vmem>> -> memref<32xi32, #tpu.memory_space<vmem>>
    %dma_start3A_679 = arith.constant 0 : i32
    %dma_start3A_680 = arith.constant 0 : i32
    %dma_start3A_681 = tpu.memref_slice %arg4[%dma_start3A_679, %dma_start3A_680] : memref<65536x128xf32, #tpu.memory_space<hbm>> -> memref<65536x128xf32, #tpu.memory_space<hbm>>
    tpu.enqueue_indirect_dma source(%dma_start3A_681 : memref<65536x128xf32, #tpu.memory_space<hbm>>) target(%dma_start3A_675 : memref<32x128xf32, #tpu.memory_space<vmem>>) offsets(%dma_start3A_678 : memref<32xi32, #tpu.memory_space<vmem>>) semaphore(%arg17 : memref<!tpu.dma_semaphore, #tpu.memory_space<semaphore_mem>>)
    %scan3A = arith.constant 0 : i32
    %scan3A_682 = arith.constant 0 : i32
    %scan3A_683 = arith.constant 50 : i32
    %scan3A_684 = arith.addi %scan3A_682, %scan3A_683 : i32
    %scan3A_685 = arith.constant 1 : i32
    scf.for %scan3A_694 = %scan3A_682 to %scan3A_684 step %scan3A_685  : i32 {
      %mul3A_695 = arith.constant 2 : i32
      %mul3A_696 = arith.muli %mul3A_695, %scan3A_694 : i32
      %add3A_697 = arith.constant 1 : i32
      %add3A_698 = arith.addi %mul3A_696, %add3A_697 : i32
      %mul3A_699 = arith.constant 32 : i32
      %mul3A_700 = arith.muli %add3A_698, %mul3A_699 : i32
      %add3A_701 = arith.constant 0 : i32
      %add3A_702 = arith.addi %mul3A_700, %add3A_701 : i32
      %get3A_703 = arith.index_cast %add3A_702 : i32 to index
      %get3A_704 = tpu.vector_load %arg9[%get3A_703] {strides = array<i32>} : memref<3200xf32, #tpu.memory_space<vmem>>, vector<16xf32>,
      %jit3A_705 = arith.constant 0.000000e+00 : f32
      %jit3A_706 = arith.constant 0.999998986 : f32
      %max3A_707 = vector.broadcast %jit3A_705 : f32 to vector<16xf32>
      %max3A_708 = arith.maximumf %max3A_707, %get3A_704 : vector<16xf32>
      %min3A_709 = vector.broadcast %jit3A_706 : f32 to vector<16xf32>
      %min3A_710 = arith.minimumf %min3A_709, %max3A_708 : vector<16xf32>
      %mul3A_711 = arith.constant 2.560000e+02 : f32
      %mul3A_712 = vector.broadcast %mul3A_711 : f32 to vector<16xf32>
      %mul3A_713 = arith.mulf %min3A_710, %mul3A_712 : vector<16xf32>
      %get3A_714 = arith.index_cast %add3A_702 : i32 to index
      %get3A_715 = tpu.vector_load %arg10[%get3A_714] {strides = array<i32>} : memref<3200xf32, #tpu.memory_space<vmem>>, vector<16xf32>,
      %jit3A_716 = arith.constant 0.000000e+00 : f32
      %jit3A_717 = arith.constant 0.999998986 : f32
      %max3A_718 = vector.broadcast %jit3A_716 : f32 to vector<16xf32>
      %max3A_719 = arith.maximumf %max3A_718, %get3A_715 : vector<16xf32>
      %min3A_720 = vector.broadcast %jit3A_717 : f32 to vector<16xf32>
      %min3A_721 = arith.minimumf %min3A_720, %max3A_719 : vector<16xf32>
      %mul3A_722 = arith.constant 2.560000e+02 : f32
      %mul3A_723 = vector.broadcast %mul3A_722 : f32 to vector<16xf32>
      %mul3A_724 = arith.mulf %min3A_721, %mul3A_723 : vector<16xf32>
      %get3A_725 = arith.index_cast %add3A_702 : i32 to index
      %get3A_726 = tpu.vector_load %arg11[%get3A_725] {strides = array<i32>} : memref<3200xf32, #tpu.memory_space<vmem>>, vector<16xf32>,
      %jit3A_727 = arith.constant 0.000000e+00 : f32
      %jit3A_728 = arith.constant 0.999998986 : f32
      %max3A_729 = vector.broadcast %jit3A_727 : f32 to vector<16xf32>
      %max3A_730 = arith.maximumf %max3A_729, %get3A_726 : vector<16xf32>
      %min3A_731 = vector.broadcast %jit3A_728 : f32 to vector<16xf32>
      %min3A_732 = arith.minimumf %min3A_731, %max3A_730 : vector<16xf32>
      %mul3A_733 = arith.constant 2.560000e+02 : f32
      %mul3A_734 = vector.broadcast %mul3A_733 : f32 to vector<16xf32>
      %mul3A_735 = arith.mulf %min3A_732, %mul3A_734 : vector<16xf32>
      %convert_element_type3A_736 = arith.fptosi %mul3A_713 : vector<16xf32> to vector<16xi32>
      %convert_element_type3A_737 = arith.fptosi %mul3A_724 : vector<16xf32> to vector<16xi32>
      %convert_element_type3A_738 = arith.sitofp %convert_element_type3A_736 : vector<16xi32> to vector<16xf32>
      %sub3A_739 = arith.subf %mul3A_713, %convert_element_type3A_738 : vector<16xf32>
      %convert_element_type3A_740 = arith.sitofp %convert_element_type3A_737 : vector<16xi32> to vector<16xf32>
      %sub3A_741 = arith.subf %mul3A_724, %convert_element_type3A_740 : vector<16xf32>
      %lt3A_742 = arith.constant 255 : i32
      %lt3A_743 = vector.broadcast %lt3A_742 : i32 to vector<16xi32>
      %lt3A_744 = arith.cmpi slt, %convert_element_type3A_736, %lt3A_743 : vector<16xi32>
      %lt3A_745 = arith.constant 255 : i32
      %lt3A_746 = vector.broadcast %lt3A_745 : i32 to vector<16xi32>
      %lt3A_747 = arith.cmpi slt, %convert_element_type3A_737, %lt3A_746 : vector<16xi32>
      %jit3A_748 = arith.constant 1 : i32
      %jit3A_749 = arith.constant 0 : i32
      %broadcast_in_dim3A_750 = vector.broadcast %jit3A_748 : i32 to vector<16xi32>
      %broadcast_in_dim3A_751 = vector.broadcast %jit3A_749 : i32 to vector<16xi32>
      %select_n3A_752 = arith.select %lt3A_744, %broadcast_in_dim3A_750, %broadcast_in_dim3A_751 : vector<16xi1>, vector<16xi32>
      %jit3A_753 = arith.constant 256 : i32
      %jit3A_754 = arith.constant 0 : i32
      %broadcast_in_dim3A_755 = vector.broadcast %jit3A_753 : i32 to vector<16xi32>
      %broadcast_in_dim3A_756 = vector.broadcast %jit3A_754 : i32 to vector<16xi32>
      %select_n3A_757 = arith.select %lt3A_747, %broadcast_in_dim3A_755, %broadcast_in_dim3A_756 : vector<16xi1>, vector<16xi32>
      %jit3A_758 = arith.constant 0.000000e+00 : f32
      %broadcast_in_dim3A_759 = vector.broadcast %jit3A_758 : f32 to vector<16xf32>
      %select_n3A_760 = arith.select %lt3A_744, %sub3A_739, %broadcast_in_dim3A_759 : vector<16xi1>, vector<16xf32>
      %jit3A_761 = arith.constant 0.000000e+00 : f32
      %broadcast_in_dim3A_762 = vector.broadcast %jit3A_761 : f32 to vector<16xf32>
      %select_n3A_763 = arith.select %lt3A_747, %sub3A_741, %broadcast_in_dim3A_762 : vector<16xi1>, vector<16xf32>
      %mul3A_764 = arith.constant 256 : i32
      %mul3A_765 = vector.broadcast %mul3A_764 : i32 to vector<16xi32>
      %mul3A_766 = arith.muli %convert_element_type3A_737, %mul3A_765 : vector<16xi32>
      %add3A_767 = arith.addi %mul3A_766, %convert_element_type3A_736 : vector<16xi32>
      %swap3A_768 = arith.constant 3 : i32
      %swap3A_769 = arith.index_cast %swap3A_768 : i32 to index
      %swap3A_770 = arith.constant 0 : index
      %swap3A_771 = tpu.vector_load %arg12[%swap3A_769, %swap3A_770] {strides = array<i32>} : memref<6x128xi32, #tpu.memory_space<vmem>>, vector<16xi32>,
      tpu.vector_store %arg12[%swap3A_769, %swap3A_770], %add3A_767 {strides = array<i32>} : memref<6x128xi32, #tpu.memory_space<vmem>>, vector<16xi32>,
      %add3A_772 = arith.addi %add3A_767, %select_n3A_752 : vector<16xi32>
      %swap3A_773 = arith.constant 3 : i32
      %swap3A_774 = arith.index_cast %swap3A_773 : i32 to index
      %swap3A_775 = arith.constant 32 : index
      %swap3A_776 = tpu.vector_load %arg12[%swap3A_774, %swap3A_775] {strides = array<i32>} : memref<6x128xi32, #tpu.memory_space<vmem>>, vector<16xi32>,
      tpu.vector_store %arg12[%swap3A_774, %swap3A_775], %add3A_772 {strides = array<i32>} : memref<6x128xi32, #tpu.memory_space<vmem>>, vector<16xi32>,
      %add3A_777 = arith.addi %add3A_767, %select_n3A_757 : vector<16xi32>
      %swap3A_778 = arith.constant 3 : i32
      %swap3A_779 = arith.index_cast %swap3A_778 : i32 to index
      %swap3A_780 = arith.constant 64 : index
      %swap3A_781 = tpu.vector_load %arg12[%swap3A_779, %swap3A_780] {strides = array<i32>} : memref<6x128xi32, #tpu.memory_space<vmem>>, vector<16xi32>,
      tpu.vector_store %arg12[%swap3A_779, %swap3A_780], %add3A_777 {strides = array<i32>} : memref<6x128xi32, #tpu.memory_space<vmem>>, vector<16xi32>,
      %add3A_782 = arith.addi %add3A_767, %select_n3A_752 : vector<16xi32>
      %add3A_783 = arith.addi %add3A_782, %select_n3A_757 : vector<16xi32>
      %swap3A_784 = arith.constant 3 : i32
      %swap3A_785 = arith.index_cast %swap3A_784 : i32 to index
      %swap3A_786 = arith.constant 96 : index
      %swap3A_787 = tpu.vector_load %arg12[%swap3A_785, %swap3A_786] {strides = array<i32>} : memref<6x128xi32, #tpu.memory_space<vmem>>, vector<16xi32>,
      tpu.vector_store %arg12[%swap3A_785, %swap3A_786], %add3A_783 {strides = array<i32>} : memref<6x128xi32, #tpu.memory_space<vmem>>, vector<16xi32>,
      %sub3A_788 = arith.constant 1.000000e+00 : f32
      %sub3A_789 = vector.broadcast %sub3A_788 : f32 to vector<16xf32>
      %sub3A_790 = arith.subf %sub3A_789, %sub3A_739 : vector<16xf32>
      %sub3A_791 = arith.constant 1.000000e+00 : f32
      %sub3A_792 = vector.broadcast %sub3A_791 : f32 to vector<16xf32>
      %sub3A_793 = arith.subf %sub3A_792, %sub3A_741 : vector<16xf32>
      %mul3A_794 = arith.mulf %sub3A_790, %sub3A_793 : vector<16xf32>
      %swap3A_795 = arith.constant 12 : i32
      %swap3A_796 = arith.index_cast %swap3A_795 : i32 to index
      %swap3A_797 = arith.constant 0 : index
      %swap3A_798 = tpu.vector_load %arg13[%swap3A_796, %swap3A_797] {strides = array<i32>} : memref<24x32xf32, #tpu.memory_space<vmem>>, vector<16xf32>,
      tpu.vector_store %arg13[%swap3A_796, %swap3A_797], %mul3A_794 {strides = array<i32>} : memref<24x32xf32, #tpu.memory_space<vmem>>, vector<16xf32>,
      %sub3A_799 = arith.constant 1.000000e+00 : f32
      %sub3A_800 = vector.broadcast %sub3A_799 : f32 to vector<16xf32>
      %sub3A_801 = arith.subf %sub3A_800, %sub3A_741 : vector<16xf32>
      %mul3A_802 = arith.mulf %select_n3A_760, %sub3A_801 : vector<16xf32>
      %swap3A_803 = arith.constant 13 : i32
      %swap3A_804 = arith.index_cast %swap3A_803 : i32 to index
      %swap3A_805 = arith.constant 0 : index
      %swap3A_806 = tpu.vector_load %arg13[%swap3A_804, %swap3A_805] {strides = array<i32>} : memref<24x32xf32, #tpu.memory_space<vmem>>, vector<16xf32>,
      tpu.vector_store %arg13[%swap3A_804, %swap3A_805], %mul3A_802 {strides = array<i32>} : memref<24x32xf32, #tpu.memory_space<vmem>>, vector<16xf32>,
      %sub3A_807 = arith.constant 1.000000e+00 : f32
      %sub3A_808 = vector.broadcast %sub3A_807 : f32 to vector<16xf32>
      %sub3A_809 = arith.subf %sub3A_808, %sub3A_739 : vector<16xf32>
      %mul3A_810 = arith.mulf %sub3A_809, %select_n3A_763 : vector<16xf32>
      %swap3A_811 = arith.constant 14 : i32
      %swap3A_812 = arith.index_cast %swap3A_811 : i32 to index
      %swap3A_813 = arith.constant 0 : index
      %swap3A_814 = tpu.vector_load %arg13[%swap3A_812, %swap3A_813] {strides = array<i32>} : memref<24x32xf32, #tpu.memory_space<vmem>>, vector<16xf32>,
      tpu.vector_store %arg13[%swap3A_812, %swap3A_813], %mul3A_810 {strides = array<i32>} : memref<24x32xf32, #tpu.memory_space<vmem>>, vector<16xf32>,
      %mul3A_815 = arith.mulf %select_n3A_760, %select_n3A_763 : vector<16xf32>
      %swap3A_816 = arith.constant 15 : i32
      %swap3A_817 = arith.index_cast %swap3A_816 : i32 to index
      %swap3A_818 = arith.constant 0 : index
      %swap3A_819 = tpu.vector_load %arg13[%swap3A_817, %swap3A_818] {strides = array<i32>} : memref<24x32xf32, #tpu.memory_space<vmem>>, vector<16xf32>,
      tpu.vector_store %arg13[%swap3A_817, %swap3A_818], %mul3A_815 {strides = array<i32>} : memref<24x32xf32, #tpu.memory_space<vmem>>, vector<16xf32>,
      %convert_element_type3A_820 = arith.fptosi %mul3A_724 : vector<16xf32> to vector<16xi32>
      %convert_element_type3A_821 = arith.fptosi %mul3A_735 : vector<16xf32> to vector<16xi32>
      %convert_element_type3A_822 = arith.sitofp %convert_element_type3A_820 : vector<16xi32> to vector<16xf32>
      %sub3A_823 = arith.subf %mul3A_724, %convert_element_type3A_822 : vector<16xf32>
      %convert_element_type3A_824 = arith.sitofp %convert_element_type3A_821 : vector<16xi32> to vector<16xf32>
      %sub3A_825 = arith.subf %mul3A_735, %convert_element_type3A_824 : vector<16xf32>
      %lt3A_826 = arith.constant 255 : i32
      %lt3A_827 = vector.broadcast %lt3A_826 : i32 to vector<16xi32>
      %lt3A_828 = arith.cmpi slt, %convert_element_type3A_820, %lt3A_827 : vector<16xi32>
      %lt3A_829 = arith.constant 255 : i32
      %lt3A_830 = vector.broadcast %lt3A_829 : i32 to vector<16xi32>
      %lt3A_831 = arith.cmpi slt, %convert_element_type3A_821, %lt3A_830 : vector<16xi32>
      %jit3A_832 = arith.constant 1 : i32
      %jit3A_833 = arith.constant 0 : i32
      %broadcast_in_dim3A_834 = vector.broadcast %jit3A_832 : i32 to vector<16xi32>
      %broadcast_in_dim3A_835 = vector.broadcast %jit3A_833 : i32 to vector<16xi32>
      %select_n3A_836 = arith.select %lt3A_828, %broadcast_in_dim3A_834, %broadcast_in_dim3A_835 : vector<16xi1>, vector<16xi32>
      %jit3A_837 = arith.constant 256 : i32
      %jit3A_838 = arith.constant 0 : i32
      %broadcast_in_dim3A_839 = vector.broadcast %jit3A_837 : i32 to vector<16xi32>
      %broadcast_in_dim3A_840 = vector.broadcast %jit3A_838 : i32 to vector<16xi32>
      %select_n3A_841 = arith.select %lt3A_831, %broadcast_in_dim3A_839, %broadcast_in_dim3A_840 : vector<16xi1>, vector<16xi32>
      %jit3A_842 = arith.constant 0.000000e+00 : f32
      %broadcast_in_dim3A_843 = vector.broadcast %jit3A_842 : f32 to vector<16xf32>
      %select_n3A_844 = arith.select %lt3A_828, %sub3A_823, %broadcast_in_dim3A_843 : vector<16xi1>, vector<16xf32>
      %jit3A_845 = arith.constant 0.000000e+00 : f32
      %broadcast_in_dim3A_846 = vector.broadcast %jit3A_845 : f32 to vector<16xf32>
      %select_n3A_847 = arith.select %lt3A_831, %sub3A_825, %broadcast_in_dim3A_846 : vector<16xi1>, vector<16xf32>
      %mul3A_848 = arith.constant 256 : i32
      %mul3A_849 = vector.broadcast %mul3A_848 : i32 to vector<16xi32>
      %mul3A_850 = arith.muli %convert_element_type3A_821, %mul3A_849 : vector<16xi32>
      %add3A_851 = arith.addi %mul3A_850, %convert_element_type3A_820 : vector<16xi32>
      %swap3A_852 = arith.constant 4 : i32
      %swap3A_853 = arith.index_cast %swap3A_852 : i32 to index
      %swap3A_854 = arith.constant 0 : index
      %swap3A_855 = tpu.vector_load %arg12[%swap3A_853, %swap3A_854] {strides = array<i32>} : memref<6x128xi32, #tpu.memory_space<vmem>>, vector<16xi32>,
      tpu.vector_store %arg12[%swap3A_853, %swap3A_854], %add3A_851 {strides = array<i32>} : memref<6x128xi32, #tpu.memory_space<vmem>>, vector<16xi32>,
      %add3A_856 = arith.addi %add3A_851, %select_n3A_836 : vector<16xi32>
      %swap3A_857 = arith.constant 4 : i32
      %swap3A_858 = arith.index_cast %swap3A_857 : i32 to index
      %swap3A_859 = arith.constant 32 : index
      %swap3A_860 = tpu.vector_load %arg12[%swap3A_858, %swap3A_859] {strides = array<i32>} : memref<6x128xi32, #tpu.memory_space<vmem>>, vector<16xi32>,
      tpu.vector_store %arg12[%swap3A_858, %swap3A_859], %add3A_856 {strides = array<i32>} : memref<6x128xi32, #tpu.memory_space<vmem>>, vector<16xi32>,
      %add3A_861 = arith.addi %add3A_851, %select_n3A_841 : vector<16xi32>
      %swap3A_862 = arith.constant 4 : i32
      %swap3A_863 = arith.index_cast %swap3A_862 : i32 to index
      %swap3A_864 = arith.constant 64 : index
      %swap3A_865 = tpu.vector_load %arg12[%swap3A_863, %swap3A_864] {strides = array<i32>} : memref<6x128xi32, #tpu.memory_space<vmem>>, vector<16xi32>,
      tpu.vector_store %arg12[%swap3A_863, %swap3A_864], %add3A_861 {strides = array<i32>} : memref<6x128xi32, #tpu.memory_space<vmem>>, vector<16xi32>,
      %add3A_866 = arith.addi %add3A_851, %select_n3A_836 : vector<16xi32>
      %add3A_867 = arith.addi %add3A_866, %select_n3A_841 : vector<16xi32>
      %swap3A_868 = arith.constant 4 : i32
      %swap3A_869 = arith.index_cast %swap3A_868 : i32 to index
      %swap3A_870 = arith.constant 96 : index
      %swap3A_871 = tpu.vector_load %arg12[%swap3A_869, %swap3A_870] {strides = array<i32>} : memref<6x128xi32, #tpu.memory_space<vmem>>, vector<16xi32>,
      tpu.vector_store %arg12[%swap3A_869, %swap3A_870], %add3A_867 {strides = array<i32>} : memref<6x128xi32, #tpu.memory_space<vmem>>, vector<16xi32>,
      %sub3A_872 = arith.constant 1.000000e+00 : f32
      %sub3A_873 = vector.broadcast %sub3A_872 : f32 to vector<16xf32>
      %sub3A_874 = arith.subf %sub3A_873, %sub3A_823 : vector<16xf32>
      %sub3A_875 = arith.constant 1.000000e+00 : f32
      %sub3A_876 = vector.broadcast %sub3A_875 : f32 to vector<16xf32>
      %sub3A_877 = arith.subf %sub3A_876, %sub3A_825 : vector<16xf32>
      %mul3A_878 = arith.mulf %sub3A_874, %sub3A_877 : vector<16xf32>
      %swap3A_879 = arith.constant 16 : i32
      %swap3A_880 = arith.index_cast %swap3A_879 : i32 to index
      %swap3A_881 = arith.constant 0 : index
      %swap3A_882 = tpu.vector_load %arg13[%swap3A_880, %swap3A_881] {strides = array<i32>} : memref<24x32xf32, #tpu.memory_space<vmem>>, vector<16xf32>,
      tpu.vector_store %arg13[%swap3A_880, %swap3A_881], %mul3A_878 {strides = array<i32>} : memref<24x32xf32, #tpu.memory_space<vmem>>, vector<16xf32>,
      %sub3A_883 = arith.constant 1.000000e+00 : f32
      %sub3A_884 = vector.broadcast %sub3A_883 : f32 to vector<16xf32>
      %sub3A_885 = arith.subf %sub3A_884, %sub3A_825 : vector<16xf32>
      %mul3A_886 = arith.mulf %select_n3A_844, %sub3A_885 : vector<16xf32>
      %swap3A_887 = arith.constant 17 : i32
      %swap3A_888 = arith.index_cast %swap3A_887 : i32 to index
      %swap3A_889 = arith.constant 0 : index
      %swap3A_890 = tpu.vector_load %arg13[%swap3A_888, %swap3A_889] {strides = array<i32>} : memref<24x32xf32, #tpu.memory_space<vmem>>, vector<16xf32>,
      tpu.vector_store %arg13[%swap3A_888, %swap3A_889], %mul3A_886 {strides = array<i32>} : memref<24x32xf32, #tpu.memory_space<vmem>>, vector<16xf32>,
      %sub3A_891 = arith.constant 1.000000e+00 : f32
      %sub3A_892 = vector.broadcast %sub3A_891 : f32 to vector<16xf32>
      %sub3A_893 = arith.subf %sub3A_892, %sub3A_823 : vector<16xf32>
      %mul3A_894 = arith.mulf %sub3A_893, %select_n3A_847 : vector<16xf32>
      %swap3A_895 = arith.constant 18 : i32
      %swap3A_896 = arith.index_cast %swap3A_895 : i32 to index
      %swap3A_897 = arith.constant 0 : index
      %swap3A_898 = tpu.vector_load %arg13[%swap3A_896, %swap3A_897] {strides = array<i32>} : memref<24x32xf32, #tpu.memory_space<vmem>>, vector<16xf32>,
      tpu.vector_store %arg13[%swap3A_896, %swap3A_897], %mul3A_894 {strides = array<i32>} : memref<24x32xf32, #tpu.memory_space<vmem>>, vector<16xf32>,
      %mul3A_899 = arith.mulf %select_n3A_844, %select_n3A_847 : vector<16xf32>
      %swap3A_900 = arith.constant 19 : i32
      %swap3A_901 = arith.index_cast %swap3A_900 : i32 to index
      %swap3A_902 = arith.constant 0 : index
      %swap3A_903 = tpu.vector_load %arg13[%swap3A_901, %swap3A_902] {strides = array<i32>} : memref<24x32xf32, #tpu.memory_space<vmem>>, vector<16xf32>,
      tpu.vector_store %arg13[%swap3A_901, %swap3A_902], %mul3A_899 {strides = array<i32>} : memref<24x32xf32, #tpu.memory_space<vmem>>, vector<16xf32>,
      %convert_element_type3A_904 = arith.fptosi %mul3A_735 : vector<16xf32> to vector<16xi32>
      %convert_element_type3A_905 = arith.fptosi %mul3A_713 : vector<16xf32> to vector<16xi32>
      %convert_element_type3A_906 = arith.sitofp %convert_element_type3A_904 : vector<16xi32> to vector<16xf32>
      %sub3A_907 = arith.subf %mul3A_735, %convert_element_type3A_906 : vector<16xf32>
      %convert_element_type3A_908 = arith.sitofp %convert_element_type3A_905 : vector<16xi32> to vector<16xf32>
      %sub3A_909 = arith.subf %mul3A_713, %convert_element_type3A_908 : vector<16xf32>
      %lt3A_910 = arith.constant 255 : i32
      %lt3A_911 = vector.broadcast %lt3A_910 : i32 to vector<16xi32>
      %lt3A_912 = arith.cmpi slt, %convert_element_type3A_904, %lt3A_911 : vector<16xi32>
      %lt3A_913 = arith.constant 255 : i32
      %lt3A_914 = vector.broadcast %lt3A_913 : i32 to vector<16xi32>
      %lt3A_915 = arith.cmpi slt, %convert_element_type3A_905, %lt3A_914 : vector<16xi32>
      %jit3A_916 = arith.constant 1 : i32
      %jit3A_917 = arith.constant 0 : i32
      %broadcast_in_dim3A_918 = vector.broadcast %jit3A_916 : i32 to vector<16xi32>
      %broadcast_in_dim3A_919 = vector.broadcast %jit3A_917 : i32 to vector<16xi32>
      %select_n3A_920 = arith.select %lt3A_912, %broadcast_in_dim3A_918, %broadcast_in_dim3A_919 : vector<16xi1>, vector<16xi32>
      %jit3A_921 = arith.constant 256 : i32
      %jit3A_922 = arith.constant 0 : i32
      %broadcast_in_dim3A_923 = vector.broadcast %jit3A_921 : i32 to vector<16xi32>
      %broadcast_in_dim3A_924 = vector.broadcast %jit3A_922 : i32 to vector<16xi32>
      %select_n3A_925 = arith.select %lt3A_915, %broadcast_in_dim3A_923, %broadcast_in_dim3A_924 : vector<16xi1>, vector<16xi32>
      %jit3A_926 = arith.constant 0.000000e+00 : f32
      %broadcast_in_dim3A_927 = vector.broadcast %jit3A_926 : f32 to vector<16xf32>
      %select_n3A_928 = arith.select %lt3A_912, %sub3A_907, %broadcast_in_dim3A_927 : vector<16xi1>, vector<16xf32>
      %jit3A_929 = arith.constant 0.000000e+00 : f32
      %broadcast_in_dim3A_930 = vector.broadcast %jit3A_929 : f32 to vector<16xf32>
      %select_n3A_931 = arith.select %lt3A_915, %sub3A_909, %broadcast_in_dim3A_930 : vector<16xi1>, vector<16xf32>
      %mul3A_932 = arith.constant 256 : i32
      %mul3A_933 = vector.broadcast %mul3A_932 : i32 to vector<16xi32>
      %mul3A_934 = arith.muli %convert_element_type3A_905, %mul3A_933 : vector<16xi32>
      %add3A_935 = arith.addi %mul3A_934, %convert_element_type3A_904 : vector<16xi32>
      %swap3A_936 = arith.constant 5 : i32
      %swap3A_937 = arith.index_cast %swap3A_936 : i32 to index
      %swap3A_938 = arith.constant 0 : index
      %swap3A_939 = tpu.vector_load %arg12[%swap3A_937, %swap3A_938] {strides = array<i32>} : memref<6x128xi32, #tpu.memory_space<vmem>>, vector<16xi32>,
      tpu.vector_store %arg12[%swap3A_937, %swap3A_938], %add3A_935 {strides = array<i32>} : memref<6x128xi32, #tpu.memory_space<vmem>>, vector<16xi32>,
      %add3A_940 = arith.addi %add3A_935, %select_n3A_920 : vector<16xi32>
      %swap3A_941 = arith.constant 5 : i32
      %swap3A_942 = arith.index_cast %swap3A_941 : i32 to index
      %swap3A_943 = arith.constant 32 : index
      %swap3A_944 = tpu.vector_load %arg12[%swap3A_942, %swap3A_943] {strides = array<i32>} : memref<6x128xi32, #tpu.memory_space<vmem>>, vector<16xi32>,
      tpu.vector_store %arg12[%swap3A_942, %swap3A_943], %add3A_940 {strides = array<i32>} : memref<6x128xi32, #tpu.memory_space<vmem>>, vector<16xi32>,
      %add3A_945 = arith.addi %add3A_935, %select_n3A_925 : vector<16xi32>
      %swap3A_946 = arith.constant 5 : i32
      %swap3A_947 = arith.index_cast %swap3A_946 : i32 to index
      %swap3A_948 = arith.constant 64 : index
      %swap3A_949 = tpu.vector_load %arg12[%swap3A_947, %swap3A_948] {strides = array<i32>} : memref<6x128xi32, #tpu.memory_space<vmem>>, vector<16xi32>,
      tpu.vector_store %arg12[%swap3A_947, %swap3A_948], %add3A_945 {strides = array<i32>} : memref<6x128xi32, #tpu.memory_space<vmem>>, vector<16xi32>,
      %add3A_950 = arith.addi %add3A_935, %select_n3A_920 : vector<16xi32>
      %add3A_951 = arith.addi %add3A_950, %select_n3A_925 : vector<16xi32>
      %swap3A_952 = arith.constant 5 : i32
      %swap3A_953 = arith.index_cast %swap3A_952 : i32 to index
      %swap3A_954 = arith.constant 96 : index
      %swap3A_955 = tpu.vector_load %arg12[%swap3A_953, %swap3A_954] {strides = array<i32>} : memref<6x128xi32, #tpu.memory_space<vmem>>, vector<16xi32>,
      tpu.vector_store %arg12[%swap3A_953, %swap3A_954], %add3A_951 {strides = array<i32>} : memref<6x128xi32, #tpu.memory_space<vmem>>, vector<16xi32>,
      %sub3A_956 = arith.constant 1.000000e+00 : f32
      %sub3A_957 = vector.broadcast %sub3A_956 : f32 to vector<16xf32>
      %sub3A_958 = arith.subf %sub3A_957, %sub3A_907 : vector<16xf32>
      %sub3A_959 = arith.constant 1.000000e+00 : f32
      %sub3A_960 = vector.broadcast %sub3A_959 : f32 to vector<16xf32>
      %sub3A_961 = arith.subf %sub3A_960, %sub3A_909 : vector<16xf32>
      %mul3A_962 = arith.mulf %sub3A_958, %sub3A_961 : vector<16xf32>
      %swap3A_963 = arith.constant 20 : i32
      %swap3A_964 = arith.index_cast %swap3A_963 : i32 to index
      %swap3A_965 = arith.constant 0 : index
      %swap3A_966 = tpu.vector_load %arg13[%swap3A_964, %swap3A_965] {strides = array<i32>} : memref<24x32xf32, #tpu.memory_space<vmem>>, vector<16xf32>,
      tpu.vector_store %arg13[%swap3A_964, %swap3A_965], %mul3A_962 {strides = array<i32>} : memref<24x32xf32, #tpu.memory_space<vmem>>, vector<16xf32>,
      %sub3A_967 = arith.constant 1.000000e+00 : f32
      %sub3A_968 = vector.broadcast %sub3A_967 : f32 to vector<16xf32>
      %sub3A_969 = arith.subf %sub3A_968, %sub3A_909 : vector<16xf32>
      %mul3A_970 = arith.mulf %select_n3A_928, %sub3A_969 : vector<16xf32>
      %swap3A_971 = arith.constant 21 : i32
      %swap3A_972 = arith.index_cast %swap3A_971 : i32 to index
      %swap3A_973 = arith.constant 0 : index
      %swap3A_974 = tpu.vector_load %arg13[%swap3A_972, %swap3A_973] {strides = array<i32>} : memref<24x32xf32, #tpu.memory_space<vmem>>, vector<16xf32>,
      tpu.vector_store %arg13[%swap3A_972, %swap3A_973], %mul3A_970 {strides = array<i32>} : memref<24x32xf32, #tpu.memory_space<vmem>>, vector<16xf32>,
      %sub3A_975 = arith.constant 1.000000e+00 : f32
      %sub3A_976 = vector.broadcast %sub3A_975 : f32 to vector<16xf32>
      %sub3A_977 = arith.subf %sub3A_976, %sub3A_907 : vector<16xf32>
      %mul3A_978 = arith.mulf %sub3A_977, %select_n3A_931 : vector<16xf32>
      %swap3A_979 = arith.constant 22 : i32
      %swap3A_980 = arith.index_cast %swap3A_979 : i32 to index
      %swap3A_981 = arith.constant 0 : index
      %swap3A_982 = tpu.vector_load %arg13[%swap3A_980, %swap3A_981] {strides = array<i32>} : memref<24x32xf32, #tpu.memory_space<vmem>>, vector<16xf32>,
      tpu.vector_store %arg13[%swap3A_980, %swap3A_981], %mul3A_978 {strides = array<i32>} : memref<24x32xf32, #tpu.memory_space<vmem>>, vector<16xf32>,
      %mul3A_983 = arith.mulf %select_n3A_928, %select_n3A_931 : vector<16xf32>
      %swap3A_984 = arith.constant 23 : i32
      %swap3A_985 = arith.index_cast %swap3A_984 : i32 to index
      %swap3A_986 = arith.constant 0 : index
      %swap3A_987 = tpu.vector_load %arg13[%swap3A_985, %swap3A_986] {strides = array<i32>} : memref<24x32xf32, #tpu.memory_space<vmem>>, vector<16xf32>,
      tpu.vector_store %arg13[%swap3A_985, %swap3A_986], %mul3A_983 {strides = array<i32>} : memref<24x32xf32, #tpu.memory_space<vmem>>, vector<16xf32>,
      %mul3A_988 = arith.constant 32 : i32
      %mul3A_989 = arith.muli %add3A_698, %mul3A_988 : i32
      %add3A_990 = arith.constant 16 : i32
      %add3A_991 = arith.addi %mul3A_989, %add3A_990 : i32
      %get3A_992 = arith.index_cast %add3A_991 : i32 to index
      %get3A_993 = tpu.vector_load %arg9[%get3A_992] {strides = array<i32>} : memref<3200xf32, #tpu.memory_space<vmem>>, vector<16xf32>,
      %jit3A_994 = arith.constant 0.000000e+00 : f32
      %jit3A_995 = arith.constant 0.999998986 : f32
      %max3A_996 = vector.broadcast %jit3A_994 : f32 to vector<16xf32>
      %max3A_997 = arith.maximumf %max3A_996, %get3A_993 : vector<16xf32>
      %min3A_998 = vector.broadcast %jit3A_995 : f32 to vector<16xf32>
      %min3A_999 = arith.minimumf %min3A_998, %max3A_997 : vector<16xf32>
      %mul3A_1000 = arith.constant 2.560000e+02 : f32
      %mul3A_1001 = vector.broadcast %mul3A_1000 : f32 to vector<16xf32>
      %mul3A_1002 = arith.mulf %min3A_999, %mul3A_1001 : vector<16xf32>
      %get3A_1003 = arith.index_cast %add3A_991 : i32 to index
      %get3A_1004 = tpu.vector_load %arg10[%get3A_1003] {strides = array<i32>} : memref<3200xf32, #tpu.memory_space<vmem>>, vector<16xf32>,
      %jit3A_1005 = arith.constant 0.000000e+00 : f32
      %jit3A_1006 = arith.constant 0.999998986 : f32
      %max3A_1007 = vector.broadcast %jit3A_1005 : f32 to vector<16xf32>
      %max3A_1008 = arith.maximumf %max3A_1007, %get3A_1004 : vector<16xf32>
      %min3A_1009 = vector.broadcast %jit3A_1006 : f32 to vector<16xf32>
      %min3A_1010 = arith.minimumf %min3A_1009, %max3A_1008 : vector<16xf32>
      %mul3A_1011 = arith.constant 2.560000e+02 : f32
      %mul3A_1012 = vector.broadcast %mul3A_1011 : f32 to vector<16xf32>
      %mul3A_1013 = arith.mulf %min3A_1010, %mul3A_1012 : vector<16xf32>
      %get3A_1014 = arith.index_cast %add3A_991 : i32 to index
      %get3A_1015 = tpu.vector_load %arg11[%get3A_1014] {strides = array<i32>} : memref<3200xf32, #tpu.memory_space<vmem>>, vector<16xf32>,
      %jit3A_1016 = arith.constant 0.000000e+00 : f32
      %jit3A_1017 = arith.constant 0.999998986 : f32
      %max3A_1018 = vector.broadcast %jit3A_1016 : f32 to vector<16xf32>
      %max3A_1019 = arith.maximumf %max3A_1018, %get3A_1015 : vector<16xf32>
      %min3A_1020 = vector.broadcast %jit3A_1017 : f32 to vector<16xf32>
      %min3A_1021 = arith.minimumf %min3A_1020, %max3A_1019 : vector<16xf32>
      %mul3A_1022 = arith.constant 2.560000e+02 : f32
      %mul3A_1023 = vector.broadcast %mul3A_1022 : f32 to vector<16xf32>
      %mul3A_1024 = arith.mulf %min3A_1021, %mul3A_1023 : vector<16xf32>
      %convert_element_type3A_1025 = arith.fptosi %mul3A_1002 : vector<16xf32> to vector<16xi32>
      %convert_element_type3A_1026 = arith.fptosi %mul3A_1013 : vector<16xf32> to vector<16xi32>
      %convert_element_type3A_1027 = arith.sitofp %convert_element_type3A_1025 : vector<16xi32> to vector<16xf32>
      %sub3A_1028 = arith.subf %mul3A_1002, %convert_element_type3A_1027 : vector<16xf32>
      %convert_element_type3A_1029 = arith.sitofp %convert_element_type3A_1026 : vector<16xi32> to vector<16xf32>
      %sub3A_1030 = arith.subf %mul3A_1013, %convert_element_type3A_1029 : vector<16xf32>
      %lt3A_1031 = arith.constant 255 : i32
      %lt3A_1032 = vector.broadcast %lt3A_1031 : i32 to vector<16xi32>
      %lt3A_1033 = arith.cmpi slt, %convert_element_type3A_1025, %lt3A_1032 : vector<16xi32>
      %lt3A_1034 = arith.constant 255 : i32
      %lt3A_1035 = vector.broadcast %lt3A_1034 : i32 to vector<16xi32>
      %lt3A_1036 = arith.cmpi slt, %convert_element_type3A_1026, %lt3A_1035 : vector<16xi32>
      %jit3A_1037 = arith.constant 1 : i32
      %jit3A_1038 = arith.constant 0 : i32
      %broadcast_in_dim3A_1039 = vector.broadcast %jit3A_1037 : i32 to vector<16xi32>
      %broadcast_in_dim3A_1040 = vector.broadcast %jit3A_1038 : i32 to vector<16xi32>
      %select_n3A_1041 = arith.select %lt3A_1033, %broadcast_in_dim3A_1039, %broadcast_in_dim3A_1040 : vector<16xi1>, vector<16xi32>
      %jit3A_1042 = arith.constant 256 : i32
      %jit3A_1043 = arith.constant 0 : i32
      %broadcast_in_dim3A_1044 = vector.broadcast %jit3A_1042 : i32 to vector<16xi32>
      %broadcast_in_dim3A_1045 = vector.broadcast %jit3A_1043 : i32 to vector<16xi32>
      %select_n3A_1046 = arith.select %lt3A_1036, %broadcast_in_dim3A_1044, %broadcast_in_dim3A_1045 : vector<16xi1>, vector<16xi32>
      %jit3A_1047 = arith.constant 0.000000e+00 : f32
      %broadcast_in_dim3A_1048 = vector.broadcast %jit3A_1047 : f32 to vector<16xf32>
      %select_n3A_1049 = arith.select %lt3A_1033, %sub3A_1028, %broadcast_in_dim3A_1048 : vector<16xi1>, vector<16xf32>
      %jit3A_1050 = arith.constant 0.000000e+00 : f32
      %broadcast_in_dim3A_1051 = vector.broadcast %jit3A_1050 : f32 to vector<16xf32>
      %select_n3A_1052 = arith.select %lt3A_1036, %sub3A_1030, %broadcast_in_dim3A_1051 : vector<16xi1>, vector<16xf32>
      %mul3A_1053 = arith.constant 256 : i32
      %mul3A_1054 = vector.broadcast %mul3A_1053 : i32 to vector<16xi32>
      %mul3A_1055 = arith.muli %convert_element_type3A_1026, %mul3A_1054 : vector<16xi32>
      %add3A_1056 = arith.addi %mul3A_1055, %convert_element_type3A_1025 : vector<16xi32>
      %swap3A_1057 = arith.constant 3 : i32
      %swap3A_1058 = arith.index_cast %swap3A_1057 : i32 to index
      %swap3A_1059 = arith.constant 16 : index
      %swap3A_1060 = tpu.vector_load %arg12[%swap3A_1058, %swap3A_1059] {strides = array<i32>} : memref<6x128xi32, #tpu.memory_space<vmem>>, vector<16xi32>,
      tpu.vector_store %arg12[%swap3A_1058, %swap3A_1059], %add3A_1056 {strides = array<i32>} : memref<6x128xi32, #tpu.memory_space<vmem>>, vector<16xi32>,
      %add3A_1061 = arith.addi %add3A_1056, %select_n3A_1041 : vector<16xi32>
      %swap3A_1062 = arith.constant 3 : i32
      %swap3A_1063 = arith.index_cast %swap3A_1062 : i32 to index
      %swap3A_1064 = arith.constant 48 : index
      %swap3A_1065 = tpu.vector_load %arg12[%swap3A_1063, %swap3A_1064] {strides = array<i32>} : memref<6x128xi32, #tpu.memory_space<vmem>>, vector<16xi32>,
      tpu.vector_store %arg12[%swap3A_1063, %swap3A_1064], %add3A_1061 {strides = array<i32>} : memref<6x128xi32, #tpu.memory_space<vmem>>, vector<16xi32>,
      %add3A_1066 = arith.addi %add3A_1056, %select_n3A_1046 : vector<16xi32>
      %swap3A_1067 = arith.constant 3 : i32
      %swap3A_1068 = arith.index_cast %swap3A_1067 : i32 to index
      %swap3A_1069 = arith.constant 80 : index
      %swap3A_1070 = tpu.vector_load %arg12[%swap3A_1068, %swap3A_1069] {strides = array<i32>} : memref<6x128xi32, #tpu.memory_space<vmem>>, vector<16xi32>,
      tpu.vector_store %arg12[%swap3A_1068, %swap3A_1069], %add3A_1066 {strides = array<i32>} : memref<6x128xi32, #tpu.memory_space<vmem>>, vector<16xi32>,
      %add3A_1071 = arith.addi %add3A_1056, %select_n3A_1041 : vector<16xi32>
      %add3A_1072 = arith.addi %add3A_1071, %select_n3A_1046 : vector<16xi32>
      %swap3A_1073 = arith.constant 3 : i32
      %swap3A_1074 = arith.index_cast %swap3A_1073 : i32 to index
      %swap3A_1075 = arith.constant 112 : index
      %swap3A_1076 = tpu.vector_load %arg12[%swap3A_1074, %swap3A_1075] {strides = array<i32>} : memref<6x128xi32, #tpu.memory_space<vmem>>, vector<16xi32>,
      tpu.vector_store %arg12[%swap3A_1074, %swap3A_1075], %add3A_1072 {strides = array<i32>} : memref<6x128xi32, #tpu.memory_space<vmem>>, vector<16xi32>,
      %sub3A_1077 = arith.constant 1.000000e+00 : f32
      %sub3A_1078 = vector.broadcast %sub3A_1077 : f32 to vector<16xf32>
      %sub3A_1079 = arith.subf %sub3A_1078, %sub3A_1028 : vector<16xf32>
      %sub3A_1080 = arith.constant 1.000000e+00 : f32
      %sub3A_1081 = vector.broadcast %sub3A_1080 : f32 to vector<16xf32>
      %sub3A_1082 = arith.subf %sub3A_1081, %sub3A_1030 : vector<16xf32>
      %mul3A_1083 = arith.mulf %sub3A_1079, %sub3A_1082 : vector<16xf32>
      %swap3A_1084 = arith.constant 12 : i32
      %swap3A_1085 = arith.index_cast %swap3A_1084 : i32 to index
      %swap3A_1086 = arith.constant 16 : index
      %swap3A_1087 = tpu.vector_load %arg13[%swap3A_1085, %swap3A_1086] {strides = array<i32>} : memref<24x32xf32, #tpu.memory_space<vmem>>, vector<16xf32>,
      tpu.vector_store %arg13[%swap3A_1085, %swap3A_1086], %mul3A_1083 {strides = array<i32>} : memref<24x32xf32, #tpu.memory_space<vmem>>, vector<16xf32>,
      %sub3A_1088 = arith.constant 1.000000e+00 : f32
      %sub3A_1089 = vector.broadcast %sub3A_1088 : f32 to vector<16xf32>
      %sub3A_1090 = arith.subf %sub3A_1089, %sub3A_1030 : vector<16xf32>
      %mul3A_1091 = arith.mulf %select_n3A_1049, %sub3A_1090 : vector<16xf32>
      %swap3A_1092 = arith.constant 13 : i32
      %swap3A_1093 = arith.index_cast %swap3A_1092 : i32 to index
      %swap3A_1094 = arith.constant 16 : index
      %swap3A_1095 = tpu.vector_load %arg13[%swap3A_1093, %swap3A_1094] {strides = array<i32>} : memref<24x32xf32, #tpu.memory_space<vmem>>, vector<16xf32>,
      tpu.vector_store %arg13[%swap3A_1093, %swap3A_1094], %mul3A_1091 {strides = array<i32>} : memref<24x32xf32, #tpu.memory_space<vmem>>, vector<16xf32>,
      %sub3A_1096 = arith.constant 1.000000e+00 : f32
      %sub3A_1097 = vector.broadcast %sub3A_1096 : f32 to vector<16xf32>
      %sub3A_1098 = arith.subf %sub3A_1097, %sub3A_1028 : vector<16xf32>
      %mul3A_1099 = arith.mulf %sub3A_1098, %select_n3A_1052 : vector<16xf32>
      %swap3A_1100 = arith.constant 14 : i32
      %swap3A_1101 = arith.index_cast %swap3A_1100 : i32 to index
      %swap3A_1102 = arith.constant 16 : index
      %swap3A_1103 = tpu.vector_load %arg13[%swap3A_1101, %swap3A_1102] {strides = array<i32>} : memref<24x32xf32, #tpu.memory_space<vmem>>, vector<16xf32>,
      tpu.vector_store %arg13[%swap3A_1101, %swap3A_1102], %mul3A_1099 {strides = array<i32>} : memref<24x32xf32, #tpu.memory_space<vmem>>, vector<16xf32>,
      %mul3A_1104 = arith.mulf %select_n3A_1049, %select_n3A_1052 : vector<16xf32>
      %swap3A_1105 = arith.constant 15 : i32
      %swap3A_1106 = arith.index_cast %swap3A_1105 : i32 to index
      %swap3A_1107 = arith.constant 16 : index
      %swap3A_1108 = tpu.vector_load %arg13[%swap3A_1106, %swap3A_1107] {strides = array<i32>} : memref<24x32xf32, #tpu.memory_space<vmem>>, vector<16xf32>,
      tpu.vector_store %arg13[%swap3A_1106, %swap3A_1107], %mul3A_1104 {strides = array<i32>} : memref<24x32xf32, #tpu.memory_space<vmem>>, vector<16xf32>,
      %convert_element_type3A_1109 = arith.fptosi %mul3A_1013 : vector<16xf32> to vector<16xi32>
      %convert_element_type3A_1110 = arith.fptosi %mul3A_1024 : vector<16xf32> to vector<16xi32>
      %convert_element_type3A_1111 = arith.sitofp %convert_element_type3A_1109 : vector<16xi32> to vector<16xf32>
      %sub3A_1112 = arith.subf %mul3A_1013, %convert_element_type3A_1111 : vector<16xf32>
      %convert_element_type3A_1113 = arith.sitofp %convert_element_type3A_1110 : vector<16xi32> to vector<16xf32>
      %sub3A_1114 = arith.subf %mul3A_1024, %convert_element_type3A_1113 : vector<16xf32>
      %lt3A_1115 = arith.constant 255 : i32
      %lt3A_1116 = vector.broadcast %lt3A_1115 : i32 to vector<16xi32>
      %lt3A_1117 = arith.cmpi slt, %convert_element_type3A_1109, %lt3A_1116 : vector<16xi32>
      %lt3A_1118 = arith.constant 255 : i32
      %lt3A_1119 = vector.broadcast %lt3A_1118 : i32 to vector<16xi32>
      %lt3A_1120 = arith.cmpi slt, %convert_element_type3A_1110, %lt3A_1119 : vector<16xi32>
      %jit3A_1121 = arith.constant 1 : i32
      %jit3A_1122 = arith.constant 0 : i32
      %broadcast_in_dim3A_1123 = vector.broadcast %jit3A_1121 : i32 to vector<16xi32>
      %broadcast_in_dim3A_1124 = vector.broadcast %jit3A_1122 : i32 to vector<16xi32>
      %select_n3A_1125 = arith.select %lt3A_1117, %broadcast_in_dim3A_1123, %broadcast_in_dim3A_1124 : vector<16xi1>, vector<16xi32>
      %jit3A_1126 = arith.constant 256 : i32
      %jit3A_1127 = arith.constant 0 : i32
      %broadcast_in_dim3A_1128 = vector.broadcast %jit3A_1126 : i32 to vector<16xi32>
      %broadcast_in_dim3A_1129 = vector.broadcast %jit3A_1127 : i32 to vector<16xi32>
      %select_n3A_1130 = arith.select %lt3A_1120, %broadcast_in_dim3A_1128, %broadcast_in_dim3A_1129 : vector<16xi1>, vector<16xi32>
      %jit3A_1131 = arith.constant 0.000000e+00 : f32
      %broadcast_in_dim3A_1132 = vector.broadcast %jit3A_1131 : f32 to vector<16xf32>
      %select_n3A_1133 = arith.select %lt3A_1117, %sub3A_1112, %broadcast_in_dim3A_1132 : vector<16xi1>, vector<16xf32>
      %jit3A_1134 = arith.constant 0.000000e+00 : f32
      %broadcast_in_dim3A_1135 = vector.broadcast %jit3A_1134 : f32 to vector<16xf32>
      %select_n3A_1136 = arith.select %lt3A_1120, %sub3A_1114, %broadcast_in_dim3A_1135 : vector<16xi1>, vector<16xf32>
      %mul3A_1137 = arith.constant 256 : i32
      %mul3A_1138 = vector.broadcast %mul3A_1137 : i32 to vector<16xi32>
      %mul3A_1139 = arith.muli %convert_element_type3A_1110, %mul3A_1138 : vector<16xi32>
      %add3A_1140 = arith.addi %mul3A_1139, %convert_element_type3A_1109 : vector<16xi32>
      %swap3A_1141 = arith.constant 4 : i32
      %swap3A_1142 = arith.index_cast %swap3A_1141 : i32 to index
      %swap3A_1143 = arith.constant 16 : index
      %swap3A_1144 = tpu.vector_load %arg12[%swap3A_1142, %swap3A_1143] {strides = array<i32>} : memref<6x128xi32, #tpu.memory_space<vmem>>, vector<16xi32>,
      tpu.vector_store %arg12[%swap3A_1142, %swap3A_1143], %add3A_1140 {strides = array<i32>} : memref<6x128xi32, #tpu.memory_space<vmem>>, vector<16xi32>,
      %add3A_1145 = arith.addi %add3A_1140, %select_n3A_1125 : vector<16xi32>
      %swap3A_1146 = arith.constant 4 : i32
      %swap3A_1147 = arith.index_cast %swap3A_1146 : i32 to index
      %swap3A_1148 = arith.constant 48 : index
      %swap3A_1149 = tpu.vector_load %arg12[%swap3A_1147, %swap3A_1148] {strides = array<i32>} : memref<6x128xi32, #tpu.memory_space<vmem>>, vector<16xi32>,
      tpu.vector_store %arg12[%swap3A_1147, %swap3A_1148], %add3A_1145 {strides = array<i32>} : memref<6x128xi32, #tpu.memory_space<vmem>>, vector<16xi32>,
      %add3A_1150 = arith.addi %add3A_1140, %select_n3A_1130 : vector<16xi32>
      %swap3A_1151 = arith.constant 4 : i32
      %swap3A_1152 = arith.index_cast %swap3A_1151 : i32 to index
      %swap3A_1153 = arith.constant 80 : index
      %swap3A_1154 = tpu.vector_load %arg12[%swap3A_1152, %swap3A_1153] {strides = array<i32>} : memref<6x128xi32, #tpu.memory_space<vmem>>, vector<16xi32>,
      tpu.vector_store %arg12[%swap3A_1152, %swap3A_1153], %add3A_1150 {strides = array<i32>} : memref<6x128xi32, #tpu.memory_space<vmem>>, vector<16xi32>,
      %add3A_1155 = arith.addi %add3A_1140, %select_n3A_1125 : vector<16xi32>
      %add3A_1156 = arith.addi %add3A_1155, %select_n3A_1130 : vector<16xi32>
      %swap3A_1157 = arith.constant 4 : i32
      %swap3A_1158 = arith.index_cast %swap3A_1157 : i32 to index
      %swap3A_1159 = arith.constant 112 : index
      %swap3A_1160 = tpu.vector_load %arg12[%swap3A_1158, %swap3A_1159] {strides = array<i32>} : memref<6x128xi32, #tpu.memory_space<vmem>>, vector<16xi32>,
      tpu.vector_store %arg12[%swap3A_1158, %swap3A_1159], %add3A_1156 {strides = array<i32>} : memref<6x128xi32, #tpu.memory_space<vmem>>, vector<16xi32>,
      %sub3A_1161 = arith.constant 1.000000e+00 : f32
      %sub3A_1162 = vector.broadcast %sub3A_1161 : f32 to vector<16xf32>
      %sub3A_1163 = arith.subf %sub3A_1162, %sub3A_1112 : vector<16xf32>
      %sub3A_1164 = arith.constant 1.000000e+00 : f32
      %sub3A_1165 = vector.broadcast %sub3A_1164 : f32 to vector<16xf32>
      %sub3A_1166 = arith.subf %sub3A_1165, %sub3A_1114 : vector<16xf32>
      %mul3A_1167 = arith.mulf %sub3A_1163, %sub3A_1166 : vector<16xf32>
      %swap3A_1168 = arith.constant 16 : i32
      %swap3A_1169 = arith.index_cast %swap3A_1168 : i32 to index
      %swap3A_1170 = arith.constant 16 : index
      %swap3A_1171 = tpu.vector_load %arg13[%swap3A_1169, %swap3A_1170] {strides = array<i32>} : memref<24x32xf32, #tpu.memory_space<vmem>>, vector<16xf32>,
      tpu.vector_store %arg13[%swap3A_1169, %swap3A_1170], %mul3A_1167 {strides = array<i32>} : memref<24x32xf32, #tpu.memory_space<vmem>>, vector<16xf32>,
      %sub3A_1172 = arith.constant 1.000000e+00 : f32
      %sub3A_1173 = vector.broadcast %sub3A_1172 : f32 to vector<16xf32>
      %sub3A_1174 = arith.subf %sub3A_1173, %sub3A_1114 : vector<16xf32>
      %mul3A_1175 = arith.mulf %select_n3A_1133, %sub3A_1174 : vector<16xf32>
      %swap3A_1176 = arith.constant 17 : i32
      %swap3A_1177 = arith.index_cast %swap3A_1176 : i32 to index
      %swap3A_1178 = arith.constant 16 : index
      %swap3A_1179 = tpu.vector_load %arg13[%swap3A_1177, %swap3A_1178] {strides = array<i32>} : memref<24x32xf32, #tpu.memory_space<vmem>>, vector<16xf32>,
      tpu.vector_store %arg13[%swap3A_1177, %swap3A_1178], %mul3A_1175 {strides = array<i32>} : memref<24x32xf32, #tpu.memory_space<vmem>>, vector<16xf32>,
      %sub3A_1180 = arith.constant 1.000000e+00 : f32
      %sub3A_1181 = vector.broadcast %sub3A_1180 : f32 to vector<16xf32>
      %sub3A_1182 = arith.subf %sub3A_1181, %sub3A_1112 : vector<16xf32>
      %mul3A_1183 = arith.mulf %sub3A_1182, %select_n3A_1136 : vector<16xf32>
      %swap3A_1184 = arith.constant 18 : i32
      %swap3A_1185 = arith.index_cast %swap3A_1184 : i32 to index
      %swap3A_1186 = arith.constant 16 : index
      %swap3A_1187 = tpu.vector_load %arg13[%swap3A_1185, %swap3A_1186] {strides = array<i32>} : memref<24x32xf32, #tpu.memory_space<vmem>>, vector<16xf32>,
      tpu.vector_store %arg13[%swap3A_1185, %swap3A_1186], %mul3A_1183 {strides = array<i32>} : memref<24x32xf32, #tpu.memory_space<vmem>>, vector<16xf32>,
      %mul3A_1188 = arith.mulf %select_n3A_1133, %select_n3A_1136 : vector<16xf32>
      %swap3A_1189 = arith.constant 19 : i32
      %swap3A_1190 = arith.index_cast %swap3A_1189 : i32 to index
      %swap3A_1191 = arith.constant 16 : index
      %swap3A_1192 = tpu.vector_load %arg13[%swap3A_1190, %swap3A_1191] {strides = array<i32>} : memref<24x32xf32, #tpu.memory_space<vmem>>, vector<16xf32>,
      tpu.vector_store %arg13[%swap3A_1190, %swap3A_1191], %mul3A_1188 {strides = array<i32>} : memref<24x32xf32, #tpu.memory_space<vmem>>, vector<16xf32>,
      %convert_element_type3A_1193 = arith.fptosi %mul3A_1024 : vector<16xf32> to vector<16xi32>
      %convert_element_type3A_1194 = arith.fptosi %mul3A_1002 : vector<16xf32> to vector<16xi32>
      %convert_element_type3A_1195 = arith.sitofp %convert_element_type3A_1193 : vector<16xi32> to vector<16xf32>
      %sub3A_1196 = arith.subf %mul3A_1024, %convert_element_type3A_1195 : vector<16xf32>
      %convert_element_type3A_1197 = arith.sitofp %convert_element_type3A_1194 : vector<16xi32> to vector<16xf32>
      %sub3A_1198 = arith.subf %mul3A_1002, %convert_element_type3A_1197 : vector<16xf32>
      %lt3A_1199 = arith.constant 255 : i32
      %lt3A_1200 = vector.broadcast %lt3A_1199 : i32 to vector<16xi32>
      %lt3A_1201 = arith.cmpi slt, %convert_element_type3A_1193, %lt3A_1200 : vector<16xi32>
      %lt3A_1202 = arith.constant 255 : i32
      %lt3A_1203 = vector.broadcast %lt3A_1202 : i32 to vector<16xi32>
      %lt3A_1204 = arith.cmpi slt, %convert_element_type3A_1194, %lt3A_1203 : vector<16xi32>
      %jit3A_1205 = arith.constant 1 : i32
      %jit3A_1206 = arith.constant 0 : i32
      %broadcast_in_dim3A_1207 = vector.broadcast %jit3A_1205 : i32 to vector<16xi32>
      %broadcast_in_dim3A_1208 = vector.broadcast %jit3A_1206 : i32 to vector<16xi32>
      %select_n3A_1209 = arith.select %lt3A_1201, %broadcast_in_dim3A_1207, %broadcast_in_dim3A_1208 : vector<16xi1>, vector<16xi32>
      %jit3A_1210 = arith.constant 256 : i32
      %jit3A_1211 = arith.constant 0 : i32
      %broadcast_in_dim3A_1212 = vector.broadcast %jit3A_1210 : i32 to vector<16xi32>
      %broadcast_in_dim3A_1213 = vector.broadcast %jit3A_1211 : i32 to vector<16xi32>
      %select_n3A_1214 = arith.select %lt3A_1204, %broadcast_in_dim3A_1212, %broadcast_in_dim3A_1213 : vector<16xi1>, vector<16xi32>
      %jit3A_1215 = arith.constant 0.000000e+00 : f32
      %broadcast_in_dim3A_1216 = vector.broadcast %jit3A_1215 : f32 to vector<16xf32>
      %select_n3A_1217 = arith.select %lt3A_1201, %sub3A_1196, %broadcast_in_dim3A_1216 : vector<16xi1>, vector<16xf32>
      %jit3A_1218 = arith.constant 0.000000e+00 : f32
      %broadcast_in_dim3A_1219 = vector.broadcast %jit3A_1218 : f32 to vector<16xf32>
      %select_n3A_1220 = arith.select %lt3A_1204, %sub3A_1198, %broadcast_in_dim3A_1219 : vector<16xi1>, vector<16xf32>
      %mul3A_1221 = arith.constant 256 : i32
      %mul3A_1222 = vector.broadcast %mul3A_1221 : i32 to vector<16xi32>
      %mul3A_1223 = arith.muli %convert_element_type3A_1194, %mul3A_1222 : vector<16xi32>
      %add3A_1224 = arith.addi %mul3A_1223, %convert_element_type3A_1193 : vector<16xi32>
      %swap3A_1225 = arith.constant 5 : i32
      %swap3A_1226 = arith.index_cast %swap3A_1225 : i32 to index
      %swap3A_1227 = arith.constant 16 : index
      %swap3A_1228 = tpu.vector_load %arg12[%swap3A_1226, %swap3A_1227] {strides = array<i32>} : memref<6x128xi32, #tpu.memory_space<vmem>>, vector<16xi32>,
      tpu.vector_store %arg12[%swap3A_1226, %swap3A_1227], %add3A_1224 {strides = array<i32>} : memref<6x128xi32, #tpu.memory_space<vmem>>, vector<16xi32>,
      %add3A_1229 = arith.addi %add3A_1224, %select_n3A_1209 : vector<16xi32>
      %swap3A_1230 = arith.constant 5 : i32
      %swap3A_1231 = arith.index_cast %swap3A_1230 : i32 to index
      %swap3A_1232 = arith.constant 48 : index
      %swap3A_1233 = tpu.vector_load %arg12[%swap3A_1231, %swap3A_1232] {strides = array<i32>} : memref<6x128xi32, #tpu.memory_space<vmem>>, vector<16xi32>,
      tpu.vector_store %arg12[%swap3A_1231, %swap3A_1232], %add3A_1229 {strides = array<i32>} : memref<6x128xi32, #tpu.memory_space<vmem>>, vector<16xi32>,
      %add3A_1234 = arith.addi %add3A_1224, %select_n3A_1214 : vector<16xi32>
      %swap3A_1235 = arith.constant 5 : i32
      %swap3A_1236 = arith.index_cast %swap3A_1235 : i32 to index
      %swap3A_1237 = arith.constant 80 : index
      %swap3A_1238 = tpu.vector_load %arg12[%swap3A_1236, %swap3A_1237] {strides = array<i32>} : memref<6x128xi32, #tpu.memory_space<vmem>>, vector<16xi32>,
      tpu.vector_store %arg12[%swap3A_1236, %swap3A_1237], %add3A_1234 {strides = array<i32>} : memref<6x128xi32, #tpu.memory_space<vmem>>, vector<16xi32>,
      %add3A_1239 = arith.addi %add3A_1224, %select_n3A_1209 : vector<16xi32>
      %add3A_1240 = arith.addi %add3A_1239, %select_n3A_1214 : vector<16xi32>
      %swap3A_1241 = arith.constant 5 : i32
      %swap3A_1242 = arith.index_cast %swap3A_1241 : i32 to index
      %swap3A_1243 = arith.constant 112 : index
      %swap3A_1244 = tpu.vector_load %arg12[%swap3A_1242, %swap3A_1243] {strides = array<i32>} : memref<6x128xi32, #tpu.memory_space<vmem>>, vector<16xi32>,
      tpu.vector_store %arg12[%swap3A_1242, %swap3A_1243], %add3A_1240 {strides = array<i32>} : memref<6x128xi32, #tpu.memory_space<vmem>>, vector<16xi32>,
      %sub3A_1245 = arith.constant 1.000000e+00 : f32
      %sub3A_1246 = vector.broadcast %sub3A_1245 : f32 to vector<16xf32>
      %sub3A_1247 = arith.subf %sub3A_1246, %sub3A_1196 : vector<16xf32>
      %sub3A_1248 = arith.constant 1.000000e+00 : f32
      %sub3A_1249 = vector.broadcast %sub3A_1248 : f32 to vector<16xf32>
      %sub3A_1250 = arith.subf %sub3A_1249, %sub3A_1198 : vector<16xf32>
      %mul3A_1251 = arith.mulf %sub3A_1247, %sub3A_1250 : vector<16xf32>
      %swap3A_1252 = arith.constant 20 : i32
      %swap3A_1253 = arith.index_cast %swap3A_1252 : i32 to index
      %swap3A_1254 = arith.constant 16 : index
      %swap3A_1255 = tpu.vector_load %arg13[%swap3A_1253, %swap3A_1254] {strides = array<i32>} : memref<24x32xf32, #tpu.memory_space<vmem>>, vector<16xf32>,
      tpu.vector_store %arg13[%swap3A_1253, %swap3A_1254], %mul3A_1251 {strides = array<i32>} : memref<24x32xf32, #tpu.memory_space<vmem>>, vector<16xf32>,
      %sub3A_1256 = arith.constant 1.000000e+00 : f32
      %sub3A_1257 = vector.broadcast %sub3A_1256 : f32 to vector<16xf32>
      %sub3A_1258 = arith.subf %sub3A_1257, %sub3A_1198 : vector<16xf32>
      %mul3A_1259 = arith.mulf %select_n3A_1217, %sub3A_1258 : vector<16xf32>
      %swap3A_1260 = arith.constant 21 : i32
      %swap3A_1261 = arith.index_cast %swap3A_1260 : i32 to index
      %swap3A_1262 = arith.constant 16 : index
      %swap3A_1263 = tpu.vector_load %arg13[%swap3A_1261, %swap3A_1262] {strides = array<i32>} : memref<24x32xf32, #tpu.memory_space<vmem>>, vector<16xf32>,
      tpu.vector_store %arg13[%swap3A_1261, %swap3A_1262], %mul3A_1259 {strides = array<i32>} : memref<24x32xf32, #tpu.memory_space<vmem>>, vector<16xf32>,
      %sub3A_1264 = arith.constant 1.000000e+00 : f32
      %sub3A_1265 = vector.broadcast %sub3A_1264 : f32 to vector<16xf32>
      %sub3A_1266 = arith.subf %sub3A_1265, %sub3A_1196 : vector<16xf32>
      %mul3A_1267 = arith.mulf %sub3A_1266, %select_n3A_1220 : vector<16xf32>
      %swap3A_1268 = arith.constant 22 : i32
      %swap3A_1269 = arith.index_cast %swap3A_1268 : i32 to index
      %swap3A_1270 = arith.constant 16 : index
      %swap3A_1271 = tpu.vector_load %arg13[%swap3A_1269, %swap3A_1270] {strides = array<i32>} : memref<24x32xf32, #tpu.memory_space<vmem>>, vector<16xf32>,
      tpu.vector_store %arg13[%swap3A_1269, %swap3A_1270], %mul3A_1267 {strides = array<i32>} : memref<24x32xf32, #tpu.memory_space<vmem>>, vector<16xf32>,
      %mul3A_1272 = arith.mulf %select_n3A_1217, %select_n3A_1220 : vector<16xf32>
      %swap3A_1273 = arith.constant 23 : i32
      %swap3A_1274 = arith.index_cast %swap3A_1273 : i32 to index
      %swap3A_1275 = arith.constant 16 : index
      %swap3A_1276 = tpu.vector_load %arg13[%swap3A_1274, %swap3A_1275] {strides = array<i32>} : memref<24x32xf32, #tpu.memory_space<vmem>>, vector<16xf32>,
      tpu.vector_store %arg13[%swap3A_1274, %swap3A_1275], %mul3A_1272 {strides = array<i32>} : memref<24x32xf32, #tpu.memory_space<vmem>>, vector<16xf32>,
      %dma_start3A_1277 = arith.constant 3 : i32
      %dma_start3A_1278 = arith.constant 384 : i32
      %dma_start3A_1279 = arith.constant 0 : i32
      %dma_start3A_1280 = tpu.memref_slice %arg14[%dma_start3A_1278, %dma_start3A_1279] : memref<768x128xf32, #tpu.memory_space<vmem>> -> memref<32x128xf32, #tpu.memory_space<vmem>>
      %dma_start3A_1281 = arith.constant 0 : i32
      %dma_start3A_1282 = tpu.memref_slice %arg12[%dma_start3A_1277, %dma_start3A_1281] : memref<6x128xi32, #tpu.memory_space<vmem>> -> memref<1x32xi32, #tpu.memory_space<vmem>>
      %dma_start3A_1283 = tpu.memref_squeeze %dma_start3A_1282 : memref<1x32xi32, #tpu.memory_space<vmem>> -> memref<32xi32, #tpu.memory_space<vmem>>
      %dma_start3A_1284 = arith.constant 0 : i32
      %dma_start3A_1285 = arith.constant 0 : i32
      %dma_start3A_1286 = tpu.memref_slice %arg2[%dma_start3A_1284, %dma_start3A_1285] : memref<65536x128xf32, #tpu.memory_space<hbm>> -> memref<65536x128xf32, #tpu.memory_space<hbm>>
      tpu.enqueue_indirect_dma source(%dma_start3A_1286 : memref<65536x128xf32, #tpu.memory_space<hbm>>) target(%dma_start3A_1280 : memref<32x128xf32, #tpu.memory_space<vmem>>) offsets(%dma_start3A_1283 : memref<32xi32, #tpu.memory_space<vmem>>) semaphore(%arg18 : memref<!tpu.dma_semaphore, #tpu.memory_space<semaphore_mem>>)
      %dma_start3A_1287 = arith.constant 3 : i32
      %dma_start3A_1288 = arith.constant 416 : i32
      %dma_start3A_1289 = arith.constant 0 : i32
      %dma_start3A_1290 = tpu.memref_slice %arg14[%dma_start3A_1288, %dma_start3A_1289] : memref<768x128xf32, #tpu.memory_space<vmem>> -> memref<32x128xf32, #tpu.memory_space<vmem>>
      %dma_start3A_1291 = arith.constant 32 : i32
      %dma_start3A_1292 = tpu.memref_slice %arg12[%dma_start3A_1287, %dma_start3A_1291] : memref<6x128xi32, #tpu.memory_space<vmem>> -> memref<1x32xi32, #tpu.memory_space<vmem>>
      %dma_start3A_1293 = tpu.memref_squeeze %dma_start3A_1292 : memref<1x32xi32, #tpu.memory_space<vmem>> -> memref<32xi32, #tpu.memory_space<vmem>>
      %dma_start3A_1294 = arith.constant 0 : i32
      %dma_start3A_1295 = arith.constant 0 : i32
      %dma_start3A_1296 = tpu.memref_slice %arg2[%dma_start3A_1294, %dma_start3A_1295] : memref<65536x128xf32, #tpu.memory_space<hbm>> -> memref<65536x128xf32, #tpu.memory_space<hbm>>
      tpu.enqueue_indirect_dma source(%dma_start3A_1296 : memref<65536x128xf32, #tpu.memory_space<hbm>>) target(%dma_start3A_1290 : memref<32x128xf32, #tpu.memory_space<vmem>>) offsets(%dma_start3A_1293 : memref<32xi32, #tpu.memory_space<vmem>>) semaphore(%arg18 : memref<!tpu.dma_semaphore, #tpu.memory_space<semaphore_mem>>)
      %dma_start3A_1297 = arith.constant 3 : i32
      %dma_start3A_1298 = arith.constant 448 : i32
      %dma_start3A_1299 = arith.constant 0 : i32
      %dma_start3A_1300 = tpu.memref_slice %arg14[%dma_start3A_1298, %dma_start3A_1299] : memref<768x128xf32, #tpu.memory_space<vmem>> -> memref<32x128xf32, #tpu.memory_space<vmem>>
      %dma_start3A_1301 = arith.constant 64 : i32
      %dma_start3A_1302 = tpu.memref_slice %arg12[%dma_start3A_1297, %dma_start3A_1301] : memref<6x128xi32, #tpu.memory_space<vmem>> -> memref<1x32xi32, #tpu.memory_space<vmem>>
      %dma_start3A_1303 = tpu.memref_squeeze %dma_start3A_1302 : memref<1x32xi32, #tpu.memory_space<vmem>> -> memref<32xi32, #tpu.memory_space<vmem>>
      %dma_start3A_1304 = arith.constant 0 : i32
      %dma_start3A_1305 = arith.constant 0 : i32
      %dma_start3A_1306 = tpu.memref_slice %arg2[%dma_start3A_1304, %dma_start3A_1305] : memref<65536x128xf32, #tpu.memory_space<hbm>> -> memref<65536x128xf32, #tpu.memory_space<hbm>>
      tpu.enqueue_indirect_dma source(%dma_start3A_1306 : memref<65536x128xf32, #tpu.memory_space<hbm>>) target(%dma_start3A_1300 : memref<32x128xf32, #tpu.memory_space<vmem>>) offsets(%dma_start3A_1303 : memref<32xi32, #tpu.memory_space<vmem>>) semaphore(%arg18 : memref<!tpu.dma_semaphore, #tpu.memory_space<semaphore_mem>>)
      %dma_start3A_1307 = arith.constant 3 : i32
      %dma_start3A_1308 = arith.constant 480 : i32
      %dma_start3A_1309 = arith.constant 0 : i32
      %dma_start3A_1310 = tpu.memref_slice %arg14[%dma_start3A_1308, %dma_start3A_1309] : memref<768x128xf32, #tpu.memory_space<vmem>> -> memref<32x128xf32, #tpu.memory_space<vmem>>
      %dma_start3A_1311 = arith.constant 96 : i32
      %dma_start3A_1312 = tpu.memref_slice %arg12[%dma_start3A_1307, %dma_start3A_1311] : memref<6x128xi32, #tpu.memory_space<vmem>> -> memref<1x32xi32, #tpu.memory_space<vmem>>
      %dma_start3A_1313 = tpu.memref_squeeze %dma_start3A_1312 : memref<1x32xi32, #tpu.memory_space<vmem>> -> memref<32xi32, #tpu.memory_space<vmem>>
      %dma_start3A_1314 = arith.constant 0 : i32
      %dma_start3A_1315 = arith.constant 0 : i32
      %dma_start3A_1316 = tpu.memref_slice %arg2[%dma_start3A_1314, %dma_start3A_1315] : memref<65536x128xf32, #tpu.memory_space<hbm>> -> memref<65536x128xf32, #tpu.memory_space<hbm>>
      tpu.enqueue_indirect_dma source(%dma_start3A_1316 : memref<65536x128xf32, #tpu.memory_space<hbm>>) target(%dma_start3A_1310 : memref<32x128xf32, #tpu.memory_space<vmem>>) offsets(%dma_start3A_1313 : memref<32xi32, #tpu.memory_space<vmem>>) semaphore(%arg18 : memref<!tpu.dma_semaphore, #tpu.memory_space<semaphore_mem>>)
      %dma_start3A_1317 = arith.constant 4 : i32
      %dma_start3A_1318 = arith.constant 512 : i32
      %dma_start3A_1319 = arith.constant 0 : i32
      %dma_start3A_1320 = tpu.memref_slice %arg14[%dma_start3A_1318, %dma_start3A_1319] : memref<768x128xf32, #tpu.memory_space<vmem>> -> memref<32x128xf32, #tpu.memory_space<vmem>>
      %dma_start3A_1321 = arith.constant 0 : i32
      %dma_start3A_1322 = tpu.memref_slice %arg12[%dma_start3A_1317, %dma_start3A_1321] : memref<6x128xi32, #tpu.memory_space<vmem>> -> memref<1x32xi32, #tpu.memory_space<vmem>>
      %dma_start3A_1323 = tpu.memref_squeeze %dma_start3A_1322 : memref<1x32xi32, #tpu.memory_space<vmem>> -> memref<32xi32, #tpu.memory_space<vmem>>
      %dma_start3A_1324 = arith.constant 0 : i32
      %dma_start3A_1325 = arith.constant 0 : i32
      %dma_start3A_1326 = tpu.memref_slice %arg3[%dma_start3A_1324, %dma_start3A_1325] : memref<65536x128xf32, #tpu.memory_space<hbm>> -> memref<65536x128xf32, #tpu.memory_space<hbm>>
      tpu.enqueue_indirect_dma source(%dma_start3A_1326 : memref<65536x128xf32, #tpu.memory_space<hbm>>) target(%dma_start3A_1320 : memref<32x128xf32, #tpu.memory_space<vmem>>) offsets(%dma_start3A_1323 : memref<32xi32, #tpu.memory_space<vmem>>) semaphore(%arg18 : memref<!tpu.dma_semaphore, #tpu.memory_space<semaphore_mem>>)
      %dma_start3A_1327 = arith.constant 4 : i32
      %dma_start3A_1328 = arith.constant 544 : i32
      %dma_start3A_1329 = arith.constant 0 : i32
      %dma_start3A_1330 = tpu.memref_slice %arg14[%dma_start3A_1328, %dma_start3A_1329] : memref<768x128xf32, #tpu.memory_space<vmem>> -> memref<32x128xf32, #tpu.memory_space<vmem>>
      %dma_start3A_1331 = arith.constant 32 : i32
      %dma_start3A_1332 = tpu.memref_slice %arg12[%dma_start3A_1327, %dma_start3A_1331] : memref<6x128xi32, #tpu.memory_space<vmem>> -> memref<1x32xi32, #tpu.memory_space<vmem>>
      %dma_start3A_1333 = tpu.memref_squeeze %dma_start3A_1332 : memref<1x32xi32, #tpu.memory_space<vmem>> -> memref<32xi32, #tpu.memory_space<vmem>>
      %dma_start3A_1334 = arith.constant 0 : i32
      %dma_start3A_1335 = arith.constant 0 : i32
      %dma_start3A_1336 = tpu.memref_slice %arg3[%dma_start3A_1334, %dma_start3A_1335] : memref<65536x128xf32, #tpu.memory_space<hbm>> -> memref<65536x128xf32, #tpu.memory_space<hbm>>
      tpu.enqueue_indirect_dma source(%dma_start3A_1336 : memref<65536x128xf32, #tpu.memory_space<hbm>>) target(%dma_start3A_1330 : memref<32x128xf32, #tpu.memory_space<vmem>>) offsets(%dma_start3A_1333 : memref<32xi32, #tpu.memory_space<vmem>>) semaphore(%arg18 : memref<!tpu.dma_semaphore, #tpu.memory_space<semaphore_mem>>)
      %dma_start3A_1337 = arith.constant 4 : i32
      %dma_start3A_1338 = arith.constant 576 : i32
      %dma_start3A_1339 = arith.constant 0 : i32
      %dma_start3A_1340 = tpu.memref_slice %arg14[%dma_start3A_1338, %dma_start3A_1339] : memref<768x128xf32, #tpu.memory_space<vmem>> -> memref<32x128xf32, #tpu.memory_space<vmem>>
      %dma_start3A_1341 = arith.constant 64 : i32
      %dma_start3A_1342 = tpu.memref_slice %arg12[%dma_start3A_1337, %dma_start3A_1341] : memref<6x128xi32, #tpu.memory_space<vmem>> -> memref<1x32xi32, #tpu.memory_space<vmem>>
      %dma_start3A_1343 = tpu.memref_squeeze %dma_start3A_1342 : memref<1x32xi32, #tpu.memory_space<vmem>> -> memref<32xi32, #tpu.memory_space<vmem>>
      %dma_start3A_1344 = arith.constant 0 : i32
      %dma_start3A_1345 = arith.constant 0 : i32
      %dma_start3A_1346 = tpu.memref_slice %arg3[%dma_start3A_1344, %dma_start3A_1345] : memref<65536x128xf32, #tpu.memory_space<hbm>> -> memref<65536x128xf32, #tpu.memory_space<hbm>>
      tpu.enqueue_indirect_dma source(%dma_start3A_1346 : memref<65536x128xf32, #tpu.memory_space<hbm>>) target(%dma_start3A_1340 : memref<32x128xf32, #tpu.memory_space<vmem>>) offsets(%dma_start3A_1343 : memref<32xi32, #tpu.memory_space<vmem>>) semaphore(%arg18 : memref<!tpu.dma_semaphore, #tpu.memory_space<semaphore_mem>>)
      %dma_start3A_1347 = arith.constant 4 : i32
      %dma_start3A_1348 = arith.constant 608 : i32
      %dma_start3A_1349 = arith.constant 0 : i32
      %dma_start3A_1350 = tpu.memref_slice %arg14[%dma_start3A_1348, %dma_start3A_1349] : memref<768x128xf32, #tpu.memory_space<vmem>> -> memref<32x128xf32, #tpu.memory_space<vmem>>
      %dma_start3A_1351 = arith.constant 96 : i32
      %dma_start3A_1352 = tpu.memref_slice %arg12[%dma_start3A_1347, %dma_start3A_1351] : memref<6x128xi32, #tpu.memory_space<vmem>> -> memref<1x32xi32, #tpu.memory_space<vmem>>
      %dma_start3A_1353 = tpu.memref_squeeze %dma_start3A_1352 : memref<1x32xi32, #tpu.memory_space<vmem>> -> memref<32xi32, #tpu.memory_space<vmem>>
      %dma_start3A_1354 = arith.constant 0 : i32
      %dma_start3A_1355 = arith.constant 0 : i32
      %dma_start3A_1356 = tpu.memref_slice %arg3[%dma_start3A_1354, %dma_start3A_1355] : memref<65536x128xf32, #tpu.memory_space<hbm>> -> memref<65536x128xf32, #tpu.memory_space<hbm>>
      tpu.enqueue_indirect_dma source(%dma_start3A_1356 : memref<65536x128xf32, #tpu.memory_space<hbm>>) target(%dma_start3A_1350 : memref<32x128xf32, #tpu.memory_space<vmem>>) offsets(%dma_start3A_1353 : memref<32xi32, #tpu.memory_space<vmem>>) semaphore(%arg18 : memref<!tpu.dma_semaphore, #tpu.memory_space<semaphore_mem>>)
      %dma_start3A_1357 = arith.constant 5 : i32
      %dma_start3A_1358 = arith.constant 640 : i32
      %dma_start3A_1359 = arith.constant 0 : i32
      %dma_start3A_1360 = tpu.memref_slice %arg14[%dma_start3A_1358, %dma_start3A_1359] : memref<768x128xf32, #tpu.memory_space<vmem>> -> memref<32x128xf32, #tpu.memory_space<vmem>>
      %dma_start3A_1361 = arith.constant 0 : i32
      %dma_start3A_1362 = tpu.memref_slice %arg12[%dma_start3A_1357, %dma_start3A_1361] : memref<6x128xi32, #tpu.memory_space<vmem>> -> memref<1x32xi32, #tpu.memory_space<vmem>>
      %dma_start3A_1363 = tpu.memref_squeeze %dma_start3A_1362 : memref<1x32xi32, #tpu.memory_space<vmem>> -> memref<32xi32, #tpu.memory_space<vmem>>
      %dma_start3A_1364 = arith.constant 0 : i32
      %dma_start3A_1365 = arith.constant 0 : i32
      %dma_start3A_1366 = tpu.memref_slice %arg4[%dma_start3A_1364, %dma_start3A_1365] : memref<65536x128xf32, #tpu.memory_space<hbm>> -> memref<65536x128xf32, #tpu.memory_space<hbm>>
      tpu.enqueue_indirect_dma source(%dma_start3A_1366 : memref<65536x128xf32, #tpu.memory_space<hbm>>) target(%dma_start3A_1360 : memref<32x128xf32, #tpu.memory_space<vmem>>) offsets(%dma_start3A_1363 : memref<32xi32, #tpu.memory_space<vmem>>) semaphore(%arg18 : memref<!tpu.dma_semaphore, #tpu.memory_space<semaphore_mem>>)
      %dma_start3A_1367 = arith.constant 5 : i32
      %dma_start3A_1368 = arith.constant 672 : i32
      %dma_start3A_1369 = arith.constant 0 : i32
      %dma_start3A_1370 = tpu.memref_slice %arg14[%dma_start3A_1368, %dma_start3A_1369] : memref<768x128xf32, #tpu.memory_space<vmem>> -> memref<32x128xf32, #tpu.memory_space<vmem>>
      %dma_start3A_1371 = arith.constant 32 : i32
      %dma_start3A_1372 = tpu.memref_slice %arg12[%dma_start3A_1367, %dma_start3A_1371] : memref<6x128xi32, #tpu.memory_space<vmem>> -> memref<1x32xi32, #tpu.memory_space<vmem>>
      %dma_start3A_1373 = tpu.memref_squeeze %dma_start3A_1372 : memref<1x32xi32, #tpu.memory_space<vmem>> -> memref<32xi32, #tpu.memory_space<vmem>>
      %dma_start3A_1374 = arith.constant 0 : i32
      %dma_start3A_1375 = arith.constant 0 : i32
      %dma_start3A_1376 = tpu.memref_slice %arg4[%dma_start3A_1374, %dma_start3A_1375] : memref<65536x128xf32, #tpu.memory_space<hbm>> -> memref<65536x128xf32, #tpu.memory_space<hbm>>
      tpu.enqueue_indirect_dma source(%dma_start3A_1376 : memref<65536x128xf32, #tpu.memory_space<hbm>>) target(%dma_start3A_1370 : memref<32x128xf32, #tpu.memory_space<vmem>>) offsets(%dma_start3A_1373 : memref<32xi32, #tpu.memory_space<vmem>>) semaphore(%arg18 : memref<!tpu.dma_semaphore, #tpu.memory_space<semaphore_mem>>)
      %dma_start3A_1377 = arith.constant 5 : i32
      %dma_start3A_1378 = arith.constant 704 : i32
      %dma_start3A_1379 = arith.constant 0 : i32
      %dma_start3A_1380 = tpu.memref_slice %arg14[%dma_start3A_1378, %dma_start3A_1379] : memref<768x128xf32, #tpu.memory_space<vmem>> -> memref<32x128xf32, #tpu.memory_space<vmem>>
      %dma_start3A_1381 = arith.constant 64 : i32
      %dma_start3A_1382 = tpu.memref_slice %arg12[%dma_start3A_1377, %dma_start3A_1381] : memref<6x128xi32, #tpu.memory_space<vmem>> -> memref<1x32xi32, #tpu.memory_space<vmem>>
      %dma_start3A_1383 = tpu.memref_squeeze %dma_start3A_1382 : memref<1x32xi32, #tpu.memory_space<vmem>> -> memref<32xi32, #tpu.memory_space<vmem>>
      %dma_start3A_1384 = arith.constant 0 : i32
      %dma_start3A_1385 = arith.constant 0 : i32
      %dma_start3A_1386 = tpu.memref_slice %arg4[%dma_start3A_1384, %dma_start3A_1385] : memref<65536x128xf32, #tpu.memory_space<hbm>> -> memref<65536x128xf32, #tpu.memory_space<hbm>>
      tpu.enqueue_indirect_dma source(%dma_start3A_1386 : memref<65536x128xf32, #tpu.memory_space<hbm>>) target(%dma_start3A_1380 : memref<32x128xf32, #tpu.memory_space<vmem>>) offsets(%dma_start3A_1383 : memref<32xi32, #tpu.memory_space<vmem>>) semaphore(%arg18 : memref<!tpu.dma_semaphore, #tpu.memory_space<semaphore_mem>>)
      %dma_start3A_1387 = arith.constant 5 : i32
      %dma_start3A_1388 = arith.constant 736 : i32
      %dma_start3A_1389 = arith.constant 0 : i32
      %dma_start3A_1390 = tpu.memref_slice %arg14[%dma_start3A_1388, %dma_start3A_1389] : memref<768x128xf32, #tpu.memory_space<vmem>> -> memref<32x128xf32, #tpu.memory_space<vmem>>
      %dma_start3A_1391 = arith.constant 96 : i32
      %dma_start3A_1392 = tpu.memref_slice %arg12[%dma_start3A_1387, %dma_start3A_1391] : memref<6x128xi32, #tpu.memory_space<vmem>> -> memref<1x32xi32, #tpu.memory_space<vmem>>
      %dma_start3A_1393 = tpu.memref_squeeze %dma_start3A_1392 : memref<1x32xi32, #tpu.memory_space<vmem>> -> memref<32xi32, #tpu.memory_space<vmem>>
      %dma_start3A_1394 = arith.constant 0 : i32
      %dma_start3A_1395 = arith.constant 0 : i32
      %dma_start3A_1396 = tpu.memref_slice %arg4[%dma_start3A_1394, %dma_start3A_1395] : memref<65536x128xf32, #tpu.memory_space<hbm>> -> memref<65536x128xf32, #tpu.memory_space<hbm>>
      tpu.enqueue_indirect_dma source(%dma_start3A_1396 : memref<65536x128xf32, #tpu.memory_space<hbm>>) target(%dma_start3A_1390 : memref<32x128xf32, #tpu.memory_space<vmem>>) offsets(%dma_start3A_1393 : memref<32xi32, #tpu.memory_space<vmem>>) semaphore(%arg18 : memref<!tpu.dma_semaphore, #tpu.memory_space<semaphore_mem>>)
      %dma_wait3A_1397 = arith.constant 0 : i32
      %dma_wait3A_1398 = arith.constant 0 : i32
      %dma_wait3A_1399 = arith.constant 0 : i32
      %dma_wait3A_1400 = tpu.memref_slice %arg14[%dma_wait3A_1398, %dma_wait3A_1399] : memref<768x128xf32, #tpu.memory_space<vmem>> -> memref<32x128xf32, #tpu.memory_space<vmem>>
      %dma_wait3A_1401 = arith.constant 0 : i32
      %dma_wait3A_1402 = tpu.memref_slice %arg12[%dma_wait3A_1397, %dma_wait3A_1401] : memref<6x128xi32, #tpu.memory_space<vmem>> -> memref<1x32xi32, #tpu.memory_space<vmem>>
      %dma_wait3A_1403 = tpu.memref_squeeze %dma_wait3A_1402 : memref<1x32xi32, #tpu.memory_space<vmem>> -> memref<32xi32, #tpu.memory_space<vmem>>
      %dma_wait3A_1404 = arith.constant 0 : i32
      %dma_wait3A_1405 = arith.constant 0 : i32
      %dma_wait3A_1406 = tpu.memref_slice %arg2[%dma_wait3A_1404, %dma_wait3A_1405] : memref<65536x128xf32, #tpu.memory_space<hbm>> -> memref<65536x128xf32, #tpu.memory_space<hbm>>
      tpu.wait_indirect_dma semaphore(%arg17 : memref<!tpu.dma_semaphore, #tpu.memory_space<semaphore_mem>>) src(%dma_wait3A_1406 : memref<65536x128xf32, #tpu.memory_space<hbm>>) dst(%dma_wait3A_1400 : memref<32x128xf32, #tpu.memory_space<vmem>>)
      %dma_wait3A_1407 = arith.constant 0 : i32
      %dma_wait3A_1408 = arith.constant 32 : i32
      %dma_wait3A_1409 = arith.constant 0 : i32
      %dma_wait3A_1410 = tpu.memref_slice %arg14[%dma_wait3A_1408, %dma_wait3A_1409] : memref<768x128xf32, #tpu.memory_space<vmem>> -> memref<32x128xf32, #tpu.memory_space<vmem>>
      %dma_wait3A_1411 = arith.constant 32 : i32
      %dma_wait3A_1412 = tpu.memref_slice %arg12[%dma_wait3A_1407, %dma_wait3A_1411] : memref<6x128xi32, #tpu.memory_space<vmem>> -> memref<1x32xi32, #tpu.memory_space<vmem>>
      %dma_wait3A_1413 = tpu.memref_squeeze %dma_wait3A_1412 : memref<1x32xi32, #tpu.memory_space<vmem>> -> memref<32xi32, #tpu.memory_space<vmem>>
      %dma_wait3A_1414 = arith.constant 0 : i32
      %dma_wait3A_1415 = arith.constant 0 : i32
      %dma_wait3A_1416 = tpu.memref_slice %arg2[%dma_wait3A_1414, %dma_wait3A_1415] : memref<65536x128xf32, #tpu.memory_space<hbm>> -> memref<65536x128xf32, #tpu.memory_space<hbm>>
      tpu.wait_indirect_dma semaphore(%arg17 : memref<!tpu.dma_semaphore, #tpu.memory_space<semaphore_mem>>) src(%dma_wait3A_1416 : memref<65536x128xf32, #tpu.memory_space<hbm>>) dst(%dma_wait3A_1410 : memref<32x128xf32, #tpu.memory_space<vmem>>)
      %dma_wait3A_1417 = arith.constant 0 : i32
      %dma_wait3A_1418 = arith.constant 64 : i32
      %dma_wait3A_1419 = arith.constant 0 : i32
      %dma_wait3A_1420 = tpu.memref_slice %arg14[%dma_wait3A_1418, %dma_wait3A_1419] : memref<768x128xf32, #tpu.memory_space<vmem>> -> memref<32x128xf32, #tpu.memory_space<vmem>>
      %dma_wait3A_1421 = arith.constant 64 : i32
      %dma_wait3A_1422 = tpu.memref_slice %arg12[%dma_wait3A_1417, %dma_wait3A_1421] : memref<6x128xi32, #tpu.memory_space<vmem>> -> memref<1x32xi32, #tpu.memory_space<vmem>>
      %dma_wait3A_1423 = tpu.memref_squeeze %dma_wait3A_1422 : memref<1x32xi32, #tpu.memory_space<vmem>> -> memref<32xi32, #tpu.memory_space<vmem>>
      %dma_wait3A_1424 = arith.constant 0 : i32
      %dma_wait3A_1425 = arith.constant 0 : i32
      %dma_wait3A_1426 = tpu.memref_slice %arg2[%dma_wait3A_1424, %dma_wait3A_1425] : memref<65536x128xf32, #tpu.memory_space<hbm>> -> memref<65536x128xf32, #tpu.memory_space<hbm>>
      tpu.wait_indirect_dma semaphore(%arg17 : memref<!tpu.dma_semaphore, #tpu.memory_space<semaphore_mem>>) src(%dma_wait3A_1426 : memref<65536x128xf32, #tpu.memory_space<hbm>>) dst(%dma_wait3A_1420 : memref<32x128xf32, #tpu.memory_space<vmem>>)
      %dma_wait3A_1427 = arith.constant 0 : i32
      %dma_wait3A_1428 = arith.constant 96 : i32
      %dma_wait3A_1429 = arith.constant 0 : i32
      %dma_wait3A_1430 = tpu.memref_slice %arg14[%dma_wait3A_1428, %dma_wait3A_1429] : memref<768x128xf32, #tpu.memory_space<vmem>> -> memref<32x128xf32, #tpu.memory_space<vmem>>
      %dma_wait3A_1431 = arith.constant 96 : i32
      %dma_wait3A_1432 = tpu.memref_slice %arg12[%dma_wait3A_1427, %dma_wait3A_1431] : memref<6x128xi32, #tpu.memory_space<vmem>> -> memref<1x32xi32, #tpu.memory_space<vmem>>
      %dma_wait3A_1433 = tpu.memref_squeeze %dma_wait3A_1432 : memref<1x32xi32, #tpu.memory_space<vmem>> -> memref<32xi32, #tpu.memory_space<vmem>>
      %dma_wait3A_1434 = arith.constant 0 : i32
      %dma_wait3A_1435 = arith.constant 0 : i32
      %dma_wait3A_1436 = tpu.memref_slice %arg2[%dma_wait3A_1434, %dma_wait3A_1435] : memref<65536x128xf32, #tpu.memory_space<hbm>> -> memref<65536x128xf32, #tpu.memory_space<hbm>>
      tpu.wait_indirect_dma semaphore(%arg17 : memref<!tpu.dma_semaphore, #tpu.memory_space<semaphore_mem>>) src(%dma_wait3A_1436 : memref<65536x128xf32, #tpu.memory_space<hbm>>) dst(%dma_wait3A_1430 : memref<32x128xf32, #tpu.memory_space<vmem>>)
      %dma_wait3A_1437 = arith.constant 1 : i32
      %dma_wait3A_1438 = arith.constant 128 : i32
      %dma_wait3A_1439 = arith.constant 0 : i32
      %dma_wait3A_1440 = tpu.memref_slice %arg14[%dma_wait3A_1438, %dma_wait3A_1439] : memref<768x128xf32, #tpu.memory_space<vmem>> -> memref<32x128xf32, #tpu.memory_space<vmem>>
      %dma_wait3A_1441 = arith.constant 0 : i32
      %dma_wait3A_1442 = tpu.memref_slice %arg12[%dma_wait3A_1437, %dma_wait3A_1441] : memref<6x128xi32, #tpu.memory_space<vmem>> -> memref<1x32xi32, #tpu.memory_space<vmem>>
      %dma_wait3A_1443 = tpu.memref_squeeze %dma_wait3A_1442 : memref<1x32xi32, #tpu.memory_space<vmem>> -> memref<32xi32, #tpu.memory_space<vmem>>
      %dma_wait3A_1444 = arith.constant 0 : i32
      %dma_wait3A_1445 = arith.constant 0 : i32
      %dma_wait3A_1446 = tpu.memref_slice %arg3[%dma_wait3A_1444, %dma_wait3A_1445] : memref<65536x128xf32, #tpu.memory_space<hbm>> -> memref<65536x128xf32, #tpu.memory_space<hbm>>
      tpu.wait_indirect_dma semaphore(%arg17 : memref<!tpu.dma_semaphore, #tpu.memory_space<semaphore_mem>>) src(%dma_wait3A_1446 : memref<65536x128xf32, #tpu.memory_space<hbm>>) dst(%dma_wait3A_1440 : memref<32x128xf32, #tpu.memory_space<vmem>>)
      %dma_wait3A_1447 = arith.constant 1 : i32
      %dma_wait3A_1448 = arith.constant 160 : i32
      %dma_wait3A_1449 = arith.constant 0 : i32
      %dma_wait3A_1450 = tpu.memref_slice %arg14[%dma_wait3A_1448, %dma_wait3A_1449] : memref<768x128xf32, #tpu.memory_space<vmem>> -> memref<32x128xf32, #tpu.memory_space<vmem>>
      %dma_wait3A_1451 = arith.constant 32 : i32
      %dma_wait3A_1452 = tpu.memref_slice %arg12[%dma_wait3A_1447, %dma_wait3A_1451] : memref<6x128xi32, #tpu.memory_space<vmem>> -> memref<1x32xi32, #tpu.memory_space<vmem>>
      %dma_wait3A_1453 = tpu.memref_squeeze %dma_wait3A_1452 : memref<1x32xi32, #tpu.memory_space<vmem>> -> memref<32xi32, #tpu.memory_space<vmem>>
      %dma_wait3A_1454 = arith.constant 0 : i32
      %dma_wait3A_1455 = arith.constant 0 : i32
      %dma_wait3A_1456 = tpu.memref_slice %arg3[%dma_wait3A_1454, %dma_wait3A_1455] : memref<65536x128xf32, #tpu.memory_space<hbm>> -> memref<65536x128xf32, #tpu.memory_space<hbm>>
      tpu.wait_indirect_dma semaphore(%arg17 : memref<!tpu.dma_semaphore, #tpu.memory_space<semaphore_mem>>) src(%dma_wait3A_1456 : memref<65536x128xf32, #tpu.memory_space<hbm>>) dst(%dma_wait3A_1450 : memref<32x128xf32, #tpu.memory_space<vmem>>)
      %dma_wait3A_1457 = arith.constant 1 : i32
      %dma_wait3A_1458 = arith.constant 192 : i32
      %dma_wait3A_1459 = arith.constant 0 : i32
      %dma_wait3A_1460 = tpu.memref_slice %arg14[%dma_wait3A_1458, %dma_wait3A_1459] : memref<768x128xf32, #tpu.memory_space<vmem>> -> memref<32x128xf32, #tpu.memory_space<vmem>>
      %dma_wait3A_1461 = arith.constant 64 : i32
      %dma_wait3A_1462 = tpu.memref_slice %arg12[%dma_wait3A_1457, %dma_wait3A_1461] : memref<6x128xi32, #tpu.memory_space<vmem>> -> memref<1x32xi32, #tpu.memory_space<vmem>>
      %dma_wait3A_1463 = tpu.memref_squeeze %dma_wait3A_1462 : memref<1x32xi32, #tpu.memory_space<vmem>> -> memref<32xi32, #tpu.memory_space<vmem>>
      %dma_wait3A_1464 = arith.constant 0 : i32
      %dma_wait3A_1465 = arith.constant 0 : i32
      %dma_wait3A_1466 = tpu.memref_slice %arg3[%dma_wait3A_1464, %dma_wait3A_1465] : memref<65536x128xf32, #tpu.memory_space<hbm>> -> memref<65536x128xf32, #tpu.memory_space<hbm>>
      tpu.wait_indirect_dma semaphore(%arg17 : memref<!tpu.dma_semaphore, #tpu.memory_space<semaphore_mem>>) src(%dma_wait3A_1466 : memref<65536x128xf32, #tpu.memory_space<hbm>>) dst(%dma_wait3A_1460 : memref<32x128xf32, #tpu.memory_space<vmem>>)
      %dma_wait3A_1467 = arith.constant 1 : i32
      %dma_wait3A_1468 = arith.constant 224 : i32
      %dma_wait3A_1469 = arith.constant 0 : i32
      %dma_wait3A_1470 = tpu.memref_slice %arg14[%dma_wait3A_1468, %dma_wait3A_1469] : memref<768x128xf32, #tpu.memory_space<vmem>> -> memref<32x128xf32, #tpu.memory_space<vmem>>
      %dma_wait3A_1471 = arith.constant 96 : i32
      %dma_wait3A_1472 = tpu.memref_slice %arg12[%dma_wait3A_1467, %dma_wait3A_1471] : memref<6x128xi32, #tpu.memory_space<vmem>> -> memref<1x32xi32, #tpu.memory_space<vmem>>
      %dma_wait3A_1473 = tpu.memref_squeeze %dma_wait3A_1472 : memref<1x32xi32, #tpu.memory_space<vmem>> -> memref<32xi32, #tpu.memory_space<vmem>>
      %dma_wait3A_1474 = arith.constant 0 : i32
      %dma_wait3A_1475 = arith.constant 0 : i32
      %dma_wait3A_1476 = tpu.memref_slice %arg3[%dma_wait3A_1474, %dma_wait3A_1475] : memref<65536x128xf32, #tpu.memory_space<hbm>> -> memref<65536x128xf32, #tpu.memory_space<hbm>>
      tpu.wait_indirect_dma semaphore(%arg17 : memref<!tpu.dma_semaphore, #tpu.memory_space<semaphore_mem>>) src(%dma_wait3A_1476 : memref<65536x128xf32, #tpu.memory_space<hbm>>) dst(%dma_wait3A_1470 : memref<32x128xf32, #tpu.memory_space<vmem>>)
      %dma_wait3A_1477 = arith.constant 2 : i32
      %dma_wait3A_1478 = arith.constant 256 : i32
      %dma_wait3A_1479 = arith.constant 0 : i32
      %dma_wait3A_1480 = tpu.memref_slice %arg14[%dma_wait3A_1478, %dma_wait3A_1479] : memref<768x128xf32, #tpu.memory_space<vmem>> -> memref<32x128xf32, #tpu.memory_space<vmem>>
      %dma_wait3A_1481 = arith.constant 0 : i32
      %dma_wait3A_1482 = tpu.memref_slice %arg12[%dma_wait3A_1477, %dma_wait3A_1481] : memref<6x128xi32, #tpu.memory_space<vmem>> -> memref<1x32xi32, #tpu.memory_space<vmem>>
      %dma_wait3A_1483 = tpu.memref_squeeze %dma_wait3A_1482 : memref<1x32xi32, #tpu.memory_space<vmem>> -> memref<32xi32, #tpu.memory_space<vmem>>
      %dma_wait3A_1484 = arith.constant 0 : i32
      %dma_wait3A_1485 = arith.constant 0 : i32
      %dma_wait3A_1486 = tpu.memref_slice %arg4[%dma_wait3A_1484, %dma_wait3A_1485] : memref<65536x128xf32, #tpu.memory_space<hbm>> -> memref<65536x128xf32, #tpu.memory_space<hbm>>
      tpu.wait_indirect_dma semaphore(%arg17 : memref<!tpu.dma_semaphore, #tpu.memory_space<semaphore_mem>>) src(%dma_wait3A_1486 : memref<65536x128xf32, #tpu.memory_space<hbm>>) dst(%dma_wait3A_1480 : memref<32x128xf32, #tpu.memory_space<vmem>>)
      %dma_wait3A_1487 = arith.constant 2 : i32
      %dma_wait3A_1488 = arith.constant 288 : i32
      %dma_wait3A_1489 = arith.constant 0 : i32
      %dma_wait3A_1490 = tpu.memref_slice %arg14[%dma_wait3A_1488, %dma_wait3A_1489] : memref<768x128xf32, #tpu.memory_space<vmem>> -> memref<32x128xf32, #tpu.memory_space<vmem>>
      %dma_wait3A_1491 = arith.constant 32 : i32
      %dma_wait3A_1492 = tpu.memref_slice %arg12[%dma_wait3A_1487, %dma_wait3A_1491] : memref<6x128xi32, #tpu.memory_space<vmem>> -> memref<1x32xi32, #tpu.memory_space<vmem>>
      %dma_wait3A_1493 = tpu.memref_squeeze %dma_wait3A_1492 : memref<1x32xi32, #tpu.memory_space<vmem>> -> memref<32xi32, #tpu.memory_space<vmem>>
      %dma_wait3A_1494 = arith.constant 0 : i32
      %dma_wait3A_1495 = arith.constant 0 : i32
      %dma_wait3A_1496 = tpu.memref_slice %arg4[%dma_wait3A_1494, %dma_wait3A_1495] : memref<65536x128xf32, #tpu.memory_space<hbm>> -> memref<65536x128xf32, #tpu.memory_space<hbm>>
      tpu.wait_indirect_dma semaphore(%arg17 : memref<!tpu.dma_semaphore, #tpu.memory_space<semaphore_mem>>) src(%dma_wait3A_1496 : memref<65536x128xf32, #tpu.memory_space<hbm>>) dst(%dma_wait3A_1490 : memref<32x128xf32, #tpu.memory_space<vmem>>)
      %dma_wait3A_1497 = arith.constant 2 : i32
      %dma_wait3A_1498 = arith.constant 320 : i32
      %dma_wait3A_1499 = arith.constant 0 : i32
      %dma_wait3A_1500 = tpu.memref_slice %arg14[%dma_wait3A_1498, %dma_wait3A_1499] : memref<768x128xf32, #tpu.memory_space<vmem>> -> memref<32x128xf32, #tpu.memory_space<vmem>>
      %dma_wait3A_1501 = arith.constant 64 : i32
      %dma_wait3A_1502 = tpu.memref_slice %arg12[%dma_wait3A_1497, %dma_wait3A_1501] : memref<6x128xi32, #tpu.memory_space<vmem>> -> memref<1x32xi32, #tpu.memory_space<vmem>>
      %dma_wait3A_1503 = tpu.memref_squeeze %dma_wait3A_1502 : memref<1x32xi32, #tpu.memory_space<vmem>> -> memref<32xi32, #tpu.memory_space<vmem>>
      %dma_wait3A_1504 = arith.constant 0 : i32
      %dma_wait3A_1505 = arith.constant 0 : i32
      %dma_wait3A_1506 = tpu.memref_slice %arg4[%dma_wait3A_1504, %dma_wait3A_1505] : memref<65536x128xf32, #tpu.memory_space<hbm>> -> memref<65536x128xf32, #tpu.memory_space<hbm>>
      tpu.wait_indirect_dma semaphore(%arg17 : memref<!tpu.dma_semaphore, #tpu.memory_space<semaphore_mem>>) src(%dma_wait3A_1506 : memref<65536x128xf32, #tpu.memory_space<hbm>>) dst(%dma_wait3A_1500 : memref<32x128xf32, #tpu.memory_space<vmem>>)
      %dma_wait3A_1507 = arith.constant 2 : i32
      %dma_wait3A_1508 = arith.constant 352 : i32
      %dma_wait3A_1509 = arith.constant 0 : i32
      %dma_wait3A_1510 = tpu.memref_slice %arg14[%dma_wait3A_1508, %dma_wait3A_1509] : memref<768x128xf32, #tpu.memory_space<vmem>> -> memref<32x128xf32, #tpu.memory_space<vmem>>
      %dma_wait3A_1511 = arith.constant 96 : i32
      %dma_wait3A_1512 = tpu.memref_slice %arg12[%dma_wait3A_1507, %dma_wait3A_1511] : memref<6x128xi32, #tpu.memory_space<vmem>> -> memref<1x32xi32, #tpu.memory_space<vmem>>
      %dma_wait3A_1513 = tpu.memref_squeeze %dma_wait3A_1512 : memref<1x32xi32, #tpu.memory_space<vmem>> -> memref<32xi32, #tpu.memory_space<vmem>>
      %dma_wait3A_1514 = arith.constant 0 : i32
      %dma_wait3A_1515 = arith.constant 0 : i32
      %dma_wait3A_1516 = tpu.memref_slice %arg4[%dma_wait3A_1514, %dma_wait3A_1515] : memref<65536x128xf32, #tpu.memory_space<hbm>> -> memref<65536x128xf32, #tpu.memory_space<hbm>>
      tpu.wait_indirect_dma semaphore(%arg17 : memref<!tpu.dma_semaphore, #tpu.memory_space<semaphore_mem>>) src(%dma_wait3A_1516 : memref<65536x128xf32, #tpu.memory_space<hbm>>) dst(%dma_wait3A_1510 : memref<32x128xf32, #tpu.memory_space<vmem>>)
      %gt3A = arith.constant 0 : i32
      %gt3A_1517 = arith.cmpi sgt, %scan3A_694, %gt3A : i32
      %convert_element_type3A_1518 = arith.extui %gt3A_1517 : i1 to i32
      %cond3A = arith.constant 0 : i32
      %cond3A_1519 = arith.cmpi ne, %convert_element_type3A_1518, %cond3A : i32
      scf.if %cond3A_1519 {
        %dma_wait3A_2028 = arith.constant 0 : i32
        %dma_wait3A_2029 = tpu.memref_slice %arg8[%mul3A_2, %dma_wait3A_2028] : memref<102400x128xf32, #tpu.memory_space<hbm>> -> memref<32x128xf32, #tpu.memory_space<hbm>>
        %dma_wait3A_2030 = arith.constant 0 : i32
        %dma_wait3A_2031 = tpu.memref_slice %arg8[%mul3A_2, %dma_wait3A_2030] : memref<102400x128xf32, #tpu.memory_space<hbm>> -> memref<32x128xf32, #tpu.memory_space<hbm>>
        tpu.wait_dma2 semaphore(%arg19 : memref<!tpu.dma_semaphore, #tpu.memory_space<semaphore_mem>>) src(%arg15 : memref<32x128xf32, #tpu.memory_space<vmem>>) dst(%dma_wait3A_2031 : memref<32x128xf32, #tpu.memory_space<hbm>>)
      } else {
      }
      %iota3A = tpu.iota {dimensions = array<i32: 0>} : vector<16xi32>
      %add3A_1520 = arith.constant 0 : i32
      %add3A_1521 = vector.broadcast %add3A_1520 : i32 to vector<16xi32>
      %add3A_1522 = arith.addi %iota3A, %add3A_1521 : vector<16xi32>
      %add3A_1523 = arith.constant 0 : i32
      %add3A_1524 = vector.broadcast %add3A_1523 : i32 to vector<16xi32>
      %add3A_1525 = arith.addi %add3A_1522, %add3A_1524 : vector<16xi32>
      %add3A_1526 = arith.constant 32 : i32
      %add3A_1527 = vector.broadcast %add3A_1526 : i32 to vector<16xi32>
      %add3A_1528 = arith.addi %add3A_1522, %add3A_1527 : vector<16xi32>
      %add3A_1529 = arith.constant 64 : i32
      %add3A_1530 = vector.broadcast %add3A_1529 : i32 to vector<16xi32>
      %add3A_1531 = arith.addi %add3A_1522, %add3A_1530 : vector<16xi32>
      %add3A_1532 = arith.constant 96 : i32
      %add3A_1533 = vector.broadcast %add3A_1532 : i32 to vector<16xi32>
      %add3A_1534 = arith.addi %add3A_1522, %add3A_1533 : vector<16xi32>
      %add3A_1535 = arith.constant 128 : i32
      %add3A_1536 = vector.broadcast %add3A_1535 : i32 to vector<16xi32>
      %add3A_1537 = arith.addi %add3A_1522, %add3A_1536 : vector<16xi32>
      %add3A_1538 = arith.constant 160 : i32
      %add3A_1539 = vector.broadcast %add3A_1538 : i32 to vector<16xi32>
      %add3A_1540 = arith.addi %add3A_1522, %add3A_1539 : vector<16xi32>
      %add3A_1541 = arith.constant 192 : i32
      %add3A_1542 = vector.broadcast %add3A_1541 : i32 to vector<16xi32>
      %add3A_1543 = arith.addi %add3A_1522, %add3A_1542 : vector<16xi32>
      %add3A_1544 = arith.constant 224 : i32
      %add3A_1545 = vector.broadcast %add3A_1544 : i32 to vector<16xi32>
      %add3A_1546 = arith.addi %add3A_1522, %add3A_1545 : vector<16xi32>
      %add3A_1547 = arith.constant 256 : i32
      %add3A_1548 = vector.broadcast %add3A_1547 : i32 to vector<16xi32>
      %add3A_1549 = arith.addi %add3A_1522, %add3A_1548 : vector<16xi32>
      %add3A_1550 = arith.constant 288 : i32
      %add3A_1551 = vector.broadcast %add3A_1550 : i32 to vector<16xi32>
      %add3A_1552 = arith.addi %add3A_1522, %add3A_1551 : vector<16xi32>
      %add3A_1553 = arith.constant 320 : i32
      %add3A_1554 = vector.broadcast %add3A_1553 : i32 to vector<16xi32>
      %add3A_1555 = arith.addi %add3A_1522, %add3A_1554 : vector<16xi32>
      %add3A_1556 = arith.constant 352 : i32
      %add3A_1557 = vector.broadcast %add3A_1556 : i32 to vector<16xi32>
      %add3A_1558 = arith.addi %add3A_1522, %add3A_1557 : vector<16xi32>
      %get3A_1559 = arith.constant 0 : i32
      %get3A_1560 = arith.index_cast %get3A_1559 : i32 to index
      %get3A_1561 = arith.constant 0 : index
      %get3A_1562 = tpu.vector_load %arg13[%get3A_1560, %get3A_1561] {strides = array<i32>} : memref<24x32xf32, #tpu.memory_space<vmem>>, vector<16xf32>,
      %get3A_1563 = arith.constant 1 : i32
      %get3A_1564 = arith.index_cast %get3A_1563 : i32 to index
      %get3A_1565 = arith.constant 0 : index
      %get3A_1566 = tpu.vector_load %arg13[%get3A_1564, %get3A_1565] {strides = array<i32>} : memref<24x32xf32, #tpu.memory_space<vmem>>, vector<16xf32>,
      %get3A_1567 = arith.constant 2 : i32
      %get3A_1568 = arith.index_cast %get3A_1567 : i32 to index
      %get3A_1569 = arith.constant 0 : index
      %get3A_1570 = tpu.vector_load %arg13[%get3A_1568, %get3A_1569] {strides = array<i32>} : memref<24x32xf32, #tpu.memory_space<vmem>>, vector<16xf32>,
      %get3A_1571 = arith.constant 3 : i32
      %get3A_1572 = arith.index_cast %get3A_1571 : i32 to index
      %get3A_1573 = arith.constant 0 : index
      %get3A_1574 = tpu.vector_load %arg13[%get3A_1572, %get3A_1573] {strides = array<i32>} : memref<24x32xf32, #tpu.memory_space<vmem>>, vector<16xf32>,
      %get3A_1575 = arith.constant 4 : i32
      %get3A_1576 = arith.index_cast %get3A_1575 : i32 to index
      %get3A_1577 = arith.constant 0 : index
      %get3A_1578 = tpu.vector_load %arg13[%get3A_1576, %get3A_1577] {strides = array<i32>} : memref<24x32xf32, #tpu.memory_space<vmem>>, vector<16xf32>,
      %get3A_1579 = arith.constant 5 : i32
      %get3A_1580 = arith.index_cast %get3A_1579 : i32 to index
      %get3A_1581 = arith.constant 0 : index
      %get3A_1582 = tpu.vector_load %arg13[%get3A_1580, %get3A_1581] {strides = array<i32>} : memref<24x32xf32, #tpu.memory_space<vmem>>, vector<16xf32>,
      %get3A_1583 = arith.constant 6 : i32
      %get3A_1584 = arith.index_cast %get3A_1583 : i32 to index
      %get3A_1585 = arith.constant 0 : index
      %get3A_1586 = tpu.vector_load %arg13[%get3A_1584, %get3A_1585] {strides = array<i32>} : memref<24x32xf32, #tpu.memory_space<vmem>>, vector<16xf32>,
      %get3A_1587 = arith.constant 7 : i32
      %get3A_1588 = arith.index_cast %get3A_1587 : i32 to index
      %get3A_1589 = arith.constant 0 : index
      %get3A_1590 = tpu.vector_load %arg13[%get3A_1588, %get3A_1589] {strides = array<i32>} : memref<24x32xf32, #tpu.memory_space<vmem>>, vector<16xf32>,
      %get3A_1591 = arith.constant 8 : i32
      %get3A_1592 = arith.index_cast %get3A_1591 : i32 to index
      %get3A_1593 = arith.constant 0 : index
      %get3A_1594 = tpu.vector_load %arg13[%get3A_1592, %get3A_1593] {strides = array<i32>} : memref<24x32xf32, #tpu.memory_space<vmem>>, vector<16xf32>,
      %get3A_1595 = arith.constant 9 : i32
      %get3A_1596 = arith.index_cast %get3A_1595 : i32 to index
      %get3A_1597 = arith.constant 0 : index
      %get3A_1598 = tpu.vector_load %arg13[%get3A_1596, %get3A_1597] {strides = array<i32>} : memref<24x32xf32, #tpu.memory_space<vmem>>, vector<16xf32>,
      %get3A_1599 = arith.constant 10 : i32
      %get3A_1600 = arith.index_cast %get3A_1599 : i32 to index
      %get3A_1601 = arith.constant 0 : index
      %get3A_1602 = tpu.vector_load %arg13[%get3A_1600, %get3A_1601] {strides = array<i32>} : memref<24x32xf32, #tpu.memory_space<vmem>>, vector<16xf32>,
      %get3A_1603 = arith.constant 11 : i32
      %get3A_1604 = arith.index_cast %get3A_1603 : i32 to index
      %get3A_1605 = arith.constant 0 : index
      %get3A_1606 = tpu.vector_load %arg13[%get3A_1604, %get3A_1605] {strides = array<i32>} : memref<24x32xf32, #tpu.memory_space<vmem>>, vector<16xf32>,
      %parallel_loop3A = arith.constant 0 : i32
      %parallel_loop3A_1607 = arith.constant 128 : i32
      %parallel_loop3A_1608 = arith.constant 1 : i32
      scf.for %parallel_loop3A_2028 = %parallel_loop3A to %parallel_loop3A_1607 step %parallel_loop3A_1608  : i32 {
        %parallel_loop3A_2029 = vector.broadcast %parallel_loop3A_2028 : i32 to vector<16xi32>
        %parallel_loop3A_2030 = tpu.iota {dimensions = array<i32: 0>} : vector<16xi32>
        %parallel_loop3A_2031 = arith.addi %parallel_loop3A_2029, %parallel_loop3A_2030 : vector<16xi32>
        %parallel_loop3A_2032 = arith.constant 127 : i32
        %parallel_loop3A_2033 = vector.broadcast %parallel_loop3A_2032 : i32 to vector<16xi32>
        %parallel_loop3A_2034 = arith.andi %parallel_loop3A_2031, %parallel_loop3A_2033 : vector<16xi32>
        %parallel_loop3A_2035 = tpu.vector_load_idx %arg14[%add3A_1525, %parallel_loop3A_2034] : memref<768x128xf32, #tpu.memory_space<vmem>>[vector<16xi32>, vector<16xi32>], vector<16xf32>,
        %parallel_loop3A_2036 = arith.mulf %get3A_1562, %parallel_loop3A_2035 : vector<16xf32>
        %parallel_loop3A_2037 = tpu.vector_load_idx %arg14[%add3A_1528, %parallel_loop3A_2034] : memref<768x128xf32, #tpu.memory_space<vmem>>[vector<16xi32>, vector<16xi32>], vector<16xf32>,
        %parallel_loop3A_2038 = arith.mulf %get3A_1566, %parallel_loop3A_2037 : vector<16xf32>
        %parallel_loop3A_2039 = arith.addf %parallel_loop3A_2036, %parallel_loop3A_2038 : vector<16xf32>
        %parallel_loop3A_2040 = tpu.vector_load_idx %arg14[%add3A_1531, %parallel_loop3A_2034] : memref<768x128xf32, #tpu.memory_space<vmem>>[vector<16xi32>, vector<16xi32>], vector<16xf32>,
        %parallel_loop3A_2041 = arith.mulf %get3A_1570, %parallel_loop3A_2040 : vector<16xf32>
        %parallel_loop3A_2042 = arith.addf %parallel_loop3A_2039, %parallel_loop3A_2041 : vector<16xf32>
        %parallel_loop3A_2043 = tpu.vector_load_idx %arg14[%add3A_1534, %parallel_loop3A_2034] : memref<768x128xf32, #tpu.memory_space<vmem>>[vector<16xi32>, vector<16xi32>], vector<16xf32>,
        %parallel_loop3A_2044 = arith.mulf %get3A_1574, %parallel_loop3A_2043 : vector<16xf32>
        %parallel_loop3A_2045 = arith.addf %parallel_loop3A_2042, %parallel_loop3A_2044 : vector<16xf32>
        %parallel_loop3A_2046 = tpu.vector_load_idx %arg14[%add3A_1537, %parallel_loop3A_2034] : memref<768x128xf32, #tpu.memory_space<vmem>>[vector<16xi32>, vector<16xi32>], vector<16xf32>,
        %parallel_loop3A_2047 = arith.mulf %get3A_1578, %parallel_loop3A_2046 : vector<16xf32>
        %parallel_loop3A_2048 = tpu.vector_load_idx %arg14[%add3A_1540, %parallel_loop3A_2034] : memref<768x128xf32, #tpu.memory_space<vmem>>[vector<16xi32>, vector<16xi32>], vector<16xf32>,
        %parallel_loop3A_2049 = arith.mulf %get3A_1582, %parallel_loop3A_2048 : vector<16xf32>
        %parallel_loop3A_2050 = arith.addf %parallel_loop3A_2047, %parallel_loop3A_2049 : vector<16xf32>
        %parallel_loop3A_2051 = tpu.vector_load_idx %arg14[%add3A_1543, %parallel_loop3A_2034] : memref<768x128xf32, #tpu.memory_space<vmem>>[vector<16xi32>, vector<16xi32>], vector<16xf32>,
        %parallel_loop3A_2052 = arith.mulf %get3A_1586, %parallel_loop3A_2051 : vector<16xf32>
        %parallel_loop3A_2053 = arith.addf %parallel_loop3A_2050, %parallel_loop3A_2052 : vector<16xf32>
        %parallel_loop3A_2054 = tpu.vector_load_idx %arg14[%add3A_1546, %parallel_loop3A_2034] : memref<768x128xf32, #tpu.memory_space<vmem>>[vector<16xi32>, vector<16xi32>], vector<16xf32>,
        %parallel_loop3A_2055 = arith.mulf %get3A_1590, %parallel_loop3A_2054 : vector<16xf32>
        %parallel_loop3A_2056 = arith.addf %parallel_loop3A_2053, %parallel_loop3A_2055 : vector<16xf32>
        %parallel_loop3A_2057 = arith.mulf %parallel_loop3A_2045, %parallel_loop3A_2056 : vector<16xf32>
        %parallel_loop3A_2058 = tpu.vector_load_idx %arg14[%add3A_1549, %parallel_loop3A_2034] : memref<768x128xf32, #tpu.memory_space<vmem>>[vector<16xi32>, vector<16xi32>], vector<16xf32>,
        %parallel_loop3A_2059 = arith.mulf %get3A_1594, %parallel_loop3A_2058 : vector<16xf32>
        %parallel_loop3A_2060 = tpu.vector_load_idx %arg14[%add3A_1552, %parallel_loop3A_2034] : memref<768x128xf32, #tpu.memory_space<vmem>>[vector<16xi32>, vector<16xi32>], vector<16xf32>,
        %parallel_loop3A_2061 = arith.mulf %get3A_1598, %parallel_loop3A_2060 : vector<16xf32>
        %parallel_loop3A_2062 = arith.addf %parallel_loop3A_2059, %parallel_loop3A_2061 : vector<16xf32>
        %parallel_loop3A_2063 = tpu.vector_load_idx %arg14[%add3A_1555, %parallel_loop3A_2034] : memref<768x128xf32, #tpu.memory_space<vmem>>[vector<16xi32>, vector<16xi32>], vector<16xf32>,
        %parallel_loop3A_2064 = arith.mulf %get3A_1602, %parallel_loop3A_2063 : vector<16xf32>
        %parallel_loop3A_2065 = arith.addf %parallel_loop3A_2062, %parallel_loop3A_2064 : vector<16xf32>
        %parallel_loop3A_2066 = tpu.vector_load_idx %arg14[%add3A_1558, %parallel_loop3A_2034] : memref<768x128xf32, #tpu.memory_space<vmem>>[vector<16xi32>, vector<16xi32>], vector<16xf32>,
        %parallel_loop3A_2067 = arith.mulf %get3A_1606, %parallel_loop3A_2066 : vector<16xf32>
        %parallel_loop3A_2068 = arith.addf %parallel_loop3A_2065, %parallel_loop3A_2067 : vector<16xf32>
        %parallel_loop3A_2069 = arith.mulf %parallel_loop3A_2057, %parallel_loop3A_2068 : vector<16xf32>
        tpu.vector_store_idx %arg15[%add3A_1522, %parallel_loop3A_2034], %parallel_loop3A_2069 : memref<32x128xf32, #tpu.memory_space<vmem>>[vector<16xi32>, vector<16xi32>], vector<16xf32>,
      } {sc.loop_unroll_factor = 2 : i64, sc.parallel_access}
      %iota3A_1609 = tpu.iota {dimensions = array<i32: 0>} : vector<16xi32>
      %add3A_1610 = arith.constant 16 : i32
      %add3A_1611 = vector.broadcast %add3A_1610 : i32 to vector<16xi32>
      %add3A_1612 = arith.addi %iota3A_1609, %add3A_1611 : vector<16xi32>
      %add3A_1613 = arith.constant 0 : i32
      %add3A_1614 = vector.broadcast %add3A_1613 : i32 to vector<16xi32>
      %add3A_1615 = arith.addi %add3A_1612, %add3A_1614 : vector<16xi32>
      %add3A_1616 = arith.constant 32 : i32
      %add3A_1617 = vector.broadcast %add3A_1616 : i32 to vector<16xi32>
      %add3A_1618 = arith.addi %add3A_1612, %add3A_1617 : vector<16xi32>
      %add3A_1619 = arith.constant 64 : i32
      %add3A_1620 = vector.broadcast %add3A_1619 : i32 to vector<16xi32>
      %add3A_1621 = arith.addi %add3A_1612, %add3A_1620 : vector<16xi32>
      %add3A_1622 = arith.constant 96 : i32
      %add3A_1623 = vector.broadcast %add3A_1622 : i32 to vector<16xi32>
      %add3A_1624 = arith.addi %add3A_1612, %add3A_1623 : vector<16xi32>
      %add3A_1625 = arith.constant 128 : i32
      %add3A_1626 = vector.broadcast %add3A_1625 : i32 to vector<16xi32>
      %add3A_1627 = arith.addi %add3A_1612, %add3A_1626 : vector<16xi32>
      %add3A_1628 = arith.constant 160 : i32
      %add3A_1629 = vector.broadcast %add3A_1628 : i32 to vector<16xi32>
      %add3A_1630 = arith.addi %add3A_1612, %add3A_1629 : vector<16xi32>
      %add3A_1631 = arith.constant 192 : i32
      %add3A_1632 = vector.broadcast %add3A_1631 : i32 to vector<16xi32>
      %add3A_1633 = arith.addi %add3A_1612, %add3A_1632 : vector<16xi32>
      %add3A_1634 = arith.constant 224 : i32
      %add3A_1635 = vector.broadcast %add3A_1634 : i32 to vector<16xi32>
      %add3A_1636 = arith.addi %add3A_1612, %add3A_1635 : vector<16xi32>
      %add3A_1637 = arith.constant 256 : i32
      %add3A_1638 = vector.broadcast %add3A_1637 : i32 to vector<16xi32>
      %add3A_1639 = arith.addi %add3A_1612, %add3A_1638 : vector<16xi32>
      %add3A_1640 = arith.constant 288 : i32
      %add3A_1641 = vector.broadcast %add3A_1640 : i32 to vector<16xi32>
      %add3A_1642 = arith.addi %add3A_1612, %add3A_1641 : vector<16xi32>
      %add3A_1643 = arith.constant 320 : i32
      %add3A_1644 = vector.broadcast %add3A_1643 : i32 to vector<16xi32>
      %add3A_1645 = arith.addi %add3A_1612, %add3A_1644 : vector<16xi32>
      %add3A_1646 = arith.constant 352 : i32
      %add3A_1647 = vector.broadcast %add3A_1646 : i32 to vector<16xi32>
      %add3A_1648 = arith.addi %add3A_1612, %add3A_1647 : vector<16xi32>
      %get3A_1649 = arith.constant 0 : i32
      %get3A_1650 = arith.index_cast %get3A_1649 : i32 to index
      %get3A_1651 = arith.constant 16 : index
      %get3A_1652 = tpu.vector_load %arg13[%get3A_1650, %get3A_1651] {strides = array<i32>} : memref<24x32xf32, #tpu.memory_space<vmem>>, vector<16xf32>,
      %get3A_1653 = arith.constant 1 : i32
      %get3A_1654 = arith.index_cast %get3A_1653 : i32 to index
      %get3A_1655 = arith.constant 16 : index
      %get3A_1656 = tpu.vector_load %arg13[%get3A_1654, %get3A_1655] {strides = array<i32>} : memref<24x32xf32, #tpu.memory_space<vmem>>, vector<16xf32>,
      %get3A_1657 = arith.constant 2 : i32
      %get3A_1658 = arith.index_cast %get3A_1657 : i32 to index
      %get3A_1659 = arith.constant 16 : index
      %get3A_1660 = tpu.vector_load %arg13[%get3A_1658, %get3A_1659] {strides = array<i32>} : memref<24x32xf32, #tpu.memory_space<vmem>>, vector<16xf32>,
      %get3A_1661 = arith.constant 3 : i32
      %get3A_1662 = arith.index_cast %get3A_1661 : i32 to index
      %get3A_1663 = arith.constant 16 : index
      %get3A_1664 = tpu.vector_load %arg13[%get3A_1662, %get3A_1663] {strides = array<i32>} : memref<24x32xf32, #tpu.memory_space<vmem>>, vector<16xf32>,
      %get3A_1665 = arith.constant 4 : i32
      %get3A_1666 = arith.index_cast %get3A_1665 : i32 to index
      %get3A_1667 = arith.constant 16 : index
      %get3A_1668 = tpu.vector_load %arg13[%get3A_1666, %get3A_1667] {strides = array<i32>} : memref<24x32xf32, #tpu.memory_space<vmem>>, vector<16xf32>,
      %get3A_1669 = arith.constant 5 : i32
      %get3A_1670 = arith.index_cast %get3A_1669 : i32 to index
      %get3A_1671 = arith.constant 16 : index
      %get3A_1672 = tpu.vector_load %arg13[%get3A_1670, %get3A_1671] {strides = array<i32>} : memref<24x32xf32, #tpu.memory_space<vmem>>, vector<16xf32>,
      %get3A_1673 = arith.constant 6 : i32
      %get3A_1674 = arith.index_cast %get3A_1673 : i32 to index
      %get3A_1675 = arith.constant 16 : index
      %get3A_1676 = tpu.vector_load %arg13[%get3A_1674, %get3A_1675] {strides = array<i32>} : memref<24x32xf32, #tpu.memory_space<vmem>>, vector<16xf32>,
      %get3A_1677 = arith.constant 7 : i32
      %get3A_1678 = arith.index_cast %get3A_1677 : i32 to index
      %get3A_1679 = arith.constant 16 : index
      %get3A_1680 = tpu.vector_load %arg13[%get3A_1678, %get3A_1679] {strides = array<i32>} : memref<24x32xf32, #tpu.memory_space<vmem>>, vector<16xf32>,
      %get3A_1681 = arith.constant 8 : i32
      %get3A_1682 = arith.index_cast %get3A_1681 : i32 to index
      %get3A_1683 = arith.constant 16 : index
      %get3A_1684 = tpu.vector_load %arg13[%get3A_1682, %get3A_1683] {strides = array<i32>} : memref<24x32xf32, #tpu.memory_space<vmem>>, vector<16xf32>,
      %get3A_1685 = arith.constant 9 : i32
      %get3A_1686 = arith.index_cast %get3A_1685 : i32 to index
      %get3A_1687 = arith.constant 16 : index
      %get3A_1688 = tpu.vector_load %arg13[%get3A_1686, %get3A_1687] {strides = array<i32>} : memref<24x32xf32, #tpu.memory_space<vmem>>, vector<16xf32>,
      %get3A_1689 = arith.constant 10 : i32
      %get3A_1690 = arith.index_cast %get3A_1689 : i32 to index
      %get3A_1691 = arith.constant 16 : index
      %get3A_1692 = tpu.vector_load %arg13[%get3A_1690, %get3A_1691] {strides = array<i32>} : memref<24x32xf32, #tpu.memory_space<vmem>>, vector<16xf32>,
      %get3A_1693 = arith.constant 11 : i32
      %get3A_1694 = arith.index_cast %get3A_1693 : i32 to index
      %get3A_1695 = arith.constant 16 : index
      %get3A_1696 = tpu.vector_load %arg13[%get3A_1694, %get3A_1695] {strides = array<i32>} : memref<24x32xf32, #tpu.memory_space<vmem>>, vector<16xf32>,
      %parallel_loop3A_1697 = arith.constant 0 : i32
      %parallel_loop3A_1698 = arith.constant 128 : i32
      %parallel_loop3A_1699 = arith.constant 1 : i32
      scf.for %parallel_loop3A_2028 = %parallel_loop3A_1697 to %parallel_loop3A_1698 step %parallel_loop3A_1699  : i32 {
        %parallel_loop3A_2029 = vector.broadcast %parallel_loop3A_2028 : i32 to vector<16xi32>
        %parallel_loop3A_2030 = tpu.iota {dimensions = array<i32: 0>} : vector<16xi32>
        %parallel_loop3A_2031 = arith.addi %parallel_loop3A_2029, %parallel_loop3A_2030 : vector<16xi32>
        %parallel_loop3A_2032 = arith.constant 127 : i32
        %parallel_loop3A_2033 = vector.broadcast %parallel_loop3A_2032 : i32 to vector<16xi32>
        %parallel_loop3A_2034 = arith.andi %parallel_loop3A_2031, %parallel_loop3A_2033 : vector<16xi32>
        %parallel_loop3A_2035 = tpu.vector_load_idx %arg14[%add3A_1615, %parallel_loop3A_2034] : memref<768x128xf32, #tpu.memory_space<vmem>>[vector<16xi32>, vector<16xi32>], vector<16xf32>,
        %parallel_loop3A_2036 = arith.mulf %get3A_1652, %parallel_loop3A_2035 : vector<16xf32>
        %parallel_loop3A_2037 = tpu.vector_load_idx %arg14[%add3A_1618, %parallel_loop3A_2034] : memref<768x128xf32, #tpu.memory_space<vmem>>[vector<16xi32>, vector<16xi32>], vector<16xf32>,
        %parallel_loop3A_2038 = arith.mulf %get3A_1656, %parallel_loop3A_2037 : vector<16xf32>
        %parallel_loop3A_2039 = arith.addf %parallel_loop3A_2036, %parallel_loop3A_2038 : vector<16xf32>
        %parallel_loop3A_2040 = tpu.vector_load_idx %arg14[%add3A_1621, %parallel_loop3A_2034] : memref<768x128xf32, #tpu.memory_space<vmem>>[vector<16xi32>, vector<16xi32>], vector<16xf32>,
        %parallel_loop3A_2041 = arith.mulf %get3A_1660, %parallel_loop3A_2040 : vector<16xf32>
        %parallel_loop3A_2042 = arith.addf %parallel_loop3A_2039, %parallel_loop3A_2041 : vector<16xf32>
        %parallel_loop3A_2043 = tpu.vector_load_idx %arg14[%add3A_1624, %parallel_loop3A_2034] : memref<768x128xf32, #tpu.memory_space<vmem>>[vector<16xi32>, vector<16xi32>], vector<16xf32>,
        %parallel_loop3A_2044 = arith.mulf %get3A_1664, %parallel_loop3A_2043 : vector<16xf32>
        %parallel_loop3A_2045 = arith.addf %parallel_loop3A_2042, %parallel_loop3A_2044 : vector<16xf32>
        %parallel_loop3A_2046 = tpu.vector_load_idx %arg14[%add3A_1627, %parallel_loop3A_2034] : memref<768x128xf32, #tpu.memory_space<vmem>>[vector<16xi32>, vector<16xi32>], vector<16xf32>,
        %parallel_loop3A_2047 = arith.mulf %get3A_1668, %parallel_loop3A_2046 : vector<16xf32>
        %parallel_loop3A_2048 = tpu.vector_load_idx %arg14[%add3A_1630, %parallel_loop3A_2034] : memref<768x128xf32, #tpu.memory_space<vmem>>[vector<16xi32>, vector<16xi32>], vector<16xf32>,
        %parallel_loop3A_2049 = arith.mulf %get3A_1672, %parallel_loop3A_2048 : vector<16xf32>
        %parallel_loop3A_2050 = arith.addf %parallel_loop3A_2047, %parallel_loop3A_2049 : vector<16xf32>
        %parallel_loop3A_2051 = tpu.vector_load_idx %arg14[%add3A_1633, %parallel_loop3A_2034] : memref<768x128xf32, #tpu.memory_space<vmem>>[vector<16xi32>, vector<16xi32>], vector<16xf32>,
        %parallel_loop3A_2052 = arith.mulf %get3A_1676, %parallel_loop3A_2051 : vector<16xf32>
        %parallel_loop3A_2053 = arith.addf %parallel_loop3A_2050, %parallel_loop3A_2052 : vector<16xf32>
        %parallel_loop3A_2054 = tpu.vector_load_idx %arg14[%add3A_1636, %parallel_loop3A_2034] : memref<768x128xf32, #tpu.memory_space<vmem>>[vector<16xi32>, vector<16xi32>], vector<16xf32>,
        %parallel_loop3A_2055 = arith.mulf %get3A_1680, %parallel_loop3A_2054 : vector<16xf32>
        %parallel_loop3A_2056 = arith.addf %parallel_loop3A_2053, %parallel_loop3A_2055 : vector<16xf32>
        %parallel_loop3A_2057 = arith.mulf %parallel_loop3A_2045, %parallel_loop3A_2056 : vector<16xf32>
        %parallel_loop3A_2058 = tpu.vector_load_idx %arg14[%add3A_1639, %parallel_loop3A_2034] : memref<768x128xf32, #tpu.memory_space<vmem>>[vector<16xi32>, vector<16xi32>], vector<16xf32>,
        %parallel_loop3A_2059 = arith.mulf %get3A_1684, %parallel_loop3A_2058 : vector<16xf32>
        %parallel_loop3A_2060 = tpu.vector_load_idx %arg14[%add3A_1642, %parallel_loop3A_2034] : memref<768x128xf32, #tpu.memory_space<vmem>>[vector<16xi32>, vector<16xi32>], vector<16xf32>,
        %parallel_loop3A_2061 = arith.mulf %get3A_1688, %parallel_loop3A_2060 : vector<16xf32>
        %parallel_loop3A_2062 = arith.addf %parallel_loop3A_2059, %parallel_loop3A_2061 : vector<16xf32>
        %parallel_loop3A_2063 = tpu.vector_load_idx %arg14[%add3A_1645, %parallel_loop3A_2034] : memref<768x128xf32, #tpu.memory_space<vmem>>[vector<16xi32>, vector<16xi32>], vector<16xf32>,
        %parallel_loop3A_2064 = arith.mulf %get3A_1692, %parallel_loop3A_2063 : vector<16xf32>
        %parallel_loop3A_2065 = arith.addf %parallel_loop3A_2062, %parallel_loop3A_2064 : vector<16xf32>
        %parallel_loop3A_2066 = tpu.vector_load_idx %arg14[%add3A_1648, %parallel_loop3A_2034] : memref<768x128xf32, #tpu.memory_space<vmem>>[vector<16xi32>, vector<16xi32>], vector<16xf32>,
        %parallel_loop3A_2067 = arith.mulf %get3A_1696, %parallel_loop3A_2066 : vector<16xf32>
        %parallel_loop3A_2068 = arith.addf %parallel_loop3A_2065, %parallel_loop3A_2067 : vector<16xf32>
        %parallel_loop3A_2069 = arith.mulf %parallel_loop3A_2057, %parallel_loop3A_2068 : vector<16xf32>
        tpu.vector_store_idx %arg15[%add3A_1612, %parallel_loop3A_2034], %parallel_loop3A_2069 : memref<32x128xf32, #tpu.memory_space<vmem>>[vector<16xi32>, vector<16xi32>], vector<16xf32>,
      } {sc.loop_unroll_factor = 2 : i64, sc.parallel_access}
      %mul3A_1700 = arith.constant 32 : i32
      %mul3A_1701 = arith.muli %mul3A_696, %mul3A_1700 : i32
      %add3A_1702 = arith.addi %mul3A_2, %mul3A_1701 : i32
      %dma_start3A_1703 = arith.constant 0 : i32
      %dma_start3A_1704 = tpu.memref_slice %arg8[%add3A_1702, %dma_start3A_1703] : memref<102400x128xf32, #tpu.memory_space<hbm>> -> memref<32x128xf32, #tpu.memory_space<hbm>>
      %dma_start3A_1705 = arith.constant 0 : i32
      %dma_start3A_1706 = tpu.memref_slice %arg8[%add3A_1702, %dma_start3A_1705] : memref<102400x128xf32, #tpu.memory_space<hbm>> -> memref<32x128xf32, #tpu.memory_space<hbm>>
      tpu.enqueue_dma source(%arg15 : memref<32x128xf32, #tpu.memory_space<vmem>>) target(%dma_start3A_1706 : memref<32x128xf32, #tpu.memory_space<hbm>>) target_semaphore(%arg19 : memref<!tpu.dma_semaphore, #tpu.memory_space<semaphore_mem>>)
      %lt3A_1707 = arith.constant 49 : i32
      %lt3A_1708 = arith.cmpi slt, %scan3A_694, %lt3A_1707 : i32
      %convert_element_type3A_1709 = arith.extui %lt3A_1708 : i1 to i32
      %cond3A_1710 = arith.constant 0 : i32
      %cond3A_1711 = arith.cmpi ne, %convert_element_type3A_1709, %cond3A_1710 : i32
      scf.if %cond3A_1711 {
        %add3A_2028 = arith.constant 2 : i32
        %add3A_2029 = arith.addi %mul3A_696, %add3A_2028 : i32
        %mul3A_2030 = arith.constant 32 : i32
        %mul3A_2031 = arith.muli %add3A_2029, %mul3A_2030 : i32
        %add3A_2032 = arith.constant 0 : i32
        %add3A_2033 = arith.addi %mul3A_2031, %add3A_2032 : i32
        %get3A_2034 = arith.index_cast %add3A_2033 : i32 to index
        %get3A_2035 = tpu.vector_load %arg9[%get3A_2034] {strides = array<i32>} : memref<3200xf32, #tpu.memory_space<vmem>>, vector<16xf32>,
        %jit3A_2036 = arith.constant 0.000000e+00 : f32
        %jit3A_2037 = arith.constant 0.999998986 : f32
        %max3A_2038 = vector.broadcast %jit3A_2036 : f32 to vector<16xf32>
        %max3A_2039 = arith.maximumf %max3A_2038, %get3A_2035 : vector<16xf32>
        %min3A_2040 = vector.broadcast %jit3A_2037 : f32 to vector<16xf32>
        %min3A_2041 = arith.minimumf %min3A_2040, %max3A_2039 : vector<16xf32>
        %mul3A_2042 = arith.constant 2.560000e+02 : f32
        %mul3A_2043 = vector.broadcast %mul3A_2042 : f32 to vector<16xf32>
        %mul3A_2044 = arith.mulf %min3A_2041, %mul3A_2043 : vector<16xf32>
        %get3A_2045 = arith.index_cast %add3A_2033 : i32 to index
        %get3A_2046 = tpu.vector_load %arg10[%get3A_2045] {strides = array<i32>} : memref<3200xf32, #tpu.memory_space<vmem>>, vector<16xf32>,
        %jit3A_2047 = arith.constant 0.000000e+00 : f32
        %jit3A_2048 = arith.constant 0.999998986 : f32
        %max3A_2049 = vector.broadcast %jit3A_2047 : f32 to vector<16xf32>
        %max3A_2050 = arith.maximumf %max3A_2049, %get3A_2046 : vector<16xf32>
        %min3A_2051 = vector.broadcast %jit3A_2048 : f32 to vector<16xf32>
        %min3A_2052 = arith.minimumf %min3A_2051, %max3A_2050 : vector<16xf32>
        %mul3A_2053 = arith.constant 2.560000e+02 : f32
        %mul3A_2054 = vector.broadcast %mul3A_2053 : f32 to vector<16xf32>
        %mul3A_2055 = arith.mulf %min3A_2052, %mul3A_2054 : vector<16xf32>
        %get3A_2056 = arith.index_cast %add3A_2033 : i32 to index
        %get3A_2057 = tpu.vector_load %arg11[%get3A_2056] {strides = array<i32>} : memref<3200xf32, #tpu.memory_space<vmem>>, vector<16xf32>,
        %jit3A_2058 = arith.constant 0.000000e+00 : f32
        %jit3A_2059 = arith.constant 0.999998986 : f32
        %max3A_2060 = vector.broadcast %jit3A_2058 : f32 to vector<16xf32>
        %max3A_2061 = arith.maximumf %max3A_2060, %get3A_2057 : vector<16xf32>
        %min3A_2062 = vector.broadcast %jit3A_2059 : f32 to vector<16xf32>
        %min3A_2063 = arith.minimumf %min3A_2062, %max3A_2061 : vector<16xf32>
        %mul3A_2064 = arith.constant 2.560000e+02 : f32
        %mul3A_2065 = vector.broadcast %mul3A_2064 : f32 to vector<16xf32>
        %mul3A_2066 = arith.mulf %min3A_2063, %mul3A_2065 : vector<16xf32>
        %convert_element_type3A_2067 = arith.fptosi %mul3A_2044 : vector<16xf32> to vector<16xi32>
        %convert_element_type3A_2068 = arith.fptosi %mul3A_2055 : vector<16xf32> to vector<16xi32>
        %convert_element_type3A_2069 = arith.sitofp %convert_element_type3A_2067 : vector<16xi32> to vector<16xf32>
        %sub3A_2070 = arith.subf %mul3A_2044, %convert_element_type3A_2069 : vector<16xf32>
        %convert_element_type3A_2071 = arith.sitofp %convert_element_type3A_2068 : vector<16xi32> to vector<16xf32>
        %sub3A_2072 = arith.subf %mul3A_2055, %convert_element_type3A_2071 : vector<16xf32>
        %lt3A_2073 = arith.constant 255 : i32
        %lt3A_2074 = vector.broadcast %lt3A_2073 : i32 to vector<16xi32>
        %lt3A_2075 = arith.cmpi slt, %convert_element_type3A_2067, %lt3A_2074 : vector<16xi32>
        %lt3A_2076 = arith.constant 255 : i32
        %lt3A_2077 = vector.broadcast %lt3A_2076 : i32 to vector<16xi32>
        %lt3A_2078 = arith.cmpi slt, %convert_element_type3A_2068, %lt3A_2077 : vector<16xi32>
        %jit3A_2079 = arith.constant 1 : i32
        %jit3A_2080 = arith.constant 0 : i32
        %broadcast_in_dim3A_2081 = vector.broadcast %jit3A_2079 : i32 to vector<16xi32>
        %broadcast_in_dim3A_2082 = vector.broadcast %jit3A_2080 : i32 to vector<16xi32>
        %select_n3A_2083 = arith.select %lt3A_2075, %broadcast_in_dim3A_2081, %broadcast_in_dim3A_2082 : vector<16xi1>, vector<16xi32>
        %jit3A_2084 = arith.constant 256 : i32
        %jit3A_2085 = arith.constant 0 : i32
        %broadcast_in_dim3A_2086 = vector.broadcast %jit3A_2084 : i32 to vector<16xi32>
        %broadcast_in_dim3A_2087 = vector.broadcast %jit3A_2085 : i32 to vector<16xi32>
        %select_n3A_2088 = arith.select %lt3A_2078, %broadcast_in_dim3A_2086, %broadcast_in_dim3A_2087 : vector<16xi1>, vector<16xi32>
        %jit3A_2089 = arith.constant 0.000000e+00 : f32
        %broadcast_in_dim3A_2090 = vector.broadcast %jit3A_2089 : f32 to vector<16xf32>
        %select_n3A_2091 = arith.select %lt3A_2075, %sub3A_2070, %broadcast_in_dim3A_2090 : vector<16xi1>, vector<16xf32>
        %jit3A_2092 = arith.constant 0.000000e+00 : f32
        %broadcast_in_dim3A_2093 = vector.broadcast %jit3A_2092 : f32 to vector<16xf32>
        %select_n3A_2094 = arith.select %lt3A_2078, %sub3A_2072, %broadcast_in_dim3A_2093 : vector<16xi1>, vector<16xf32>
        %mul3A_2095 = arith.constant 256 : i32
        %mul3A_2096 = vector.broadcast %mul3A_2095 : i32 to vector<16xi32>
        %mul3A_2097 = arith.muli %convert_element_type3A_2068, %mul3A_2096 : vector<16xi32>
        %add3A_2098 = arith.addi %mul3A_2097, %convert_element_type3A_2067 : vector<16xi32>
        %swap3A_2099 = arith.constant 0 : i32
        %swap3A_2100 = arith.index_cast %swap3A_2099 : i32 to index
        %swap3A_2101 = arith.constant 0 : index
        %swap3A_2102 = tpu.vector_load %arg12[%swap3A_2100, %swap3A_2101] {strides = array<i32>} : memref<6x128xi32, #tpu.memory_space<vmem>>, vector<16xi32>,
        tpu.vector_store %arg12[%swap3A_2100, %swap3A_2101], %add3A_2098 {strides = array<i32>} : memref<6x128xi32, #tpu.memory_space<vmem>>, vector<16xi32>,
        %add3A_2103 = arith.addi %add3A_2098, %select_n3A_2083 : vector<16xi32>
        %swap3A_2104 = arith.constant 0 : i32
        %swap3A_2105 = arith.index_cast %swap3A_2104 : i32 to index
        %swap3A_2106 = arith.constant 32 : index
        %swap3A_2107 = tpu.vector_load %arg12[%swap3A_2105, %swap3A_2106] {strides = array<i32>} : memref<6x128xi32, #tpu.memory_space<vmem>>, vector<16xi32>,
        tpu.vector_store %arg12[%swap3A_2105, %swap3A_2106], %add3A_2103 {strides = array<i32>} : memref<6x128xi32, #tpu.memory_space<vmem>>, vector<16xi32>,
        %add3A_2108 = arith.addi %add3A_2098, %select_n3A_2088 : vector<16xi32>
        %swap3A_2109 = arith.constant 0 : i32
        %swap3A_2110 = arith.index_cast %swap3A_2109 : i32 to index
        %swap3A_2111 = arith.constant 64 : index
        %swap3A_2112 = tpu.vector_load %arg12[%swap3A_2110, %swap3A_2111] {strides = array<i32>} : memref<6x128xi32, #tpu.memory_space<vmem>>, vector<16xi32>,
        tpu.vector_store %arg12[%swap3A_2110, %swap3A_2111], %add3A_2108 {strides = array<i32>} : memref<6x128xi32, #tpu.memory_space<vmem>>, vector<16xi32>,
        %add3A_2113 = arith.addi %add3A_2098, %select_n3A_2083 : vector<16xi32>
        %add3A_2114 = arith.addi %add3A_2113, %select_n3A_2088 : vector<16xi32>
        %swap3A_2115 = arith.constant 0 : i32
        %swap3A_2116 = arith.index_cast %swap3A_2115 : i32 to index
        %swap3A_2117 = arith.constant 96 : index
        %swap3A_2118 = tpu.vector_load %arg12[%swap3A_2116, %swap3A_2117] {strides = array<i32>} : memref<6x128xi32, #tpu.memory_space<vmem>>, vector<16xi32>,
        tpu.vector_store %arg12[%swap3A_2116, %swap3A_2117], %add3A_2114 {strides = array<i32>} : memref<6x128xi32, #tpu.memory_space<vmem>>, vector<16xi32>,
        %sub3A_2119 = arith.constant 1.000000e+00 : f32
        %sub3A_2120 = vector.broadcast %sub3A_2119 : f32 to vector<16xf32>
        %sub3A_2121 = arith.subf %sub3A_2120, %sub3A_2070 : vector<16xf32>
        %sub3A_2122 = arith.constant 1.000000e+00 : f32
        %sub3A_2123 = vector.broadcast %sub3A_2122 : f32 to vector<16xf32>
        %sub3A_2124 = arith.subf %sub3A_2123, %sub3A_2072 : vector<16xf32>
        %mul3A_2125 = arith.mulf %sub3A_2121, %sub3A_2124 : vector<16xf32>
        %swap3A_2126 = arith.constant 0 : i32
        %swap3A_2127 = arith.index_cast %swap3A_2126 : i32 to index
        %swap3A_2128 = arith.constant 0 : index
        %swap3A_2129 = tpu.vector_load %arg13[%swap3A_2127, %swap3A_2128] {strides = array<i32>} : memref<24x32xf32, #tpu.memory_space<vmem>>, vector<16xf32>,
        tpu.vector_store %arg13[%swap3A_2127, %swap3A_2128], %mul3A_2125 {strides = array<i32>} : memref<24x32xf32, #tpu.memory_space<vmem>>, vector<16xf32>,
        %sub3A_2130 = arith.constant 1.000000e+00 : f32
        %sub3A_2131 = vector.broadcast %sub3A_2130 : f32 to vector<16xf32>
        %sub3A_2132 = arith.subf %sub3A_2131, %sub3A_2072 : vector<16xf32>
        %mul3A_2133 = arith.mulf %select_n3A_2091, %sub3A_2132 : vector<16xf32>
        %swap3A_2134 = arith.constant 1 : i32
        %swap3A_2135 = arith.index_cast %swap3A_2134 : i32 to index
        %swap3A_2136 = arith.constant 0 : index
        %swap3A_2137 = tpu.vector_load %arg13[%swap3A_2135, %swap3A_2136] {strides = array<i32>} : memref<24x32xf32, #tpu.memory_space<vmem>>, vector<16xf32>,
        tpu.vector_store %arg13[%swap3A_2135, %swap3A_2136], %mul3A_2133 {strides = array<i32>} : memref<24x32xf32, #tpu.memory_space<vmem>>, vector<16xf32>,
        %sub3A_2138 = arith.constant 1.000000e+00 : f32
        %sub3A_2139 = vector.broadcast %sub3A_2138 : f32 to vector<16xf32>
        %sub3A_2140 = arith.subf %sub3A_2139, %sub3A_2070 : vector<16xf32>
        %mul3A_2141 = arith.mulf %sub3A_2140, %select_n3A_2094 : vector<16xf32>
        %swap3A_2142 = arith.constant 2 : i32
        %swap3A_2143 = arith.index_cast %swap3A_2142 : i32 to index
        %swap3A_2144 = arith.constant 0 : index
        %swap3A_2145 = tpu.vector_load %arg13[%swap3A_2143, %swap3A_2144] {strides = array<i32>} : memref<24x32xf32, #tpu.memory_space<vmem>>, vector<16xf32>,
        tpu.vector_store %arg13[%swap3A_2143, %swap3A_2144], %mul3A_2141 {strides = array<i32>} : memref<24x32xf32, #tpu.memory_space<vmem>>, vector<16xf32>,
        %mul3A_2146 = arith.mulf %select_n3A_2091, %select_n3A_2094 : vector<16xf32>
        %swap3A_2147 = arith.constant 3 : i32
        %swap3A_2148 = arith.index_cast %swap3A_2147 : i32 to index
        %swap3A_2149 = arith.constant 0 : index
        %swap3A_2150 = tpu.vector_load %arg13[%swap3A_2148, %swap3A_2149] {strides = array<i32>} : memref<24x32xf32, #tpu.memory_space<vmem>>, vector<16xf32>,
        tpu.vector_store %arg13[%swap3A_2148, %swap3A_2149], %mul3A_2146 {strides = array<i32>} : memref<24x32xf32, #tpu.memory_space<vmem>>, vector<16xf32>,
        %convert_element_type3A_2151 = arith.fptosi %mul3A_2055 : vector<16xf32> to vector<16xi32>
        %convert_element_type3A_2152 = arith.fptosi %mul3A_2066 : vector<16xf32> to vector<16xi32>
        %convert_element_type3A_2153 = arith.sitofp %convert_element_type3A_2151 : vector<16xi32> to vector<16xf32>
        %sub3A_2154 = arith.subf %mul3A_2055, %convert_element_type3A_2153 : vector<16xf32>
        %convert_element_type3A_2155 = arith.sitofp %convert_element_type3A_2152 : vector<16xi32> to vector<16xf32>
        %sub3A_2156 = arith.subf %mul3A_2066, %convert_element_type3A_2155 : vector<16xf32>
        %lt3A_2157 = arith.constant 255 : i32
        %lt3A_2158 = vector.broadcast %lt3A_2157 : i32 to vector<16xi32>
        %lt3A_2159 = arith.cmpi slt, %convert_element_type3A_2151, %lt3A_2158 : vector<16xi32>
        %lt3A_2160 = arith.constant 255 : i32
        %lt3A_2161 = vector.broadcast %lt3A_2160 : i32 to vector<16xi32>
        %lt3A_2162 = arith.cmpi slt, %convert_element_type3A_2152, %lt3A_2161 : vector<16xi32>
        %jit3A_2163 = arith.constant 1 : i32
        %jit3A_2164 = arith.constant 0 : i32
        %broadcast_in_dim3A_2165 = vector.broadcast %jit3A_2163 : i32 to vector<16xi32>
        %broadcast_in_dim3A_2166 = vector.broadcast %jit3A_2164 : i32 to vector<16xi32>
        %select_n3A_2167 = arith.select %lt3A_2159, %broadcast_in_dim3A_2165, %broadcast_in_dim3A_2166 : vector<16xi1>, vector<16xi32>
        %jit3A_2168 = arith.constant 256 : i32
        %jit3A_2169 = arith.constant 0 : i32
        %broadcast_in_dim3A_2170 = vector.broadcast %jit3A_2168 : i32 to vector<16xi32>
        %broadcast_in_dim3A_2171 = vector.broadcast %jit3A_2169 : i32 to vector<16xi32>
        %select_n3A_2172 = arith.select %lt3A_2162, %broadcast_in_dim3A_2170, %broadcast_in_dim3A_2171 : vector<16xi1>, vector<16xi32>
        %jit3A_2173 = arith.constant 0.000000e+00 : f32
        %broadcast_in_dim3A_2174 = vector.broadcast %jit3A_2173 : f32 to vector<16xf32>
        %select_n3A_2175 = arith.select %lt3A_2159, %sub3A_2154, %broadcast_in_dim3A_2174 : vector<16xi1>, vector<16xf32>
        %jit3A_2176 = arith.constant 0.000000e+00 : f32
        %broadcast_in_dim3A_2177 = vector.broadcast %jit3A_2176 : f32 to vector<16xf32>
        %select_n3A_2178 = arith.select %lt3A_2162, %sub3A_2156, %broadcast_in_dim3A_2177 : vector<16xi1>, vector<16xf32>
        %mul3A_2179 = arith.constant 256 : i32
        %mul3A_2180 = vector.broadcast %mul3A_2179 : i32 to vector<16xi32>
        %mul3A_2181 = arith.muli %convert_element_type3A_2152, %mul3A_2180 : vector<16xi32>
        %add3A_2182 = arith.addi %mul3A_2181, %convert_element_type3A_2151 : vector<16xi32>
        %swap3A_2183 = arith.constant 1 : i32
        %swap3A_2184 = arith.index_cast %swap3A_2183 : i32 to index
        %swap3A_2185 = arith.constant 0 : index
        %swap3A_2186 = tpu.vector_load %arg12[%swap3A_2184, %swap3A_2185] {strides = array<i32>} : memref<6x128xi32, #tpu.memory_space<vmem>>, vector<16xi32>,
        tpu.vector_store %arg12[%swap3A_2184, %swap3A_2185], %add3A_2182 {strides = array<i32>} : memref<6x128xi32, #tpu.memory_space<vmem>>, vector<16xi32>,
        %add3A_2187 = arith.addi %add3A_2182, %select_n3A_2167 : vector<16xi32>
        %swap3A_2188 = arith.constant 1 : i32
        %swap3A_2189 = arith.index_cast %swap3A_2188 : i32 to index
        %swap3A_2190 = arith.constant 32 : index
        %swap3A_2191 = tpu.vector_load %arg12[%swap3A_2189, %swap3A_2190] {strides = array<i32>} : memref<6x128xi32, #tpu.memory_space<vmem>>, vector<16xi32>,
        tpu.vector_store %arg12[%swap3A_2189, %swap3A_2190], %add3A_2187 {strides = array<i32>} : memref<6x128xi32, #tpu.memory_space<vmem>>, vector<16xi32>,
        %add3A_2192 = arith.addi %add3A_2182, %select_n3A_2172 : vector<16xi32>
        %swap3A_2193 = arith.constant 1 : i32
        %swap3A_2194 = arith.index_cast %swap3A_2193 : i32 to index
        %swap3A_2195 = arith.constant 64 : index
        %swap3A_2196 = tpu.vector_load %arg12[%swap3A_2194, %swap3A_2195] {strides = array<i32>} : memref<6x128xi32, #tpu.memory_space<vmem>>, vector<16xi32>,
        tpu.vector_store %arg12[%swap3A_2194, %swap3A_2195], %add3A_2192 {strides = array<i32>} : memref<6x128xi32, #tpu.memory_space<vmem>>, vector<16xi32>,
        %add3A_2197 = arith.addi %add3A_2182, %select_n3A_2167 : vector<16xi32>
        %add3A_2198 = arith.addi %add3A_2197, %select_n3A_2172 : vector<16xi32>
        %swap3A_2199 = arith.constant 1 : i32
        %swap3A_2200 = arith.index_cast %swap3A_2199 : i32 to index
        %swap3A_2201 = arith.constant 96 : index
        %swap3A_2202 = tpu.vector_load %arg12[%swap3A_2200, %swap3A_2201] {strides = array<i32>} : memref<6x128xi32, #tpu.memory_space<vmem>>, vector<16xi32>,
        tpu.vector_store %arg12[%swap3A_2200, %swap3A_2201], %add3A_2198 {strides = array<i32>} : memref<6x128xi32, #tpu.memory_space<vmem>>, vector<16xi32>,
        %sub3A_2203 = arith.constant 1.000000e+00 : f32
        %sub3A_2204 = vector.broadcast %sub3A_2203 : f32 to vector<16xf32>
        %sub3A_2205 = arith.subf %sub3A_2204, %sub3A_2154 : vector<16xf32>
        %sub3A_2206 = arith.constant 1.000000e+00 : f32
        %sub3A_2207 = vector.broadcast %sub3A_2206 : f32 to vector<16xf32>
        %sub3A_2208 = arith.subf %sub3A_2207, %sub3A_2156 : vector<16xf32>
        %mul3A_2209 = arith.mulf %sub3A_2205, %sub3A_2208 : vector<16xf32>
        %swap3A_2210 = arith.constant 4 : i32
        %swap3A_2211 = arith.index_cast %swap3A_2210 : i32 to index
        %swap3A_2212 = arith.constant 0 : index
        %swap3A_2213 = tpu.vector_load %arg13[%swap3A_2211, %swap3A_2212] {strides = array<i32>} : memref<24x32xf32, #tpu.memory_space<vmem>>, vector<16xf32>,
        tpu.vector_store %arg13[%swap3A_2211, %swap3A_2212], %mul3A_2209 {strides = array<i32>} : memref<24x32xf32, #tpu.memory_space<vmem>>, vector<16xf32>,
        %sub3A_2214 = arith.constant 1.000000e+00 : f32
        %sub3A_2215 = vector.broadcast %sub3A_2214 : f32 to vector<16xf32>
        %sub3A_2216 = arith.subf %sub3A_2215, %sub3A_2156 : vector<16xf32>
        %mul3A_2217 = arith.mulf %select_n3A_2175, %sub3A_2216 : vector<16xf32>
        %swap3A_2218 = arith.constant 5 : i32
        %swap3A_2219 = arith.index_cast %swap3A_2218 : i32 to index
        %swap3A_2220 = arith.constant 0 : index
        %swap3A_2221 = tpu.vector_load %arg13[%swap3A_2219, %swap3A_2220] {strides = array<i32>} : memref<24x32xf32, #tpu.memory_space<vmem>>, vector<16xf32>,
        tpu.vector_store %arg13[%swap3A_2219, %swap3A_2220], %mul3A_2217 {strides = array<i32>} : memref<24x32xf32, #tpu.memory_space<vmem>>, vector<16xf32>,
        %sub3A_2222 = arith.constant 1.000000e+00 : f32
        %sub3A_2223 = vector.broadcast %sub3A_2222 : f32 to vector<16xf32>
        %sub3A_2224 = arith.subf %sub3A_2223, %sub3A_2154 : vector<16xf32>
        %mul3A_2225 = arith.mulf %sub3A_2224, %select_n3A_2178 : vector<16xf32>
        %swap3A_2226 = arith.constant 6 : i32
        %swap3A_2227 = arith.index_cast %swap3A_2226 : i32 to index
        %swap3A_2228 = arith.constant 0 : index
        %swap3A_2229 = tpu.vector_load %arg13[%swap3A_2227, %swap3A_2228] {strides = array<i32>} : memref<24x32xf32, #tpu.memory_space<vmem>>, vector<16xf32>,
        tpu.vector_store %arg13[%swap3A_2227, %swap3A_2228], %mul3A_2225 {strides = array<i32>} : memref<24x32xf32, #tpu.memory_space<vmem>>, vector<16xf32>,
        %mul3A_2230 = arith.mulf %select_n3A_2175, %select_n3A_2178 : vector<16xf32>
        %swap3A_2231 = arith.constant 7 : i32
        %swap3A_2232 = arith.index_cast %swap3A_2231 : i32 to index
        %swap3A_2233 = arith.constant 0 : index
        %swap3A_2234 = tpu.vector_load %arg13[%swap3A_2232, %swap3A_2233] {strides = array<i32>} : memref<24x32xf32, #tpu.memory_space<vmem>>, vector<16xf32>,
        tpu.vector_store %arg13[%swap3A_2232, %swap3A_2233], %mul3A_2230 {strides = array<i32>} : memref<24x32xf32, #tpu.memory_space<vmem>>, vector<16xf32>,
        %convert_element_type3A_2235 = arith.fptosi %mul3A_2066 : vector<16xf32> to vector<16xi32>
        %convert_element_type3A_2236 = arith.fptosi %mul3A_2044 : vector<16xf32> to vector<16xi32>
        %convert_element_type3A_2237 = arith.sitofp %convert_element_type3A_2235 : vector<16xi32> to vector<16xf32>
        %sub3A_2238 = arith.subf %mul3A_2066, %convert_element_type3A_2237 : vector<16xf32>
        %convert_element_type3A_2239 = arith.sitofp %convert_element_type3A_2236 : vector<16xi32> to vector<16xf32>
        %sub3A_2240 = arith.subf %mul3A_2044, %convert_element_type3A_2239 : vector<16xf32>
        %lt3A_2241 = arith.constant 255 : i32
        %lt3A_2242 = vector.broadcast %lt3A_2241 : i32 to vector<16xi32>
        %lt3A_2243 = arith.cmpi slt, %convert_element_type3A_2235, %lt3A_2242 : vector<16xi32>
        %lt3A_2244 = arith.constant 255 : i32
        %lt3A_2245 = vector.broadcast %lt3A_2244 : i32 to vector<16xi32>
        %lt3A_2246 = arith.cmpi slt, %convert_element_type3A_2236, %lt3A_2245 : vector<16xi32>
        %jit3A_2247 = arith.constant 1 : i32
        %jit3A_2248 = arith.constant 0 : i32
        %broadcast_in_dim3A_2249 = vector.broadcast %jit3A_2247 : i32 to vector<16xi32>
        %broadcast_in_dim3A_2250 = vector.broadcast %jit3A_2248 : i32 to vector<16xi32>
        %select_n3A_2251 = arith.select %lt3A_2243, %broadcast_in_dim3A_2249, %broadcast_in_dim3A_2250 : vector<16xi1>, vector<16xi32>
        %jit3A_2252 = arith.constant 256 : i32
        %jit3A_2253 = arith.constant 0 : i32
        %broadcast_in_dim3A_2254 = vector.broadcast %jit3A_2252 : i32 to vector<16xi32>
        %broadcast_in_dim3A_2255 = vector.broadcast %jit3A_2253 : i32 to vector<16xi32>
        %select_n3A_2256 = arith.select %lt3A_2246, %broadcast_in_dim3A_2254, %broadcast_in_dim3A_2255 : vector<16xi1>, vector<16xi32>
        %jit3A_2257 = arith.constant 0.000000e+00 : f32
        %broadcast_in_dim3A_2258 = vector.broadcast %jit3A_2257 : f32 to vector<16xf32>
        %select_n3A_2259 = arith.select %lt3A_2243, %sub3A_2238, %broadcast_in_dim3A_2258 : vector<16xi1>, vector<16xf32>
        %jit3A_2260 = arith.constant 0.000000e+00 : f32
        %broadcast_in_dim3A_2261 = vector.broadcast %jit3A_2260 : f32 to vector<16xf32>
        %select_n3A_2262 = arith.select %lt3A_2246, %sub3A_2240, %broadcast_in_dim3A_2261 : vector<16xi1>, vector<16xf32>
        %mul3A_2263 = arith.constant 256 : i32
        %mul3A_2264 = vector.broadcast %mul3A_2263 : i32 to vector<16xi32>
        %mul3A_2265 = arith.muli %convert_element_type3A_2236, %mul3A_2264 : vector<16xi32>
        %add3A_2266 = arith.addi %mul3A_2265, %convert_element_type3A_2235 : vector<16xi32>
        %swap3A_2267 = arith.constant 2 : i32
        %swap3A_2268 = arith.index_cast %swap3A_2267 : i32 to index
        %swap3A_2269 = arith.constant 0 : index
        %swap3A_2270 = tpu.vector_load %arg12[%swap3A_2268, %swap3A_2269] {strides = array<i32>} : memref<6x128xi32, #tpu.memory_space<vmem>>, vector<16xi32>,
        tpu.vector_store %arg12[%swap3A_2268, %swap3A_2269], %add3A_2266 {strides = array<i32>} : memref<6x128xi32, #tpu.memory_space<vmem>>, vector<16xi32>,
        %add3A_2271 = arith.addi %add3A_2266, %select_n3A_2251 : vector<16xi32>
        %swap3A_2272 = arith.constant 2 : i32
        %swap3A_2273 = arith.index_cast %swap3A_2272 : i32 to index
        %swap3A_2274 = arith.constant 32 : index
        %swap3A_2275 = tpu.vector_load %arg12[%swap3A_2273, %swap3A_2274] {strides = array<i32>} : memref<6x128xi32, #tpu.memory_space<vmem>>, vector<16xi32>,
        tpu.vector_store %arg12[%swap3A_2273, %swap3A_2274], %add3A_2271 {strides = array<i32>} : memref<6x128xi32, #tpu.memory_space<vmem>>, vector<16xi32>,
        %add3A_2276 = arith.addi %add3A_2266, %select_n3A_2256 : vector<16xi32>
        %swap3A_2277 = arith.constant 2 : i32
        %swap3A_2278 = arith.index_cast %swap3A_2277 : i32 to index
        %swap3A_2279 = arith.constant 64 : index
        %swap3A_2280 = tpu.vector_load %arg12[%swap3A_2278, %swap3A_2279] {strides = array<i32>} : memref<6x128xi32, #tpu.memory_space<vmem>>, vector<16xi32>,
        tpu.vector_store %arg12[%swap3A_2278, %swap3A_2279], %add3A_2276 {strides = array<i32>} : memref<6x128xi32, #tpu.memory_space<vmem>>, vector<16xi32>,
        %add3A_2281 = arith.addi %add3A_2266, %select_n3A_2251 : vector<16xi32>
        %add3A_2282 = arith.addi %add3A_2281, %select_n3A_2256 : vector<16xi32>
        %swap3A_2283 = arith.constant 2 : i32
        %swap3A_2284 = arith.index_cast %swap3A_2283 : i32 to index
        %swap3A_2285 = arith.constant 96 : index
        %swap3A_2286 = tpu.vector_load %arg12[%swap3A_2284, %swap3A_2285] {strides = array<i32>} : memref<6x128xi32, #tpu.memory_space<vmem>>, vector<16xi32>,
        tpu.vector_store %arg12[%swap3A_2284, %swap3A_2285], %add3A_2282 {strides = array<i32>} : memref<6x128xi32, #tpu.memory_space<vmem>>, vector<16xi32>,
        %sub3A_2287 = arith.constant 1.000000e+00 : f32
        %sub3A_2288 = vector.broadcast %sub3A_2287 : f32 to vector<16xf32>
        %sub3A_2289 = arith.subf %sub3A_2288, %sub3A_2238 : vector<16xf32>
        %sub3A_2290 = arith.constant 1.000000e+00 : f32
        %sub3A_2291 = vector.broadcast %sub3A_2290 : f32 to vector<16xf32>
        %sub3A_2292 = arith.subf %sub3A_2291, %sub3A_2240 : vector<16xf32>
        %mul3A_2293 = arith.mulf %sub3A_2289, %sub3A_2292 : vector<16xf32>
        %swap3A_2294 = arith.constant 8 : i32
        %swap3A_2295 = arith.index_cast %swap3A_2294 : i32 to index
        %swap3A_2296 = arith.constant 0 : index
        %swap3A_2297 = tpu.vector_load %arg13[%swap3A_2295, %swap3A_2296] {strides = array<i32>} : memref<24x32xf32, #tpu.memory_space<vmem>>, vector<16xf32>,
        tpu.vector_store %arg13[%swap3A_2295, %swap3A_2296], %mul3A_2293 {strides = array<i32>} : memref<24x32xf32, #tpu.memory_space<vmem>>, vector<16xf32>,
        %sub3A_2298 = arith.constant 1.000000e+00 : f32
        %sub3A_2299 = vector.broadcast %sub3A_2298 : f32 to vector<16xf32>
        %sub3A_2300 = arith.subf %sub3A_2299, %sub3A_2240 : vector<16xf32>
        %mul3A_2301 = arith.mulf %select_n3A_2259, %sub3A_2300 : vector<16xf32>
        %swap3A_2302 = arith.constant 9 : i32
        %swap3A_2303 = arith.index_cast %swap3A_2302 : i32 to index
        %swap3A_2304 = arith.constant 0 : index
        %swap3A_2305 = tpu.vector_load %arg13[%swap3A_2303, %swap3A_2304] {strides = array<i32>} : memref<24x32xf32, #tpu.memory_space<vmem>>, vector<16xf32>,
        tpu.vector_store %arg13[%swap3A_2303, %swap3A_2304], %mul3A_2301 {strides = array<i32>} : memref<24x32xf32, #tpu.memory_space<vmem>>, vector<16xf32>,
        %sub3A_2306 = arith.constant 1.000000e+00 : f32
        %sub3A_2307 = vector.broadcast %sub3A_2306 : f32 to vector<16xf32>
        %sub3A_2308 = arith.subf %sub3A_2307, %sub3A_2238 : vector<16xf32>
        %mul3A_2309 = arith.mulf %sub3A_2308, %select_n3A_2262 : vector<16xf32>
        %swap3A_2310 = arith.constant 10 : i32
        %swap3A_2311 = arith.index_cast %swap3A_2310 : i32 to index
        %swap3A_2312 = arith.constant 0 : index
        %swap3A_2313 = tpu.vector_load %arg13[%swap3A_2311, %swap3A_2312] {strides = array<i32>} : memref<24x32xf32, #tpu.memory_space<vmem>>, vector<16xf32>,
        tpu.vector_store %arg13[%swap3A_2311, %swap3A_2312], %mul3A_2309 {strides = array<i32>} : memref<24x32xf32, #tpu.memory_space<vmem>>, vector<16xf32>,
        %mul3A_2314 = arith.mulf %select_n3A_2259, %select_n3A_2262 : vector<16xf32>
        %swap3A_2315 = arith.constant 11 : i32
        %swap3A_2316 = arith.index_cast %swap3A_2315 : i32 to index
        %swap3A_2317 = arith.constant 0 : index
        %swap3A_2318 = tpu.vector_load %arg13[%swap3A_2316, %swap3A_2317] {strides = array<i32>} : memref<24x32xf32, #tpu.memory_space<vmem>>, vector<16xf32>,
        tpu.vector_store %arg13[%swap3A_2316, %swap3A_2317], %mul3A_2314 {strides = array<i32>} : memref<24x32xf32, #tpu.memory_space<vmem>>, vector<16xf32>,
        %mul3A_2319 = arith.constant 32 : i32
        %mul3A_2320 = arith.muli %add3A_2029, %mul3A_2319 : i32
        %add3A_2321 = arith.constant 16 : i32
        %add3A_2322 = arith.addi %mul3A_2320, %add3A_2321 : i32
        %get3A_2323 = arith.index_cast %add3A_2322 : i32 to index
        %get3A_2324 = tpu.vector_load %arg9[%get3A_2323] {strides = array<i32>} : memref<3200xf32, #tpu.memory_space<vmem>>, vector<16xf32>,
        %jit3A_2325 = arith.constant 0.000000e+00 : f32
        %jit3A_2326 = arith.constant 0.999998986 : f32
        %max3A_2327 = vector.broadcast %jit3A_2325 : f32 to vector<16xf32>
        %max3A_2328 = arith.maximumf %max3A_2327, %get3A_2324 : vector<16xf32>
        %min3A_2329 = vector.broadcast %jit3A_2326 : f32 to vector<16xf32>
        %min3A_2330 = arith.minimumf %min3A_2329, %max3A_2328 : vector<16xf32>
        %mul3A_2331 = arith.constant 2.560000e+02 : f32
        %mul3A_2332 = vector.broadcast %mul3A_2331 : f32 to vector<16xf32>
        %mul3A_2333 = arith.mulf %min3A_2330, %mul3A_2332 : vector<16xf32>
        %get3A_2334 = arith.index_cast %add3A_2322 : i32 to index
        %get3A_2335 = tpu.vector_load %arg10[%get3A_2334] {strides = array<i32>} : memref<3200xf32, #tpu.memory_space<vmem>>, vector<16xf32>,
        %jit3A_2336 = arith.constant 0.000000e+00 : f32
        %jit3A_2337 = arith.constant 0.999998986 : f32
        %max3A_2338 = vector.broadcast %jit3A_2336 : f32 to vector<16xf32>
        %max3A_2339 = arith.maximumf %max3A_2338, %get3A_2335 : vector<16xf32>
        %min3A_2340 = vector.broadcast %jit3A_2337 : f32 to vector<16xf32>
        %min3A_2341 = arith.minimumf %min3A_2340, %max3A_2339 : vector<16xf32>
        %mul3A_2342 = arith.constant 2.560000e+02 : f32
        %mul3A_2343 = vector.broadcast %mul3A_2342 : f32 to vector<16xf32>
        %mul3A_2344 = arith.mulf %min3A_2341, %mul3A_2343 : vector<16xf32>
        %get3A_2345 = arith.index_cast %add3A_2322 : i32 to index
        %get3A_2346 = tpu.vector_load %arg11[%get3A_2345] {strides = array<i32>} : memref<3200xf32, #tpu.memory_space<vmem>>, vector<16xf32>,
        %jit3A_2347 = arith.constant 0.000000e+00 : f32
        %jit3A_2348 = arith.constant 0.999998986 : f32
        %max3A_2349 = vector.broadcast %jit3A_2347 : f32 to vector<16xf32>
        %max3A_2350 = arith.maximumf %max3A_2349, %get3A_2346 : vector<16xf32>
        %min3A_2351 = vector.broadcast %jit3A_2348 : f32 to vector<16xf32>
        %min3A_2352 = arith.minimumf %min3A_2351, %max3A_2350 : vector<16xf32>
        %mul3A_2353 = arith.constant 2.560000e+02 : f32
        %mul3A_2354 = vector.broadcast %mul3A_2353 : f32 to vector<16xf32>
        %mul3A_2355 = arith.mulf %min3A_2352, %mul3A_2354 : vector<16xf32>
        %convert_element_type3A_2356 = arith.fptosi %mul3A_2333 : vector<16xf32> to vector<16xi32>
        %convert_element_type3A_2357 = arith.fptosi %mul3A_2344 : vector<16xf32> to vector<16xi32>
        %convert_element_type3A_2358 = arith.sitofp %convert_element_type3A_2356 : vector<16xi32> to vector<16xf32>
        %sub3A_2359 = arith.subf %mul3A_2333, %convert_element_type3A_2358 : vector<16xf32>
        %convert_element_type3A_2360 = arith.sitofp %convert_element_type3A_2357 : vector<16xi32> to vector<16xf32>
        %sub3A_2361 = arith.subf %mul3A_2344, %convert_element_type3A_2360 : vector<16xf32>
        %lt3A_2362 = arith.constant 255 : i32
        %lt3A_2363 = vector.broadcast %lt3A_2362 : i32 to vector<16xi32>
        %lt3A_2364 = arith.cmpi slt, %convert_element_type3A_2356, %lt3A_2363 : vector<16xi32>
        %lt3A_2365 = arith.constant 255 : i32
        %lt3A_2366 = vector.broadcast %lt3A_2365 : i32 to vector<16xi32>
        %lt3A_2367 = arith.cmpi slt, %convert_element_type3A_2357, %lt3A_2366 : vector<16xi32>
        %jit3A_2368 = arith.constant 1 : i32
        %jit3A_2369 = arith.constant 0 : i32
        %broadcast_in_dim3A_2370 = vector.broadcast %jit3A_2368 : i32 to vector<16xi32>
        %broadcast_in_dim3A_2371 = vector.broadcast %jit3A_2369 : i32 to vector<16xi32>
        %select_n3A_2372 = arith.select %lt3A_2364, %broadcast_in_dim3A_2370, %broadcast_in_dim3A_2371 : vector<16xi1>, vector<16xi32>
        %jit3A_2373 = arith.constant 256 : i32
        %jit3A_2374 = arith.constant 0 : i32
        %broadcast_in_dim3A_2375 = vector.broadcast %jit3A_2373 : i32 to vector<16xi32>
        %broadcast_in_dim3A_2376 = vector.broadcast %jit3A_2374 : i32 to vector<16xi32>
        %select_n3A_2377 = arith.select %lt3A_2367, %broadcast_in_dim3A_2375, %broadcast_in_dim3A_2376 : vector<16xi1>, vector<16xi32>
        %jit3A_2378 = arith.constant 0.000000e+00 : f32
        %broadcast_in_dim3A_2379 = vector.broadcast %jit3A_2378 : f32 to vector<16xf32>
        %select_n3A_2380 = arith.select %lt3A_2364, %sub3A_2359, %broadcast_in_dim3A_2379 : vector<16xi1>, vector<16xf32>
        %jit3A_2381 = arith.constant 0.000000e+00 : f32
        %broadcast_in_dim3A_2382 = vector.broadcast %jit3A_2381 : f32 to vector<16xf32>
        %select_n3A_2383 = arith.select %lt3A_2367, %sub3A_2361, %broadcast_in_dim3A_2382 : vector<16xi1>, vector<16xf32>
        %mul3A_2384 = arith.constant 256 : i32
        %mul3A_2385 = vector.broadcast %mul3A_2384 : i32 to vector<16xi32>
        %mul3A_2386 = arith.muli %convert_element_type3A_2357, %mul3A_2385 : vector<16xi32>
        %add3A_2387 = arith.addi %mul3A_2386, %convert_element_type3A_2356 : vector<16xi32>
        %swap3A_2388 = arith.constant 0 : i32
        %swap3A_2389 = arith.index_cast %swap3A_2388 : i32 to index
        %swap3A_2390 = arith.constant 16 : index
        %swap3A_2391 = tpu.vector_load %arg12[%swap3A_2389, %swap3A_2390] {strides = array<i32>} : memref<6x128xi32, #tpu.memory_space<vmem>>, vector<16xi32>,
        tpu.vector_store %arg12[%swap3A_2389, %swap3A_2390], %add3A_2387 {strides = array<i32>} : memref<6x128xi32, #tpu.memory_space<vmem>>, vector<16xi32>,
        %add3A_2392 = arith.addi %add3A_2387, %select_n3A_2372 : vector<16xi32>
        %swap3A_2393 = arith.constant 0 : i32
        %swap3A_2394 = arith.index_cast %swap3A_2393 : i32 to index
        %swap3A_2395 = arith.constant 48 : index
        %swap3A_2396 = tpu.vector_load %arg12[%swap3A_2394, %swap3A_2395] {strides = array<i32>} : memref<6x128xi32, #tpu.memory_space<vmem>>, vector<16xi32>,
        tpu.vector_store %arg12[%swap3A_2394, %swap3A_2395], %add3A_2392 {strides = array<i32>} : memref<6x128xi32, #tpu.memory_space<vmem>>, vector<16xi32>,
        %add3A_2397 = arith.addi %add3A_2387, %select_n3A_2377 : vector<16xi32>
        %swap3A_2398 = arith.constant 0 : i32
        %swap3A_2399 = arith.index_cast %swap3A_2398 : i32 to index
        %swap3A_2400 = arith.constant 80 : index
        %swap3A_2401 = tpu.vector_load %arg12[%swap3A_2399, %swap3A_2400] {strides = array<i32>} : memref<6x128xi32, #tpu.memory_space<vmem>>, vector<16xi32>,
        tpu.vector_store %arg12[%swap3A_2399, %swap3A_2400], %add3A_2397 {strides = array<i32>} : memref<6x128xi32, #tpu.memory_space<vmem>>, vector<16xi32>,
        %add3A_2402 = arith.addi %add3A_2387, %select_n3A_2372 : vector<16xi32>
        %add3A_2403 = arith.addi %add3A_2402, %select_n3A_2377 : vector<16xi32>
        %swap3A_2404 = arith.constant 0 : i32
        %swap3A_2405 = arith.index_cast %swap3A_2404 : i32 to index
        %swap3A_2406 = arith.constant 112 : index
        %swap3A_2407 = tpu.vector_load %arg12[%swap3A_2405, %swap3A_2406] {strides = array<i32>} : memref<6x128xi32, #tpu.memory_space<vmem>>, vector<16xi32>,
        tpu.vector_store %arg12[%swap3A_2405, %swap3A_2406], %add3A_2403 {strides = array<i32>} : memref<6x128xi32, #tpu.memory_space<vmem>>, vector<16xi32>,
        %sub3A_2408 = arith.constant 1.000000e+00 : f32
        %sub3A_2409 = vector.broadcast %sub3A_2408 : f32 to vector<16xf32>
        %sub3A_2410 = arith.subf %sub3A_2409, %sub3A_2359 : vector<16xf32>
        %sub3A_2411 = arith.constant 1.000000e+00 : f32
        %sub3A_2412 = vector.broadcast %sub3A_2411 : f32 to vector<16xf32>
        %sub3A_2413 = arith.subf %sub3A_2412, %sub3A_2361 : vector<16xf32>
        %mul3A_2414 = arith.mulf %sub3A_2410, %sub3A_2413 : vector<16xf32>
        %swap3A_2415 = arith.constant 0 : i32
        %swap3A_2416 = arith.index_cast %swap3A_2415 : i32 to index
        %swap3A_2417 = arith.constant 16 : index
        %swap3A_2418 = tpu.vector_load %arg13[%swap3A_2416, %swap3A_2417] {strides = array<i32>} : memref<24x32xf32, #tpu.memory_space<vmem>>, vector<16xf32>,
        tpu.vector_store %arg13[%swap3A_2416, %swap3A_2417], %mul3A_2414 {strides = array<i32>} : memref<24x32xf32, #tpu.memory_space<vmem>>, vector<16xf32>,
        %sub3A_2419 = arith.constant 1.000000e+00 : f32
        %sub3A_2420 = vector.broadcast %sub3A_2419 : f32 to vector<16xf32>
        %sub3A_2421 = arith.subf %sub3A_2420, %sub3A_2361 : vector<16xf32>
        %mul3A_2422 = arith.mulf %select_n3A_2380, %sub3A_2421 : vector<16xf32>
        %swap3A_2423 = arith.constant 1 : i32
        %swap3A_2424 = arith.index_cast %swap3A_2423 : i32 to index
        %swap3A_2425 = arith.constant 16 : index
        %swap3A_2426 = tpu.vector_load %arg13[%swap3A_2424, %swap3A_2425] {strides = array<i32>} : memref<24x32xf32, #tpu.memory_space<vmem>>, vector<16xf32>,
        tpu.vector_store %arg13[%swap3A_2424, %swap3A_2425], %mul3A_2422 {strides = array<i32>} : memref<24x32xf32, #tpu.memory_space<vmem>>, vector<16xf32>,
        %sub3A_2427 = arith.constant 1.000000e+00 : f32
        %sub3A_2428 = vector.broadcast %sub3A_2427 : f32 to vector<16xf32>
        %sub3A_2429 = arith.subf %sub3A_2428, %sub3A_2359 : vector<16xf32>
        %mul3A_2430 = arith.mulf %sub3A_2429, %select_n3A_2383 : vector<16xf32>
        %swap3A_2431 = arith.constant 2 : i32
        %swap3A_2432 = arith.index_cast %swap3A_2431 : i32 to index
        %swap3A_2433 = arith.constant 16 : index
        %swap3A_2434 = tpu.vector_load %arg13[%swap3A_2432, %swap3A_2433] {strides = array<i32>} : memref<24x32xf32, #tpu.memory_space<vmem>>, vector<16xf32>,
        tpu.vector_store %arg13[%swap3A_2432, %swap3A_2433], %mul3A_2430 {strides = array<i32>} : memref<24x32xf32, #tpu.memory_space<vmem>>, vector<16xf32>,
        %mul3A_2435 = arith.mulf %select_n3A_2380, %select_n3A_2383 : vector<16xf32>
        %swap3A_2436 = arith.constant 3 : i32
        %swap3A_2437 = arith.index_cast %swap3A_2436 : i32 to index
        %swap3A_2438 = arith.constant 16 : index
        %swap3A_2439 = tpu.vector_load %arg13[%swap3A_2437, %swap3A_2438] {strides = array<i32>} : memref<24x32xf32, #tpu.memory_space<vmem>>, vector<16xf32>,
        tpu.vector_store %arg13[%swap3A_2437, %swap3A_2438], %mul3A_2435 {strides = array<i32>} : memref<24x32xf32, #tpu.memory_space<vmem>>, vector<16xf32>,
        %convert_element_type3A_2440 = arith.fptosi %mul3A_2344 : vector<16xf32> to vector<16xi32>
        %convert_element_type3A_2441 = arith.fptosi %mul3A_2355 : vector<16xf32> to vector<16xi32>
        %convert_element_type3A_2442 = arith.sitofp %convert_element_type3A_2440 : vector<16xi32> to vector<16xf32>
        %sub3A_2443 = arith.subf %mul3A_2344, %convert_element_type3A_2442 : vector<16xf32>
        %convert_element_type3A_2444 = arith.sitofp %convert_element_type3A_2441 : vector<16xi32> to vector<16xf32>
        %sub3A_2445 = arith.subf %mul3A_2355, %convert_element_type3A_2444 : vector<16xf32>
        %lt3A_2446 = arith.constant 255 : i32
        %lt3A_2447 = vector.broadcast %lt3A_2446 : i32 to vector<16xi32>
        %lt3A_2448 = arith.cmpi slt, %convert_element_type3A_2440, %lt3A_2447 : vector<16xi32>
        %lt3A_2449 = arith.constant 255 : i32
        %lt3A_2450 = vector.broadcast %lt3A_2449 : i32 to vector<16xi32>
        %lt3A_2451 = arith.cmpi slt, %convert_element_type3A_2441, %lt3A_2450 : vector<16xi32>
        %jit3A_2452 = arith.constant 1 : i32
        %jit3A_2453 = arith.constant 0 : i32
        %broadcast_in_dim3A_2454 = vector.broadcast %jit3A_2452 : i32 to vector<16xi32>
        %broadcast_in_dim3A_2455 = vector.broadcast %jit3A_2453 : i32 to vector<16xi32>
        %select_n3A_2456 = arith.select %lt3A_2448, %broadcast_in_dim3A_2454, %broadcast_in_dim3A_2455 : vector<16xi1>, vector<16xi32>
        %jit3A_2457 = arith.constant 256 : i32
        %jit3A_2458 = arith.constant 0 : i32
        %broadcast_in_dim3A_2459 = vector.broadcast %jit3A_2457 : i32 to vector<16xi32>
        %broadcast_in_dim3A_2460 = vector.broadcast %jit3A_2458 : i32 to vector<16xi32>
        %select_n3A_2461 = arith.select %lt3A_2451, %broadcast_in_dim3A_2459, %broadcast_in_dim3A_2460 : vector<16xi1>, vector<16xi32>
        %jit3A_2462 = arith.constant 0.000000e+00 : f32
        %broadcast_in_dim3A_2463 = vector.broadcast %jit3A_2462 : f32 to vector<16xf32>
        %select_n3A_2464 = arith.select %lt3A_2448, %sub3A_2443, %broadcast_in_dim3A_2463 : vector<16xi1>, vector<16xf32>
        %jit3A_2465 = arith.constant 0.000000e+00 : f32
        %broadcast_in_dim3A_2466 = vector.broadcast %jit3A_2465 : f32 to vector<16xf32>
        %select_n3A_2467 = arith.select %lt3A_2451, %sub3A_2445, %broadcast_in_dim3A_2466 : vector<16xi1>, vector<16xf32>
        %mul3A_2468 = arith.constant 256 : i32
        %mul3A_2469 = vector.broadcast %mul3A_2468 : i32 to vector<16xi32>
        %mul3A_2470 = arith.muli %convert_element_type3A_2441, %mul3A_2469 : vector<16xi32>
        %add3A_2471 = arith.addi %mul3A_2470, %convert_element_type3A_2440 : vector<16xi32>
        %swap3A_2472 = arith.constant 1 : i32
        %swap3A_2473 = arith.index_cast %swap3A_2472 : i32 to index
        %swap3A_2474 = arith.constant 16 : index
        %swap3A_2475 = tpu.vector_load %arg12[%swap3A_2473, %swap3A_2474] {strides = array<i32>} : memref<6x128xi32, #tpu.memory_space<vmem>>, vector<16xi32>,
        tpu.vector_store %arg12[%swap3A_2473, %swap3A_2474], %add3A_2471 {strides = array<i32>} : memref<6x128xi32, #tpu.memory_space<vmem>>, vector<16xi32>,
        %add3A_2476 = arith.addi %add3A_2471, %select_n3A_2456 : vector<16xi32>
        %swap3A_2477 = arith.constant 1 : i32
        %swap3A_2478 = arith.index_cast %swap3A_2477 : i32 to index
        %swap3A_2479 = arith.constant 48 : index
        %swap3A_2480 = tpu.vector_load %arg12[%swap3A_2478, %swap3A_2479] {strides = array<i32>} : memref<6x128xi32, #tpu.memory_space<vmem>>, vector<16xi32>,
        tpu.vector_store %arg12[%swap3A_2478, %swap3A_2479], %add3A_2476 {strides = array<i32>} : memref<6x128xi32, #tpu.memory_space<vmem>>, vector<16xi32>,
        %add3A_2481 = arith.addi %add3A_2471, %select_n3A_2461 : vector<16xi32>
        %swap3A_2482 = arith.constant 1 : i32
        %swap3A_2483 = arith.index_cast %swap3A_2482 : i32 to index
        %swap3A_2484 = arith.constant 80 : index
        %swap3A_2485 = tpu.vector_load %arg12[%swap3A_2483, %swap3A_2484] {strides = array<i32>} : memref<6x128xi32, #tpu.memory_space<vmem>>, vector<16xi32>,
        tpu.vector_store %arg12[%swap3A_2483, %swap3A_2484], %add3A_2481 {strides = array<i32>} : memref<6x128xi32, #tpu.memory_space<vmem>>, vector<16xi32>,
        %add3A_2486 = arith.addi %add3A_2471, %select_n3A_2456 : vector<16xi32>
        %add3A_2487 = arith.addi %add3A_2486, %select_n3A_2461 : vector<16xi32>
        %swap3A_2488 = arith.constant 1 : i32
        %swap3A_2489 = arith.index_cast %swap3A_2488 : i32 to index
        %swap3A_2490 = arith.constant 112 : index
        %swap3A_2491 = tpu.vector_load %arg12[%swap3A_2489, %swap3A_2490] {strides = array<i32>} : memref<6x128xi32, #tpu.memory_space<vmem>>, vector<16xi32>,
        tpu.vector_store %arg12[%swap3A_2489, %swap3A_2490], %add3A_2487 {strides = array<i32>} : memref<6x128xi32, #tpu.memory_space<vmem>>, vector<16xi32>,
        %sub3A_2492 = arith.constant 1.000000e+00 : f32
        %sub3A_2493 = vector.broadcast %sub3A_2492 : f32 to vector<16xf32>
        %sub3A_2494 = arith.subf %sub3A_2493, %sub3A_2443 : vector<16xf32>
        %sub3A_2495 = arith.constant 1.000000e+00 : f32
        %sub3A_2496 = vector.broadcast %sub3A_2495 : f32 to vector<16xf32>
        %sub3A_2497 = arith.subf %sub3A_2496, %sub3A_2445 : vector<16xf32>
        %mul3A_2498 = arith.mulf %sub3A_2494, %sub3A_2497 : vector<16xf32>
        %swap3A_2499 = arith.constant 4 : i32
        %swap3A_2500 = arith.index_cast %swap3A_2499 : i32 to index
        %swap3A_2501 = arith.constant 16 : index
        %swap3A_2502 = tpu.vector_load %arg13[%swap3A_2500, %swap3A_2501] {strides = array<i32>} : memref<24x32xf32, #tpu.memory_space<vmem>>, vector<16xf32>,
        tpu.vector_store %arg13[%swap3A_2500, %swap3A_2501], %mul3A_2498 {strides = array<i32>} : memref<24x32xf32, #tpu.memory_space<vmem>>, vector<16xf32>,
        %sub3A_2503 = arith.constant 1.000000e+00 : f32
        %sub3A_2504 = vector.broadcast %sub3A_2503 : f32 to vector<16xf32>
        %sub3A_2505 = arith.subf %sub3A_2504, %sub3A_2445 : vector<16xf32>
        %mul3A_2506 = arith.mulf %select_n3A_2464, %sub3A_2505 : vector<16xf32>
        %swap3A_2507 = arith.constant 5 : i32
        %swap3A_2508 = arith.index_cast %swap3A_2507 : i32 to index
        %swap3A_2509 = arith.constant 16 : index
        %swap3A_2510 = tpu.vector_load %arg13[%swap3A_2508, %swap3A_2509] {strides = array<i32>} : memref<24x32xf32, #tpu.memory_space<vmem>>, vector<16xf32>,
        tpu.vector_store %arg13[%swap3A_2508, %swap3A_2509], %mul3A_2506 {strides = array<i32>} : memref<24x32xf32, #tpu.memory_space<vmem>>, vector<16xf32>,
        %sub3A_2511 = arith.constant 1.000000e+00 : f32
        %sub3A_2512 = vector.broadcast %sub3A_2511 : f32 to vector<16xf32>
        %sub3A_2513 = arith.subf %sub3A_2512, %sub3A_2443 : vector<16xf32>
        %mul3A_2514 = arith.mulf %sub3A_2513, %select_n3A_2467 : vector<16xf32>
        %swap3A_2515 = arith.constant 6 : i32
        %swap3A_2516 = arith.index_cast %swap3A_2515 : i32 to index
        %swap3A_2517 = arith.constant 16 : index
        %swap3A_2518 = tpu.vector_load %arg13[%swap3A_2516, %swap3A_2517] {strides = array<i32>} : memref<24x32xf32, #tpu.memory_space<vmem>>, vector<16xf32>,
        tpu.vector_store %arg13[%swap3A_2516, %swap3A_2517], %mul3A_2514 {strides = array<i32>} : memref<24x32xf32, #tpu.memory_space<vmem>>, vector<16xf32>,
        %mul3A_2519 = arith.mulf %select_n3A_2464, %select_n3A_2467 : vector<16xf32>
        %swap3A_2520 = arith.constant 7 : i32
        %swap3A_2521 = arith.index_cast %swap3A_2520 : i32 to index
        %swap3A_2522 = arith.constant 16 : index
        %swap3A_2523 = tpu.vector_load %arg13[%swap3A_2521, %swap3A_2522] {strides = array<i32>} : memref<24x32xf32, #tpu.memory_space<vmem>>, vector<16xf32>,
        tpu.vector_store %arg13[%swap3A_2521, %swap3A_2522], %mul3A_2519 {strides = array<i32>} : memref<24x32xf32, #tpu.memory_space<vmem>>, vector<16xf32>,
        %convert_element_type3A_2524 = arith.fptosi %mul3A_2355 : vector<16xf32> to vector<16xi32>
        %convert_element_type3A_2525 = arith.fptosi %mul3A_2333 : vector<16xf32> to vector<16xi32>
        %convert_element_type3A_2526 = arith.sitofp %convert_element_type3A_2524 : vector<16xi32> to vector<16xf32>
        %sub3A_2527 = arith.subf %mul3A_2355, %convert_element_type3A_2526 : vector<16xf32>
        %convert_element_type3A_2528 = arith.sitofp %convert_element_type3A_2525 : vector<16xi32> to vector<16xf32>
        %sub3A_2529 = arith.subf %mul3A_2333, %convert_element_type3A_2528 : vector<16xf32>
        %lt3A_2530 = arith.constant 255 : i32
        %lt3A_2531 = vector.broadcast %lt3A_2530 : i32 to vector<16xi32>
        %lt3A_2532 = arith.cmpi slt, %convert_element_type3A_2524, %lt3A_2531 : vector<16xi32>
        %lt3A_2533 = arith.constant 255 : i32
        %lt3A_2534 = vector.broadcast %lt3A_2533 : i32 to vector<16xi32>
        %lt3A_2535 = arith.cmpi slt, %convert_element_type3A_2525, %lt3A_2534 : vector<16xi32>
        %jit3A_2536 = arith.constant 1 : i32
        %jit3A_2537 = arith.constant 0 : i32
        %broadcast_in_dim3A_2538 = vector.broadcast %jit3A_2536 : i32 to vector<16xi32>
        %broadcast_in_dim3A_2539 = vector.broadcast %jit3A_2537 : i32 to vector<16xi32>
        %select_n3A_2540 = arith.select %lt3A_2532, %broadcast_in_dim3A_2538, %broadcast_in_dim3A_2539 : vector<16xi1>, vector<16xi32>
        %jit3A_2541 = arith.constant 256 : i32
        %jit3A_2542 = arith.constant 0 : i32
        %broadcast_in_dim3A_2543 = vector.broadcast %jit3A_2541 : i32 to vector<16xi32>
        %broadcast_in_dim3A_2544 = vector.broadcast %jit3A_2542 : i32 to vector<16xi32>
        %select_n3A_2545 = arith.select %lt3A_2535, %broadcast_in_dim3A_2543, %broadcast_in_dim3A_2544 : vector<16xi1>, vector<16xi32>
        %jit3A_2546 = arith.constant 0.000000e+00 : f32
        %broadcast_in_dim3A_2547 = vector.broadcast %jit3A_2546 : f32 to vector<16xf32>
        %select_n3A_2548 = arith.select %lt3A_2532, %sub3A_2527, %broadcast_in_dim3A_2547 : vector<16xi1>, vector<16xf32>
        %jit3A_2549 = arith.constant 0.000000e+00 : f32
        %broadcast_in_dim3A_2550 = vector.broadcast %jit3A_2549 : f32 to vector<16xf32>
        %select_n3A_2551 = arith.select %lt3A_2535, %sub3A_2529, %broadcast_in_dim3A_2550 : vector<16xi1>, vector<16xf32>
        %mul3A_2552 = arith.constant 256 : i32
        %mul3A_2553 = vector.broadcast %mul3A_2552 : i32 to vector<16xi32>
        %mul3A_2554 = arith.muli %convert_element_type3A_2525, %mul3A_2553 : vector<16xi32>
        %add3A_2555 = arith.addi %mul3A_2554, %convert_element_type3A_2524 : vector<16xi32>
        %swap3A_2556 = arith.constant 2 : i32
        %swap3A_2557 = arith.index_cast %swap3A_2556 : i32 to index
        %swap3A_2558 = arith.constant 16 : index
        %swap3A_2559 = tpu.vector_load %arg12[%swap3A_2557, %swap3A_2558] {strides = array<i32>} : memref<6x128xi32, #tpu.memory_space<vmem>>, vector<16xi32>,
        tpu.vector_store %arg12[%swap3A_2557, %swap3A_2558], %add3A_2555 {strides = array<i32>} : memref<6x128xi32, #tpu.memory_space<vmem>>, vector<16xi32>,
        %add3A_2560 = arith.addi %add3A_2555, %select_n3A_2540 : vector<16xi32>
        %swap3A_2561 = arith.constant 2 : i32
        %swap3A_2562 = arith.index_cast %swap3A_2561 : i32 to index
        %swap3A_2563 = arith.constant 48 : index
        %swap3A_2564 = tpu.vector_load %arg12[%swap3A_2562, %swap3A_2563] {strides = array<i32>} : memref<6x128xi32, #tpu.memory_space<vmem>>, vector<16xi32>,
        tpu.vector_store %arg12[%swap3A_2562, %swap3A_2563], %add3A_2560 {strides = array<i32>} : memref<6x128xi32, #tpu.memory_space<vmem>>, vector<16xi32>,
        %add3A_2565 = arith.addi %add3A_2555, %select_n3A_2545 : vector<16xi32>
        %swap3A_2566 = arith.constant 2 : i32
        %swap3A_2567 = arith.index_cast %swap3A_2566 : i32 to index
        %swap3A_2568 = arith.constant 80 : index
        %swap3A_2569 = tpu.vector_load %arg12[%swap3A_2567, %swap3A_2568] {strides = array<i32>} : memref<6x128xi32, #tpu.memory_space<vmem>>, vector<16xi32>,
        tpu.vector_store %arg12[%swap3A_2567, %swap3A_2568], %add3A_2565 {strides = array<i32>} : memref<6x128xi32, #tpu.memory_space<vmem>>, vector<16xi32>,
        %add3A_2570 = arith.addi %add3A_2555, %select_n3A_2540 : vector<16xi32>
        %add3A_2571 = arith.addi %add3A_2570, %select_n3A_2545 : vector<16xi32>
        %swap3A_2572 = arith.constant 2 : i32
        %swap3A_2573 = arith.index_cast %swap3A_2572 : i32 to index
        %swap3A_2574 = arith.constant 112 : index
        %swap3A_2575 = tpu.vector_load %arg12[%swap3A_2573, %swap3A_2574] {strides = array<i32>} : memref<6x128xi32, #tpu.memory_space<vmem>>, vector<16xi32>,
        tpu.vector_store %arg12[%swap3A_2573, %swap3A_2574], %add3A_2571 {strides = array<i32>} : memref<6x128xi32, #tpu.memory_space<vmem>>, vector<16xi32>,
        %sub3A_2576 = arith.constant 1.000000e+00 : f32
        %sub3A_2577 = vector.broadcast %sub3A_2576 : f32 to vector<16xf32>
        %sub3A_2578 = arith.subf %sub3A_2577, %sub3A_2527 : vector<16xf32>
        %sub3A_2579 = arith.constant 1.000000e+00 : f32
        %sub3A_2580 = vector.broadcast %sub3A_2579 : f32 to vector<16xf32>
        %sub3A_2581 = arith.subf %sub3A_2580, %sub3A_2529 : vector<16xf32>
        %mul3A_2582 = arith.mulf %sub3A_2578, %sub3A_2581 : vector<16xf32>
        %swap3A_2583 = arith.constant 8 : i32
        %swap3A_2584 = arith.index_cast %swap3A_2583 : i32 to index
        %swap3A_2585 = arith.constant 16 : index
        %swap3A_2586 = tpu.vector_load %arg13[%swap3A_2584, %swap3A_2585] {strides = array<i32>} : memref<24x32xf32, #tpu.memory_space<vmem>>, vector<16xf32>,
        tpu.vector_store %arg13[%swap3A_2584, %swap3A_2585], %mul3A_2582 {strides = array<i32>} : memref<24x32xf32, #tpu.memory_space<vmem>>, vector<16xf32>,
        %sub3A_2587 = arith.constant 1.000000e+00 : f32
        %sub3A_2588 = vector.broadcast %sub3A_2587 : f32 to vector<16xf32>
        %sub3A_2589 = arith.subf %sub3A_2588, %sub3A_2529 : vector<16xf32>
        %mul3A_2590 = arith.mulf %select_n3A_2548, %sub3A_2589 : vector<16xf32>
        %swap3A_2591 = arith.constant 9 : i32
        %swap3A_2592 = arith.index_cast %swap3A_2591 : i32 to index
        %swap3A_2593 = arith.constant 16 : index
        %swap3A_2594 = tpu.vector_load %arg13[%swap3A_2592, %swap3A_2593] {strides = array<i32>} : memref<24x32xf32, #tpu.memory_space<vmem>>, vector<16xf32>,
        tpu.vector_store %arg13[%swap3A_2592, %swap3A_2593], %mul3A_2590 {strides = array<i32>} : memref<24x32xf32, #tpu.memory_space<vmem>>, vector<16xf32>,
        %sub3A_2595 = arith.constant 1.000000e+00 : f32
        %sub3A_2596 = vector.broadcast %sub3A_2595 : f32 to vector<16xf32>
        %sub3A_2597 = arith.subf %sub3A_2596, %sub3A_2527 : vector<16xf32>
        %mul3A_2598 = arith.mulf %sub3A_2597, %select_n3A_2551 : vector<16xf32>
        %swap3A_2599 = arith.constant 10 : i32
        %swap3A_2600 = arith.index_cast %swap3A_2599 : i32 to index
        %swap3A_2601 = arith.constant 16 : index
        %swap3A_2602 = tpu.vector_load %arg13[%swap3A_2600, %swap3A_2601] {strides = array<i32>} : memref<24x32xf32, #tpu.memory_space<vmem>>, vector<16xf32>,
        tpu.vector_store %arg13[%swap3A_2600, %swap3A_2601], %mul3A_2598 {strides = array<i32>} : memref<24x32xf32, #tpu.memory_space<vmem>>, vector<16xf32>,
        %mul3A_2603 = arith.mulf %select_n3A_2548, %select_n3A_2551 : vector<16xf32>
        %swap3A_2604 = arith.constant 11 : i32
        %swap3A_2605 = arith.index_cast %swap3A_2604 : i32 to index
        %swap3A_2606 = arith.constant 16 : index
        %swap3A_2607 = tpu.vector_load %arg13[%swap3A_2605, %swap3A_2606] {strides = array<i32>} : memref<24x32xf32, #tpu.memory_space<vmem>>, vector<16xf32>,
        tpu.vector_store %arg13[%swap3A_2605, %swap3A_2606], %mul3A_2603 {strides = array<i32>} : memref<24x32xf32, #tpu.memory_space<vmem>>, vector<16xf32>,
        %dma_start3A_2608 = arith.constant 0 : i32
        %dma_start3A_2609 = arith.constant 0 : i32
        %dma_start3A_2610 = arith.constant 0 : i32
        %dma_start3A_2611 = tpu.memref_slice %arg14[%dma_start3A_2609, %dma_start3A_2610] : memref<768x128xf32, #tpu.memory_space<vmem>> -> memref<32x128xf32, #tpu.memory_space<vmem>>
        %dma_start3A_2612 = arith.constant 0 : i32
        %dma_start3A_2613 = tpu.memref_slice %arg12[%dma_start3A_2608, %dma_start3A_2612] : memref<6x128xi32, #tpu.memory_space<vmem>> -> memref<1x32xi32, #tpu.memory_space<vmem>>
        %dma_start3A_2614 = tpu.memref_squeeze %dma_start3A_2613 : memref<1x32xi32, #tpu.memory_space<vmem>> -> memref<32xi32, #tpu.memory_space<vmem>>
        %dma_start3A_2615 = arith.constant 0 : i32
        %dma_start3A_2616 = arith.constant 0 : i32
        %dma_start3A_2617 = tpu.memref_slice %arg2[%dma_start3A_2615, %dma_start3A_2616] : memref<65536x128xf32, #tpu.memory_space<hbm>> -> memref<65536x128xf32, #tpu.memory_space<hbm>>
        tpu.enqueue_indirect_dma source(%dma_start3A_2617 : memref<65536x128xf32, #tpu.memory_space<hbm>>) target(%dma_start3A_2611 : memref<32x128xf32, #tpu.memory_space<vmem>>) offsets(%dma_start3A_2614 : memref<32xi32, #tpu.memory_space<vmem>>) semaphore(%arg17 : memref<!tpu.dma_semaphore, #tpu.memory_space<semaphore_mem>>)
        %dma_start3A_2618 = arith.constant 0 : i32
        %dma_start3A_2619 = arith.constant 32 : i32
        %dma_start3A_2620 = arith.constant 0 : i32
        %dma_start3A_2621 = tpu.memref_slice %arg14[%dma_start3A_2619, %dma_start3A_2620] : memref<768x128xf32, #tpu.memory_space<vmem>> -> memref<32x128xf32, #tpu.memory_space<vmem>>
        %dma_start3A_2622 = arith.constant 32 : i32
        %dma_start3A_2623 = tpu.memref_slice %arg12[%dma_start3A_2618, %dma_start3A_2622] : memref<6x128xi32, #tpu.memory_space<vmem>> -> memref<1x32xi32, #tpu.memory_space<vmem>>
        %dma_start3A_2624 = tpu.memref_squeeze %dma_start3A_2623 : memref<1x32xi32, #tpu.memory_space<vmem>> -> memref<32xi32, #tpu.memory_space<vmem>>
        %dma_start3A_2625 = arith.constant 0 : i32
        %dma_start3A_2626 = arith.constant 0 : i32
        %dma_start3A_2627 = tpu.memref_slice %arg2[%dma_start3A_2625, %dma_start3A_2626] : memref<65536x128xf32, #tpu.memory_space<hbm>> -> memref<65536x128xf32, #tpu.memory_space<hbm>>
        tpu.enqueue_indirect_dma source(%dma_start3A_2627 : memref<65536x128xf32, #tpu.memory_space<hbm>>) target(%dma_start3A_2621 : memref<32x128xf32, #tpu.memory_space<vmem>>) offsets(%dma_start3A_2624 : memref<32xi32, #tpu.memory_space<vmem>>) semaphore(%arg17 : memref<!tpu.dma_semaphore, #tpu.memory_space<semaphore_mem>>)
        %dma_start3A_2628 = arith.constant 0 : i32
        %dma_start3A_2629 = arith.constant 64 : i32
        %dma_start3A_2630 = arith.constant 0 : i32
        %dma_start3A_2631 = tpu.memref_slice %arg14[%dma_start3A_2629, %dma_start3A_2630] : memref<768x128xf32, #tpu.memory_space<vmem>> -> memref<32x128xf32, #tpu.memory_space<vmem>>
        %dma_start3A_2632 = arith.constant 64 : i32
        %dma_start3A_2633 = tpu.memref_slice %arg12[%dma_start3A_2628, %dma_start3A_2632] : memref<6x128xi32, #tpu.memory_space<vmem>> -> memref<1x32xi32, #tpu.memory_space<vmem>>
        %dma_start3A_2634 = tpu.memref_squeeze %dma_start3A_2633 : memref<1x32xi32, #tpu.memory_space<vmem>> -> memref<32xi32, #tpu.memory_space<vmem>>
        %dma_start3A_2635 = arith.constant 0 : i32
        %dma_start3A_2636 = arith.constant 0 : i32
        %dma_start3A_2637 = tpu.memref_slice %arg2[%dma_start3A_2635, %dma_start3A_2636] : memref<65536x128xf32, #tpu.memory_space<hbm>> -> memref<65536x128xf32, #tpu.memory_space<hbm>>
        tpu.enqueue_indirect_dma source(%dma_start3A_2637 : memref<65536x128xf32, #tpu.memory_space<hbm>>) target(%dma_start3A_2631 : memref<32x128xf32, #tpu.memory_space<vmem>>) offsets(%dma_start3A_2634 : memref<32xi32, #tpu.memory_space<vmem>>) semaphore(%arg17 : memref<!tpu.dma_semaphore, #tpu.memory_space<semaphore_mem>>)
        %dma_start3A_2638 = arith.constant 0 : i32
        %dma_start3A_2639 = arith.constant 96 : i32
        %dma_start3A_2640 = arith.constant 0 : i32
        %dma_start3A_2641 = tpu.memref_slice %arg14[%dma_start3A_2639, %dma_start3A_2640] : memref<768x128xf32, #tpu.memory_space<vmem>> -> memref<32x128xf32, #tpu.memory_space<vmem>>
        %dma_start3A_2642 = arith.constant 96 : i32
        %dma_start3A_2643 = tpu.memref_slice %arg12[%dma_start3A_2638, %dma_start3A_2642] : memref<6x128xi32, #tpu.memory_space<vmem>> -> memref<1x32xi32, #tpu.memory_space<vmem>>
        %dma_start3A_2644 = tpu.memref_squeeze %dma_start3A_2643 : memref<1x32xi32, #tpu.memory_space<vmem>> -> memref<32xi32, #tpu.memory_space<vmem>>
        %dma_start3A_2645 = arith.constant 0 : i32
        %dma_start3A_2646 = arith.constant 0 : i32
        %dma_start3A_2647 = tpu.memref_slice %arg2[%dma_start3A_2645, %dma_start3A_2646] : memref<65536x128xf32, #tpu.memory_space<hbm>> -> memref<65536x128xf32, #tpu.memory_space<hbm>>
        tpu.enqueue_indirect_dma source(%dma_start3A_2647 : memref<65536x128xf32, #tpu.memory_space<hbm>>) target(%dma_start3A_2641 : memref<32x128xf32, #tpu.memory_space<vmem>>) offsets(%dma_start3A_2644 : memref<32xi32, #tpu.memory_space<vmem>>) semaphore(%arg17 : memref<!tpu.dma_semaphore, #tpu.memory_space<semaphore_mem>>)
        %dma_start3A_2648 = arith.constant 1 : i32
        %dma_start3A_2649 = arith.constant 128 : i32
        %dma_start3A_2650 = arith.constant 0 : i32
        %dma_start3A_2651 = tpu.memref_slice %arg14[%dma_start3A_2649, %dma_start3A_2650] : memref<768x128xf32, #tpu.memory_space<vmem>> -> memref<32x128xf32, #tpu.memory_space<vmem>>
        %dma_start3A_2652 = arith.constant 0 : i32
        %dma_start3A_2653 = tpu.memref_slice %arg12[%dma_start3A_2648, %dma_start3A_2652] : memref<6x128xi32, #tpu.memory_space<vmem>> -> memref<1x32xi32, #tpu.memory_space<vmem>>
        %dma_start3A_2654 = tpu.memref_squeeze %dma_start3A_2653 : memref<1x32xi32, #tpu.memory_space<vmem>> -> memref<32xi32, #tpu.memory_space<vmem>>
        %dma_start3A_2655 = arith.constant 0 : i32
        %dma_start3A_2656 = arith.constant 0 : i32
        %dma_start3A_2657 = tpu.memref_slice %arg3[%dma_start3A_2655, %dma_start3A_2656] : memref<65536x128xf32, #tpu.memory_space<hbm>> -> memref<65536x128xf32, #tpu.memory_space<hbm>>
        tpu.enqueue_indirect_dma source(%dma_start3A_2657 : memref<65536x128xf32, #tpu.memory_space<hbm>>) target(%dma_start3A_2651 : memref<32x128xf32, #tpu.memory_space<vmem>>) offsets(%dma_start3A_2654 : memref<32xi32, #tpu.memory_space<vmem>>) semaphore(%arg17 : memref<!tpu.dma_semaphore, #tpu.memory_space<semaphore_mem>>)
        %dma_start3A_2658 = arith.constant 1 : i32
        %dma_start3A_2659 = arith.constant 160 : i32
        %dma_start3A_2660 = arith.constant 0 : i32
        %dma_start3A_2661 = tpu.memref_slice %arg14[%dma_start3A_2659, %dma_start3A_2660] : memref<768x128xf32, #tpu.memory_space<vmem>> -> memref<32x128xf32, #tpu.memory_space<vmem>>
        %dma_start3A_2662 = arith.constant 32 : i32
        %dma_start3A_2663 = tpu.memref_slice %arg12[%dma_start3A_2658, %dma_start3A_2662] : memref<6x128xi32, #tpu.memory_space<vmem>> -> memref<1x32xi32, #tpu.memory_space<vmem>>
        %dma_start3A_2664 = tpu.memref_squeeze %dma_start3A_2663 : memref<1x32xi32, #tpu.memory_space<vmem>> -> memref<32xi32, #tpu.memory_space<vmem>>
        %dma_start3A_2665 = arith.constant 0 : i32
        %dma_start3A_2666 = arith.constant 0 : i32
        %dma_start3A_2667 = tpu.memref_slice %arg3[%dma_start3A_2665, %dma_start3A_2666] : memref<65536x128xf32, #tpu.memory_space<hbm>> -> memref<65536x128xf32, #tpu.memory_space<hbm>>
        tpu.enqueue_indirect_dma source(%dma_start3A_2667 : memref<65536x128xf32, #tpu.memory_space<hbm>>) target(%dma_start3A_2661 : memref<32x128xf32, #tpu.memory_space<vmem>>) offsets(%dma_start3A_2664 : memref<32xi32, #tpu.memory_space<vmem>>) semaphore(%arg17 : memref<!tpu.dma_semaphore, #tpu.memory_space<semaphore_mem>>)
        %dma_start3A_2668 = arith.constant 1 : i32
        %dma_start3A_2669 = arith.constant 192 : i32
        %dma_start3A_2670 = arith.constant 0 : i32
        %dma_start3A_2671 = tpu.memref_slice %arg14[%dma_start3A_2669, %dma_start3A_2670] : memref<768x128xf32, #tpu.memory_space<vmem>> -> memref<32x128xf32, #tpu.memory_space<vmem>>
        %dma_start3A_2672 = arith.constant 64 : i32
        %dma_start3A_2673 = tpu.memref_slice %arg12[%dma_start3A_2668, %dma_start3A_2672] : memref<6x128xi32, #tpu.memory_space<vmem>> -> memref<1x32xi32, #tpu.memory_space<vmem>>
        %dma_start3A_2674 = tpu.memref_squeeze %dma_start3A_2673 : memref<1x32xi32, #tpu.memory_space<vmem>> -> memref<32xi32, #tpu.memory_space<vmem>>
        %dma_start3A_2675 = arith.constant 0 : i32
        %dma_start3A_2676 = arith.constant 0 : i32
        %dma_start3A_2677 = tpu.memref_slice %arg3[%dma_start3A_2675, %dma_start3A_2676] : memref<65536x128xf32, #tpu.memory_space<hbm>> -> memref<65536x128xf32, #tpu.memory_space<hbm>>
        tpu.enqueue_indirect_dma source(%dma_start3A_2677 : memref<65536x128xf32, #tpu.memory_space<hbm>>) target(%dma_start3A_2671 : memref<32x128xf32, #tpu.memory_space<vmem>>) offsets(%dma_start3A_2674 : memref<32xi32, #tpu.memory_space<vmem>>) semaphore(%arg17 : memref<!tpu.dma_semaphore, #tpu.memory_space<semaphore_mem>>)
        %dma_start3A_2678 = arith.constant 1 : i32
        %dma_start3A_2679 = arith.constant 224 : i32
        %dma_start3A_2680 = arith.constant 0 : i32
        %dma_start3A_2681 = tpu.memref_slice %arg14[%dma_start3A_2679, %dma_start3A_2680] : memref<768x128xf32, #tpu.memory_space<vmem>> -> memref<32x128xf32, #tpu.memory_space<vmem>>
        %dma_start3A_2682 = arith.constant 96 : i32
        %dma_start3A_2683 = tpu.memref_slice %arg12[%dma_start3A_2678, %dma_start3A_2682] : memref<6x128xi32, #tpu.memory_space<vmem>> -> memref<1x32xi32, #tpu.memory_space<vmem>>
        %dma_start3A_2684 = tpu.memref_squeeze %dma_start3A_2683 : memref<1x32xi32, #tpu.memory_space<vmem>> -> memref<32xi32, #tpu.memory_space<vmem>>
        %dma_start3A_2685 = arith.constant 0 : i32
        %dma_start3A_2686 = arith.constant 0 : i32
        %dma_start3A_2687 = tpu.memref_slice %arg3[%dma_start3A_2685, %dma_start3A_2686] : memref<65536x128xf32, #tpu.memory_space<hbm>> -> memref<65536x128xf32, #tpu.memory_space<hbm>>
        tpu.enqueue_indirect_dma source(%dma_start3A_2687 : memref<65536x128xf32, #tpu.memory_space<hbm>>) target(%dma_start3A_2681 : memref<32x128xf32, #tpu.memory_space<vmem>>) offsets(%dma_start3A_2684 : memref<32xi32, #tpu.memory_space<vmem>>) semaphore(%arg17 : memref<!tpu.dma_semaphore, #tpu.memory_space<semaphore_mem>>)
        %dma_start3A_2688 = arith.constant 2 : i32
        %dma_start3A_2689 = arith.constant 256 : i32
        %dma_start3A_2690 = arith.constant 0 : i32
        %dma_start3A_2691 = tpu.memref_slice %arg14[%dma_start3A_2689, %dma_start3A_2690] : memref<768x128xf32, #tpu.memory_space<vmem>> -> memref<32x128xf32, #tpu.memory_space<vmem>>
        %dma_start3A_2692 = arith.constant 0 : i32
        %dma_start3A_2693 = tpu.memref_slice %arg12[%dma_start3A_2688, %dma_start3A_2692] : memref<6x128xi32, #tpu.memory_space<vmem>> -> memref<1x32xi32, #tpu.memory_space<vmem>>
        %dma_start3A_2694 = tpu.memref_squeeze %dma_start3A_2693 : memref<1x32xi32, #tpu.memory_space<vmem>> -> memref<32xi32, #tpu.memory_space<vmem>>
        %dma_start3A_2695 = arith.constant 0 : i32
        %dma_start3A_2696 = arith.constant 0 : i32
        %dma_start3A_2697 = tpu.memref_slice %arg4[%dma_start3A_2695, %dma_start3A_2696] : memref<65536x128xf32, #tpu.memory_space<hbm>> -> memref<65536x128xf32, #tpu.memory_space<hbm>>
        tpu.enqueue_indirect_dma source(%dma_start3A_2697 : memref<65536x128xf32, #tpu.memory_space<hbm>>) target(%dma_start3A_2691 : memref<32x128xf32, #tpu.memory_space<vmem>>) offsets(%dma_start3A_2694 : memref<32xi32, #tpu.memory_space<vmem>>) semaphore(%arg17 : memref<!tpu.dma_semaphore, #tpu.memory_space<semaphore_mem>>)
        %dma_start3A_2698 = arith.constant 2 : i32
        %dma_start3A_2699 = arith.constant 288 : i32
        %dma_start3A_2700 = arith.constant 0 : i32
        %dma_start3A_2701 = tpu.memref_slice %arg14[%dma_start3A_2699, %dma_start3A_2700] : memref<768x128xf32, #tpu.memory_space<vmem>> -> memref<32x128xf32, #tpu.memory_space<vmem>>
        %dma_start3A_2702 = arith.constant 32 : i32
        %dma_start3A_2703 = tpu.memref_slice %arg12[%dma_start3A_2698, %dma_start3A_2702] : memref<6x128xi32, #tpu.memory_space<vmem>> -> memref<1x32xi32, #tpu.memory_space<vmem>>
        %dma_start3A_2704 = tpu.memref_squeeze %dma_start3A_2703 : memref<1x32xi32, #tpu.memory_space<vmem>> -> memref<32xi32, #tpu.memory_space<vmem>>
        %dma_start3A_2705 = arith.constant 0 : i32
        %dma_start3A_2706 = arith.constant 0 : i32
        %dma_start3A_2707 = tpu.memref_slice %arg4[%dma_start3A_2705, %dma_start3A_2706] : memref<65536x128xf32, #tpu.memory_space<hbm>> -> memref<65536x128xf32, #tpu.memory_space<hbm>>
        tpu.enqueue_indirect_dma source(%dma_start3A_2707 : memref<65536x128xf32, #tpu.memory_space<hbm>>) target(%dma_start3A_2701 : memref<32x128xf32, #tpu.memory_space<vmem>>) offsets(%dma_start3A_2704 : memref<32xi32, #tpu.memory_space<vmem>>) semaphore(%arg17 : memref<!tpu.dma_semaphore, #tpu.memory_space<semaphore_mem>>)
        %dma_start3A_2708 = arith.constant 2 : i32
        %dma_start3A_2709 = arith.constant 320 : i32
        %dma_start3A_2710 = arith.constant 0 : i32
        %dma_start3A_2711 = tpu.memref_slice %arg14[%dma_start3A_2709, %dma_start3A_2710] : memref<768x128xf32, #tpu.memory_space<vmem>> -> memref<32x128xf32, #tpu.memory_space<vmem>>
        %dma_start3A_2712 = arith.constant 64 : i32
        %dma_start3A_2713 = tpu.memref_slice %arg12[%dma_start3A_2708, %dma_start3A_2712] : memref<6x128xi32, #tpu.memory_space<vmem>> -> memref<1x32xi32, #tpu.memory_space<vmem>>
        %dma_start3A_2714 = tpu.memref_squeeze %dma_start3A_2713 : memref<1x32xi32, #tpu.memory_space<vmem>> -> memref<32xi32, #tpu.memory_space<vmem>>
        %dma_start3A_2715 = arith.constant 0 : i32
        %dma_start3A_2716 = arith.constant 0 : i32
        %dma_start3A_2717 = tpu.memref_slice %arg4[%dma_start3A_2715, %dma_start3A_2716] : memref<65536x128xf32, #tpu.memory_space<hbm>> -> memref<65536x128xf32, #tpu.memory_space<hbm>>
        tpu.enqueue_indirect_dma source(%dma_start3A_2717 : memref<65536x128xf32, #tpu.memory_space<hbm>>) target(%dma_start3A_2711 : memref<32x128xf32, #tpu.memory_space<vmem>>) offsets(%dma_start3A_2714 : memref<32xi32, #tpu.memory_space<vmem>>) semaphore(%arg17 : memref<!tpu.dma_semaphore, #tpu.memory_space<semaphore_mem>>)
        %dma_start3A_2718 = arith.constant 2 : i32
        %dma_start3A_2719 = arith.constant 352 : i32
        %dma_start3A_2720 = arith.constant 0 : i32
        %dma_start3A_2721 = tpu.memref_slice %arg14[%dma_start3A_2719, %dma_start3A_2720] : memref<768x128xf32, #tpu.memory_space<vmem>> -> memref<32x128xf32, #tpu.memory_space<vmem>>
        %dma_start3A_2722 = arith.constant 96 : i32
        %dma_start3A_2723 = tpu.memref_slice %arg12[%dma_start3A_2718, %dma_start3A_2722] : memref<6x128xi32, #tpu.memory_space<vmem>> -> memref<1x32xi32, #tpu.memory_space<vmem>>
        %dma_start3A_2724 = tpu.memref_squeeze %dma_start3A_2723 : memref<1x32xi32, #tpu.memory_space<vmem>> -> memref<32xi32, #tpu.memory_space<vmem>>
        %dma_start3A_2725 = arith.constant 0 : i32
        %dma_start3A_2726 = arith.constant 0 : i32
        %dma_start3A_2727 = tpu.memref_slice %arg4[%dma_start3A_2725, %dma_start3A_2726] : memref<65536x128xf32, #tpu.memory_space<hbm>> -> memref<65536x128xf32, #tpu.memory_space<hbm>>
        tpu.enqueue_indirect_dma source(%dma_start3A_2727 : memref<65536x128xf32, #tpu.memory_space<hbm>>) target(%dma_start3A_2721 : memref<32x128xf32, #tpu.memory_space<vmem>>) offsets(%dma_start3A_2724 : memref<32xi32, #tpu.memory_space<vmem>>) semaphore(%arg17 : memref<!tpu.dma_semaphore, #tpu.memory_space<semaphore_mem>>)
      } else {
      }
      %dma_wait3A_1712 = arith.constant 3 : i32
      %dma_wait3A_1713 = arith.constant 384 : i32
      %dma_wait3A_1714 = arith.constant 0 : i32
      %dma_wait3A_1715 = tpu.memref_slice %arg14[%dma_wait3A_1713, %dma_wait3A_1714] : memref<768x128xf32, #tpu.memory_space<vmem>> -> memref<32x128xf32, #tpu.memory_space<vmem>>
      %dma_wait3A_1716 = arith.constant 0 : i32
      %dma_wait3A_1717 = tpu.memref_slice %arg12[%dma_wait3A_1712, %dma_wait3A_1716] : memref<6x128xi32, #tpu.memory_space<vmem>> -> memref<1x32xi32, #tpu.memory_space<vmem>>
      %dma_wait3A_1718 = tpu.memref_squeeze %dma_wait3A_1717 : memref<1x32xi32, #tpu.memory_space<vmem>> -> memref<32xi32, #tpu.memory_space<vmem>>
      %dma_wait3A_1719 = arith.constant 0 : i32
      %dma_wait3A_1720 = arith.constant 0 : i32
      %dma_wait3A_1721 = tpu.memref_slice %arg2[%dma_wait3A_1719, %dma_wait3A_1720] : memref<65536x128xf32, #tpu.memory_space<hbm>> -> memref<65536x128xf32, #tpu.memory_space<hbm>>
      tpu.wait_indirect_dma semaphore(%arg18 : memref<!tpu.dma_semaphore, #tpu.memory_space<semaphore_mem>>) src(%dma_wait3A_1721 : memref<65536x128xf32, #tpu.memory_space<hbm>>) dst(%dma_wait3A_1715 : memref<32x128xf32, #tpu.memory_space<vmem>>)
      %dma_wait3A_1722 = arith.constant 3 : i32
      %dma_wait3A_1723 = arith.constant 416 : i32
      %dma_wait3A_1724 = arith.constant 0 : i32
      %dma_wait3A_1725 = tpu.memref_slice %arg14[%dma_wait3A_1723, %dma_wait3A_1724] : memref<768x128xf32, #tpu.memory_space<vmem>> -> memref<32x128xf32, #tpu.memory_space<vmem>>
      %dma_wait3A_1726 = arith.constant 32 : i32
      %dma_wait3A_1727 = tpu.memref_slice %arg12[%dma_wait3A_1722, %dma_wait3A_1726] : memref<6x128xi32, #tpu.memory_space<vmem>> -> memref<1x32xi32, #tpu.memory_space<vmem>>
      %dma_wait3A_1728 = tpu.memref_squeeze %dma_wait3A_1727 : memref<1x32xi32, #tpu.memory_space<vmem>> -> memref<32xi32, #tpu.memory_space<vmem>>
      %dma_wait3A_1729 = arith.constant 0 : i32
      %dma_wait3A_1730 = arith.constant 0 : i32
      %dma_wait3A_1731 = tpu.memref_slice %arg2[%dma_wait3A_1729, %dma_wait3A_1730] : memref<65536x128xf32, #tpu.memory_space<hbm>> -> memref<65536x128xf32, #tpu.memory_space<hbm>>
      tpu.wait_indirect_dma semaphore(%arg18 : memref<!tpu.dma_semaphore, #tpu.memory_space<semaphore_mem>>) src(%dma_wait3A_1731 : memref<65536x128xf32, #tpu.memory_space<hbm>>) dst(%dma_wait3A_1725 : memref<32x128xf32, #tpu.memory_space<vmem>>)
      %dma_wait3A_1732 = arith.constant 3 : i32
      %dma_wait3A_1733 = arith.constant 448 : i32
      %dma_wait3A_1734 = arith.constant 0 : i32
      %dma_wait3A_1735 = tpu.memref_slice %arg14[%dma_wait3A_1733, %dma_wait3A_1734] : memref<768x128xf32, #tpu.memory_space<vmem>> -> memref<32x128xf32, #tpu.memory_space<vmem>>
      %dma_wait3A_1736 = arith.constant 64 : i32
      %dma_wait3A_1737 = tpu.memref_slice %arg12[%dma_wait3A_1732, %dma_wait3A_1736] : memref<6x128xi32, #tpu.memory_space<vmem>> -> memref<1x32xi32, #tpu.memory_space<vmem>>
      %dma_wait3A_1738 = tpu.memref_squeeze %dma_wait3A_1737 : memref<1x32xi32, #tpu.memory_space<vmem>> -> memref<32xi32, #tpu.memory_space<vmem>>
      %dma_wait3A_1739 = arith.constant 0 : i32
      %dma_wait3A_1740 = arith.constant 0 : i32
      %dma_wait3A_1741 = tpu.memref_slice %arg2[%dma_wait3A_1739, %dma_wait3A_1740] : memref<65536x128xf32, #tpu.memory_space<hbm>> -> memref<65536x128xf32, #tpu.memory_space<hbm>>
      tpu.wait_indirect_dma semaphore(%arg18 : memref<!tpu.dma_semaphore, #tpu.memory_space<semaphore_mem>>) src(%dma_wait3A_1741 : memref<65536x128xf32, #tpu.memory_space<hbm>>) dst(%dma_wait3A_1735 : memref<32x128xf32, #tpu.memory_space<vmem>>)
      %dma_wait3A_1742 = arith.constant 3 : i32
      %dma_wait3A_1743 = arith.constant 480 : i32
      %dma_wait3A_1744 = arith.constant 0 : i32
      %dma_wait3A_1745 = tpu.memref_slice %arg14[%dma_wait3A_1743, %dma_wait3A_1744] : memref<768x128xf32, #tpu.memory_space<vmem>> -> memref<32x128xf32, #tpu.memory_space<vmem>>
      %dma_wait3A_1746 = arith.constant 96 : i32
      %dma_wait3A_1747 = tpu.memref_slice %arg12[%dma_wait3A_1742, %dma_wait3A_1746] : memref<6x128xi32, #tpu.memory_space<vmem>> -> memref<1x32xi32, #tpu.memory_space<vmem>>
      %dma_wait3A_1748 = tpu.memref_squeeze %dma_wait3A_1747 : memref<1x32xi32, #tpu.memory_space<vmem>> -> memref<32xi32, #tpu.memory_space<vmem>>
      %dma_wait3A_1749 = arith.constant 0 : i32
      %dma_wait3A_1750 = arith.constant 0 : i32
      %dma_wait3A_1751 = tpu.memref_slice %arg2[%dma_wait3A_1749, %dma_wait3A_1750] : memref<65536x128xf32, #tpu.memory_space<hbm>> -> memref<65536x128xf32, #tpu.memory_space<hbm>>
      tpu.wait_indirect_dma semaphore(%arg18 : memref<!tpu.dma_semaphore, #tpu.memory_space<semaphore_mem>>) src(%dma_wait3A_1751 : memref<65536x128xf32, #tpu.memory_space<hbm>>) dst(%dma_wait3A_1745 : memref<32x128xf32, #tpu.memory_space<vmem>>)
      %dma_wait3A_1752 = arith.constant 4 : i32
      %dma_wait3A_1753 = arith.constant 512 : i32
      %dma_wait3A_1754 = arith.constant 0 : i32
      %dma_wait3A_1755 = tpu.memref_slice %arg14[%dma_wait3A_1753, %dma_wait3A_1754] : memref<768x128xf32, #tpu.memory_space<vmem>> -> memref<32x128xf32, #tpu.memory_space<vmem>>
      %dma_wait3A_1756 = arith.constant 0 : i32
      %dma_wait3A_1757 = tpu.memref_slice %arg12[%dma_wait3A_1752, %dma_wait3A_1756] : memref<6x128xi32, #tpu.memory_space<vmem>> -> memref<1x32xi32, #tpu.memory_space<vmem>>
      %dma_wait3A_1758 = tpu.memref_squeeze %dma_wait3A_1757 : memref<1x32xi32, #tpu.memory_space<vmem>> -> memref<32xi32, #tpu.memory_space<vmem>>
      %dma_wait3A_1759 = arith.constant 0 : i32
      %dma_wait3A_1760 = arith.constant 0 : i32
      %dma_wait3A_1761 = tpu.memref_slice %arg3[%dma_wait3A_1759, %dma_wait3A_1760] : memref<65536x128xf32, #tpu.memory_space<hbm>> -> memref<65536x128xf32, #tpu.memory_space<hbm>>
      tpu.wait_indirect_dma semaphore(%arg18 : memref<!tpu.dma_semaphore, #tpu.memory_space<semaphore_mem>>) src(%dma_wait3A_1761 : memref<65536x128xf32, #tpu.memory_space<hbm>>) dst(%dma_wait3A_1755 : memref<32x128xf32, #tpu.memory_space<vmem>>)
      %dma_wait3A_1762 = arith.constant 4 : i32
      %dma_wait3A_1763 = arith.constant 544 : i32
      %dma_wait3A_1764 = arith.constant 0 : i32
      %dma_wait3A_1765 = tpu.memref_slice %arg14[%dma_wait3A_1763, %dma_wait3A_1764] : memref<768x128xf32, #tpu.memory_space<vmem>> -> memref<32x128xf32, #tpu.memory_space<vmem>>
      %dma_wait3A_1766 = arith.constant 32 : i32
      %dma_wait3A_1767 = tpu.memref_slice %arg12[%dma_wait3A_1762, %dma_wait3A_1766] : memref<6x128xi32, #tpu.memory_space<vmem>> -> memref<1x32xi32, #tpu.memory_space<vmem>>
      %dma_wait3A_1768 = tpu.memref_squeeze %dma_wait3A_1767 : memref<1x32xi32, #tpu.memory_space<vmem>> -> memref<32xi32, #tpu.memory_space<vmem>>
      %dma_wait3A_1769 = arith.constant 0 : i32
      %dma_wait3A_1770 = arith.constant 0 : i32
      %dma_wait3A_1771 = tpu.memref_slice %arg3[%dma_wait3A_1769, %dma_wait3A_1770] : memref<65536x128xf32, #tpu.memory_space<hbm>> -> memref<65536x128xf32, #tpu.memory_space<hbm>>
      tpu.wait_indirect_dma semaphore(%arg18 : memref<!tpu.dma_semaphore, #tpu.memory_space<semaphore_mem>>) src(%dma_wait3A_1771 : memref<65536x128xf32, #tpu.memory_space<hbm>>) dst(%dma_wait3A_1765 : memref<32x128xf32, #tpu.memory_space<vmem>>)
      %dma_wait3A_1772 = arith.constant 4 : i32
      %dma_wait3A_1773 = arith.constant 576 : i32
      %dma_wait3A_1774 = arith.constant 0 : i32
      %dma_wait3A_1775 = tpu.memref_slice %arg14[%dma_wait3A_1773, %dma_wait3A_1774] : memref<768x128xf32, #tpu.memory_space<vmem>> -> memref<32x128xf32, #tpu.memory_space<vmem>>
      %dma_wait3A_1776 = arith.constant 64 : i32
      %dma_wait3A_1777 = tpu.memref_slice %arg12[%dma_wait3A_1772, %dma_wait3A_1776] : memref<6x128xi32, #tpu.memory_space<vmem>> -> memref<1x32xi32, #tpu.memory_space<vmem>>
      %dma_wait3A_1778 = tpu.memref_squeeze %dma_wait3A_1777 : memref<1x32xi32, #tpu.memory_space<vmem>> -> memref<32xi32, #tpu.memory_space<vmem>>
      %dma_wait3A_1779 = arith.constant 0 : i32
      %dma_wait3A_1780 = arith.constant 0 : i32
      %dma_wait3A_1781 = tpu.memref_slice %arg3[%dma_wait3A_1779, %dma_wait3A_1780] : memref<65536x128xf32, #tpu.memory_space<hbm>> -> memref<65536x128xf32, #tpu.memory_space<hbm>>
      tpu.wait_indirect_dma semaphore(%arg18 : memref<!tpu.dma_semaphore, #tpu.memory_space<semaphore_mem>>) src(%dma_wait3A_1781 : memref<65536x128xf32, #tpu.memory_space<hbm>>) dst(%dma_wait3A_1775 : memref<32x128xf32, #tpu.memory_space<vmem>>)
      %dma_wait3A_1782 = arith.constant 4 : i32
      %dma_wait3A_1783 = arith.constant 608 : i32
      %dma_wait3A_1784 = arith.constant 0 : i32
      %dma_wait3A_1785 = tpu.memref_slice %arg14[%dma_wait3A_1783, %dma_wait3A_1784] : memref<768x128xf32, #tpu.memory_space<vmem>> -> memref<32x128xf32, #tpu.memory_space<vmem>>
      %dma_wait3A_1786 = arith.constant 96 : i32
      %dma_wait3A_1787 = tpu.memref_slice %arg12[%dma_wait3A_1782, %dma_wait3A_1786] : memref<6x128xi32, #tpu.memory_space<vmem>> -> memref<1x32xi32, #tpu.memory_space<vmem>>
      %dma_wait3A_1788 = tpu.memref_squeeze %dma_wait3A_1787 : memref<1x32xi32, #tpu.memory_space<vmem>> -> memref<32xi32, #tpu.memory_space<vmem>>
      %dma_wait3A_1789 = arith.constant 0 : i32
      %dma_wait3A_1790 = arith.constant 0 : i32
      %dma_wait3A_1791 = tpu.memref_slice %arg3[%dma_wait3A_1789, %dma_wait3A_1790] : memref<65536x128xf32, #tpu.memory_space<hbm>> -> memref<65536x128xf32, #tpu.memory_space<hbm>>
      tpu.wait_indirect_dma semaphore(%arg18 : memref<!tpu.dma_semaphore, #tpu.memory_space<semaphore_mem>>) src(%dma_wait3A_1791 : memref<65536x128xf32, #tpu.memory_space<hbm>>) dst(%dma_wait3A_1785 : memref<32x128xf32, #tpu.memory_space<vmem>>)
      %dma_wait3A_1792 = arith.constant 5 : i32
      %dma_wait3A_1793 = arith.constant 640 : i32
      %dma_wait3A_1794 = arith.constant 0 : i32
      %dma_wait3A_1795 = tpu.memref_slice %arg14[%dma_wait3A_1793, %dma_wait3A_1794] : memref<768x128xf32, #tpu.memory_space<vmem>> -> memref<32x128xf32, #tpu.memory_space<vmem>>
      %dma_wait3A_1796 = arith.constant 0 : i32
      %dma_wait3A_1797 = tpu.memref_slice %arg12[%dma_wait3A_1792, %dma_wait3A_1796] : memref<6x128xi32, #tpu.memory_space<vmem>> -> memref<1x32xi32, #tpu.memory_space<vmem>>
      %dma_wait3A_1798 = tpu.memref_squeeze %dma_wait3A_1797 : memref<1x32xi32, #tpu.memory_space<vmem>> -> memref<32xi32, #tpu.memory_space<vmem>>
      %dma_wait3A_1799 = arith.constant 0 : i32
      %dma_wait3A_1800 = arith.constant 0 : i32
      %dma_wait3A_1801 = tpu.memref_slice %arg4[%dma_wait3A_1799, %dma_wait3A_1800] : memref<65536x128xf32, #tpu.memory_space<hbm>> -> memref<65536x128xf32, #tpu.memory_space<hbm>>
      tpu.wait_indirect_dma semaphore(%arg18 : memref<!tpu.dma_semaphore, #tpu.memory_space<semaphore_mem>>) src(%dma_wait3A_1801 : memref<65536x128xf32, #tpu.memory_space<hbm>>) dst(%dma_wait3A_1795 : memref<32x128xf32, #tpu.memory_space<vmem>>)
      %dma_wait3A_1802 = arith.constant 5 : i32
      %dma_wait3A_1803 = arith.constant 672 : i32
      %dma_wait3A_1804 = arith.constant 0 : i32
      %dma_wait3A_1805 = tpu.memref_slice %arg14[%dma_wait3A_1803, %dma_wait3A_1804] : memref<768x128xf32, #tpu.memory_space<vmem>> -> memref<32x128xf32, #tpu.memory_space<vmem>>
      %dma_wait3A_1806 = arith.constant 32 : i32
      %dma_wait3A_1807 = tpu.memref_slice %arg12[%dma_wait3A_1802, %dma_wait3A_1806] : memref<6x128xi32, #tpu.memory_space<vmem>> -> memref<1x32xi32, #tpu.memory_space<vmem>>
      %dma_wait3A_1808 = tpu.memref_squeeze %dma_wait3A_1807 : memref<1x32xi32, #tpu.memory_space<vmem>> -> memref<32xi32, #tpu.memory_space<vmem>>
      %dma_wait3A_1809 = arith.constant 0 : i32
      %dma_wait3A_1810 = arith.constant 0 : i32
      %dma_wait3A_1811 = tpu.memref_slice %arg4[%dma_wait3A_1809, %dma_wait3A_1810] : memref<65536x128xf32, #tpu.memory_space<hbm>> -> memref<65536x128xf32, #tpu.memory_space<hbm>>
      tpu.wait_indirect_dma semaphore(%arg18 : memref<!tpu.dma_semaphore, #tpu.memory_space<semaphore_mem>>) src(%dma_wait3A_1811 : memref<65536x128xf32, #tpu.memory_space<hbm>>) dst(%dma_wait3A_1805 : memref<32x128xf32, #tpu.memory_space<vmem>>)
      %dma_wait3A_1812 = arith.constant 5 : i32
      %dma_wait3A_1813 = arith.constant 704 : i32
      %dma_wait3A_1814 = arith.constant 0 : i32
      %dma_wait3A_1815 = tpu.memref_slice %arg14[%dma_wait3A_1813, %dma_wait3A_1814] : memref<768x128xf32, #tpu.memory_space<vmem>> -> memref<32x128xf32, #tpu.memory_space<vmem>>
      %dma_wait3A_1816 = arith.constant 64 : i32
      %dma_wait3A_1817 = tpu.memref_slice %arg12[%dma_wait3A_1812, %dma_wait3A_1816] : memref<6x128xi32, #tpu.memory_space<vmem>> -> memref<1x32xi32, #tpu.memory_space<vmem>>
      %dma_wait3A_1818 = tpu.memref_squeeze %dma_wait3A_1817 : memref<1x32xi32, #tpu.memory_space<vmem>> -> memref<32xi32, #tpu.memory_space<vmem>>
      %dma_wait3A_1819 = arith.constant 0 : i32
      %dma_wait3A_1820 = arith.constant 0 : i32
      %dma_wait3A_1821 = tpu.memref_slice %arg4[%dma_wait3A_1819, %dma_wait3A_1820] : memref<65536x128xf32, #tpu.memory_space<hbm>> -> memref<65536x128xf32, #tpu.memory_space<hbm>>
      tpu.wait_indirect_dma semaphore(%arg18 : memref<!tpu.dma_semaphore, #tpu.memory_space<semaphore_mem>>) src(%dma_wait3A_1821 : memref<65536x128xf32, #tpu.memory_space<hbm>>) dst(%dma_wait3A_1815 : memref<32x128xf32, #tpu.memory_space<vmem>>)
      %dma_wait3A_1822 = arith.constant 5 : i32
      %dma_wait3A_1823 = arith.constant 736 : i32
      %dma_wait3A_1824 = arith.constant 0 : i32
      %dma_wait3A_1825 = tpu.memref_slice %arg14[%dma_wait3A_1823, %dma_wait3A_1824] : memref<768x128xf32, #tpu.memory_space<vmem>> -> memref<32x128xf32, #tpu.memory_space<vmem>>
      %dma_wait3A_1826 = arith.constant 96 : i32
      %dma_wait3A_1827 = tpu.memref_slice %arg12[%dma_wait3A_1822, %dma_wait3A_1826] : memref<6x128xi32, #tpu.memory_space<vmem>> -> memref<1x32xi32, #tpu.memory_space<vmem>>
      %dma_wait3A_1828 = tpu.memref_squeeze %dma_wait3A_1827 : memref<1x32xi32, #tpu.memory_space<vmem>> -> memref<32xi32, #tpu.memory_space<vmem>>
      %dma_wait3A_1829 = arith.constant 0 : i32
      %dma_wait3A_1830 = arith.constant 0 : i32
      %dma_wait3A_1831 = tpu.memref_slice %arg4[%dma_wait3A_1829, %dma_wait3A_1830] : memref<65536x128xf32, #tpu.memory_space<hbm>> -> memref<65536x128xf32, #tpu.memory_space<hbm>>
      tpu.wait_indirect_dma semaphore(%arg18 : memref<!tpu.dma_semaphore, #tpu.memory_space<semaphore_mem>>) src(%dma_wait3A_1831 : memref<65536x128xf32, #tpu.memory_space<hbm>>) dst(%dma_wait3A_1825 : memref<32x128xf32, #tpu.memory_space<vmem>>)
      %gt3A_1832 = arith.constant 0 : i32
      %gt3A_1833 = arith.cmpi sgt, %scan3A_694, %gt3A_1832 : i32
      %convert_element_type3A_1834 = arith.extui %gt3A_1833 : i1 to i32
      %cond3A_1835 = arith.constant 0 : i32
      %cond3A_1836 = arith.cmpi ne, %convert_element_type3A_1834, %cond3A_1835 : i32
      scf.if %cond3A_1836 {
        %dma_wait3A_2028 = arith.constant 0 : i32
        %dma_wait3A_2029 = tpu.memref_slice %arg8[%mul3A_2, %dma_wait3A_2028] : memref<102400x128xf32, #tpu.memory_space<hbm>> -> memref<32x128xf32, #tpu.memory_space<hbm>>
        %dma_wait3A_2030 = arith.constant 0 : i32
        %dma_wait3A_2031 = tpu.memref_slice %arg8[%mul3A_2, %dma_wait3A_2030] : memref<102400x128xf32, #tpu.memory_space<hbm>> -> memref<32x128xf32, #tpu.memory_space<hbm>>
        tpu.wait_dma2 semaphore(%arg20 : memref<!tpu.dma_semaphore, #tpu.memory_space<semaphore_mem>>) src(%arg16 : memref<32x128xf32, #tpu.memory_space<vmem>>) dst(%dma_wait3A_2031 : memref<32x128xf32, #tpu.memory_space<hbm>>)
      } else {
      }
      %add3A_1837 = arith.constant 1 : i32
      %add3A_1838 = arith.addi %mul3A_696, %add3A_1837 : i32
      %iota3A_1839 = tpu.iota {dimensions = array<i32: 0>} : vector<16xi32>
      %add3A_1840 = arith.constant 0 : i32
      %add3A_1841 = vector.broadcast %add3A_1840 : i32 to vector<16xi32>
      %add3A_1842 = arith.addi %iota3A_1839, %add3A_1841 : vector<16xi32>
      %add3A_1843 = arith.constant 384 : i32
      %add3A_1844 = vector.broadcast %add3A_1843 : i32 to vector<16xi32>
      %add3A_1845 = arith.addi %add3A_1842, %add3A_1844 : vector<16xi32>
      %add3A_1846 = arith.constant 416 : i32
      %add3A_1847 = vector.broadcast %add3A_1846 : i32 to vector<16xi32>
      %add3A_1848 = arith.addi %add3A_1842, %add3A_1847 : vector<16xi32>
      %add3A_1849 = arith.constant 448 : i32
      %add3A_1850 = vector.broadcast %add3A_1849 : i32 to vector<16xi32>
      %add3A_1851 = arith.addi %add3A_1842, %add3A_1850 : vector<16xi32>
      %add3A_1852 = arith.constant 480 : i32
      %add3A_1853 = vector.broadcast %add3A_1852 : i32 to vector<16xi32>
      %add3A_1854 = arith.addi %add3A_1842, %add3A_1853 : vector<16xi32>
      %add3A_1855 = arith.constant 512 : i32
      %add3A_1856 = vector.broadcast %add3A_1855 : i32 to vector<16xi32>
      %add3A_1857 = arith.addi %add3A_1842, %add3A_1856 : vector<16xi32>
      %add3A_1858 = arith.constant 544 : i32
      %add3A_1859 = vector.broadcast %add3A_1858 : i32 to vector<16xi32>
      %add3A_1860 = arith.addi %add3A_1842, %add3A_1859 : vector<16xi32>
      %add3A_1861 = arith.constant 576 : i32
      %add3A_1862 = vector.broadcast %add3A_1861 : i32 to vector<16xi32>
      %add3A_1863 = arith.addi %add3A_1842, %add3A_1862 : vector<16xi32>
      %add3A_1864 = arith.constant 608 : i32
      %add3A_1865 = vector.broadcast %add3A_1864 : i32 to vector<16xi32>
      %add3A_1866 = arith.addi %add3A_1842, %add3A_1865 : vector<16xi32>
      %add3A_1867 = arith.constant 640 : i32
      %add3A_1868 = vector.broadcast %add3A_1867 : i32 to vector<16xi32>
      %add3A_1869 = arith.addi %add3A_1842, %add3A_1868 : vector<16xi32>
      %add3A_1870 = arith.constant 672 : i32
      %add3A_1871 = vector.broadcast %add3A_1870 : i32 to vector<16xi32>
      %add3A_1872 = arith.addi %add3A_1842, %add3A_1871 : vector<16xi32>
      %add3A_1873 = arith.constant 704 : i32
      %add3A_1874 = vector.broadcast %add3A_1873 : i32 to vector<16xi32>
      %add3A_1875 = arith.addi %add3A_1842, %add3A_1874 : vector<16xi32>
      %add3A_1876 = arith.constant 736 : i32
      %add3A_1877 = vector.broadcast %add3A_1876 : i32 to vector<16xi32>
      %add3A_1878 = arith.addi %add3A_1842, %add3A_1877 : vector<16xi32>
      %get3A_1879 = arith.constant 12 : i32
      %get3A_1880 = arith.index_cast %get3A_1879 : i32 to index
      %get3A_1881 = arith.constant 0 : index
      %get3A_1882 = tpu.vector_load %arg13[%get3A_1880, %get3A_1881] {strides = array<i32>} : memref<24x32xf32, #tpu.memory_space<vmem>>, vector<16xf32>,
      %get3A_1883 = arith.constant 13 : i32
      %get3A_1884 = arith.index_cast %get3A_1883 : i32 to index
      %get3A_1885 = arith.constant 0 : index
      %get3A_1886 = tpu.vector_load %arg13[%get3A_1884, %get3A_1885] {strides = array<i32>} : memref<24x32xf32, #tpu.memory_space<vmem>>, vector<16xf32>,
      %get3A_1887 = arith.constant 14 : i32
      %get3A_1888 = arith.index_cast %get3A_1887 : i32 to index
      %get3A_1889 = arith.constant 0 : index
      %get3A_1890 = tpu.vector_load %arg13[%get3A_1888, %get3A_1889] {strides = array<i32>} : memref<24x32xf32, #tpu.memory_space<vmem>>, vector<16xf32>,
      %get3A_1891 = arith.constant 15 : i32
      %get3A_1892 = arith.index_cast %get3A_1891 : i32 to index
      %get3A_1893 = arith.constant 0 : index
      %get3A_1894 = tpu.vector_load %arg13[%get3A_1892, %get3A_1893] {strides = array<i32>} : memref<24x32xf32, #tpu.memory_space<vmem>>, vector<16xf32>,
      %get3A_1895 = arith.constant 16 : i32
      %get3A_1896 = arith.index_cast %get3A_1895 : i32 to index
      %get3A_1897 = arith.constant 0 : index
      %get3A_1898 = tpu.vector_load %arg13[%get3A_1896, %get3A_1897] {strides = array<i32>} : memref<24x32xf32, #tpu.memory_space<vmem>>, vector<16xf32>,
      %get3A_1899 = arith.constant 17 : i32
      %get3A_1900 = arith.index_cast %get3A_1899 : i32 to index
      %get3A_1901 = arith.constant 0 : index
      %get3A_1902 = tpu.vector_load %arg13[%get3A_1900, %get3A_1901] {strides = array<i32>} : memref<24x32xf32, #tpu.memory_space<vmem>>, vector<16xf32>,
      %get3A_1903 = arith.constant 18 : i32
      %get3A_1904 = arith.index_cast %get3A_1903 : i32 to index
      %get3A_1905 = arith.constant 0 : index
      %get3A_1906 = tpu.vector_load %arg13[%get3A_1904, %get3A_1905] {strides = array<i32>} : memref<24x32xf32, #tpu.memory_space<vmem>>, vector<16xf32>,
      %get3A_1907 = arith.constant 19 : i32
      %get3A_1908 = arith.index_cast %get3A_1907 : i32 to index
      %get3A_1909 = arith.constant 0 : index
      %get3A_1910 = tpu.vector_load %arg13[%get3A_1908, %get3A_1909] {strides = array<i32>} : memref<24x32xf32, #tpu.memory_space<vmem>>, vector<16xf32>,
      %get3A_1911 = arith.constant 20 : i32
      %get3A_1912 = arith.index_cast %get3A_1911 : i32 to index
      %get3A_1913 = arith.constant 0 : index
      %get3A_1914 = tpu.vector_load %arg13[%get3A_1912, %get3A_1913] {strides = array<i32>} : memref<24x32xf32, #tpu.memory_space<vmem>>, vector<16xf32>,
      %get3A_1915 = arith.constant 21 : i32
      %get3A_1916 = arith.index_cast %get3A_1915 : i32 to index
      %get3A_1917 = arith.constant 0 : index
      %get3A_1918 = tpu.vector_load %arg13[%get3A_1916, %get3A_1917] {strides = array<i32>} : memref<24x32xf32, #tpu.memory_space<vmem>>, vector<16xf32>,
      %get3A_1919 = arith.constant 22 : i32
      %get3A_1920 = arith.index_cast %get3A_1919 : i32 to index
      %get3A_1921 = arith.constant 0 : index
      %get3A_1922 = tpu.vector_load %arg13[%get3A_1920, %get3A_1921] {strides = array<i32>} : memref<24x32xf32, #tpu.memory_space<vmem>>, vector<16xf32>,
      %get3A_1923 = arith.constant 23 : i32
      %get3A_1924 = arith.index_cast %get3A_1923 : i32 to index
      %get3A_1925 = arith.constant 0 : index
      %get3A_1926 = tpu.vector_load %arg13[%get3A_1924, %get3A_1925] {strides = array<i32>} : memref<24x32xf32, #tpu.memory_space<vmem>>, vector<16xf32>,
      %parallel_loop3A_1927 = arith.constant 0 : i32
      %parallel_loop3A_1928 = arith.constant 128 : i32
      %parallel_loop3A_1929 = arith.constant 1 : i32
      scf.for %parallel_loop3A_2028 = %parallel_loop3A_1927 to %parallel_loop3A_1928 step %parallel_loop3A_1929  : i32 {
        %parallel_loop3A_2029 = vector.broadcast %parallel_loop3A_2028 : i32 to vector<16xi32>
        %parallel_loop3A_2030 = tpu.iota {dimensions = array<i32: 0>} : vector<16xi32>
        %parallel_loop3A_2031 = arith.addi %parallel_loop3A_2029, %parallel_loop3A_2030 : vector<16xi32>
        %parallel_loop3A_2032 = arith.constant 127 : i32
        %parallel_loop3A_2033 = vector.broadcast %parallel_loop3A_2032 : i32 to vector<16xi32>
        %parallel_loop3A_2034 = arith.andi %parallel_loop3A_2031, %parallel_loop3A_2033 : vector<16xi32>
        %parallel_loop3A_2035 = tpu.vector_load_idx %arg14[%add3A_1845, %parallel_loop3A_2034] : memref<768x128xf32, #tpu.memory_space<vmem>>[vector<16xi32>, vector<16xi32>], vector<16xf32>,
        %parallel_loop3A_2036 = arith.mulf %get3A_1882, %parallel_loop3A_2035 : vector<16xf32>
        %parallel_loop3A_2037 = tpu.vector_load_idx %arg14[%add3A_1848, %parallel_loop3A_2034] : memref<768x128xf32, #tpu.memory_space<vmem>>[vector<16xi32>, vector<16xi32>], vector<16xf32>,
        %parallel_loop3A_2038 = arith.mulf %get3A_1886, %parallel_loop3A_2037 : vector<16xf32>
        %parallel_loop3A_2039 = arith.addf %parallel_loop3A_2036, %parallel_loop3A_2038 : vector<16xf32>
        %parallel_loop3A_2040 = tpu.vector_load_idx %arg14[%add3A_1851, %parallel_loop3A_2034] : memref<768x128xf32, #tpu.memory_space<vmem>>[vector<16xi32>, vector<16xi32>], vector<16xf32>,
        %parallel_loop3A_2041 = arith.mulf %get3A_1890, %parallel_loop3A_2040 : vector<16xf32>
        %parallel_loop3A_2042 = arith.addf %parallel_loop3A_2039, %parallel_loop3A_2041 : vector<16xf32>
        %parallel_loop3A_2043 = tpu.vector_load_idx %arg14[%add3A_1854, %parallel_loop3A_2034] : memref<768x128xf32, #tpu.memory_space<vmem>>[vector<16xi32>, vector<16xi32>], vector<16xf32>,
        %parallel_loop3A_2044 = arith.mulf %get3A_1894, %parallel_loop3A_2043 : vector<16xf32>
        %parallel_loop3A_2045 = arith.addf %parallel_loop3A_2042, %parallel_loop3A_2044 : vector<16xf32>
        %parallel_loop3A_2046 = tpu.vector_load_idx %arg14[%add3A_1857, %parallel_loop3A_2034] : memref<768x128xf32, #tpu.memory_space<vmem>>[vector<16xi32>, vector<16xi32>], vector<16xf32>,
        %parallel_loop3A_2047 = arith.mulf %get3A_1898, %parallel_loop3A_2046 : vector<16xf32>
        %parallel_loop3A_2048 = tpu.vector_load_idx %arg14[%add3A_1860, %parallel_loop3A_2034] : memref<768x128xf32, #tpu.memory_space<vmem>>[vector<16xi32>, vector<16xi32>], vector<16xf32>,
        %parallel_loop3A_2049 = arith.mulf %get3A_1902, %parallel_loop3A_2048 : vector<16xf32>
        %parallel_loop3A_2050 = arith.addf %parallel_loop3A_2047, %parallel_loop3A_2049 : vector<16xf32>
        %parallel_loop3A_2051 = tpu.vector_load_idx %arg14[%add3A_1863, %parallel_loop3A_2034] : memref<768x128xf32, #tpu.memory_space<vmem>>[vector<16xi32>, vector<16xi32>], vector<16xf32>,
        %parallel_loop3A_2052 = arith.mulf %get3A_1906, %parallel_loop3A_2051 : vector<16xf32>
        %parallel_loop3A_2053 = arith.addf %parallel_loop3A_2050, %parallel_loop3A_2052 : vector<16xf32>
        %parallel_loop3A_2054 = tpu.vector_load_idx %arg14[%add3A_1866, %parallel_loop3A_2034] : memref<768x128xf32, #tpu.memory_space<vmem>>[vector<16xi32>, vector<16xi32>], vector<16xf32>,
        %parallel_loop3A_2055 = arith.mulf %get3A_1910, %parallel_loop3A_2054 : vector<16xf32>
        %parallel_loop3A_2056 = arith.addf %parallel_loop3A_2053, %parallel_loop3A_2055 : vector<16xf32>
        %parallel_loop3A_2057 = arith.mulf %parallel_loop3A_2045, %parallel_loop3A_2056 : vector<16xf32>
        %parallel_loop3A_2058 = tpu.vector_load_idx %arg14[%add3A_1869, %parallel_loop3A_2034] : memref<768x128xf32, #tpu.memory_space<vmem>>[vector<16xi32>, vector<16xi32>], vector<16xf32>,
        %parallel_loop3A_2059 = arith.mulf %get3A_1914, %parallel_loop3A_2058 : vector<16xf32>
        %parallel_loop3A_2060 = tpu.vector_load_idx %arg14[%add3A_1872, %parallel_loop3A_2034] : memref<768x128xf32, #tpu.memory_space<vmem>>[vector<16xi32>, vector<16xi32>], vector<16xf32>,
        %parallel_loop3A_2061 = arith.mulf %get3A_1918, %parallel_loop3A_2060 : vector<16xf32>
        %parallel_loop3A_2062 = arith.addf %parallel_loop3A_2059, %parallel_loop3A_2061 : vector<16xf32>
        %parallel_loop3A_2063 = tpu.vector_load_idx %arg14[%add3A_1875, %parallel_loop3A_2034] : memref<768x128xf32, #tpu.memory_space<vmem>>[vector<16xi32>, vector<16xi32>], vector<16xf32>,
        %parallel_loop3A_2064 = arith.mulf %get3A_1922, %parallel_loop3A_2063 : vector<16xf32>
        %parallel_loop3A_2065 = arith.addf %parallel_loop3A_2062, %parallel_loop3A_2064 : vector<16xf32>
        %parallel_loop3A_2066 = tpu.vector_load_idx %arg14[%add3A_1878, %parallel_loop3A_2034] : memref<768x128xf32, #tpu.memory_space<vmem>>[vector<16xi32>, vector<16xi32>], vector<16xf32>,
        %parallel_loop3A_2067 = arith.mulf %get3A_1926, %parallel_loop3A_2066 : vector<16xf32>
        %parallel_loop3A_2068 = arith.addf %parallel_loop3A_2065, %parallel_loop3A_2067 : vector<16xf32>
        %parallel_loop3A_2069 = arith.mulf %parallel_loop3A_2057, %parallel_loop3A_2068 : vector<16xf32>
        tpu.vector_store_idx %arg16[%add3A_1842, %parallel_loop3A_2034], %parallel_loop3A_2069 : memref<32x128xf32, #tpu.memory_space<vmem>>[vector<16xi32>, vector<16xi32>], vector<16xf32>,
      } {sc.loop_unroll_factor = 2 : i64, sc.parallel_access}
      %iota3A_1930 = tpu.iota {dimensions = array<i32: 0>} : vector<16xi32>
      %add3A_1931 = arith.constant 16 : i32
      %add3A_1932 = vector.broadcast %add3A_1931 : i32 to vector<16xi32>
      %add3A_1933 = arith.addi %iota3A_1930, %add3A_1932 : vector<16xi32>
      %add3A_1934 = arith.constant 384 : i32
      %add3A_1935 = vector.broadcast %add3A_1934 : i32 to vector<16xi32>
      %add3A_1936 = arith.addi %add3A_1933, %add3A_1935 : vector<16xi32>
      %add3A_1937 = arith.constant 416 : i32
      %add3A_1938 = vector.broadcast %add3A_1937 : i32 to vector<16xi32>
      %add3A_1939 = arith.addi %add3A_1933, %add3A_1938 : vector<16xi32>
      %add3A_1940 = arith.constant 448 : i32
      %add3A_1941 = vector.broadcast %add3A_1940 : i32 to vector<16xi32>
      %add3A_1942 = arith.addi %add3A_1933, %add3A_1941 : vector<16xi32>
      %add3A_1943 = arith.constant 480 : i32
      %add3A_1944 = vector.broadcast %add3A_1943 : i32 to vector<16xi32>
      %add3A_1945 = arith.addi %add3A_1933, %add3A_1944 : vector<16xi32>
      %add3A_1946 = arith.constant 512 : i32
      %add3A_1947 = vector.broadcast %add3A_1946 : i32 to vector<16xi32>
      %add3A_1948 = arith.addi %add3A_1933, %add3A_1947 : vector<16xi32>
      %add3A_1949 = arith.constant 544 : i32
      %add3A_1950 = vector.broadcast %add3A_1949 : i32 to vector<16xi32>
      %add3A_1951 = arith.addi %add3A_1933, %add3A_1950 : vector<16xi32>
      %add3A_1952 = arith.constant 576 : i32
      %add3A_1953 = vector.broadcast %add3A_1952 : i32 to vector<16xi32>
      %add3A_1954 = arith.addi %add3A_1933, %add3A_1953 : vector<16xi32>
      %add3A_1955 = arith.constant 608 : i32
      %add3A_1956 = vector.broadcast %add3A_1955 : i32 to vector<16xi32>
      %add3A_1957 = arith.addi %add3A_1933, %add3A_1956 : vector<16xi32>
      %add3A_1958 = arith.constant 640 : i32
      %add3A_1959 = vector.broadcast %add3A_1958 : i32 to vector<16xi32>
      %add3A_1960 = arith.addi %add3A_1933, %add3A_1959 : vector<16xi32>
      %add3A_1961 = arith.constant 672 : i32
      %add3A_1962 = vector.broadcast %add3A_1961 : i32 to vector<16xi32>
      %add3A_1963 = arith.addi %add3A_1933, %add3A_1962 : vector<16xi32>
      %add3A_1964 = arith.constant 704 : i32
      %add3A_1965 = vector.broadcast %add3A_1964 : i32 to vector<16xi32>
      %add3A_1966 = arith.addi %add3A_1933, %add3A_1965 : vector<16xi32>
      %add3A_1967 = arith.constant 736 : i32
      %add3A_1968 = vector.broadcast %add3A_1967 : i32 to vector<16xi32>
      %add3A_1969 = arith.addi %add3A_1933, %add3A_1968 : vector<16xi32>
      %get3A_1970 = arith.constant 12 : i32
      %get3A_1971 = arith.index_cast %get3A_1970 : i32 to index
      %get3A_1972 = arith.constant 16 : index
      %get3A_1973 = tpu.vector_load %arg13[%get3A_1971, %get3A_1972] {strides = array<i32>} : memref<24x32xf32, #tpu.memory_space<vmem>>, vector<16xf32>,
      %get3A_1974 = arith.constant 13 : i32
      %get3A_1975 = arith.index_cast %get3A_1974 : i32 to index
      %get3A_1976 = arith.constant 16 : index
      %get3A_1977 = tpu.vector_load %arg13[%get3A_1975, %get3A_1976] {strides = array<i32>} : memref<24x32xf32, #tpu.memory_space<vmem>>, vector<16xf32>,
      %get3A_1978 = arith.constant 14 : i32
      %get3A_1979 = arith.index_cast %get3A_1978 : i32 to index
      %get3A_1980 = arith.constant 16 : index
      %get3A_1981 = tpu.vector_load %arg13[%get3A_1979, %get3A_1980] {strides = array<i32>} : memref<24x32xf32, #tpu.memory_space<vmem>>, vector<16xf32>,
      %get3A_1982 = arith.constant 15 : i32
      %get3A_1983 = arith.index_cast %get3A_1982 : i32 to index
      %get3A_1984 = arith.constant 16 : index
      %get3A_1985 = tpu.vector_load %arg13[%get3A_1983, %get3A_1984] {strides = array<i32>} : memref<24x32xf32, #tpu.memory_space<vmem>>, vector<16xf32>,
      %get3A_1986 = arith.constant 16 : i32
      %get3A_1987 = arith.index_cast %get3A_1986 : i32 to index
      %get3A_1988 = arith.constant 16 : index
      %get3A_1989 = tpu.vector_load %arg13[%get3A_1987, %get3A_1988] {strides = array<i32>} : memref<24x32xf32, #tpu.memory_space<vmem>>, vector<16xf32>,
      %get3A_1990 = arith.constant 17 : i32
      %get3A_1991 = arith.index_cast %get3A_1990 : i32 to index
      %get3A_1992 = arith.constant 16 : index
      %get3A_1993 = tpu.vector_load %arg13[%get3A_1991, %get3A_1992] {strides = array<i32>} : memref<24x32xf32, #tpu.memory_space<vmem>>, vector<16xf32>,
      %get3A_1994 = arith.constant 18 : i32
      %get3A_1995 = arith.index_cast %get3A_1994 : i32 to index
      %get3A_1996 = arith.constant 16 : index
      %get3A_1997 = tpu.vector_load %arg13[%get3A_1995, %get3A_1996] {strides = array<i32>} : memref<24x32xf32, #tpu.memory_space<vmem>>, vector<16xf32>,
      %get3A_1998 = arith.constant 19 : i32
      %get3A_1999 = arith.index_cast %get3A_1998 : i32 to index
      %get3A_2000 = arith.constant 16 : index
      %get3A_2001 = tpu.vector_load %arg13[%get3A_1999, %get3A_2000] {strides = array<i32>} : memref<24x32xf32, #tpu.memory_space<vmem>>, vector<16xf32>,
      %get3A_2002 = arith.constant 20 : i32
      %get3A_2003 = arith.index_cast %get3A_2002 : i32 to index
      %get3A_2004 = arith.constant 16 : index
      %get3A_2005 = tpu.vector_load %arg13[%get3A_2003, %get3A_2004] {strides = array<i32>} : memref<24x32xf32, #tpu.memory_space<vmem>>, vector<16xf32>,
      %get3A_2006 = arith.constant 21 : i32
      %get3A_2007 = arith.index_cast %get3A_2006 : i32 to index
      %get3A_2008 = arith.constant 16 : index
      %get3A_2009 = tpu.vector_load %arg13[%get3A_2007, %get3A_2008] {strides = array<i32>} : memref<24x32xf32, #tpu.memory_space<vmem>>, vector<16xf32>,
      %get3A_2010 = arith.constant 22 : i32
      %get3A_2011 = arith.index_cast %get3A_2010 : i32 to index
      %get3A_2012 = arith.constant 16 : index
      %get3A_2013 = tpu.vector_load %arg13[%get3A_2011, %get3A_2012] {strides = array<i32>} : memref<24x32xf32, #tpu.memory_space<vmem>>, vector<16xf32>,
      %get3A_2014 = arith.constant 23 : i32
      %get3A_2015 = arith.index_cast %get3A_2014 : i32 to index
      %get3A_2016 = arith.constant 16 : index
      %get3A_2017 = tpu.vector_load %arg13[%get3A_2015, %get3A_2016] {strides = array<i32>} : memref<24x32xf32, #tpu.memory_space<vmem>>, vector<16xf32>,
      %parallel_loop3A_2018 = arith.constant 0 : i32
      %parallel_loop3A_2019 = arith.constant 128 : i32
      %parallel_loop3A_2020 = arith.constant 1 : i32
      scf.for %parallel_loop3A_2028 = %parallel_loop3A_2018 to %parallel_loop3A_2019 step %parallel_loop3A_2020  : i32 {
        %parallel_loop3A_2029 = vector.broadcast %parallel_loop3A_2028 : i32 to vector<16xi32>
        %parallel_loop3A_2030 = tpu.iota {dimensions = array<i32: 0>} : vector<16xi32>
        %parallel_loop3A_2031 = arith.addi %parallel_loop3A_2029, %parallel_loop3A_2030 : vector<16xi32>
        %parallel_loop3A_2032 = arith.constant 127 : i32
        %parallel_loop3A_2033 = vector.broadcast %parallel_loop3A_2032 : i32 to vector<16xi32>
        %parallel_loop3A_2034 = arith.andi %parallel_loop3A_2031, %parallel_loop3A_2033 : vector<16xi32>
        %parallel_loop3A_2035 = tpu.vector_load_idx %arg14[%add3A_1936, %parallel_loop3A_2034] : memref<768x128xf32, #tpu.memory_space<vmem>>[vector<16xi32>, vector<16xi32>], vector<16xf32>,
        %parallel_loop3A_2036 = arith.mulf %get3A_1973, %parallel_loop3A_2035 : vector<16xf32>
        %parallel_loop3A_2037 = tpu.vector_load_idx %arg14[%add3A_1939, %parallel_loop3A_2034] : memref<768x128xf32, #tpu.memory_space<vmem>>[vector<16xi32>, vector<16xi32>], vector<16xf32>,
        %parallel_loop3A_2038 = arith.mulf %get3A_1977, %parallel_loop3A_2037 : vector<16xf32>
        %parallel_loop3A_2039 = arith.addf %parallel_loop3A_2036, %parallel_loop3A_2038 : vector<16xf32>
        %parallel_loop3A_2040 = tpu.vector_load_idx %arg14[%add3A_1942, %parallel_loop3A_2034] : memref<768x128xf32, #tpu.memory_space<vmem>>[vector<16xi32>, vector<16xi32>], vector<16xf32>,
        %parallel_loop3A_2041 = arith.mulf %get3A_1981, %parallel_loop3A_2040 : vector<16xf32>
        %parallel_loop3A_2042 = arith.addf %parallel_loop3A_2039, %parallel_loop3A_2041 : vector<16xf32>
        %parallel_loop3A_2043 = tpu.vector_load_idx %arg14[%add3A_1945, %parallel_loop3A_2034] : memref<768x128xf32, #tpu.memory_space<vmem>>[vector<16xi32>, vector<16xi32>], vector<16xf32>,
        %parallel_loop3A_2044 = arith.mulf %get3A_1985, %parallel_loop3A_2043 : vector<16xf32>
        %parallel_loop3A_2045 = arith.addf %parallel_loop3A_2042, %parallel_loop3A_2044 : vector<16xf32>
        %parallel_loop3A_2046 = tpu.vector_load_idx %arg14[%add3A_1948, %parallel_loop3A_2034] : memref<768x128xf32, #tpu.memory_space<vmem>>[vector<16xi32>, vector<16xi32>], vector<16xf32>,
        %parallel_loop3A_2047 = arith.mulf %get3A_1989, %parallel_loop3A_2046 : vector<16xf32>
        %parallel_loop3A_2048 = tpu.vector_load_idx %arg14[%add3A_1951, %parallel_loop3A_2034] : memref<768x128xf32, #tpu.memory_space<vmem>>[vector<16xi32>, vector<16xi32>], vector<16xf32>,
        %parallel_loop3A_2049 = arith.mulf %get3A_1993, %parallel_loop3A_2048 : vector<16xf32>
        %parallel_loop3A_2050 = arith.addf %parallel_loop3A_2047, %parallel_loop3A_2049 : vector<16xf32>
        %parallel_loop3A_2051 = tpu.vector_load_idx %arg14[%add3A_1954, %parallel_loop3A_2034] : memref<768x128xf32, #tpu.memory_space<vmem>>[vector<16xi32>, vector<16xi32>], vector<16xf32>,
        %parallel_loop3A_2052 = arith.mulf %get3A_1997, %parallel_loop3A_2051 : vector<16xf32>
        %parallel_loop3A_2053 = arith.addf %parallel_loop3A_2050, %parallel_loop3A_2052 : vector<16xf32>
        %parallel_loop3A_2054 = tpu.vector_load_idx %arg14[%add3A_1957, %parallel_loop3A_2034] : memref<768x128xf32, #tpu.memory_space<vmem>>[vector<16xi32>, vector<16xi32>], vector<16xf32>,
        %parallel_loop3A_2055 = arith.mulf %get3A_2001, %parallel_loop3A_2054 : vector<16xf32>
        %parallel_loop3A_2056 = arith.addf %parallel_loop3A_2053, %parallel_loop3A_2055 : vector<16xf32>
        %parallel_loop3A_2057 = arith.mulf %parallel_loop3A_2045, %parallel_loop3A_2056 : vector<16xf32>
        %parallel_loop3A_2058 = tpu.vector_load_idx %arg14[%add3A_1960, %parallel_loop3A_2034] : memref<768x128xf32, #tpu.memory_space<vmem>>[vector<16xi32>, vector<16xi32>], vector<16xf32>,
        %parallel_loop3A_2059 = arith.mulf %get3A_2005, %parallel_loop3A_2058 : vector<16xf32>
        %parallel_loop3A_2060 = tpu.vector_load_idx %arg14[%add3A_1963, %parallel_loop3A_2034] : memref<768x128xf32, #tpu.memory_space<vmem>>[vector<16xi32>, vector<16xi32>], vector<16xf32>,
        %parallel_loop3A_2061 = arith.mulf %get3A_2009, %parallel_loop3A_2060 : vector<16xf32>
        %parallel_loop3A_2062 = arith.addf %parallel_loop3A_2059, %parallel_loop3A_2061 : vector<16xf32>
        %parallel_loop3A_2063 = tpu.vector_load_idx %arg14[%add3A_1966, %parallel_loop3A_2034] : memref<768x128xf32, #tpu.memory_space<vmem>>[vector<16xi32>, vector<16xi32>], vector<16xf32>,
        %parallel_loop3A_2064 = arith.mulf %get3A_2013, %parallel_loop3A_2063 : vector<16xf32>
        %parallel_loop3A_2065 = arith.addf %parallel_loop3A_2062, %parallel_loop3A_2064 : vector<16xf32>
        %parallel_loop3A_2066 = tpu.vector_load_idx %arg14[%add3A_1969, %parallel_loop3A_2034] : memref<768x128xf32, #tpu.memory_space<vmem>>[vector<16xi32>, vector<16xi32>], vector<16xf32>,
        %parallel_loop3A_2067 = arith.mulf %get3A_2017, %parallel_loop3A_2066 : vector<16xf32>
        %parallel_loop3A_2068 = arith.addf %parallel_loop3A_2065, %parallel_loop3A_2067 : vector<16xf32>
        %parallel_loop3A_2069 = arith.mulf %parallel_loop3A_2057, %parallel_loop3A_2068 : vector<16xf32>
        tpu.vector_store_idx %arg16[%add3A_1933, %parallel_loop3A_2034], %parallel_loop3A_2069 : memref<32x128xf32, #tpu.memory_space<vmem>>[vector<16xi32>, vector<16xi32>], vector<16xf32>,
      } {sc.loop_unroll_factor = 2 : i64, sc.parallel_access}
      %mul3A_2021 = arith.constant 32 : i32
      %mul3A_2022 = arith.muli %add3A_1838, %mul3A_2021 : i32
      %add3A_2023 = arith.addi %mul3A_2, %mul3A_2022 : i32
      %dma_start3A_2024 = arith.constant 0 : i32
      %dma_start3A_2025 = tpu.memref_slice %arg8[%add3A_2023, %dma_start3A_2024] : memref<102400x128xf32, #tpu.memory_space<hbm>> -> memref<32x128xf32, #tpu.memory_space<hbm>>
      %dma_start3A_2026 = arith.constant 0 : i32
      %dma_start3A_2027 = tpu.memref_slice %arg8[%add3A_2023, %dma_start3A_2026] : memref<102400x128xf32, #tpu.memory_space<hbm>> -> memref<32x128xf32, #tpu.memory_space<hbm>>
      tpu.enqueue_dma source(%arg16 : memref<32x128xf32, #tpu.memory_space<vmem>>) target(%dma_start3A_2027 : memref<32x128xf32, #tpu.memory_space<hbm>>) target_semaphore(%arg20 : memref<!tpu.dma_semaphore, #tpu.memory_space<semaphore_mem>>)
    }
    %scan3A_686 = arith.constant 50 : i32
    %dma_wait3A = arith.constant 0 : i32
    %dma_wait3A_687 = tpu.memref_slice %arg8[%mul3A_2, %dma_wait3A] : memref<102400x128xf32, #tpu.memory_space<hbm>> -> memref<32x128xf32, #tpu.memory_space<hbm>>
    %dma_wait3A_688 = arith.constant 0 : i32
    %dma_wait3A_689 = tpu.memref_slice %arg8[%mul3A_2, %dma_wait3A_688] : memref<102400x128xf32, #tpu.memory_space<hbm>> -> memref<32x128xf32, #tpu.memory_space<hbm>>
    tpu.wait_dma2 semaphore(%arg19 : memref<!tpu.dma_semaphore, #tpu.memory_space<semaphore_mem>>) src(%arg15 : memref<32x128xf32, #tpu.memory_space<vmem>>) dst(%dma_wait3A_689 : memref<32x128xf32, #tpu.memory_space<hbm>>)
    %dma_wait3A_690 = arith.constant 0 : i32
    %dma_wait3A_691 = tpu.memref_slice %arg8[%mul3A_2, %dma_wait3A_690] : memref<102400x128xf32, #tpu.memory_space<hbm>> -> memref<32x128xf32, #tpu.memory_space<hbm>>
    %dma_wait3A_692 = arith.constant 0 : i32
    %dma_wait3A_693 = tpu.memref_slice %arg8[%mul3A_2, %dma_wait3A_692] : memref<102400x128xf32, #tpu.memory_space<hbm>> -> memref<32x128xf32, #tpu.memory_space<hbm>>
    tpu.wait_dma2 semaphore(%arg20 : memref<!tpu.dma_semaphore, #tpu.memory_space<semaphore_mem>>) src(%arg16 : memref<32x128xf32, #tpu.memory_space<vmem>>) dst(%dma_wait3A_693 : memref<32x128xf32, #tpu.memory_space<hbm>>)
    return
  }
}

</mosaic_0001>

<sc_bundles>
// kernel: kernel.3.cloned.1.call-start
scs
__scs_entry_jumppad:
0x0: {  	(pc) =	sbr.rel $0x88, $3  }
0x1: {  	(tag) =	ssettag $0x0;
	lr =	simm.s32 $0x1  }
0x2: {  	[smem:$0x3F9D] =	sst lr;
	_ =	strace $0xD0000000  }
0x3: {  	_ = 	snop  }
0x4: {  	_ = 	snop  }
0x5: {  	_ = 	snop  }
0x6: {  	_ = 	snop  }
0x7: {  	_ = 	snop  }
__scs_overlays_trampoline_lowered:
0x8: {  	[smem:$0x3FAC] =	sst s0  }
0x9: {  	[smem:$0x3FAD] =	sst s1  }
0xa: {  	[smem:$0x3FAE] =	sst s2  }
0xb: {  	[smem:$0x3FAF] =	sst s3  }
0xc: {  	[smem:$0x3FB0] =	sst s4  }
0xd: {  	[smem:$0x3FB1] =	sst s5  }
0xe: {  	[smem:$0x3FB2] =	sst s6  }
0xf: {  	[smem:$0x3FB3] =	sst s7  }
0x10: {  	[smem:$0x3FB4] =	sst s8  }
0x11: {  	[smem:$0x3FB5] =	sst s9;
	s0 =	simm.s32 @!p0 $0x0  }
0x12: {  	s1 =	sld [smem:$0x3F9B];
	s0 =	simm.s32 @p0 $0x1  }
0x13: {  	[smem:$0x3FB6] =	sst s0;
	s0 =	simm.s32 @!p1 $0x0  }
0x14: {  	s2 =	sld [smem:$0x3F9A];
	s0 =	simm.s32 @p1 $0x1  }
0x15: {  	[smem:$0x3FB7] =	sst s0;
	s0 =	simm.s32 @!p2 $0x0  }
0x16: {  	s3 =	sld [smem:$0x3FDB];
	s0 =	simm.s32 @p2 $0x1  }
0x17: {  	s4 =	simm.s32 $0x1BF5;
	[smem:$0x3FB9] =	sst s0  }
0x18: {  	s0 =	sld [smem:$0x3F9C];
	_ =	swait.ge [sflag:s4], $0x0  }
0x19: {  	s7 =	sld [smem:$0x3F9D]  }
0x1a: {  	s8 =	sadd.s32 $0xFFFFE003, lr  }
0x1b: {  	s9 =	sadd.s32 $0xFFFFFEF7, lr;
	s5 =	simm.s32 $0xFFFFFFFF;
	p2 =	slt.u32 s8, $0xFFFFF086  }
0x1c: {  	p1 =	slt.u32 s9, $0xF7A;
	s5 =	simm.s32 @!p2 $0x0  }
0x1d: {  	s5 =	simm.s32 @p1 $0x1;
	p0 =	seq.s32 s7, s2  }
0x1e: {  	s7 =	smul.u32 @!p0 $0xF7A, s2;
	p2 =	seq.s32 @!p0 s5, $0x0  }
0x1f: {  	s9 =	smul.u32 $0xF7A, s1;
	s8 =	simm.s32 @!p0 $0x1BF5;
	p2 =	por !p2, p0  }
0x20: {  	[sflag:s8] =	ssyncset.s32 @!p0 $0xFFFFF086;
	s6 =	sadd.s32 @!p0 s3, s7;
	s7 =	simm.s32 @!p0 $0x108  }
0x21: {  	s3 =	sadd.s32 s3, s9;
	s6 =	sadd.s32 @!p0 $0x88, s6;
	s7 =	simm.s32 @p2 $0x1082  }
0x22: {  	[simem:s7], [sflag:s8] =	dma.local @!p0 [hbm:s6], $0xF7A  }
0x23: {  	s9 =	sor.u32 $0xD0000000, s2;
	s6 =	simm.s32 $0x108;
	_ =	swait.ge @!p0 [sflag:s8], $0x0  }
0x24: {  	s3 =	sadd.s32 $0x88, s3;
	s6 =	simm.s32 @!p1 $0x1082;
	[sflag:s4] =	ssyncset.s32 $0xFFFFF086  }
0x25: {  	[simem:s6], [sflag:s4] =	dma.local [hbm:s3], $0xF7A  }
0x26: {  	[smem:$0x3F9D] =	sst s1;
	(tag) =	ssettag s2;
	_ =	strace s9  }
0x27: {  	s1 =	sld [smem:$0x3FAD]  }
0x28: {  	s2 =	sld [smem:$0x3FAE]  }
0x29: {  	s4 =	sld [smem:$0x3FB0]  }
0x2a: {  	p0 =	seq.s32 s5, $0x0;
	s5 =	sld [smem:$0x3FB1]  }
0x2b: {  	s6 =	sld [smem:$0x3FB2]  }
0x2c: {  	s7 =	sld [smem:$0x3FB3]  }
0x2d: {  	s3 =	simm.s32 $0x108;
	s8 =	sld [smem:$0x3FB4]  }
0x2e: {  	s3 =	simm.s32 @!p0 $0x1082;
	s9 =	sld [smem:$0x3FB5]  }
0x2f: {  	lr =	sadd.s32 s0, s3;
	s0 =	sld [smem:$0x3FAC]  }
0x30: {  	s3 =	sld [smem:$0x3FAF]  }
0x31: {  	[smem:$0x3FB8] =	sst s10  }
0x32: {  	s10 =	sld [smem:$0x3FB6];
	_ =	sdelay $0x3  }
0x33: {  	p0 =	seq.s32 s10, $0x1;
	s10 =	sld [smem:$0x3FB8];
	_ =	sdelay $0x3  }
0x34: {  	[smem:$0x3FB8] =	sst s10  }
0x35: {  	s10 =	sld [smem:$0x3FB7];
	_ =	sdelay $0x3  }
0x36: {  	p1 =	seq.s32 s10, $0x1;
	s10 =	sld [smem:$0x3FB8];
	_ =	sdelay $0x3  }
0x37: {  	[smem:$0x3FB8] =	sst s10  }
0x38: {  	s10 =	sld [smem:$0x3FB9]  }
0x39: {  	_ = 	snop;
	(pc) =	sbr.ind lr, $3  }
0x3a: {  	_ = 	snop  }
0x3b: {  	_ = 	snop  }
0x3c: {  	p2 =	seq.s32 s10, $0x1;
	s10 =	sld [smem:$0x3FB8]  }
0x3d: {  	_ =	shalt  }
0x3e: {  	_ =	shalt  }
0x3f: {  	_ =	shalt  }
0x40: {  	_ =	shalt  }
0x41: {  	_ =	shalt  }
0x42: {  	_ =	shalt  }
0x43: {  	_ =	shalt  }
0x44: {  	_ =	shalt  }
0x45: {  	_ =	shalt  }
0x46: {  	_ =	shalt  }
0x47: {  	_ =	shalt  }
0x48: {  	_ =	shalt  }
0x49: {  	_ =	shalt  }
0x4a: {  	_ =	shalt  }
0x4b: {  	_ =	shalt  }
0x4c: {  	_ =	shalt  }
0x4d: {  	_ =	shalt  }
0x4e: {  	_ =	shalt  }
0x4f: {  	_ =	shalt  }
0x50: {  	_ =	shalt  }
0x51: {  	_ =	shalt  }
0x52: {  	_ =	shalt  }
0x53: {  	_ =	shalt  }
0x54: {  	_ =	shalt  }
0x55: {  	_ =	shalt  }
0x56: {  	_ =	shalt  }
0x57: {  	_ =	shalt  }
0x58: {  	_ =	shalt  }
0x59: {  	_ =	shalt  }
0x5a: {  	_ =	shalt  }
0x5b: {  	_ =	shalt  }
0x5c: {  	_ =	shalt  }
0x5d: {  	_ =	shalt  }
0x5e: {  	_ =	shalt  }
0x5f: {  	_ =	shalt  }
0x60: {  	_ =	shalt  }
0x61: {  	_ =	shalt  }
0x62: {  	_ =	shalt  }
0x63: {  	_ =	shalt  }
0x64: {  	_ =	shalt  }
0x65: {  	_ =	shalt  }
0x66: {  	_ =	shalt  }
0x67: {  	_ =	shalt  }
0x68: {  	_ =	shalt  }
0x69: {  	_ =	shalt  }
0x6a: {  	_ =	shalt  }
0x6b: {  	_ =	shalt  }
0x6c: {  	_ =	shalt  }
0x6d: {  	_ =	shalt  }
0x6e: {  	_ =	shalt  }
0x6f: {  	_ =	shalt  }
0x70: {  	_ =	shalt  }
0x71: {  	_ =	shalt  }
0x72: {  	_ =	shalt  }
0x73: {  	_ =	shalt  }
0x74: {  	_ =	shalt  }
0x75: {  	_ =	shalt  }
0x76: {  	_ =	shalt  }
0x77: {  	_ =	shalt  }
0x78: {  	_ =	shalt  }
0x79: {  	_ =	shalt  }
0x7a: {  	_ =	shalt  }
0x7b: {  	_ =	shalt  }
0x7c: {  	_ =	shalt  }
0x7d: {  	_ =	shalt  }
0x7e: {  	_ =	shalt  }
0x7f: {  	_ =	shalt  }
0x80: {  	_ =	shalt  }
0x81: {  	_ =	shalt  }
0x82: {  	_ =	shalt  }
0x83: {  	_ =	shalt  }
0x84: {  	_ =	shalt  }
0x85: {  	_ =	shalt  }
0x86: {  	_ =	shalt  }
0x87: {  	_ =	shalt  }
.Lfunc_end0:
.L_simem_size_0:
called_computation_lowered:
.L_overlay_start_0:
0x88: {  	s2 =	sld [smem:$0x3FD9]  }
0x89: {  	s3 =	sld [smem:$0x3FFE];
	_ =	sdelay $0x1  }
0x8a: {  	s1 =	srdreg.scid  }
0x8b: {  	s0 =	sand.u32 $0x1, s1  }
0x8c: {  	s17 =	sshll.u32 s0, $0xA;
	s2 =	sadd.s32 s3, s2  }
0x8d: {  	s2 =	sadd.s32 s2, s17  }
0x8e: {  	[smem:$0x3FC4] =	sst s2  }
0x8f: {  	_ = 	snop  }
0x90: {  	s2 =	sld [smem:$0x3FD0];
	(tm) =	ssettm $0x1  }
0x91: {  	s18 =	sld [smem:$0x3FFB];
	_ =	sdelay $0x3  }
0x92: {  	_ =	strace s18  }
0x93: {  	s3 =	sld [smem:$0x3FFC];
	_ =	sdelay $0x3  }
0x94: {  	_ =	strace s3  }
0x95: {  	s3 =	sld [smem:$0x3FFD];
	_ =	sdelay $0x3  }
0x96: {  	_ =	strace s3  }
0x97: {  	_ =	strace $0x8FFFFFFF  }
0x98: {  	s19 =	sld [smem:$0x3FDB];
	_ =	sdelay $0x1  }
0x99: {  	s4 =	simm.s32 $_scs_section_size  }
0x9a: {  	s5 =	simm.s32 $_size__tile_overlayer_lowered;
	s6 =	simm.s32 $_tile_overlayer_lowered  }
0x9b: {  	s22 =	simm.s32 $0x1BFF;
	s21 =	sshll.u32 s6, $0x1;
	s3 =	sadd.s32 s4, s19  }
0x9c: {  	s7 =	simm.s32 $0x0;
	s20 =	sshll.u32 s5, $0x1;
	s5 =	sadd.s32 s21, s3  }
0x9d: {  	[timem:s7], [sflag:s22] =	dma.local [hbm:s5], s20  }
0x9e: {  	_ =	swait.ge [sflag:s22], s20  }
0x9f: {  	s4 =	ssub.s32 $0x0, s20;
	[sflag:s22] =	ssyncset.done $0x0  }
0xa0: {  	[sflag:s22] =	ssyncadd.s32 s4;
	_ =	sdelay $0x1  }
0xa1: {  	s23 =	simm.s32 $0x1B8B  }
0xa2: {  	_ =	swait.ge [sflag:s23], $0x1  }
0xa3: {  	[sflag:s23] =	ssyncset.done $0x0  }
0xa4: {  	s25 =	simm.s32 $0x1B8E;
	s24 =	sld [smem:$0x3FFE];
	[sflag:s23] =	ssyncadd.s32 $0xFFFFFFFF  }
0xa5: {  	s26 =	simm.s32 $execute0_lowered;
	[smem:$0x3FD2] =	sst s25  }
0xa6: {  	s5 =	sshll.u32 s26, $0x1;
	_ =	strace $0x80000046;
	[dreg:$0x1] =	wrdreg $0xFFFFFFFF  }
0xa7: {  	s28 =	simm.s32 $_size_execute0_lowered;
	s3 =	sadd.s32 s3, s5;
	[dreg:$0x0] =	wrdreg $0x0  }
0xa8: {  	s5 =	sshll.u32 s28, $0x1;
	[dreg:$0x2] =	wrdreg s3  }
0xa9: {  	[dreg:$0x3] =	wrdreg s5  }
0xaa: {  	[dreg:$0x4] =	wrdreg $0xC0  }
0xab: {  	_ =	task [dreg:s7], $0x5FFFF  }
0xac: {  	[dreg:$0x1] =	wrdreg $0xFFFFFFFF  }
0xad: {  	[dreg:$0x0] =	wrdreg $0x60  }
0xae: {  	[dreg:$0x2] =	wrdreg s2  }
0xaf: {  	[dreg:$0x3] =	wrdreg s24  }
0xb0: {  	[dreg:$0x4] =	wrdreg $0x9  }
0xb1: {  	_ =	task.clear_ibuf [dreg:s7], $0x5FFFF;
	_ =	strace $0x90000046  }
0xb2: {  	s29 =	simm.s32 $0x9;
	_ =	strace $0x80000048  }
0xb3: {  	_ =	swait.ge [sflag:s29], $0x1  }
0xb4: {  	[sflag:s29] =	ssyncadd.s32 $0xFFFFFFFF  }
0xb5: {  	_ =	strace $0x90000048  }
0xb6: {  	_ =	sfence  }
0xb7: {  	s30 =	sld [smem:$0x0];
	_ =	sdelay $0x2  }
0xb8: {  	s31 =	sshll.u32 s1, $0xD;
	s1 =	sshrl.u32 s1, $0x2  }
0xb9: {  	s3 =	sand.u32 $0x4000, s31;
	s1 =	sadd.s32 s1, s30  }
0xba: {  	s0 =	sor.u32 s3, s0;
	s1 =	sshll.u32 s1, $0x11  }
0xbb: {  	s0 =	sor.u32 s1, s0  }
0xbc: {  	s0 =	sadd.s32 $0x8F2B, s0  }
0xbd: {  	[sflag:s0] =	ssyncadd.remote.s32 $0x1  }
0xbe: {  	_ =	sfence.sel $0xFFFF  }
0xbf: {  	[dreg:$0x0] =	wrdreg $0xFFFFFFFF;
	(pc) =	sbr.abs _section_cstart, $3  }
0xc0: {  	[dreg:$0x1] =	wrdreg $0xFFFFFFFF  }
0xc1: {  	_ =	task.clear_ibuf [dreg:s7], $0x2FFFF;
	_ =	strace $0x9FFFFFFF  }
0xc2: {  	(tm) =	ssettm $0x7FFFFFFF  }
0xc3: {  	_ =	shalt  }
tec
execute0_lowered:
.L_overlay_start_1:
0x0: {  	(tag) =	ssettag $0x1  }
0x1: {  	s2 =	rddreg [dreg:$0x0]  }
0x2: {  	s0 =	srdreg.scid;
	s1 =	rddreg [dreg:$0x1]  }
0x3: {  	s5 =	stileid.u32;
	s3 =	simm.s32 $0x0;
	s16 =	simm.s32 $0x20  }
0x4: {  	s18 =	simm.s32 $0x3580;
	s31 =	simm.s32 $0x14580;
	s14 =	simm.s32 $0x27E0  }
0x5: {  	s15 =	simm.s32 $0x16580;
	s12 =	simm.s32 $0x18580;
	s13 =	simm.s32 $0x2840  }
0x6: {  	s17 =	simm.s32 $0x19580;
	s19 =	simm.s32 $0x2860;
	s20 =	simm.s32 $0x1A580  }
0x7: {  	s21 =	simm.s32 $0x1;
	s22 =	simm.s32 $0x1B580;
	s0 =	sand.u32 $0x1, s0  }
0x8: {  	s23 =	simm.s32 $0x2;
	s24 =	simm.s32 $0x1C580;
	s4 =	sshll.u32 s0, $0x4  }
0x9: {  	s28 =	simm.s32 $0x0;
	[smem:$0x7FF] =	sst s3;
	s8 =	sor.u32 s5, s4  }
0xa: {  	s6 =	sadd.s32 $0x109C00, s1;
	s0 =	ssub.s32 $0x2, s0;
	s4 =	smul.u32 $0xC80, s8  }
0xb: {  	_ =	strace $0x80000047;
	s5 =	sadd.s32 $0x9C00, s1;
	s10 =	sshrl.u32 s0, $0x1  }
0xc: {  	s0 =	ssub.s32 s0, s10;
	s11 =	smul.u32 $0x64000, s8;
	s7 =	sshrl.u32 s4, $0x3  }
0xd: {  	s8 =	simm.s32 $0x2800;
	s0 =	smax.u32 s0, $0x1;
	s9 =	sadd.s32 s7, s1  }
0xe: {  	s10 =	simm.s32 $0x2820;
	[dreg:$0x6] =	wrdreg s0;
	s26 =	sadd.s32 $0x6A00, s9  }
0xf: {  	s0 =	simm.s32 $0x27C0;
	s29 =	sadd.s32 $0x3800, s9;
	[dreg:$0x3] =	wrdreg s26  }
0x10: {  	s7 =	sadd.s32 $0x209C00, s1;
	s30 =	sadd.s32 $0x600, s9;
	[dreg:$0x4] =	wrdreg s29  }
0x11: {  	v1 =	vlaneseq.u32;
	s1 =	simm.s32 $0x15580;
	s9 =	simm.s32 $0x17580;
	[dreg:$0x5] =	wrdreg s30  }
.LBB2_1:
0x12: {  	[dreg:$0x7] =	wrdreg s28  }
0x13: {  	s25 =	rddreg [dreg:$0x3];
	s26 =	simm.s32 $0x5  }
0x14: {  	[tilespmem:s3], [sflag:$0x5] =	stream.linear.gather [hbm4b:s25+s3], $0xC80, $0x38;
	[tilespmem:$0x1D580] =	vst v63  }
0x15: {  	_ =	swait.ge [sflag:s26], $0xC80  }
0x16: {  	[sflag:s26] =	ssyncset.done $0x0  }
0x17: {  	s30 =	simm.s32 $0xC80;
	s29 =	rddreg [dreg:$0x4];
	[sflag:s26] =	ssyncadd.s32 $0xFFFFF380  }
0x18: {  	[tilespmem:s30], [sflag:$0x5] =	stream.linear.gather [hbm4b:s29+s3], $0xC80, $0x38;
	[tilespmem:$0x1D580] =	vst v63  }
0x19: {  	_ =	swait.ge [sflag:s26], $0xC80  }
0x1a: {  	[sflag:s26] =	ssyncset.done $0x0  }
0x1b: {  	s30 =	simm.s32 $0x1900;
	s29 =	rddreg [dreg:$0x5];
	[sflag:s26] =	ssyncadd.s32 $0xFFFFF380  }
0x1c: {  	[tilespmem:s30], [sflag:$0x5] =	stream.linear.gather [hbm4b:s29+s3], $0xC80, $0x38;
	[tilespmem:$0x1D580] =	vst v63  }
0x1d: {  	_ =	swait.ge [sflag:s26], $0xC80  }
0x1e: {  	[sflag:s26] =	ssyncset.done $0x0  }
0x1f: {  	[sflag:s26] =	ssyncadd.s32 $0xFFFFF380  }
0x20: {  	v2 =	vld [tilespmem:$0x0]  }
0x21: {  	v3 =	vld [tilespmem:$0xC80]  }
0x22: {  	v4 =	vld [tilespmem:$0x1900];
	_ =	sdelay $0x3  }
0x23: {  	v2 =	vmax.f32 v2, $0.0e+00;
	v3 =	vmax.f32 v3, $0.0e+00  }
0x24: {  	v4 =	vmax.f32 v4, $0.0e+00;
	v2 =	vmin.f32 v2, $9.999989860e-01;
	v3 =	vmin.f32 v3, $9.999989860e-01  }
0x25: {  	v4 =	vmin.f32 v4, $9.999989860e-01;
	v2 =	vmul.f32 $2.560000000e+02, v2;
	v3 =	vmul.f32 $2.560000000e+02, v3  }
0x26: {  	v4 =	vmul.f32 $2.560000000e+02, v4  }
0x27: {  	v5 =	vtrunc.f32 v2;
	v6 =	vtrunc.f32 v3  }
0x28: {  	v12 =	vtrunc.f32 v4;
	v5 =	vcvt.f32.s32 v5  }
0x29: {  	v6 =	vcvt.f32.s32 v6;
	v24 =	vcvt.f32.s32 v12  }
0x2a: {  	v0 =	vimm.s32 $0x0;
	v7 =	vcvt.s32.f32 v5  }
0x2b: {  	v8 =	vcvt.s32.f32 v6;
	vm1 =	vlt.s32 v6, $0xFF;
	v28 =	vshll.u32 v24, $0x8  }
0x2c: {  	v20 =	vshll.u32 v6, $0x8;
	vm2 =	vlt.s32 v24, $0xFF;
	v6 =	vadd.s32 v6, v28  }
0x2d: {  	v30 =	vsel vm2, $0x100, v0;
	v2 =	vsub.f32 v2, v7;
	v7 =	vadd.s32 v5, v20;
	[tilespmem:$0x2600] =	vst v6  }
0x2e: {  	vm0 =	vlt.s32 v5, $0xFF;
	v13 =	vsel vm1, $0x1, v0;
	v14 =	vadd.s32 v30, v6;
	[tilespmem:$0x2580] =	vst v7  }
0x2f: {  	v21 =	vsel vm0, $0x1, v0;
	v6 =	vadd.s32 v13, v6;
	[tilespmem:$0x2640] =	vst v14  }
0x30: {  	v9 =	vsel vm1, $0x100, v0;
	v3 =	vsub.f32 v3, v8;
	v8 =	vadd.s32 v21, v7;
	[tilespmem:$0x2620] =	vst v6  }
0x31: {  	v12 =	vcvt.s32.f32 v24;
	v5 =	vshll.u32 v5, $0x8;
	v7 =	vadd.s32 v9, v7;
	[tilespmem:$0x25A0] =	vst v8  }
0x32: {  	v29 =	vld [tilespmem:$0x10];
	v6 =	vadd.s32 v30, v6;
	v5 =	vadd.s32 v24, v5;
	v10 =	vsub.f32 $1.000000000e+00, v2;
	[tilespmem:$0x25C0] =	vst v7  }
0x33: {  	v11 =	vsub.f32 $1.000000000e+00, v3;
	v2 =	vnsel vm0, $0x0, v2;
	v3 =	vnsel vm1, $0x0, v3;
	[tilespmem:$0x2660] =	vst v6  }
0x34: {  	v31 =	vld [tilespmem:$0xC90];
	v4 =	vsub.f32 v4, v12;
	v22 =	vadd.s32 v9, v8;
	[tilespmem:$0x2680] =	vst v5;
	v27 =	vmul.f32 v3, v2  }
0x35: {  	[tilespmem:$0x25E0] =	vst v22;
	v23 =	vmul.f32 v11, v10  }
0x36: {  	v15 =	vsub.f32 $1.000000000e+00, v4;
	v25 =	vmul.f32 v11, v2;
	[tilespmem:$0x2B00] =	vst v27  }
0x37: {  	v35 =	vmax.f32 v29, $0.0e+00;
	v26 =	vmul.f32 v3, v10;
	[tilespmem:$0x2980] =	vst v23  }
0x38: {  	v36 =	vmin.f32 v35, $9.999989860e-01;
	v32 =	vmul.f32 v15, v11;
	[tilespmem:$0x2A00] =	vst v25  }
0x39: {  	v4 =	vnsel vm2, $0x0, v4;
	v8 =	vmax.f32 v31, $0.0e+00;
	v33 =	vmul.f32 v15, v3;
	[tilespmem:$0x2A80] =	vst v26  }
0x3a: {  	v6 =	vmul.f32 $2.560000000e+02, v36;
	v8 =	vmin.f32 v8, $9.999989860e-01;
	v34 =	vmul.f32 v4, v11;
	[tilespmem:$0x2B80] =	vst v32  }
0x3b: {  	v3 =	vmul.f32 v4, v3;
	v37 =	vmul.f32 $2.560000000e+02, v8;
	[tilespmem:$0x2C00] =	vst v33  }
0x3c: {  	v40 =	vtrunc.f32 v6;
	v42 =	vmul.f32 v15, v10;
	[tilespmem:$0x2C80] =	vst v34  }
0x3d: {  	v38 =	vld [tilespmem:$0x1910];
	v10 =	vmul.f32 v4, v10;
	v45 =	vmul.f32 v15, v2;
	[tilespmem:$0x2D00] =	vst v3  }
0x3e: {  	v2 =	vmul.f32 v4, v2;
	v9 =	vcvt.f32.s32 v40;
	v3 =	vsel vm2, $0x1, v0;
	[tilespmem:$0x2D80] =	vst v42  }
0x3f: {  	v39 =	vsel vm0, $0x100, v0;
	v41 =	vtrunc.f32 v37;
	[tilespmem:$0x2E00] =	vst v10;
	v3 =	vadd.s32 v3, v5  }
0x40: {  	[tilespmem:$0x2F00] =	vst v2;
	v12 =	vcvt.f32.s32 v41;
	v43 =	vcvt.s32.f32 v9;
	vm13 =	vlt.s32 v9, $0xFF  }
0x41: {  	v5 =	vadd.s32 v39, v5;
	[tilespmem:$0x26A0] =	vst v3;
	v3 =	vadd.s32 v39, v3;
	v2 =	vsel vm13, $0x1, v0  }
0x42: {  	[tilespmem:$0x26E0] =	vst v3;
	v3 =	vmax.f32 v38, $0.0e+00;
	v44 =	vcvt.s32.f32 v12;
	v46 =	vsub.f32 v6, v43  }
0x43: {  	[tilespmem:$0x2E80] =	vst v45;
	vm14 =	vlt.s32 v12, $0xFF;
	v48 =	vshll.u32 v12, $0x8;
	v3 =	vmin.f32 v3, $9.999989860e-01  }
0x44: {  	[tilespmem:$0x26C0] =	vst v5;
	v49 =	vsel vm14, $0x100, v0;
	v5 =	vadd.s32 v9, v48;
	v47 =	vsub.f32 v37, v44  }
0x45: {  	v3 =	vmul.f32 $2.560000000e+02, v3;
	[tilespmem:$0x2590] =	vst v5;
	v2 =	vadd.s32 v2, v5;
	v8 =	vsub.f32 $1.000000000e+00, v46  }
0x46: {  	v5 =	vadd.s32 v49, v5;
	[tilespmem:$0x25B0] =	vst v2;
	v50 =	vsub.f32 $1.000000000e+00, v47;
	v6 =	vnsel vm14, $0x0, v47  }
0x47: {  	v4 =	vnsel vm13, $0x0, v46;
	[tilespmem:$0x25D0] =	vst v5;
	v2 =	vadd.s32 v49, v2;
	v54 =	vmul.f32 v6, v8  }
0x48: {  	v51 =	vtrunc.f32 v3;
	[tilespmem:$0x25F0] =	vst v2;
	v2 =	vmul.f32 v50, v4  }
0x49: {  	v53 =	vcvt.f32.s32 v51;
	v52 =	vmul.f32 v50, v8;
	[tilespmem:$0x2A90] =	vst v54  }
0x4a: {  	[tilespmem:$0x2A10] =	vst v2;
	v2 =	vmul.f32 v6, v4  }
0x4b: {  	v11 =	vcvt.s32.f32 v53;
	v55 =	vshll.u32 v53, $0x8;
	[tilespmem:$0x2990] =	vst v52  }
0x4c: {  	vm15 =	vlt.s32 v53, $0xFF;
	v5 =	vadd.s32 v12, v55;
	[tilespmem:$0x2B10] =	vst v2;
	v2 =	vsel vm14, $0x1, v0  }
0x4d: {  	v56 =	vsel vm15, $0x100, v0;
	v3 =	vsub.f32 v3, v11;
	[tilespmem:$0x2610] =	vst v5;
	v2 =	vadd.s32 v2, v5  }
0x4e: {  	v60 =	vshll.u32 v9, $0x8;
	v5 =	vadd.s32 v56, v5;
	[tilespmem:$0x2630] =	vst v2  }
0x4f: {  	v57 =	vsub.f32 $1.000000000e+00, v3;
	v3 =	vnsel vm15, $0x0, v3;
	[tilespmem:$0x2650] =	vst v5;
	v2 =	vadd.s32 v56, v2  }
0x50: {  	v59 =	vmul.f32 v3, v50;
	v5 =	vadd.s32 v53, v60;
	[tilespmem:$0x2670] =	vst v2  }
0x51: {  	v2 =	vmul.f32 v57, v6;
	[tilespmem:$0x2690] =	vst v5  }
0x52: {  	v58 =	vmul.f32 v57, v50;
	[tilespmem:$0x2C90] =	vst v59  }
0x53: {  	[tilespmem:$0x2C10] =	vst v2;
	v2 =	vmul.f32 v3, v6  }
0x54: {  	v62 =	vmul.f32 v57, v8;
	[tilespmem:$0x2B90] =	vst v58  }
0x55: {  	[tilespmem:$0x2D10] =	vst v2;
	v2 =	vsel vm15, $0x1, v0  }
0x56: {  	v61 =	vsel vm13, $0x100, v0;
	[tilespmem:$0x2D90] =	vst v62;
	v2 =	vadd.s32 v2, v5  }
0x57: {  	v63 =	vmul.f32 v57, v4;
	[tilespmem:$0x26B0] =	vst v2;
	v2 =	vadd.s32 v61, v2  }
0x58: {  	[tilespmem:$0x26F0] =	vst v2;
	v2 =	vmul.f32 v3, v8  }
0x59: {  	[tilespmem:$0x2E90] =	vst v63  }
0x5a: {  	v5 =	vadd.s32 v61, v5;
	[tilespmem:$0x2E10] =	vst v2;
	v2 =	vmul.f32 v3, v4  }
0x5b: {  	[tilespmem:$0x26D0] =	vst v5  }
0x5c: {  	s28 =	simm.s32 $0x2580;
	[tilespmem:$0x2F10] =	vst v2  }
0x5d: {  	[tilespmem:s18], [sflag:$0x1] =	stream.indirect.gather [hbm4b:s2+s16], $0x80, s28, s16, $0xb8;
	[tilespmem:$0x1D580] =	vst v63  }
0x5e: {  	s29 =	simm.s32 $0x25A0;
	s30 =	simm.s32 $0x4580  }
0x5f: {  	[tilespmem:s30], [sflag:$0x1] =	stream.indirect.gather [hbm4b:s2+s16], $0x80, s29, s16, $0xb8;
	[tilespmem:$0x1D580] =	vst v63  }
0x60: {  	s26 =	simm.s32 $0x25C0;
	s28 =	simm.s32 $0x5580  }
0x61: {  	[tilespmem:s28], [sflag:$0x1] =	stream.indirect.gather [hbm4b:s2+s16], $0x80, s26, s16, $0xb8;
	[tilespmem:$0x1D580] =	vst v63  }
0x62: {  	s29 =	simm.s32 $0x25E0;
	s30 =	simm.s32 $0x6580  }
0x63: {  	[tilespmem:s30], [sflag:$0x1] =	stream.indirect.gather [hbm4b:s2+s16], $0x80, s29, s16, $0xb8;
	[tilespmem:$0x1D580] =	vst v63  }
0x64: {  	s26 =	simm.s32 $0x2600;
	s28 =	simm.s32 $0x7580  }
0x65: {  	[tilespmem:s28], [sflag:$0x1] =	stream.indirect.gather [hbm4b:s5+s16], $0x80, s26, s16, $0xb8;
	[tilespmem:$0x1D580] =	vst v63  }
0x66: {  	s29 =	simm.s32 $0x2620;
	s30 =	simm.s32 $0x8580  }
0x67: {  	[tilespmem:s30], [sflag:$0x1] =	stream.indirect.gather [hbm4b:s5+s16], $0x80, s29, s16, $0xb8;
	[tilespmem:$0x1D580] =	vst v63  }
0x68: {  	s26 =	simm.s32 $0x2640;
	s28 =	simm.s32 $0x9580  }
0x69: {  	[tilespmem:s28], [sflag:$0x1] =	stream.indirect.gather [hbm4b:s5+s16], $0x80, s26, s16, $0xb8;
	[tilespmem:$0x1D580] =	vst v63  }
0x6a: {  	s29 =	simm.s32 $0x2660;
	s30 =	simm.s32 $0xA580  }
0x6b: {  	[tilespmem:s30], [sflag:$0x1] =	stream.indirect.gather [hbm4b:s5+s16], $0x80, s29, s16, $0xb8;
	[tilespmem:$0x1D580] =	vst v63  }
0x6c: {  	s26 =	simm.s32 $0x2680;
	s28 =	simm.s32 $0xB580  }
0x6d: {  	[tilespmem:s28], [sflag:$0x1] =	stream.indirect.gather [hbm4b:s6+s16], $0x80, s26, s16, $0xb8;
	[tilespmem:$0x1D580] =	vst v63  }
0x6e: {  	s29 =	simm.s32 $0x26A0;
	s30 =	simm.s32 $0xC580  }
0x6f: {  	[tilespmem:s30], [sflag:$0x1] =	stream.indirect.gather [hbm4b:s6+s16], $0x80, s29, s16, $0xb8;
	[tilespmem:$0x1D580] =	vst v63  }
0x70: {  	s26 =	simm.s32 $0x26C0;
	s28 =	simm.s32 $0xD580  }
0x71: {  	[tilespmem:s28], [sflag:$0x1] =	stream.indirect.gather [hbm4b:s6+s16], $0x80, s26, s16, $0xb8;
	[tilespmem:$0x1D580] =	vst v63  }
0x72: {  	s25 =	simm.s32 $0x0;
	s29 =	simm.s32 $0x26E0;
	s30 =	simm.s32 $0xE580  }
0x73: {  	[tilespmem:s30], [sflag:$0x1] =	stream.indirect.gather [hbm4b:s6+s16], $0x80, s29, s16, $0xb8;
	[tilespmem:$0x1D580] =	vst v63  }
.LBB2_2:
0x74: {  	s28 =	sshll.u32 s25, $0x6  }
0x75: {  	v2 =	vld [tilespmem:s28+$0x20]  }
0x76: {  	v3 =	vld [tilespmem:s28+$0xCA0];
	_ =	sdelay $0x4  }
0x77: {  	v2 =	vmax.f32 v2, $0.0e+00;
	v3 =	vmax.f32 v3, $0.0e+00  }
0x78: {  	v4 =	vld [tilespmem:s28+$0x1920];
	v2 =	vmin.f32 v2, $9.999989860e-01;
	v3 =	vmin.f32 v3, $9.999989860e-01  }
0x79: {  	v2 =	vmul.f32 $2.560000000e+02, v2;
	v3 =	vmul.f32 $2.560000000e+02, v3;
	_ =	sdelay $0x1  }
0x7a: {  	v5 =	vtrunc.f32 v2;
	v6 =	vtrunc.f32 v3  }
0x7b: {  	v5 =	vcvt.f32.s32 v5;
	v6 =	vcvt.f32.s32 v6  }
0x7c: {  	v0 =	vimm.s32 $0x0;
	v4 =	vmax.f32 v4, $0.0e+00  }
0x7d: {  	v4 =	vmin.f32 v4, $9.999989860e-01;
	v7 =	vcvt.s32.f32 v5;
	v8 =	vcvt.s32.f32 v6  }
0x7e: {  	v4 =	vmul.f32 $2.560000000e+02, v4;
	vm0 =	vlt.s32 v5, $0xFF;
	vm1 =	vlt.s32 v6, $0xFF  }
0x7f: {  	v2 =	vsub.f32 v2, v7;
	v3 =	vsub.f32 v3, v8;
	v7 =	vshll.u32 v6, $0x8  }
0x80: {  	v9 =	vsel vm1, $0x100, v0;
	v8 =	vsel vm0, $0x1, v0;
	v7 =	vadd.s32 v5, v7  }
0x81: {  	[tilespmem:$0x2700] =	vst v7;
	v8 =	vadd.s32 v8, v7;
	v10 =	vsub.f32 $1.000000000e+00, v2;
	v11 =	vsub.f32 $1.000000000e+00, v3  }
0x82: {  	v12 =	vtrunc.f32 v4;
	v7 =	vadd.s32 v9, v7;
	[tilespmem:$0x2720] =	vst v8  }
0x83: {  	v2 =	vnsel vm0, $0x0, v2;
	[tilespmem:$0x2740] =	vst v7;
	v7 =	vadd.s32 v9, v8;
	v8 =	vmul.f32 v11, v10  }
0x84: {  	v9 =	vcvt.f32.s32 v12;
	[tilespmem:$0x2760] =	vst v7;
	v7 =	vmul.f32 v11, v2  }
0x85: {  	v5 =	vshll.u32 v5, $0x8;
	v3 =	vnsel vm1, $0x0, v3;
	[tilespmem:$0x2F80] =	vst v8  }
0x86: {  	v12 =	vcvt.s32.f32 v9;
	v5 =	vadd.s32 v9, v5;
	v8 =	vmul.f32 v3, v10;
	[tilespmem:$0x3000] =	vst v7  }
0x87: {  	v7 =	vmul.f32 v3, v2;
	[tilespmem:$0x2800] =	vst v5  }
0x88: {  	v4 =	vsub.f32 v4, v12;
	[tilespmem:$0x3080] =	vst v8;
	v8 =	vshll.u32 v9, $0x8  }
0x89: {  	vm2 =	vlt.s32 v9, $0xFF;
	[tilespmem:$0x3100] =	vst v7;
	v7 =	vsel vm1, $0x1, v0;
	v6 =	vadd.s32 v6, v8  }
0x8a: {  	v8 =	vsel vm2, $0x100, v0;
	v12 =	vsub.f32 $1.000000000e+00, v4;
	[tilespmem:$0x2780] =	vst v6;
	v7 =	vadd.s32 v7, v6  }
0x8b: {  	v6 =	vadd.s32 v8, v6;
	[tilespmem:$0x27A0] =	vst v7  }
0x8c: {  	[tilespmem:$0x27C0] =	vst v6;
	v6 =	vadd.s32 v8, v7;
	v7 =	vmul.f32 v12, v11  }
0x8d: {  	v4 =	vnsel vm2, $0x0, v4;
	[tilespmem:$0x27E0] =	vst v6;
	v6 =	vmul.f32 v12, v3  }
0x8e: {  	v3 =	vmul.f32 v4, v3;
	[tilespmem:$0x3180] =	vst v7  }
0x8f: {  	v7 =	vmul.f32 v4, v11;
	[tilespmem:$0x3200] =	vst v6  }
0x90: {  	[tilespmem:$0x3300] =	vst v3;
	v3 =	vsel vm2, $0x1, v0  }
0x91: {  	v6 =	vsel vm0, $0x100, v0;
	[tilespmem:$0x3280] =	vst v7;
	v3 =	vadd.s32 v3, v5  }
0x92: {  	v5 =	vadd.s32 v6, v5;
	[tilespmem:$0x2820] =	vst v3  }
0x93: {  	[tilespmem:$0x2840] =	vst v5;
	v3 =	vadd.s32 v6, v3;
	v5 =	vmul.f32 v12, v10  }
0x94: {  	[tilespmem:$0x2860] =	vst v3;
	v3 =	vmul.f32 v4, v10  }
0x95: {  	[tilespmem:$0x3380] =	vst v5;
	v5 =	vmul.f32 v12, v2  }
0x96: {  	v2 =	vmul.f32 v4, v2;
	[tilespmem:$0x3400] =	vst v3  }
0x97: {  	[tilespmem:$0x3480] =	vst v5  }
0x98: {  	[tilespmem:$0x3500] =	vst v2  }
0x99: {  	v2 =	vld [tilespmem:s28+$0x30]  }
0x9a: {  	v3 =	vld [tilespmem:s28+$0xCB0];
	_ =	sdelay $0x4  }
0x9b: {  	v2 =	vmax.f32 v2, $0.0e+00;
	v3 =	vmax.f32 v3, $0.0e+00  }
0x9c: {  	v4 =	vld [tilespmem:s28+$0x1930];
	v2 =	vmin.f32 v2, $9.999989860e-01;
	v3 =	vmin.f32 v3, $9.999989860e-01  }
0x9d: {  	v2 =	vmul.f32 $2.560000000e+02, v2;
	v3 =	vmul.f32 $2.560000000e+02, v3;
	_ =	sdelay $0x1  }
0x9e: {  	v5 =	vtrunc.f32 v2;
	v6 =	vtrunc.f32 v3  }
0x9f: {  	v5 =	vcvt.f32.s32 v5;
	v6 =	vcvt.f32.s32 v6  }
0xa0: {  	v4 =	vmax.f32 v4, $0.0e+00  }
0xa1: {  	v4 =	vmin.f32 v4, $9.999989860e-01;
	v7 =	vcvt.s32.f32 v5;
	v8 =	vcvt.s32.f32 v6  }
0xa2: {  	v4 =	vmul.f32 $2.560000000e+02, v4;
	vm13 =	vlt.s32 v5, $0xFF;
	vm14 =	vlt.s32 v6, $0xFF  }
0xa3: {  	v2 =	vsub.f32 v2, v7;
	v3 =	vsub.f32 v3, v8;
	v7 =	vshll.u32 v6, $0x8  }
0xa4: {  	v9 =	vsel vm14, $0x100, v0;
	v8 =	vsel vm13, $0x1, v0;
	v7 =	vadd.s32 v5, v7  }
0xa5: {  	[tilespmem:$0x2710] =	vst v7;
	v8 =	vadd.s32 v8, v7;
	v10 =	vsub.f32 $1.000000000e+00, v2;
	v11 =	vsub.f32 $1.000000000e+00, v3  }
0xa6: {  	v12 =	vtrunc.f32 v4;
	v7 =	vadd.s32 v9, v7;
	[tilespmem:$0x2730] =	vst v8  }
0xa7: {  	v2 =	vnsel vm13, $0x0, v2;
	[tilespmem:$0x2750] =	vst v7;
	v7 =	vadd.s32 v9, v8;
	v8 =	vmul.f32 v11, v10  }
0xa8: {  	v9 =	vcvt.f32.s32 v12;
	[tilespmem:$0x2770] =	vst v7;
	v7 =	vmul.f32 v11, v2  }
0xa9: {  	v5 =	vshll.u32 v5, $0x8;
	v3 =	vnsel vm14, $0x0, v3;
	[tilespmem:$0x2F90] =	vst v8  }
0xaa: {  	v12 =	vcvt.s32.f32 v9;
	v5 =	vadd.s32 v9, v5;
	v8 =	vmul.f32 v3, v10;
	[tilespmem:$0x3010] =	vst v7  }
0xab: {  	v7 =	vmul.f32 v3, v2;
	[tilespmem:$0x2810] =	vst v5  }
0xac: {  	v4 =	vsub.f32 v4, v12;
	[tilespmem:$0x3090] =	vst v8;
	v8 =	vshll.u32 v9, $0x8  }
0xad: {  	vm15 =	vlt.s32 v9, $0xFF;
	[tilespmem:$0x3110] =	vst v7;
	v7 =	vsel vm14, $0x1, v0;
	v6 =	vadd.s32 v6, v8  }
0xae: {  	v8 =	vsel vm15, $0x100, v0;
	v12 =	vsub.f32 $1.000000000e+00, v4;
	[tilespmem:$0x2790] =	vst v6;
	v7 =	vadd.s32 v7, v6  }
0xaf: {  	v6 =	vadd.s32 v8, v6;
	[tilespmem:$0x27B0] =	vst v7  }
0xb0: {  	[tilespmem:$0x27D0] =	vst v6;
	v6 =	vadd.s32 v8, v7;
	v7 =	vmul.f32 v12, v11  }
0xb1: {  	v4 =	vnsel vm15, $0x0, v4;
	[tilespmem:$0x27F0] =	vst v6;
	v6 =	vmul.f32 v12, v3  }
0xb2: {  	v3 =	vmul.f32 v4, v3;
	[tilespmem:$0x3190] =	vst v7  }
0xb3: {  	v7 =	vmul.f32 v4, v11;
	[tilespmem:$0x3210] =	vst v6  }
0xb4: {  	[tilespmem:$0x3310] =	vst v3;
	v3 =	vsel vm15, $0x1, v0  }
0xb5: {  	v6 =	vsel vm13, $0x100, v0;
	[tilespmem:$0x3290] =	vst v7;
	v3 =	vadd.s32 v3, v5  }
0xb6: {  	v5 =	vadd.s32 v6, v5;
	[tilespmem:$0x2830] =	vst v3  }
0xb7: {  	[tilespmem:$0x2850] =	vst v5;
	v3 =	vadd.s32 v6, v3;
	v5 =	vmul.f32 v12, v10  }
0xb8: {  	[tilespmem:$0x2870] =	vst v3;
	v3 =	vmul.f32 v4, v10  }
0xb9: {  	[tilespmem:$0x3390] =	vst v5;
	v5 =	vmul.f32 v12, v2  }
0xba: {  	v2 =	vmul.f32 v4, v2;
	[tilespmem:$0x3410] =	vst v3  }
0xbb: {  	[tilespmem:$0x3490] =	vst v5  }
0xbc: {  	s26 =	simm.s32 $0x2700;
	s29 =	simm.s32 $0xF580;
	[tilespmem:$0x3510] =	vst v2  }
0xbd: {  	[tilespmem:s29], [sflag:$0x2] =	stream.indirect.gather [hbm4b:s2+s16], $0x80, s26, s16, $0xb8;
	[tilespmem:$0x1D580] =	vst v63  }
0xbe: {  	s30 =	simm.s32 $0x2720;
	s29 =	simm.s32 $0x10580  }
0xbf: {  	[tilespmem:s29], [sflag:$0x2] =	stream.indirect.gather [hbm4b:s2+s16], $0x80, s30, s16, $0xb8;
	[tilespmem:$0x1D580] =	vst v63  }
0xc0: {  	s30 =	simm.s32 $0x2740;
	s29 =	simm.s32 $0x11580  }
0xc1: {  	[tilespmem:s29], [sflag:$0x2] =	stream.indirect.gather [hbm4b:s2+s16], $0x80, s30, s16, $0xb8;
	[tilespmem:$0x1D580] =	vst v63  }
0xc2: {  	s30 =	simm.s32 $0x2760;
	s29 =	simm.s32 $0x12580  }
0xc3: {  	[tilespmem:s29], [sflag:$0x2] =	stream.indirect.gather [hbm4b:s2+s16], $0x80, s30, s16, $0xb8;
	[tilespmem:$0x1D580] =	vst v63  }
0xc4: {  	s30 =	simm.s32 $0x2780;
	s29 =	simm.s32 $0x13580  }
0xc5: {  	[tilespmem:s29], [sflag:$0x2] =	stream.indirect.gather [hbm4b:s5+s16], $0x80, s30, s16, $0xb8;
	[tilespmem:$0x1D580] =	vst v63  }
0xc6: {  	s30 =	simm.s32 $0x27A0  }
0xc7: {  	[tilespmem:s31], [sflag:$0x2] =	stream.indirect.gather [hbm4b:s5+s16], $0x80, s30, s16, $0xb8;
	[tilespmem:$0x1D580] =	vst v63  }
0xc8: {  	_ = 	snop  }
0xc9: {  	[tilespmem:s1], [sflag:$0x2] =	stream.indirect.gather [hbm4b:s5+s16], $0x80, s0, s16, $0xb8;
	[tilespmem:$0x1D580] =	vst v63  }
0xca: {  	_ = 	snop  }
0xcb: {  	[tilespmem:s15], [sflag:$0x2] =	stream.indirect.gather [hbm4b:s5+s16], $0x80, s14, s16, $0xb8;
	[tilespmem:$0x1D580] =	vst v63  }
0xcc: {  	_ = 	snop  }
0xcd: {  	[tilespmem:s9], [sflag:$0x2] =	stream.indirect.gather [hbm4b:s6+s16], $0x80, s8, s16, $0xb8;
	[tilespmem:$0x1D580] =	vst v63  }
0xce: {  	_ = 	snop  }
0xcf: {  	[tilespmem:s12], [sflag:$0x2] =	stream.indirect.gather [hbm4b:s6+s16], $0x80, s10, s16, $0xb8;
	[tilespmem:$0x1D580] =	vst v63  }
0xd0: {  	_ = 	snop  }
0xd1: {  	[tilespmem:s17], [sflag:$0x2] =	stream.indirect.gather [hbm4b:s6+s16], $0x80, s13, s16, $0xb8;
	[tilespmem:$0x1D580] =	vst v63  }
0xd2: {  	_ = 	snop  }
0xd3: {  	[tilespmem:s20], [sflag:$0x2] =	stream.indirect.gather [hbm4b:s6+s16], $0x80, s19, s16, $0xb8;
	[tilespmem:$0x1D580] =	vst v63  }
0xd4: {  	_ =	swait.ge [sflag:s21], $0x1000  }
0xd5: {  	[sflag:s21] =	ssyncset.done $0x0  }
0xd6: {  	[sflag:s21] =	ssyncadd.s32 $0xFFFFF000  }
0xd7: {  	_ =	swait.ge [sflag:s21], $0x1000  }
0xd8: {  	[sflag:s21] =	ssyncset.done $0x0  }
0xd9: {  	[sflag:s21] =	ssyncadd.s32 $0xFFFFF000  }
0xda: {  	_ =	swait.ge [sflag:s21], $0x1000  }
0xdb: {  	[sflag:s21] =	ssyncset.done $0x0  }
0xdc: {  	[sflag:s21] =	ssyncadd.s32 $0xFFFFF000  }
0xdd: {  	_ =	swait.ge [sflag:s21], $0x1000  }
0xde: {  	[sflag:s21] =	ssyncset.done $0x0  }
0xdf: {  	[sflag:s21] =	ssyncadd.s32 $0xFFFFF000  }
0xe0: {  	_ =	swait.ge [sflag:s21], $0x1000  }
0xe1: {  	[sflag:s21] =	ssyncset.done $0x0  }
0xe2: {  	[sflag:s21] =	ssyncadd.s32 $0xFFFFF000  }
0xe3: {  	_ =	swait.ge [sflag:s21], $0x1000  }
0xe4: {  	[sflag:s21] =	ssyncset.done $0x0  }
0xe5: {  	[sflag:s21] =	ssyncadd.s32 $0xFFFFF000  }
0xe6: {  	_ =	swait.ge [sflag:s21], $0x1000  }
0xe7: {  	[sflag:s21] =	ssyncset.done $0x0  }
0xe8: {  	[sflag:s21] =	ssyncadd.s32 $0xFFFFF000  }
0xe9: {  	_ =	swait.ge [sflag:s21], $0x1000  }
0xea: {  	[sflag:s21] =	ssyncset.done $0x0  }
0xeb: {  	[sflag:s21] =	ssyncadd.s32 $0xFFFFF000  }
0xec: {  	_ =	swait.ge [sflag:s21], $0x1000  }
0xed: {  	[sflag:s21] =	ssyncset.done $0x0  }
0xee: {  	[sflag:s21] =	ssyncadd.s32 $0xFFFFF000  }
0xef: {  	_ =	swait.ge [sflag:s21], $0x1000  }
0xf0: {  	[sflag:s21] =	ssyncset.done $0x0  }
0xf1: {  	[sflag:s21] =	ssyncadd.s32 $0xFFFFF000  }
0xf2: {  	_ =	swait.ge [sflag:s21], $0x1000  }
0xf3: {  	[sflag:s21] =	ssyncset.done $0x0  }
0xf4: {  	[sflag:s21] =	ssyncadd.s32 $0xFFFFF000  }
0xf5: {  	_ =	swait.ge [sflag:s21], $0x1000  }
0xf6: {  	p0 =	seq.s32 s25, $0x0;
	[sflag:s21] =	ssyncset.done $0x0  }
0xf7: {  	s26 =	simm.s32 @!p0 $0x3;
	[sflag:s21] =	ssyncadd.s32 $0xFFFFF000  }
0xf8: {  	_ =	swait.ge @!p0 [sflag:s26], $0x1000  }
0xf9: {  	[sflag:s26] =	ssyncset.done @!p0 $0x0  }
0xfa: {  	[sflag:s26] =	ssyncadd.s32 @!p0 $0xFFFFF000  }
0xfb: {  	v15 =	vld [tilespmem:$0x2980]  }
0xfc: {  	v9 =	vld [tilespmem:$0x2A00]  }
0xfd: {  	v5 =	vld [tilespmem:$0x2A80]  }
0xfe: {  	v3 =	vld [tilespmem:$0x2B00]  }
0xff: {  	s30 =	simm.s32 $0x0;
	v10 =	vld [tilespmem:$0x2B80]  }
0x100: {  	v2 =	vmul.u32 $0x80, v1;
	v4 =	vadd.s32 s30, v1;
	s30 =	simm.s32 $0x1;
	v12 =	vld [tilespmem:$0x2C00]  }
0x101: {  	v16 =	vand.u32 $0x7F, v4;
	v8 =	vadd.s32 s30, v1;
	v7 =	vld [tilespmem:$0x2C80]  }
0x102: {  	v21 =	vor.u32 $0x3000, v2;
	v4 =	vor.u32 v2, v16;
	v28 =	vand.u32 $0x7F, v8;
	v6 =	vld [tilespmem:$0x2D00]  }
0x103: {  	v26 =	vor.u32 $0x2000, v2;
	v20 =	vor.u32 v21, v28;
	v13 =	vld [tilespmem:$0x2D80]  }
0x104: {  	v27 =	vor.u32 $0x8000, v2;
	v22 =	vor.u32 v26, v28;
	v14 =	vld [tilespmem:$0x2E00]  }
0x105: {  	v23 =	vor.u32 v27, v28;
	v11 =	vld [tilespmem:$0x2E80]  }
0x106: {  	v17 =	vor.u32 $0x1000, v2;
	v30 =	vor.u32 v2, v28;
	v8 =	vld [tilespmem:$0x2F00]  }
0x107: {  	v18 =	vor.u32 $0x4000, v2;
	v25 =	vor.u32 v17, v28;
	v29 =	vld.idx.msk [tilespmem:v4+s18+$0x0], $0xffff  }
0x108: {  	v19 =	vor.u32 $0x5000, v2;
	v32 =	vor.u32 v18, v28;
	v31 =	vld.idx.msk [tilespmem:v20+s18+$0x0], $0xffff  }
0x109: {  	v34 =	vor.u32 v19, v28;
	v20 =	vor.u32 $0x9000, v2;
	v33 =	vld.idx.msk [tilespmem:v22+s18+$0x0], $0xffff  }
0x10a: {  	v22 =	vor.u32 $0x6000, v2;
	v35 =	vld.idx.msk [tilespmem:v23+s18+$0x0], $0xffff;
	v36 =	vor.u32 v20, v28  }
0x10b: {  	v24 =	vor.u32 $0x7000, v2;
	v37 =	vld.idx.msk [tilespmem:v30+s18+$0x0], $0xffff;
	v38 =	vor.u32 v22, v28  }
0x10c: {  	v41 =	vor.u32 v24, v28;
	v23 =	vor.u32 $0xA000, v2;
	v39 =	vld.idx.msk [tilespmem:v25+s18+$0x0], $0xffff  }
0x10d: {  	v32 =	vld.idx.msk [tilespmem:v32+s18+$0x0], $0xffff;
	v40 =	vor.u32 v23, v28  }
0x10e: {  	v42 =	vor.u32 v17, v16;
	v25 =	vor.u32 $0xB000, v2;
	v34 =	vld.idx.msk [tilespmem:v34+s18+$0x0], $0xffff  }
0x10f: {  	v43 =	vor.u32 v21, v16;
	v28 =	vor.u32 v25, v28;
	v36 =	vld.idx.msk [tilespmem:v36+s18+$0x0], $0xffff  }
0x110: {  	v44 =	vor.u32 v26, v16;
	v45 =	vor.u32 v27, v16;
	v46 =	vor.u32 v18, v16;
	v38 =	vld.idx.msk [tilespmem:v38+s18+$0x0], $0xffff  }
0x111: {  	v47 =	vor.u32 v19, v16;
	v56 =	vor.u32 v24, v16;
	v41 =	vld.idx.msk [tilespmem:v41+s18+$0x0], $0xffff;
	v48 =	vor.u32 v20, v16  }
0x112: {  	v49 =	vor.u32 v22, v16;
	v37 =	vmul.f32 v37, v15;
	v39 =	vmul.f32 v39, v9;
	v40 =	vld.idx.msk [tilespmem:v40+s18+$0x0], $0xffff  }
0x113: {  	v42 =	vld.idx.msk [tilespmem:v42+s18+$0x0], $0xffff;
	v50 =	vor.u32 v23, v16;
	v32 =	vmul.f32 v32, v10;
	v34 =	vmul.f32 v34, v12  }
0x114: {  	v33 =	vmul.f32 v33, v5;
	v35 =	vmul.f32 v35, v13;
	v28 =	vld.idx.msk [tilespmem:v28+s18+$0x0], $0xffff;
	v37 =	vadd.f32 v39, v37  }
0x115: {  	v46 =	vld.idx.msk [tilespmem:v46+s18+$0x0], $0xffff;
	v32 =	vadd.f32 v34, v32;
	v36 =	vmul.f32 v36, v14;
	v51 =	vmul.f32 v38, v7  }
0x116: {  	v52 =	vld.idx.msk [tilespmem:v47+s18+$0x0], $0xffff;
	v31 =	vmul.f32 v31, v3;
	v55 =	vmul.f32 v41, v6;
	v33 =	vadd.f32 v33, v37  }
0x117: {  	v63 =	vld.idx.msk [tilespmem:v45+s18+$0x0], $0xffff;
	v53 =	vmul.f32 v40, v11;
	v35 =	vadd.f32 v36, v35;
	v32 =	vadd.f32 v51, v32  }
0x118: {  	v57 =	vor.u32 v25, v16;
	v29 =	vmul.f32 v29, v15;
	v31 =	vadd.f32 v31, v33  }
0x119: {  	s30 =	simm.s32 $0x2;
	v28 =	vmul.f32 v28, v8;
	v16 =	vadd.f32 v53, v35;
	v32 =	vadd.f32 v55, v32  }
0x11a: {  	v58 =	vadd.s32 s30, v1;
	v54 =	vld.idx.msk [tilespmem:v44+s18+$0x0], $0xffff;
	v59 =	vmul.f32 v42, v9;
	v60 =	vmul.f32 v46, v10  }
0x11b: {  	s30 =	simm.s32 $0x3;
	v62 =	vmul.f32 v52, v12;
	v61 =	vld.idx.msk [tilespmem:v49+s18+$0x0], $0xffff;
	v31 =	vmul.f32 v32, v31;
	v16 =	vadd.f32 v28, v16  }
0x11c: {  	v42 =	vmul.f32 v63, v13;
	v37 =	vand.u32 $0x7F, v58;
	v28 =	vadd.s32 s30, v1  }
0x11d: {  	v39 =	vld.idx.msk [tilespmem:v57+s18+$0x0], $0xffff;
	v41 =	vand.u32 $0x7F, v28;
	v31 =	vmul.f32 v16, v31;
	v16 =	vor.u32 v2, v37  }
0x11e: {  	v34 =	vadd.f32 v59, v29;
	v29 =	vor.u32 v21, v37;
	v33 =	vld.idx.msk [tilespmem:v48+s18+$0x0], $0xffff;
	v45 =	vor.u32 v21, v41  }
0x11f: {  	v40 =	vmul.f32 v54, v5;
	v38 =	vadd.f32 v62, v60;
	v36 =	vld.idx.msk [tilespmem:v50+s18+$0x0], $0xffff;
	v46 =	vor.u32 v26, v41  }
0x120: {  	v32 =	vld.idx.msk [tilespmem:v43+s18+$0x0], $0xffff;
	v43 =	vmul.f32 v61, v7;
	v44 =	vor.u32 v27, v41;
	v28 =	vor.u32 v2, v41  }
0x121: {  	s29 =	simm.s32 $0x4;
	s26 =	sor.u32 $0x20, s28;
	v35 =	vld.idx.msk [tilespmem:v56+s18+$0x0], $0xffff;
	[tilespmem:v30+s22+$0x0] =	vst.idx.msk $0xffff, v31;
	v31 =	vor.u32 v26, v37;
	v30 =	vor.u32 v27, v37  }
.LBB2_3:
0x122: {  	p1 =	slt.u32 s29, $0x7E;
	v47 =	vld.idx.msk [tilespmem:v16+s18+$0x0], $0xffff;
	v48 =	vor.u32 v17, v37;
	v49 =	vor.u32 $0x4000, v2;
	v50 =	vor.u32 v17, v41  }
0x123: {  	v52 =	vor.u32 $0x5000, v2;
	v51 =	vor.u32 v49, v37;
	v45 =	vld.idx.msk [tilespmem:v45+s18+$0x0], $0xffff;
	v49 =	vor.u32 v49, v41  }
0x124: {  	v54 =	vor.u32 $0x9000, v2;
	v53 =	vor.u32 v52, v37;
	v52 =	vor.u32 v52, v41;
	v46 =	vld.idx.msk [tilespmem:v46+s18+$0x0], $0xffff  }
0x125: {  	v55 =	vor.u32 $0x6000, v2;
	v56 =	vor.u32 v54, v37;
	v54 =	vor.u32 v54, v41;
	v44 =	vld.idx.msk [tilespmem:v44+s18+$0x0], $0xffff  }
0x126: {  	v58 =	vor.u32 $0xA000, v2;
	v57 =	vor.u32 v55, v37;
	v55 =	vor.u32 v55, v41;
	v59 =	vld.idx.msk [tilespmem:v28+s18+$0x0], $0xffff  }
0x127: {  	v60 =	vor.u32 $0x7000, v2;
	v61 =	vor.u32 v58, v37;
	v58 =	vor.u32 v58, v41;
	v50 =	vld.idx.msk [tilespmem:v50+s18+$0x0], $0xffff  }
0x128: {  	v62 =	vor.u32 v60, v37;
	v60 =	vor.u32 v60, v41;
	v47 =	vmul.f32 v47, v15;
	v49 =	vld.idx.msk [tilespmem:v49+s18+$0x0], $0xffff  }
0x129: {  	v63 =	vor.u32 $0xB000, v2;
	v34 =	vadd.f32 v40, v34;
	v33 =	vmul.f32 v33, v14;
	v52 =	vld.idx.msk [tilespmem:v52+s18+$0x0], $0xffff  }
0x12a: {  	v38 =	vadd.f32 v43, v38;
	v0 =	vor.u32 v63, v37;
	v40 =	vor.u32 v63, v41;
	v37 =	vld.idx.msk [tilespmem:v54+s18+$0x0], $0xffff  }
0x12b: {  	v32 =	vmul.f32 v32, v3;
	v35 =	vmul.f32 v35, v6;
	v33 =	vadd.f32 v33, v42;
	v41 =	vld.idx.msk [tilespmem:v55+s18+$0x0], $0xffff  }
0x12c: {  	v36 =	vmul.f32 v36, v11;
	v39 =	vmul.f32 v39, v8;
	v42 =	vld.idx.msk [tilespmem:v58+s18+$0x0], $0xffff  }
0x12d: {  	v32 =	vadd.f32 v32, v34;
	v34 =	vadd.f32 v35, v38;
	v43 =	vmul.f32 v46, v5;
	v46 =	vld.idx.msk [tilespmem:v60+s18+$0x0], $0xffff  }
0x12e: {  	v33 =	vadd.f32 v36, v33;
	v38 =	vmul.f32 v59, v15;
	v35 =	vld.idx.msk [tilespmem:v48+s18+$0x0], $0xffff;
	v48 =	vmul.f32 v50, v9  }
0x12f: {  	v36 =	vadd.s32 s29, v1;
	v49 =	vmul.f32 v49, v10;
	v50 =	vmul.f32 v52, v12;
	v40 =	vld.idx.msk [tilespmem:v40+s18+$0x0], $0xffff  }
0x130: {  	v39 =	vadd.f32 v39, v33;
	v44 =	vmul.f32 v44, v13;
	v37 =	vmul.f32 v37, v14;
	v51 =	vld.idx.msk [tilespmem:v51+s18+$0x0], $0xffff  }
0x131: {  	v33 =	vadd.f32 v48, v38;
	v38 =	vadd.f32 v50, v49;
	v41 =	vmul.f32 v41, v7;
	v52 =	vld.idx.msk [tilespmem:v53+s18+$0x0], $0xffff  }
0x132: {  	v45 =	vmul.f32 v45, v3;
	v37 =	vadd.f32 v37, v44;
	v42 =	vmul.f32 v42, v11;
	v31 =	vld.idx.msk [tilespmem:v31+s18+$0x0], $0xffff  }
0x133: {  	v43 =	vadd.f32 v43, v33;
	v38 =	vadd.f32 v41, v38;
	v41 =	vmul.f32 v46, v6;
	v48 =	vld.idx.msk [tilespmem:v57+s18+$0x0], $0xffff  }
0x134: {  	v35 =	vmul.f32 v35, v9;
	v49 =	vld.idx.msk [tilespmem:v30+s18+$0x0], $0xffff;
	v30 =	vadd.f32 v42, v37;
	v37 =	vmul.f32 v34, v32  }
0x135: {  	v42 =	vadd.f32 v45, v43;
	v38 =	vadd.f32 v41, v38;
	v40 =	vmul.f32 v40, v8;
	v33 =	vld.idx.msk [tilespmem:v56+s18+$0x0], $0xffff  }
0x136: {  	v34 =	vadd.f32 v35, v47;
	v32 =	vld.idx.msk [tilespmem:v29+s18+$0x0], $0xffff;
	v29 =	vmul.f32 v51, v10;
	v39 =	vmul.f32 v39, v37  }
0x137: {  	v41 =	vmul.f32 v52, v12;
	v42 =	vmul.f32 v38, v42;
	v30 =	vadd.f32 v40, v30;
	v35 =	vld.idx.msk [tilespmem:v62+s18+$0x0], $0xffff  }
0x138: {  	s30 =	sadd.s32 $0x1, s29;
	v37 =	vand.u32 $0x7F, v36;
	v40 =	vmul.f32 v31, v5;
	v36 =	vld.idx.msk [tilespmem:v61+s18+$0x0], $0xffff;
	[tilespmem:v4+s22+$0x0] =	vst.idx.msk $0xffff, v39  }
0x139: {  	v31 =	vadd.s32 s30, v1;
	v38 =	vadd.f32 v41, v29;
	v4 =	vmovc v16;
	v39 =	vld.idx.msk [tilespmem:v0+s18+$0x0], $0xffff;
	v0 =	vmul.f32 v30, v42  }
.Ltmp0:
0x13a: {  	v16 =	vor.u32 v2, v37;
	v41 =	vand.u32 $0x7F, v31;
	(pc) =	sbr.rel @p1 .LBB2_3-.Ltmp0, $4  }
0x13b: {  	v29 =	vor.u32 v21, v37;
	v45 =	vor.u32 v21, v41;
	[tilespmem:v28+s22+$0x0] =	vst.idx.msk $0xffff, v0  }
0x13c: {  	v31 =	vor.u32 v26, v37;
	v46 =	vor.u32 v26, v41  }
0x13d: {  	v43 =	vmul.f32 v48, v7;
	v30 =	vor.u32 v27, v37;
	v44 =	vor.u32 v27, v41  }
0x13e: {  	s29 =	sadd.s32 $0x2, s29;
	v42 =	vmul.f32 v49, v13;
	v28 =	vor.u32 v2, v41  }
0x13f: {  	_ =	sdelay $0x3  }
0x140: {  	v0 =	vld.idx.msk [tilespmem:v16+s18+$0x0], $0xffff  }
0x141: {  	v26 =	vld.idx.msk [tilespmem:v45+s18+$0x0], $0xffff  }
0x142: {  	v59 =	vld.idx.msk [tilespmem:v46+s18+$0x0], $0xffff  }
0x143: {  	v21 =	vor.u32 v17, v41;
	v44 =	vld.idx.msk [tilespmem:v44+s18+$0x0], $0xffff  }
0x144: {  	v27 =	vor.u32 v18, v41;
	v48 =	vld.idx.msk [tilespmem:v28+s18+$0x0], $0xffff  }
0x145: {  	v60 =	vor.u32 v19, v41;
	v31 =	vld.idx.msk [tilespmem:v31+s18+$0x0], $0xffff  }
0x146: {  	v47 =	vor.u32 v20, v41;
	v30 =	vld.idx.msk [tilespmem:v30+s18+$0x0], $0xffff  }
0x147: {  	v49 =	vor.u32 v22, v41;
	v50 =	vor.u32 v23, v41;
	v29 =	vld.idx.msk [tilespmem:v29+s18+$0x0], $0xffff  }
0x148: {  	v51 =	vor.u32 v24, v41;
	v17 =	vor.u32 v17, v37;
	v18 =	vor.u32 v18, v37;
	v21 =	vld.idx.msk [tilespmem:v21+s18+$0x0], $0xffff  }
0x149: {  	v19 =	vor.u32 v19, v37;
	v20 =	vor.u32 v20, v37;
	v22 =	vor.u32 v22, v37;
	v27 =	vld.idx.msk [tilespmem:v27+s18+$0x0], $0xffff  }
0x14a: {  	v23 =	vor.u32 v23, v37;
	v24 =	vor.u32 v24, v37;
	v33 =	vmul.f32 v33, v14;
	v46 =	vld.idx.msk [tilespmem:v60+s18+$0x0], $0xffff  }
0x14b: {  	v34 =	vadd.f32 v40, v34;
	v32 =	vmul.f32 v32, v3;
	v35 =	vmul.f32 v35, v6;
	v47 =	vld.idx.msk [tilespmem:v47+s18+$0x0], $0xffff  }
0x14c: {  	v61 =	vor.u32 v25, v37;
	v36 =	vmul.f32 v36, v11;
	v39 =	vmul.f32 v39, v8;
	v50 =	vld.idx.msk [tilespmem:v50+s18+$0x0], $0xffff  }
0x14d: {  	v25 =	vor.u32 v25, v41;
	v0 =	vmul.f32 v0, v15;
	v17 =	vld.idx.msk [tilespmem:v17+s18+$0x0], $0xffff;
	v63 =	vmul.f32 v59, v5  }
0x14e: {  	v38 =	vadd.f32 v43, v38;
	v18 =	vld.idx.msk [tilespmem:v18+s18+$0x0], $0xffff;
	v15 =	vmul.f32 v48, v15;
	v26 =	vmul.f32 v26, v3  }
0x14f: {  	v33 =	vadd.f32 v33, v42;
	v19 =	vld.idx.msk [tilespmem:v19+s18+$0x0], $0xffff;
	v5 =	vmul.f32 v31, v5;
	v3 =	vmul.f32 v29, v3  }
0x150: {  	v32 =	vadd.f32 v32, v34;
	v49 =	vld.idx.msk [tilespmem:v49+s18+$0x0], $0xffff;
	v21 =	vmul.f32 v21, v9;
	v27 =	vmul.f32 v27, v10  }
0x151: {  	v33 =	vadd.f32 v36, v33;
	v20 =	vld.idx.msk [tilespmem:v20+s18+$0x0], $0xffff;
	v45 =	vmul.f32 v46, v12;
	v46 =	vmul.f32 v44, v13  }
0x152: {  	v43 =	vadd.f32 v35, v38;
	v22 =	vld.idx.msk [tilespmem:v22+s18+$0x0], $0xffff;
	v48 =	vmul.f32 v47, v14;
	v52 =	vmul.f32 v50, v11  }
0x153: {  	v62 =	vld.idx.msk [tilespmem:v51+s18+$0x0], $0xffff;
	v33 =	vadd.f32 v39, v33;
	v9 =	vmul.f32 v17, v9;
	v10 =	vmul.f32 v18, v10  }
0x154: {  	v17 =	vld.idx.msk [tilespmem:v24+s18+$0x0], $0xffff;
	v12 =	vmul.f32 v19, v12;
	v13 =	vmul.f32 v30, v13;
	v15 =	vadd.f32 v21, v15  }
0x155: {  	v18 =	vld.idx.msk [tilespmem:v23+s18+$0x0], $0xffff;
	v21 =	vadd.f32 v45, v27;
	v27 =	vmul.f32 v49, v7;
	v51 =	vadd.f32 v48, v46  }
0x156: {  	v19 =	vld.idx.msk [tilespmem:v25+s18+$0x0], $0xffff;
	v14 =	vmul.f32 v20, v14;
	v0 =	vadd.f32 v9, v0;
	v9 =	vadd.f32 v12, v10  }
0x157: {  	v10 =	vld.idx.msk [tilespmem:v61+s18+$0x0], $0xffff;
	v7 =	vmul.f32 v22, v7;
	v15 =	vadd.f32 v63, v15;
	v21 =	vadd.f32 v27, v21  }
0x158: {  	v53 =	vmul.f32 v62, v6;
	v23 =	vadd.f32 v52, v51;
	v0 =	vadd.f32 v5, v0  }
0x159: {  	v24 =	vmul.f32 v43, v32;
	v5 =	vadd.f32 v7, v9;
	v7 =	vadd.f32 v14, v13  }
0x15a: {  	v6 =	vmul.f32 v17, v6;
	v9 =	vmul.f32 v18, v11;
	v12 =	vadd.f32 v26, v15  }
0x15b: {  	v13 =	vmul.f32 v19, v8;
	v11 =	vadd.f32 v53, v21;
	v0 =	vadd.f32 v3, v0  }
0x15c: {  	v3 =	vmul.f32 v10, v8;
	v5 =	vadd.f32 v6, v5;
	v6 =	vadd.f32 v9, v7  }
0x15d: {  	v8 =	vadd.f32 v13, v23;
	v7 =	vmul.f32 v11, v12  }
0x15e: {  	v9 =	vmul.f32 v33, v24;
	v3 =	vadd.f32 v3, v6;
	v0 =	vmul.f32 v5, v0  }
0x15f: {  	v5 =	vmul.f32 v8, v7  }
0x160: {  	[tilespmem:v4+s22+$0x0] =	vst.idx.msk $0xffff, v9;
	v0 =	vmul.f32 v3, v0  }
0x161: {  	[tilespmem:v28+s22+$0x0] =	vst.idx.msk $0xffff, v5  }
0x162: {  	[tilespmem:v16+s22+$0x0] =	vst.idx.msk $0xffff, v0  }
0x163: {  	v11 =	vld [tilespmem:$0x2990]  }
0x164: {  	v12 =	vld [tilespmem:$0x2A10]  }
0x165: {  	v6 =	vld [tilespmem:$0x2A90]  }
0x166: {  	v4 =	vld [tilespmem:$0x2B10]  }
0x167: {  	s29 =	simm.s32 $0x1;
	v13 =	vld [tilespmem:$0x2B90]  }
0x168: {  	v0 =	vadd.s32 s29, v1;
	v15 =	vld [tilespmem:$0x2C10]  }
0x169: {  	v20 =	vor.u32 $0x3800, v2;
	v7 =	vld [tilespmem:$0x2C90];
	v0 =	vand.u32 $0x7F, v0  }
0x16a: {  	v23 =	vor.u32 $0x2800, v2;
	v5 =	vld [tilespmem:$0x2D10];
	v16 =	vor.u32 v20, v0  }
0x16b: {  	v26 =	vor.u32 $0x8800, v2;
	v10 =	vld [tilespmem:$0x2D90];
	v22 =	vor.u32 v23, v0  }
0x16c: {  	v3 =	vor.u32 $0x800, v2;
	v14 =	vld [tilespmem:$0x2E10];
	v24 =	vor.u32 v26, v0  }
0x16d: {  	v17 =	vor.u32 $0x1800, v2;
	v9 =	vld [tilespmem:$0x2E90];
	v28 =	vor.u32 v3, v0  }
0x16e: {  	v19 =	vor.u32 $0x5800, v2;
	v8 =	vld [tilespmem:$0x2F10];
	v27 =	vor.u32 v17, v0  }
0x16f: {  	v21 =	vor.u32 $0x9800, v2;
	s29 =	simm.s32 $0x0;
	v31 =	vor.u32 v19, v0;
	v29 =	vld.idx.msk [tilespmem:v16+s18+$0x0], $0xffff  }
0x170: {  	v25 =	vor.u32 $0x7800, v2;
	v57 =	vadd.s32 s29, v1;
	v54 =	vor.u32 v21, v0;
	v30 =	vld.idx.msk [tilespmem:v22+s18+$0x0], $0xffff  }
0x171: {  	v36 =	vand.u32 $0x7F, v57;
	v61 =	vor.u32 v25, v0;
	v32 =	vld.idx.msk [tilespmem:v24+s18+$0x0], $0xffff  }
0x172: {  	v18 =	vor.u32 $0x4800, v2;
	v62 =	vor.u32 v17, v36;
	v55 =	vld.idx.msk [tilespmem:v28+s18+$0x0], $0xffff  }
0x173: {  	v16 =	vor.u32 v18, v0;
	v22 =	vor.u32 $0x6800, v2;
	v58 =	vld.idx.msk [tilespmem:v27+s18+$0x0], $0xffff  }
0x174: {  	v24 =	vor.u32 $0xA800, v2;
	v31 =	vld.idx.msk [tilespmem:v31+s18+$0x0], $0xffff;
	v56 =	vor.u32 v22, v0  }
0x175: {  	v33 =	vld.idx.msk [tilespmem:v54+s18+$0x0], $0xffff;
	v59 =	vor.u32 v24, v0  }
0x176: {  	v42 =	vor.u32 v23, v36;
	v27 =	vor.u32 $0xB800, v2;
	v40 =	vld.idx.msk [tilespmem:v61+s18+$0x0], $0xffff  }
0x177: {  	v0 =	vor.u32 v27, v0;
	v43 =	vld.idx.msk [tilespmem:v62+s18+$0x0], $0xffff  }
0x178: {  	v41 =	vor.u32 v20, v36;
	v60 =	vld.idx.msk [tilespmem:v16+s18+$0x0], $0xffff;
	v16 =	vor.u32 v3, v36  }
0x179: {  	v44 =	vor.u32 v26, v36;
	v63 =	vor.u32 v18, v36;
	v30 =	vmul.f32 v30, v6;
	v35 =	vld.idx.msk [tilespmem:v56+s18+$0x0], $0xffff  }
0x17a: {  	v52 =	vor.u32 v19, v36;
	v34 =	vmul.f32 v55, v11;
	v37 =	vmul.f32 v58, v12;
	v38 =	vld.idx.msk [tilespmem:v59+s18+$0x0], $0xffff  }
0x17b: {  	v53 =	vor.u32 v21, v36;
	v42 =	vld.idx.msk [tilespmem:v42+s18+$0x0], $0xffff;
	v31 =	vmul.f32 v31, v15;
	v32 =	vmul.f32 v32, v10  }
0x17c: {  	v61 =	vor.u32 v25, v36;
	v33 =	vmul.f32 v33, v14;
	v29 =	vmul.f32 v29, v4;
	v0 =	vld.idx.msk [tilespmem:v0+s18+$0x0], $0xffff  }
0x17d: {  	v55 =	vor.u32 v22, v36;
	v59 =	vmul.f32 v40, v5;
	v54 =	vld.idx.msk [tilespmem:v16+s18+$0x0], $0xffff;
	v39 =	vmul.f32 v60, v13  }
0x17e: {  	v43 =	vmul.f32 v43, v12;
	v34 =	vadd.f32 v37, v34;
	v32 =	vadd.f32 v33, v32  }
0x17f: {  	v58 =	vld.idx.msk [tilespmem:v52+s18+$0x0], $0xffff;
	v35 =	vmul.f32 v35, v7;
	v57 =	vmul.f32 v38, v9;
	v31 =	vadd.f32 v31, v39  }
0x180: {  	v42 =	vmul.f32 v42, v6;
	v30 =	vadd.f32 v30, v34;
	v60 =	vor.u32 v24, v36  }
0x181: {  	v56 =	vld.idx.msk [tilespmem:v63+s18+$0x0], $0xffff;
	v0 =	vmul.f32 v0, v8;
	v32 =	vadd.f32 v57, v32;
	v31 =	vadd.f32 v35, v31  }
0x182: {  	s29 =	simm.s32 $0x2;
	v36 =	vor.u32 v27, v36;
	v29 =	vadd.f32 v29, v30;
	v62 =	vmul.f32 v54, v11  }
0x183: {  	v37 =	vld.idx.msk [tilespmem:v41+s18+$0x0], $0xffff;
	v0 =	vadd.f32 v0, v32;
	v30 =	vadd.f32 v59, v31;
	v31 =	vadd.s32 s29, v1;
	s29 =	simm.s32 $0x3  }
0x184: {  	v33 =	vld.idx.msk [tilespmem:v55+s18+$0x0], $0xffff;
	v34 =	vand.u32 $0x7F, v31;
	v31 =	vmul.f32 v58, v15;
	v63 =	vadd.s32 s29, v1  }
0x185: {  	v35 =	vld.idx.msk [tilespmem:v44+s18+$0x0], $0xffff;
	v40 =	vadd.f32 v43, v62;
	v29 =	vmul.f32 v30, v29;
	v44 =	vand.u32 $0x7F, v63  }
0x186: {  	v38 =	vld.idx.msk [tilespmem:v61+s18+$0x0], $0xffff;
	v30 =	vmul.f32 v56, v13;
	v32 =	vor.u32 v23, v34;
	v45 =	vor.u32 v20, v44  }
0x187: {  	v39 =	vld.idx.msk [tilespmem:v53+s18+$0x0], $0xffff;
	v46 =	vor.u32 v23, v44;
	v47 =	vor.u32 v26, v44;
	v0 =	vmul.f32 v0, v29  }
0x188: {  	v41 =	vld.idx.msk [tilespmem:v60+s18+$0x0], $0xffff;
	v43 =	vadd.f32 v31, v30;
	v30 =	vor.u32 v20, v34;
	v31 =	vor.u32 v26, v34  }
0x189: {  	v36 =	vld.idx.msk [tilespmem:v36+s18+$0x0], $0xffff;
	s29 =	simm.s32 $0x4;
	v29 =	vor.u32 v3, v44;
	[tilespmem:v28+s22+$0x0] =	vst.idx.msk $0xffff, v0;
	v28 =	vor.u32 v3, v34  }
.LBB2_5:
0x18a: {  	p1 =	slt.u32 s29, $0x7E;
	v0 =	vor.u32 v17, v34;
	v48 =	vor.u32 v17, v44  }
0x18b: {  	v49 =	vor.u32 v18, v34;
	v50 =	vor.u32 v18, v44;
	v45 =	vld.idx.msk [tilespmem:v45+s18+$0x0], $0xffff  }
0x18c: {  	v51 =	vor.u32 v19, v34;
	v52 =	vor.u32 v19, v44;
	v46 =	vld.idx.msk [tilespmem:v46+s18+$0x0], $0xffff  }
0x18d: {  	v53 =	vor.u32 v21, v34;
	v54 =	vor.u32 v21, v44;
	v47 =	vld.idx.msk [tilespmem:v47+s18+$0x0], $0xffff  }
0x18e: {  	v55 =	vor.u32 v22, v34;
	v57 =	vor.u32 v22, v44;
	v56 =	vld.idx.msk [tilespmem:v29+s18+$0x0], $0xffff  }
0x18f: {  	v58 =	vor.u32 v24, v34;
	v59 =	vor.u32 v24, v44;
	v48 =	vld.idx.msk [tilespmem:v48+s18+$0x0], $0xffff  }
0x190: {  	v60 =	vor.u32 v25, v34;
	v61 =	vor.u32 v25, v44;
	v33 =	vmul.f32 v33, v7;
	v50 =	vld.idx.msk [tilespmem:v50+s18+$0x0], $0xffff  }
0x191: {  	v35 =	vmul.f32 v35, v10;
	v39 =	vmul.f32 v39, v14;
	v52 =	vld.idx.msk [tilespmem:v52+s18+$0x0], $0xffff  }
0x192: {  	v62 =	vor.u32 v27, v34;
	v44 =	vor.u32 v27, v44;
	v40 =	vadd.f32 v42, v40;
	v34 =	vld.idx.msk [tilespmem:v54+s18+$0x0], $0xffff  }
0x193: {  	v37 =	vmul.f32 v37, v4;
	v33 =	vadd.f32 v33, v43;
	v35 =	vadd.f32 v39, v35;
	v42 =	vld.idx.msk [tilespmem:v57+s18+$0x0], $0xffff  }
0x194: {  	v38 =	vmul.f32 v38, v5;
	v41 =	vmul.f32 v41, v9;
	v39 =	vld.idx.msk [tilespmem:v59+s18+$0x0], $0xffff  }
0x195: {  	v36 =	vmul.f32 v36, v8;
	v37 =	vadd.f32 v37, v40;
	v43 =	vmul.f32 v46, v6;
	v46 =	vld.idx.msk [tilespmem:v61+s18+$0x0], $0xffff  }
0x196: {  	v38 =	vadd.f32 v38, v33;
	v54 =	vmul.f32 v56, v11;
	v48 =	vmul.f32 v48, v12;
	v40 =	vld.idx.msk [tilespmem:v28+s18+$0x0], $0xffff  }
0x197: {  	v41 =	vadd.f32 v41, v35;
	v33 =	vmul.f32 v50, v13;
	v50 =	vmul.f32 v52, v15;
	v44 =	vld.idx.msk [tilespmem:v44+s18+$0x0], $0xffff  }
0x198: {  	v35 =	vmul.f32 v47, v10;
	v52 =	vadd.s32 s29, v1;
	v34 =	vmul.f32 v34, v14;
	v0 =	vld.idx.msk [tilespmem:v0+s18+$0x0], $0xffff  }
0x199: {  	v48 =	vadd.f32 v48, v54;
	v33 =	vadd.f32 v50, v33;
	v42 =	vmul.f32 v42, v7;
	v47 =	vld.idx.msk [tilespmem:v49+s18+$0x0], $0xffff  }
0x19a: {  	v45 =	vmul.f32 v45, v4;
	v34 =	vadd.f32 v34, v35;
	v35 =	vmul.f32 v39, v9;
	v49 =	vld.idx.msk [tilespmem:v51+s18+$0x0], $0xffff  }
0x19b: {  	v39 =	vadd.f32 v43, v48;
	v42 =	vadd.f32 v42, v33;
	v43 =	vmul.f32 v46, v5;
	v32 =	vld.idx.msk [tilespmem:v32+s18+$0x0], $0xffff  }
0x19c: {  	v48 =	vmul.f32 v38, v37;
	v40 =	vmul.f32 v40, v11;
	v46 =	vadd.f32 v35, v34;
	v33 =	vld.idx.msk [tilespmem:v55+s18+$0x0], $0xffff  }
0x19d: {  	v38 =	vadd.f32 v43, v42;
	v42 =	vmul.f32 v44, v8;
	v35 =	vld.idx.msk [tilespmem:v31+s18+$0x0], $0xffff;
	v31 =	vadd.f32 v45, v39  }
0x19e: {  	v36 =	vadd.f32 v36, v41;
	v34 =	vand.u32 $0x7F, v52;
	v0 =	vmul.f32 v0, v12;
	v39 =	vld.idx.msk [tilespmem:v53+s18+$0x0], $0xffff  }
0x19f: {  	v43 =	vadd.f32 v42, v46;
	v37 =	vld.idx.msk [tilespmem:v30+s18+$0x0], $0xffff;
	v30 =	vmul.f32 v47, v13;
	v31 =	vmul.f32 v38, v31  }
0x1a0: {  	s30 =	sadd.s32 $0x1, s29;
	v45 =	vmul.f32 v36, v48;
	v40 =	vadd.f32 v0, v40;
	v0 =	vmul.f32 v49, v15;
	v38 =	vld.idx.msk [tilespmem:v60+s18+$0x0], $0xffff  }
0x1a1: {  	v36 =	vadd.s32 s30, v1;
	v42 =	vmul.f32 v32, v6;
	v41 =	vld.idx.msk [tilespmem:v58+s18+$0x0], $0xffff;
	v31 =	vmul.f32 v43, v31  }
.Ltmp1:
0x1a2: {  	v44 =	vand.u32 $0x7F, v36;
	v43 =	vadd.f32 v0, v30;
	v36 =	vld.idx.msk [tilespmem:v62+s18+$0x0], $0xffff;
	[tilespmem:v16+s22+$0x0] =	vst.idx.msk $0xffff, v45;
	(pc) =	sbr.rel @p1 .LBB2_5-.Ltmp1, $4  }
0x1a3: {  	v30 =	vor.u32 v20, v34;
	v45 =	vor.u32 v20, v44;
	[tilespmem:v29+s22+$0x0] =	vst.idx.msk $0xffff, v31  }
0x1a4: {  	v46 =	vor.u32 v23, v44;
	v32 =	vor.u32 v23, v34;
	v16 =	vmov v28  }
0x1a5: {  	v47 =	vor.u32 v26, v44;
	v31 =	vor.u32 v26, v34  }
0x1a6: {  	s29 =	sadd.s32 $0x2, s29;
	v28 =	vor.u32 v3, v34;
	v29 =	vor.u32 v3, v44  }
0x1a7: {  	_ =	sdelay $0x3  }
0x1a8: {  	v20 =	vld.idx.msk [tilespmem:v45+s18+$0x0], $0xffff  }
0x1a9: {  	v26 =	vld.idx.msk [tilespmem:v46+s18+$0x0], $0xffff  }
0x1aa: {  	v0 =	vor.u32 v17, v44;
	v46 =	vld.idx.msk [tilespmem:v47+s18+$0x0], $0xffff  }
0x1ab: {  	v23 =	vor.u32 v18, v44;
	v48 =	vld.idx.msk [tilespmem:v29+s18+$0x0], $0xffff  }
0x1ac: {  	v57 =	vor.u32 v19, v44;
	v55 =	vld.idx.msk [tilespmem:v28+s18+$0x0], $0xffff  }
0x1ad: {  	v58 =	vor.u32 v21, v44;
	v31 =	vld.idx.msk [tilespmem:v31+s18+$0x0], $0xffff  }
0x1ae: {  	v49 =	vor.u32 v22, v44;
	v30 =	vld.idx.msk [tilespmem:v30+s18+$0x0], $0xffff  }
0x1af: {  	v50 =	vor.u32 v24, v44;
	v0 =	vld.idx.msk [tilespmem:v0+s18+$0x0], $0xffff  }
0x1b0: {  	v51 =	vor.u32 v25, v44;
	v59 =	vor.u32 v17, v34;
	v23 =	vld.idx.msk [tilespmem:v23+s18+$0x0], $0xffff  }
0x1b1: {  	v60 =	vor.u32 v18, v34;
	v61 =	vor.u32 v19, v34;
	v62 =	vor.u32 v21, v34;
	v45 =	vld.idx.msk [tilespmem:v57+s18+$0x0], $0xffff  }
0x1b2: {  	v63 =	vor.u32 v22, v34;
	v33 =	vmul.f32 v33, v7;
	v35 =	vmul.f32 v35, v10;
	v47 =	vld.idx.msk [tilespmem:v58+s18+$0x0], $0xffff  }
0x1b3: {  	v24 =	vor.u32 v24, v34;
	v39 =	vmul.f32 v39, v14;
	v37 =	vmul.f32 v37, v4;
	v49 =	vld.idx.msk [tilespmem:v49+s18+$0x0], $0xffff  }
0x1b4: {  	v25 =	vor.u32 v25, v34;
	v38 =	vmul.f32 v38, v5;
	v56 =	vmul.f32 v41, v9;
	v50 =	vld.idx.msk [tilespmem:v50+s18+$0x0], $0xffff  }
0x1b5: {  	v53 =	vor.u32 v27, v34;
	v36 =	vmul.f32 v36, v8;
	v51 =	vld.idx.msk [tilespmem:v51+s18+$0x0], $0xffff;
	v26 =	vmul.f32 v26, v6  }
0x1b6: {  	v54 =	vor.u32 v27, v44;
	v17 =	vld.idx.msk [tilespmem:v59+s18+$0x0], $0xffff;
	v57 =	vmul.f32 v48, v11;
	v59 =	vmul.f32 v46, v10  }
0x1b7: {  	v40 =	vadd.f32 v42, v40;
	v18 =	vld.idx.msk [tilespmem:v60+s18+$0x0], $0xffff;
	v20 =	vmul.f32 v20, v4;
	v41 =	vmul.f32 v55, v11  }
0x1b8: {  	v33 =	vadd.f32 v33, v43;
	v19 =	vld.idx.msk [tilespmem:v61+s18+$0x0], $0xffff;
	v55 =	vmul.f32 v31, v10;
	v4 =	vmul.f32 v30, v4  }
0x1b9: {  	v35 =	vadd.f32 v39, v35;
	v21 =	vld.idx.msk [tilespmem:v62+s18+$0x0], $0xffff;
	v0 =	vmul.f32 v0, v12;
	v23 =	vmul.f32 v23, v13  }
0x1ba: {  	v37 =	vadd.f32 v37, v40;
	v58 =	vmul.f32 v45, v15;
	v60 =	vmul.f32 v47, v14  }
0x1bb: {  	v32 =	vld.idx.msk [tilespmem:v32+s18+$0x0], $0xffff;
	v33 =	vadd.f32 v38, v33;
	v61 =	vmul.f32 v49, v7;
	v62 =	vmul.f32 v50, v9  }
0x1bc: {  	v35 =	vadd.f32 v56, v35;
	v22 =	vld.idx.msk [tilespmem:v63+s18+$0x0], $0xffff;
	v63 =	vmul.f32 v51, v5;
	v42 =	vmul.f32 v17, v12  }
0x1bd: {  	v43 =	vld.idx.msk [tilespmem:v25+s18+$0x0], $0xffff;
	v45 =	vmul.f32 v18, v13;
	v46 =	vmul.f32 v19, v15;
	v0 =	vadd.f32 v0, v57  }
0x1be: {  	v47 =	vld.idx.msk [tilespmem:v24+s18+$0x0], $0xffff;
	v56 =	vmul.f32 v21, v14;
	v23 =	vadd.f32 v58, v23;
	v39 =	vadd.f32 v60, v59  }
0x1bf: {  	v48 =	vld.idx.msk [tilespmem:v54+s18+$0x0], $0xffff;
	v49 =	vmul.f32 v33, v37;
	v11 =	vadd.f32 v42, v41;
	v51 =	vadd.f32 v46, v45  }
0x1c0: {  	v52 =	vld.idx.msk [tilespmem:v53+s18+$0x0], $0xffff;
	v50 =	vmul.f32 v32, v6;
	v10 =	vadd.f32 v56, v55;
	v59 =	vadd.f32 v36, v35  }
0x1c1: {  	v53 =	vmul.f32 v22, v7;
	v0 =	vadd.f32 v26, v0;
	v23 =	vadd.f32 v61, v23  }
0x1c2: {  	v5 =	vmul.f32 v43, v5;
	v44 =	vadd.f32 v62, v39;
	v6 =	vadd.f32 v50, v11  }
0x1c3: {  	v7 =	vadd.f32 v53, v51;
	v57 =	vmul.f32 v47, v9;
	v0 =	vadd.f32 v20, v0  }
0x1c4: {  	v58 =	vmul.f32 v48, v8;
	v54 =	vadd.f32 v63, v23;
	v4 =	vadd.f32 v4, v6  }
0x1c5: {  	v60 =	vmul.f32 v52, v8;
	v5 =	vadd.f32 v5, v7;
	v61 =	vadd.f32 v57, v10  }
0x1c6: {  	v62 =	vadd.f32 v58, v44;
	v0 =	vmul.f32 v54, v0  }
0x1c7: {  	p1 =	seq.s32 s25, $0x31;
	v63 =	vmul.f32 v59, v49;
	v4 =	vmul.f32 v5, v4;
	v5 =	vadd.f32 v60, v61  }
.Ltmp2:
0x1c8: {  	s29 =	sshll.u32 s25, $0xD;
	v0 =	vmul.f32 v62, v0;
	(pc) =	sbr.rel @p1 .LBB2_8-.Ltmp2, $4  }
0x1c9: {  	s29 =	sadd.s32 s11, s29;
	[tilespmem:v16+s22+$0x0] =	vst.idx.msk $0xffff, v63;
	v4 =	vmul.f32 v5, v4  }
0x1ca: {  	s29 =	sshrl.u32 s29, $0x3;
	[tilespmem:v29+s22+$0x0] =	vst.idx.msk $0xffff, v0  }
0x1cb: {  	s29 =	sadd.s32 s7, s29;
	[tilespmem:v28+s22+$0x0] =	vst.idx.msk $0xffff, v4  }
0x1cc: {  	[hbm4b:s29+s3] =	stream.linear.scatter [tilespmem:s22], [sflag:$0x3], $0x1000, $0x38;
	[tilespmem:$0x1D580] =	vst v63  }
0x1cd: {  	v0 =	vld [tilespmem:s28+$0x40]  }
0x1ce: {  	v4 =	vld [tilespmem:s28+$0xCC0]  }
0x1cf: {  	v5 =	vld [tilespmem:s28+$0x1940];
	_ =	sdelay $0x3  }
0x1d0: {  	v0 =	vmax.f32 v0, $0.0e+00;
	v4 =	vmax.f32 v4, $0.0e+00  }
0x1d1: {  	v5 =	vmax.f32 v5, $0.0e+00;
	v0 =	vmin.f32 v0, $9.999989860e-01;
	v4 =	vmin.f32 v4, $9.999989860e-01  }
0x1d2: {  	v5 =	vmin.f32 v5, $9.999989860e-01;
	v0 =	vmul.f32 $2.560000000e+02, v0;
	v4 =	vmul.f32 $2.560000000e+02, v4  }
0x1d3: {  	v5 =	vmul.f32 $2.560000000e+02, v5  }
0x1d4: {  	v6 =	vtrunc.f32 v0;
	v7 =	vtrunc.f32 v4  }
0x1d5: {  	v13 =	vtrunc.f32 v5;
	v6 =	vcvt.f32.s32 v6  }
0x1d6: {  	v7 =	vcvt.f32.s32 v7;
	v24 =	vcvt.f32.s32 v13  }
0x1d7: {  	v14 =	vimm.s32 $0x0;
	v8 =	vcvt.s32.f32 v6  }
0x1d8: {  	v9 =	vcvt.s32.f32 v7;
	vm0 =	vlt.s32 v6, $0xFF;
	v28 =	vshll.u32 v24, $0x8  }
0x1d9: {  	vm1 =	vlt.s32 v7, $0xFF;
	v20 =	vshll.u32 v7, $0x8;
	v7 =	vadd.s32 v7, v28  }
0x1da: {  	v21 =	vsel vm0, $0x1, v14;
	v0 =	vsub.f32 v0, v8;
	v8 =	vadd.s32 v6, v20;
	[tilespmem:$0x2600] =	vst v7  }
0x1db: {  	v10 =	vsel vm1, $0x100, v14;
	v4 =	vsub.f32 v4, v9;
	[tilespmem:$0x2580] =	vst v8;
	v9 =	vadd.s32 v21, v8  }
0x1dc: {  	v6 =	vshll.u32 v6, $0x8;
	v8 =	vadd.s32 v10, v8;
	[tilespmem:$0x25A0] =	vst v9  }
0x1dd: {  	v13 =	vcvt.s32.f32 v24;
	vm2 =	vlt.s32 v24, $0xFF;
	v6 =	vadd.s32 v24, v6;
	[tilespmem:$0x25C0] =	vst v8  }
0x1de: {  	v29 =	vsel vm1, $0x1, v14;
	v30 =	vsel vm2, $0x100, v14;
	v22 =	vadd.s32 v10, v9;
	[tilespmem:$0x2680] =	vst v6  }
0x1df: {  	v11 =	vsub.f32 $1.000000000e+00, v0;
	v12 =	vsub.f32 $1.000000000e+00, v4;
	v8 =	vadd.s32 v29, v7;
	[tilespmem:$0x25E0] =	vst v22  }
0x1e0: {  	v0 =	vnsel vm0, $0x0, v0;
	v4 =	vnsel vm1, $0x0, v4;
	v7 =	vadd.s32 v30, v7;
	[tilespmem:$0x2620] =	vst v8  }
0x1e1: {  	v5 =	vsub.f32 v5, v13;
	v27 =	vmul.f32 v4, v0;
	[tilespmem:$0x2640] =	vst v7;
	v31 =	vadd.s32 v30, v8  }
0x1e2: {  	v23 =	vmul.f32 v12, v11;
	[tilespmem:$0x2660] =	vst v31  }
0x1e3: {  	v13 =	vsub.f32 $1.000000000e+00, v5;
	v25 =	vmul.f32 v12, v0;
	[tilespmem:$0x2B00] =	vst v27  }
0x1e4: {  	v26 =	vmul.f32 v4, v11;
	[tilespmem:$0x2980] =	vst v23  }
0x1e5: {  	v32 =	vmul.f32 v13, v12;
	[tilespmem:$0x2A00] =	vst v25  }
0x1e6: {  	v5 =	vnsel vm2, $0x0, v5;
	v33 =	vmul.f32 v13, v4;
	[tilespmem:$0x2A80] =	vst v26  }
0x1e7: {  	v34 =	vmul.f32 v5, v12;
	[tilespmem:$0x2B80] =	vst v32  }
0x1e8: {  	v4 =	vmul.f32 v5, v4;
	[tilespmem:$0x2C00] =	vst v33  }
0x1e9: {  	v36 =	vmul.f32 v13, v11;
	[tilespmem:$0x2C80] =	vst v34  }
0x1ea: {  	v37 =	vmul.f32 v13, v0;
	[tilespmem:$0x2D00] =	vst v4  }
0x1eb: {  	v0 =	vmul.f32 v5, v0;
	[tilespmem:$0x2D80] =	vst v36  }
0x1ec: {  	v4 =	vsel vm2, $0x1, v14;
	[tilespmem:$0x2E80] =	vst v37  }
0x1ed: {  	v35 =	vsel vm0, $0x100, v14;
	[tilespmem:$0x2F00] =	vst v0;
	v4 =	vadd.s32 v4, v6  }
0x1ee: {  	[tilespmem:$0x26A0] =	vst v4;
	v4 =	vadd.s32 v35, v4  }
0x1ef: {  	v6 =	vadd.s32 v35, v6;
	[tilespmem:$0x26E0] =	vst v4;
	v4 =	vmul.f32 v5, v11  }
0x1f0: {  	[tilespmem:$0x26C0] =	vst v6  }
0x1f1: {  	[tilespmem:$0x2E00] =	vst v4  }
0x1f2: {  	v0 =	vld [tilespmem:s28+$0x50]  }
0x1f3: {  	v4 =	vld [tilespmem:s28+$0xCD0]  }
0x1f4: {  	v5 =	vld [tilespmem:s28+$0x1950];
	_ =	sdelay $0x3  }
0x1f5: {  	v0 =	vmax.f32 v0, $0.0e+00  }
0x1f6: {  	v4 =	vmax.f32 v4, $0.0e+00;
	v5 =	vmax.f32 v5, $0.0e+00;
	v0 =	vmin.f32 v0, $9.999989860e-01  }
0x1f7: {  	v4 =	vmin.f32 v4, $9.999989860e-01;
	v5 =	vmin.f32 v5, $9.999989860e-01;
	v0 =	vmul.f32 $2.560000000e+02, v0  }
0x1f8: {  	v4 =	vmul.f32 $2.560000000e+02, v4;
	v5 =	vmul.f32 $2.560000000e+02, v5  }
0x1f9: {  	v38 =	vtrunc.f32 v0  }
0x1fa: {  	v39 =	vtrunc.f32 v4;
	v47 =	vtrunc.f32 v5  }
0x1fb: {  	v6 =	vcvt.f32.s32 v38;
	v7 =	vcvt.f32.s32 v39  }
0x1fc: {  	v50 =	vcvt.f32.s32 v47  }
0x1fd: {  	v40 =	vcvt.s32.f32 v6;
	v41 =	vcvt.s32.f32 v7;
	v42 =	vshll.u32 v7, $0x8  }
0x1fe: {  	vm13 =	vlt.s32 v6, $0xFF;
	v54 =	vshll.u32 v50, $0x8;
	v8 =	vadd.s32 v6, v42  }
0x1ff: {  	vm14 =	vlt.s32 v7, $0xFF;
	v43 =	vsel vm13, $0x1, v14;
	v7 =	vadd.s32 v7, v54;
	[tilespmem:$0x2590] =	vst v8  }
0x200: {  	v13 =	vcvt.s32.f32 v50;
	v44 =	vsel vm14, $0x100, v14;
	v9 =	vadd.s32 v43, v8;
	[tilespmem:$0x2610] =	vst v7  }
0x201: {  	vm15 =	vlt.s32 v50, $0xFF;
	v6 =	vshll.u32 v6, $0x8;
	v8 =	vadd.s32 v44, v8;
	[tilespmem:$0x25B0] =	vst v9  }
0x202: {  	v55 =	vsel vm14, $0x1, v14;
	v0 =	vsub.f32 v0, v40;
	v6 =	vadd.s32 v50, v6;
	[tilespmem:$0x25D0] =	vst v8  }
0x203: {  	v56 =	vsel vm15, $0x100, v14;
	v4 =	vsub.f32 v4, v41;
	v48 =	vadd.s32 v44, v9;
	[tilespmem:$0x2690] =	vst v6  }
0x204: {  	v8 =	vadd.s32 v55, v7;
	v7 =	vadd.s32 v56, v7;
	v45 =	vsub.f32 $1.000000000e+00, v0;
	[tilespmem:$0x25F0] =	vst v48  }
0x205: {  	v46 =	vsub.f32 $1.000000000e+00, v4;
	v0 =	vnsel vm13, $0x0, v0;
	v4 =	vnsel vm14, $0x0, v4;
	[tilespmem:$0x2630] =	vst v8  }
0x206: {  	v5 =	vsub.f32 v5, v13;
	[tilespmem:$0x2650] =	vst v7;
	v57 =	vadd.s32 v56, v8;
	v53 =	vmul.f32 v4, v0  }
0x207: {  	[tilespmem:$0x2670] =	vst v57;
	v49 =	vmul.f32 v46, v45  }
0x208: {  	v13 =	vsub.f32 $1.000000000e+00, v5;
	v51 =	vmul.f32 v46, v0;
	[tilespmem:$0x2B10] =	vst v53  }
0x209: {  	v52 =	vmul.f32 v4, v45;
	[tilespmem:$0x2990] =	vst v49  }
0x20a: {  	v58 =	vmul.f32 v13, v46;
	[tilespmem:$0x2A10] =	vst v51  }
0x20b: {  	v5 =	vnsel vm15, $0x0, v5;
	v59 =	vmul.f32 v13, v4;
	[tilespmem:$0x2A90] =	vst v52  }
0x20c: {  	v60 =	vmul.f32 v5, v46;
	[tilespmem:$0x2B90] =	vst v58  }
0x20d: {  	v4 =	vmul.f32 v5, v4;
	[tilespmem:$0x2C10] =	vst v59  }
0x20e: {  	v62 =	vmul.f32 v13, v45;
	[tilespmem:$0x2C90] =	vst v60  }
0x20f: {  	v63 =	vmul.f32 v13, v0;
	[tilespmem:$0x2D10] =	vst v4  }
0x210: {  	v0 =	vmul.f32 v5, v0;
	[tilespmem:$0x2D90] =	vst v62  }
0x211: {  	v4 =	vsel vm15, $0x1, v14;
	[tilespmem:$0x2E90] =	vst v63  }
0x212: {  	v61 =	vsel vm13, $0x100, v14;
	[tilespmem:$0x2F10] =	vst v0;
	v4 =	vadd.s32 v4, v6  }
0x213: {  	[tilespmem:$0x26B0] =	vst v4;
	v4 =	vadd.s32 v61, v4  }
0x214: {  	v6 =	vadd.s32 v61, v6;
	[tilespmem:$0x26F0] =	vst v4;
	v4 =	vmul.f32 v5, v45  }
0x215: {  	[tilespmem:$0x26D0] =	vst v6  }
0x216: {  	s29 =	simm.s32 $0x2580;
	[tilespmem:$0x2E10] =	vst v4  }
0x217: {  	[tilespmem:s18], [sflag:$0x1] =	stream.indirect.gather [hbm4b:s2+s16], $0x80, s29, s16, $0xb8;
	[tilespmem:$0x1D580] =	vst v63  }
0x218: {  	s30 =	simm.s32 $0x25A0;
	s29 =	simm.s32 $0x4580  }
0x219: {  	[tilespmem:s29], [sflag:$0x1] =	stream.indirect.gather [hbm4b:s2+s16], $0x80, s30, s16, $0xb8;
	[tilespmem:$0x1D580] =	vst v63  }
0x21a: {  	s28 =	simm.s32 $0x25C0;
	s30 =	simm.s32 $0x5580  }
0x21b: {  	[tilespmem:s30], [sflag:$0x1] =	stream.indirect.gather [hbm4b:s2+s16], $0x80, s28, s16, $0xb8;
	[tilespmem:$0x1D580] =	vst v63  }
0x21c: {  	s28 =	simm.s32 $0x25E0;
	s30 =	simm.s32 $0x6580  }
0x21d: {  	[tilespmem:s30], [sflag:$0x1] =	stream.indirect.gather [hbm4b:s2+s16], $0x80, s28, s16, $0xb8;
	[tilespmem:$0x1D580] =	vst v63  }
0x21e: {  	s28 =	simm.s32 $0x2600;
	s30 =	simm.s32 $0x7580  }
0x21f: {  	[tilespmem:s30], [sflag:$0x1] =	stream.indirect.gather [hbm4b:s5+s16], $0x80, s28, s16, $0xb8;
	[tilespmem:$0x1D580] =	vst v63  }
0x220: {  	s28 =	simm.s32 $0x2620;
	s30 =	simm.s32 $0x8580  }
0x221: {  	[tilespmem:s30], [sflag:$0x1] =	stream.indirect.gather [hbm4b:s5+s16], $0x80, s28, s16, $0xb8;
	[tilespmem:$0x1D580] =	vst v63  }
0x222: {  	s28 =	simm.s32 $0x2640;
	s30 =	simm.s32 $0x9580  }
0x223: {  	[tilespmem:s30], [sflag:$0x1] =	stream.indirect.gather [hbm4b:s5+s16], $0x80, s28, s16, $0xb8;
	[tilespmem:$0x1D580] =	vst v63  }
0x224: {  	s28 =	simm.s32 $0x2660;
	s30 =	simm.s32 $0xA580  }
0x225: {  	[tilespmem:s30], [sflag:$0x1] =	stream.indirect.gather [hbm4b:s5+s16], $0x80, s28, s16, $0xb8;
	[tilespmem:$0x1D580] =	vst v63  }
0x226: {  	s28 =	simm.s32 $0x2680;
	s30 =	simm.s32 $0xB580  }
0x227: {  	[tilespmem:s30], [sflag:$0x1] =	stream.indirect.gather [hbm4b:s6+s16], $0x80, s28, s16, $0xb8;
	[tilespmem:$0x1D580] =	vst v63  }
0x228: {  	s28 =	simm.s32 $0x26A0;
	s30 =	simm.s32 $0xC580  }
0x229: {  	[tilespmem:s30], [sflag:$0x1] =	stream.indirect.gather [hbm4b:s6+s16], $0x80, s28, s16, $0xb8;
	[tilespmem:$0x1D580] =	vst v63  }
0x22a: {  	s28 =	simm.s32 $0x26C0;
	s30 =	simm.s32 $0xD580  }
0x22b: {  	[tilespmem:s30], [sflag:$0x1] =	stream.indirect.gather [hbm4b:s6+s16], $0x80, s28, s16, $0xb8;
	[tilespmem:$0x1D580] =	vst v63  }
0x22c: {  	s28 =	simm.s32 $0x26E0;
	s30 =	simm.s32 $0xE580  }
0x22d: {  	[tilespmem:s30], [sflag:$0x1] =	stream.indirect.gather [hbm4b:s6+s16], $0x80, s28, s16, $0xb8;
	[tilespmem:$0x1D580] =	vst v63  }
.LBB2_8:
0x22e: {  	_ =	swait.ge [sflag:s23], $0x1000  }
0x22f: {  	[sflag:s23] =	ssyncset.done $0x0  }
0x230: {  	[sflag:s23] =	ssyncadd.s32 $0xFFFFF000  }
0x231: {  	_ =	swait.ge [sflag:s23], $0x1000  }
0x232: {  	[sflag:s23] =	ssyncset.done $0x0  }
0x233: {  	[sflag:s23] =	ssyncadd.s32 $0xFFFFF000  }
0x234: {  	_ =	swait.ge [sflag:s23], $0x1000  }
0x235: {  	[sflag:s23] =	ssyncset.done $0x0  }
0x236: {  	[sflag:s23] =	ssyncadd.s32 $0xFFFFF000  }
0x237: {  	_ =	swait.ge [sflag:s23], $0x1000  }
0x238: {  	[sflag:s23] =	ssyncset.done $0x0  }
0x239: {  	[sflag:s23] =	ssyncadd.s32 $0xFFFFF000  }
0x23a: {  	_ =	swait.ge [sflag:s23], $0x1000  }
0x23b: {  	[sflag:s23] =	ssyncset.done $0x0  }
0x23c: {  	[sflag:s23] =	ssyncadd.s32 $0xFFFFF000  }
0x23d: {  	_ =	swait.ge [sflag:s23], $0x1000  }
0x23e: {  	[sflag:s23] =	ssyncset.done $0x0  }
0x23f: {  	[sflag:s23] =	ssyncadd.s32 $0xFFFFF000  }
0x240: {  	_ =	swait.ge [sflag:s23], $0x1000  }
0x241: {  	[sflag:s23] =	ssyncset.done $0x0  }
0x242: {  	[sflag:s23] =	ssyncadd.s32 $0xFFFFF000  }
0x243: {  	_ =	swait.ge [sflag:s23], $0x1000  }
0x244: {  	[sflag:s23] =	ssyncset.done $0x0  }
0x245: {  	[sflag:s23] =	ssyncadd.s32 $0xFFFFF000  }
0x246: {  	_ =	swait.ge [sflag:s23], $0x1000  }
0x247: {  	[sflag:s23] =	ssyncset.done $0x0  }
0x248: {  	[sflag:s23] =	ssyncadd.s32 $0xFFFFF000  }
0x249: {  	_ =	swait.ge [sflag:s23], $0x1000  }
0x24a: {  	[sflag:s23] =	ssyncset.done $0x0  }
0x24b: {  	[sflag:s23] =	ssyncadd.s32 $0xFFFFF000  }
0x24c: {  	_ =	swait.ge [sflag:s23], $0x1000  }
0x24d: {  	[sflag:s23] =	ssyncset.done $0x0  }
0x24e: {  	[sflag:s23] =	ssyncadd.s32 $0xFFFFF000  }
0x24f: {  	_ =	swait.ge [sflag:s23], $0x1000  }
0x250: {  	[sflag:s23] =	ssyncset.done $0x0  }
0x251: {  	s28 =	simm.s32 @!p0 $0x4;
	[sflag:s23] =	ssyncadd.s32 $0xFFFFF000  }
0x252: {  	_ =	swait.ge @!p0 [sflag:s28], $0x1000  }
0x253: {  	[sflag:s28] =	ssyncset.done @!p0 $0x0  }
0x254: {  	[sflag:s28] =	ssyncadd.s32 @!p0 $0xFFFFF000  }
0x255: {  	v11 =	vld [tilespmem:$0x2F80]  }
0x256: {  	v12 =	vld [tilespmem:$0x3000]  }
0x257: {  	v6 =	vld [tilespmem:$0x3080]  }
0x258: {  	v4 =	vld [tilespmem:$0x3100]  }
0x259: {  	s28 =	simm.s32 $0x1;
	v13 =	vld [tilespmem:$0x3180]  }
0x25a: {  	v15 =	vld [tilespmem:$0x3200];
	v0 =	vadd.s32 s28, v1  }
0x25b: {  	v20 =	vor.u32 $0xF000, v2;
	v7 =	vld [tilespmem:$0x3280];
	v0 =	vand.u32 $0x7F, v0  }
0x25c: {  	v23 =	vor.u32 $0xE000, v2;
	v5 =	vld [tilespmem:$0x3300];
	v16 =	vor.u32 v20, v0  }
0x25d: {  	v25 =	vor.u32 $0x14000, v2;
	v10 =	vld [tilespmem:$0x3380];
	v22 =	vor.u32 v23, v0  }
0x25e: {  	v28 =	vor.u32 $0xC000, v2;
	v14 =	vld [tilespmem:$0x3400];
	v24 =	vor.u32 v25, v0  }
0x25f: {  	v17 =	vor.u32 $0xD000, v2;
	v9 =	vld [tilespmem:$0x3480];
	v26 =	vor.u32 v28, v0  }
0x260: {  	v18 =	vor.u32 $0x10000, v2;
	v8 =	vld [tilespmem:$0x3500];
	v27 =	vor.u32 v17, v0  }
0x261: {  	v19 =	vor.u32 $0x11000, v2;
	v30 =	vor.u32 v18, v0;
	v16 =	vld.idx.msk [tilespmem:v16+s18+$0x0], $0xffff  }
0x262: {  	v21 =	vor.u32 $0x15000, v2;
	v32 =	vor.u32 v19, v0;
	v31 =	vld.idx.msk [tilespmem:v22+s18+$0x0], $0xffff  }
0x263: {  	v34 =	vor.u32 v21, v0;
	v22 =	vor.u32 $0x12000, v2;
	v33 =	vld.idx.msk [tilespmem:v24+s18+$0x0], $0xffff  }
0x264: {  	s28 =	simm.s32 $0x0;
	v24 =	vor.u32 $0x16000, v2;
	v35 =	vld.idx.msk [tilespmem:v26+s18+$0x0], $0xffff;
	v36 =	vor.u32 v22, v0  }
0x265: {  	v29 =	vadd.s32 s28, v1;
	v26 =	vor.u32 $0x13000, v2;
	v37 =	vld.idx.msk [tilespmem:v27+s18+$0x0], $0xffff;
	v38 =	vor.u32 v24, v0  }
0x266: {  	v29 =	vand.u32 $0x7F, v29;
	v30 =	vld.idx.msk [tilespmem:v30+s18+$0x0], $0xffff;
	v39 =	vor.u32 v26, v0  }
0x267: {  	v40 =	vor.u32 v28, v29;
	v27 =	vor.u32 $0x17000, v2;
	v32 =	vld.idx.msk [tilespmem:v32+s18+$0x0], $0xffff  }
0x268: {  	s28 =	simm.s32 $0x2;
	v34 =	vld.idx.msk [tilespmem:v34+s18+$0x0], $0xffff;
	v41 =	vor.u32 v27, v0  }
0x269: {  	v58 =	vadd.s32 s28, v1;
	v43 =	vor.u32 v20, v29;
	v44 =	vor.u32 v17, v29;
	v36 =	vld.idx.msk [tilespmem:v36+s18+$0x0], $0xffff  }
0x26a: {  	v42 =	vor.u32 v23, v29;
	v46 =	vor.u32 v18, v29;
	v31 =	vmul.f32 v31, v6;
	v38 =	vld.idx.msk [tilespmem:v38+s18+$0x0], $0xffff  }
0x26b: {  	v47 =	vor.u32 v19, v29;
	v35 =	vmul.f32 v35, v11;
	v37 =	vmul.f32 v37, v12;
	v39 =	vld.idx.msk [tilespmem:v39+s18+$0x0], $0xffff  }
0x26c: {  	v45 =	vor.u32 v25, v29;
	v40 =	vld.idx.msk [tilespmem:v40+s18+$0x0], $0xffff;
	v30 =	vmul.f32 v30, v13;
	v32 =	vmul.f32 v32, v15  }
0x26d: {  	v33 =	vmul.f32 v33, v10;
	v34 =	vmul.f32 v34, v14;
	v41 =	vld.idx.msk [tilespmem:v41+s18+$0x0], $0xffff;
	v35 =	vadd.f32 v37, v35  }
0x26e: {  	v49 =	vor.u32 v22, v29;
	v44 =	vld.idx.msk [tilespmem:v44+s18+$0x0], $0xffff;
	v30 =	vadd.f32 v32, v30;
	v53 =	vmul.f32 v36, v7  }
0x26f: {  	v46 =	vld.idx.msk [tilespmem:v46+s18+$0x0], $0xffff;
	v16 =	vmul.f32 v16, v4;
	v33 =	vadd.f32 v34, v33;
	v31 =	vadd.f32 v31, v35  }
0x270: {  	v54 =	vld.idx.msk [tilespmem:v47+s18+$0x0], $0xffff;
	v55 =	vmul.f32 v38, v9;
	v57 =	vmul.f32 v39, v5;
	v30 =	vadd.f32 v53, v30  }
0x271: {  	v48 =	vor.u32 v21, v29;
	v52 =	vor.u32 v27, v29;
	v16 =	vadd.f32 v16, v31  }
0x272: {  	v56 =	vld.idx.msk [tilespmem:v42+s18+$0x0], $0xffff;
	v31 =	vmul.f32 v41, v8;
	v33 =	vadd.f32 v55, v33;
	v30 =	vadd.f32 v57, v30  }
0x273: {  	v50 =	vor.u32 v24, v29;
	v51 =	vor.u32 v26, v29;
	v59 =	vmul.f32 v40, v11;
	v60 =	vld.idx.msk [tilespmem:v49+s18+$0x0], $0xffff  }
0x274: {  	v45 =	vld.idx.msk [tilespmem:v45+s18+$0x0], $0xffff;
	v61 =	vmul.f32 v44, v12;
	v31 =	vadd.f32 v31, v33;
	v30 =	vmul.f32 v30, v16  }
0x275: {  	s28 =	simm.s32 $0x3;
	v0 =	vor.u32 v2, v0;
	v62 =	vmul.f32 v46, v13;
	v63 =	vmul.f32 v54, v15  }
0x276: {  	v37 =	vadd.f32 v61, v59;
	v31 =	vmul.f32 v31, v30;
	v30 =	vadd.s32 s28, v1  }
0x277: {  	v40 =	vld.idx.msk [tilespmem:v52+s18+$0x0], $0xffff;
	v42 =	vadd.f32 v63, v62;
	v39 =	vmul.f32 v56, v6;
	v30 =	vand.u32 $0x7F, v30  }
0x278: {  	v34 =	vld.idx.msk [tilespmem:v43+s18+$0x0], $0xffff;
	v43 =	vmul.f32 v60, v7;
	v16 =	vand.u32 $0x7F, v58;
	v46 =	vor.u32 v20, v30  }
0x279: {  	v35 =	vld.idx.msk [tilespmem:v51+s18+$0x0], $0xffff;
	v41 =	vmul.f32 v45, v10;
	v33 =	vor.u32 v23, v16;
	v47 =	vor.u32 v23, v30  }
0x27a: {  	v36 =	vld.idx.msk [tilespmem:v48+s18+$0x0], $0xffff;
	v32 =	vor.u32 v25, v16;
	v44 =	vor.u32 v28, v16;
	v48 =	vor.u32 v25, v30  }
0x27b: {  	v38 =	vld.idx.msk [tilespmem:v50+s18+$0x0], $0xffff;
	s28 =	simm.s32 $0x4;
	[tilespmem:v0+s24+$0x0] =	vst.idx.msk $0xffff, v31;
	v31 =	vor.u32 v20, v16;
	v45 =	vor.u32 v28, v30  }
.LBB2_9:
0x27c: {  	p0 =	slt.u32 s28, $0x7E;
	v0 =	vor.u32 v17, v16;
	v49 =	vor.u32 v17, v30  }
0x27d: {  	v50 =	vor.u32 v18, v16;
	v51 =	vor.u32 v18, v30;
	v46 =	vld.idx.msk [tilespmem:v46+s18+$0x0], $0xffff  }
0x27e: {  	v52 =	vor.u32 v19, v16;
	v53 =	vor.u32 v19, v30;
	v47 =	vld.idx.msk [tilespmem:v47+s18+$0x0], $0xffff  }
0x27f: {  	v54 =	vor.u32 v21, v16;
	v55 =	vor.u32 v21, v30;
	v48 =	vld.idx.msk [tilespmem:v48+s18+$0x0], $0xffff  }
0x280: {  	v56 =	vor.u32 v22, v16;
	v57 =	vor.u32 v22, v30;
	v45 =	vld.idx.msk [tilespmem:v45+s18+$0x0], $0xffff  }
0x281: {  	v58 =	vor.u32 v24, v16;
	v59 =	vor.u32 v24, v30;
	v49 =	vld.idx.msk [tilespmem:v49+s18+$0x0], $0xffff  }
0x282: {  	v60 =	vor.u32 v26, v16;
	v61 =	vor.u32 v26, v30;
	v36 =	vmul.f32 v36, v14;
	v51 =	vld.idx.msk [tilespmem:v51+s18+$0x0], $0xffff  }
0x283: {  	v37 =	vadd.f32 v39, v37;
	v39 =	vadd.f32 v43, v42;
	v53 =	vld.idx.msk [tilespmem:v53+s18+$0x0], $0xffff  }
0x284: {  	v62 =	vor.u32 v27, v16;
	v43 =	vor.u32 v27, v30;
	v36 =	vadd.f32 v36, v41;
	v42 =	vld.idx.msk [tilespmem:v55+s18+$0x0], $0xffff  }
0x285: {  	v34 =	vmul.f32 v34, v4;
	v35 =	vmul.f32 v35, v5;
	v41 =	vld.idx.msk [tilespmem:v57+s18+$0x0], $0xffff  }
0x286: {  	v38 =	vmul.f32 v38, v9;
	v40 =	vmul.f32 v40, v8;
	v55 =	vadd.s32 s28, v1;
	v57 =	vld.idx.msk [tilespmem:v59+s18+$0x0], $0xffff  }
0x287: {  	v34 =	vadd.f32 v34, v37;
	v35 =	vadd.f32 v35, v39;
	v47 =	vmul.f32 v47, v6;
	v59 =	vld.idx.msk [tilespmem:v61+s18+$0x0], $0xffff  }
0x288: {  	v36 =	vadd.f32 v38, v36;
	v39 =	vmul.f32 v45, v11;
	v37 =	vld.idx.msk [tilespmem:v44+s18+$0x0], $0xffff;
	v44 =	vmul.f32 v49, v12  }
0x289: {  	v29 =	vor.u32 v2, v29;
	v38 =	vmul.f32 v51, v13;
	v45 =	vmul.f32 v53, v15;
	v43 =	vld.idx.msk [tilespmem:v43+s18+$0x0], $0xffff  }
0x28a: {  	v40 =	vadd.f32 v40, v36;
	v48 =	vmul.f32 v48, v10;
	v42 =	vmul.f32 v42, v14;
	v0 =	vld.idx.msk [tilespmem:v0+s18+$0x0], $0xffff  }
0x28b: {  	v36 =	vadd.f32 v44, v39;
	v38 =	vadd.f32 v45, v38;
	v39 =	vmul.f32 v41, v7;
	v49 =	vld.idx.msk [tilespmem:v50+s18+$0x0], $0xffff  }
0x28c: {  	v44 =	vmul.f32 v46, v4;
	v42 =	vadd.f32 v42, v48;
	v45 =	vmul.f32 v57, v9;
	v41 =	vld.idx.msk [tilespmem:v52+s18+$0x0], $0xffff  }
0x28d: {  	v36 =	vadd.f32 v47, v36;
	v38 =	vadd.f32 v39, v38;
	v39 =	vmul.f32 v59, v5;
	v33 =	vld.idx.msk [tilespmem:v33+s18+$0x0], $0xffff  }
0x28e: {  	v34 =	vmul.f32 v35, v34;
	v37 =	vmul.f32 v37, v11;
	v42 =	vadd.f32 v45, v42;
	v46 =	vld.idx.msk [tilespmem:v56+s18+$0x0], $0xffff  }
0x28f: {  	v35 =	vadd.f32 v44, v36;
	v38 =	vadd.f32 v39, v38;
	v39 =	vmul.f32 v43, v8;
	v32 =	vld.idx.msk [tilespmem:v32+s18+$0x0], $0xffff  }
0x290: {  	v44 =	vor.u32 v2, v30;
	v30 =	vmul.f32 v40, v34;
	v0 =	vmul.f32 v0, v12;
	v36 =	vld.idx.msk [tilespmem:v54+s18+$0x0], $0xffff  }
0x291: {  	v40 =	vmul.f32 v38, v35;
	v42 =	vadd.f32 v39, v42;
	v34 =	vld.idx.msk [tilespmem:v31+s18+$0x0], $0xffff;
	v31 =	vmul.f32 v49, v13  }
0x292: {  	v37 =	vadd.f32 v0, v37;
	v0 =	vmul.f32 v41, v15;
	v35 =	vld.idx.msk [tilespmem:v60+s18+$0x0], $0xffff;
	[tilespmem:v29+s24+$0x0] =	vst.idx.msk $0xffff, v30  }
0x293: {  	s29 =	sadd.s32 $0x1, s28;
	v39 =	vmul.f32 v33, v6;
	v33 =	vmul.f32 v42, v40;
	v29 =	vmovc v16;
	v16 =	vand.u32 $0x7F, v55;
	v38 =	vld.idx.msk [tilespmem:v58+s18+$0x0], $0xffff  }
0x294: {  	v30 =	vadd.s32 s29, v1;
	v42 =	vadd.f32 v0, v31;
	v43 =	vmul.f32 v46, v7;
	v40 =	vld.idx.msk [tilespmem:v62+s18+$0x0], $0xffff  }
.Ltmp3:
0x295: {  	v30 =	vand.u32 $0x7F, v30;
	v41 =	vmul.f32 v32, v10;
	[tilespmem:v44+s24+$0x0] =	vst.idx.msk $0xffff, v33;
	(pc) =	sbr.rel @p0 .LBB2_9-.Ltmp3, $4  }
0x296: {  	v31 =	vor.u32 v20, v16;
	v46 =	vor.u32 v20, v30  }
0x297: {  	v47 =	vor.u32 v23, v30;
	v33 =	vor.u32 v23, v16  }
0x298: {  	v32 =	vor.u32 v25, v16;
	v48 =	vor.u32 v25, v30  }
0x299: {  	s28 =	sadd.s32 $0x2, s28;
	v45 =	vor.u32 v28, v30;
	v44 =	vor.u32 v28, v16  }
0x29a: {  	_ =	sdelay $0x3  }
0x29b: {  	v20 =	vld.idx.msk [tilespmem:v46+s18+$0x0], $0xffff  }
0x29c: {  	v25 =	vld.idx.msk [tilespmem:v47+s18+$0x0], $0xffff  }
0x29d: {  	v0 =	vor.u32 v17, v30;
	v57 =	vld.idx.msk [tilespmem:v48+s18+$0x0], $0xffff  }
0x29e: {  	v23 =	vor.u32 v18, v30;
	v45 =	vld.idx.msk [tilespmem:v45+s18+$0x0], $0xffff  }
0x29f: {  	v28 =	vor.u32 v19, v30;
	v44 =	vld.idx.msk [tilespmem:v44+s18+$0x0], $0xffff  }
0x2a0: {  	v58 =	vor.u32 v21, v30;
	v33 =	vld.idx.msk [tilespmem:v33+s18+$0x0], $0xffff  }
0x2a1: {  	v59 =	vor.u32 v22, v30;
	v31 =	vld.idx.msk [tilespmem:v31+s18+$0x0], $0xffff  }
0x2a2: {  	v49 =	vor.u32 v24, v30;
	v0 =	vld.idx.msk [tilespmem:v0+s18+$0x0], $0xffff  }
0x2a3: {  	v50 =	vor.u32 v26, v30;
	v17 =	vor.u32 v17, v16;
	v23 =	vld.idx.msk [tilespmem:v23+s18+$0x0], $0xffff  }
0x2a4: {  	v18 =	vor.u32 v18, v16;
	v19 =	vor.u32 v19, v16;
	v21 =	vor.u32 v21, v16;
	v28 =	vld.idx.msk [tilespmem:v28+s18+$0x0], $0xffff  }
0x2a5: {  	v22 =	vor.u32 v22, v16;
	v24 =	vor.u32 v24, v16;
	v26 =	vor.u32 v26, v16;
	v47 =	vld.idx.msk [tilespmem:v58+s18+$0x0], $0xffff  }
0x2a6: {  	v36 =	vmul.f32 v36, v14;
	v37 =	vadd.f32 v39, v37;
	v34 =	vmul.f32 v34, v4;
	v48 =	vld.idx.msk [tilespmem:v59+s18+$0x0], $0xffff  }
0x2a7: {  	v60 =	vadd.f32 v43, v42;
	v35 =	vmul.f32 v35, v5;
	v38 =	vmul.f32 v38, v9;
	v49 =	vld.idx.msk [tilespmem:v49+s18+$0x0], $0xffff  }
0x2a8: {  	v62 =	vor.u32 v27, v16;
	v40 =	vmul.f32 v40, v8;
	v17 =	vld.idx.msk [tilespmem:v17+s18+$0x0], $0xffff;
	v25 =	vmul.f32 v25, v6  }
0x2a9: {  	v27 =	vor.u32 v27, v30;
	v18 =	vld.idx.msk [tilespmem:v18+s18+$0x0], $0xffff;
	v63 =	vmul.f32 v45, v11;
	v45 =	vmul.f32 v57, v10  }
0x2aa: {  	v29 =	vor.u32 v2, v29;
	v19 =	vld.idx.msk [tilespmem:v19+s18+$0x0], $0xffff;
	v20 =	vmul.f32 v20, v4;
	v11 =	vmul.f32 v44, v11  }
0x2ab: {  	v36 =	vadd.f32 v36, v41;
	v61 =	vld.idx.msk [tilespmem:v50+s18+$0x0], $0xffff;
	v6 =	vmul.f32 v33, v6;
	v4 =	vmul.f32 v31, v4  }
0x2ac: {  	v34 =	vadd.f32 v34, v37;
	v22 =	vld.idx.msk [tilespmem:v22+s18+$0x0], $0xffff;
	v0 =	vmul.f32 v0, v12;
	v23 =	vmul.f32 v23, v13  }
0x2ad: {  	v35 =	vadd.f32 v35, v60;
	v21 =	vld.idx.msk [tilespmem:v21+s18+$0x0], $0xffff;
	v28 =	vmul.f32 v28, v15;
	v46 =	vmul.f32 v47, v14  }
0x2ae: {  	v36 =	vadd.f32 v38, v36;
	v47 =	vmul.f32 v48, v7;
	v12 =	vmul.f32 v17, v12;
	v17 =	vld.idx.msk [tilespmem:v26+s18+$0x0], $0xffff  }
0x2af: {  	v13 =	vmul.f32 v18, v13;
	v15 =	vmul.f32 v19, v15;
	v23 =	vadd.f32 v28, v23;
	v28 =	vld.idx.msk [tilespmem:v32+s18+$0x0], $0xffff  }
0x2b0: {  	v49 =	vmul.f32 v49, v9;
	v18 =	vld.idx.msk [tilespmem:v24+s18+$0x0], $0xffff;
	v0 =	vadd.f32 v0, v63;
	v48 =	vadd.f32 v46, v45  }
0x2b1: {  	v19 =	vld.idx.msk [tilespmem:v27+s18+$0x0], $0xffff;
	v7 =	vmul.f32 v22, v7;
	v11 =	vadd.f32 v12, v11;
	v12 =	vadd.f32 v15, v13  }
0x2b2: {  	v14 =	vmul.f32 v21, v14;
	v13 =	vld.idx.msk [tilespmem:v62+s18+$0x0], $0xffff;
	v0 =	vadd.f32 v25, v0;
	v23 =	vadd.f32 v47, v23  }
0x2b3: {  	v25 =	vmul.f32 v61, v5;
	v26 =	vadd.f32 v49, v48;
	v6 =	vadd.f32 v6, v11  }
0x2b4: {  	v7 =	vadd.f32 v7, v12;
	v12 =	vor.u32 v2, v30;
	v10 =	vmul.f32 v28, v10  }
0x2b5: {  	v5 =	vmul.f32 v17, v5;
	v9 =	vmul.f32 v18, v9;
	v0 =	vadd.f32 v20, v0  }
0x2b6: {  	v11 =	vmul.f32 v19, v8;
	v15 =	vadd.f32 v25, v23;
	v10 =	vadd.f32 v14, v10  }
0x2b7: {  	v4 =	vadd.f32 v4, v6;
	v6 =	vmul.f32 v13, v8;
	v5 =	vadd.f32 v5, v7  }
0x2b8: {  	v8 =	vadd.f32 v11, v26;
	v0 =	vmul.f32 v15, v0;
	v7 =	vadd.f32 v9, v10  }
0x2b9: {  	v36 =	vadd.f32 v40, v36;
	v24 =	vmul.f32 v35, v34;
	v9 =	vor.u32 v2, v16  }
0x2ba: {  	v4 =	vmul.f32 v5, v4;
	v0 =	vmul.f32 v8, v0;
	v6 =	vadd.f32 v6, v7  }
0x2bb: {  	v10 =	vmul.f32 v36, v24  }
0x2bc: {  	[tilespmem:v12+s24+$0x0] =	vst.idx.msk $0xffff, v0;
	v4 =	vmul.f32 v6, v4  }
0x2bd: {  	[tilespmem:v29+s24+$0x0] =	vst.idx.msk $0xffff, v10  }
0x2be: {  	[tilespmem:v9+s24+$0x0] =	vst.idx.msk $0xffff, v4  }
0x2bf: {  	v11 =	vld [tilespmem:$0x2F90]  }
0x2c0: {  	v12 =	vld [tilespmem:$0x3010]  }
0x2c1: {  	v6 =	vld [tilespmem:$0x3090]  }
0x2c2: {  	v4 =	vld [tilespmem:$0x3110]  }
0x2c3: {  	s28 =	simm.s32 $0x1;
	v13 =	vld [tilespmem:$0x3190]  }
0x2c4: {  	v0 =	vadd.s32 s28, v1;
	v15 =	vld [tilespmem:$0x3210]  }
0x2c5: {  	v19 =	vor.u32 $0xF800, v2;
	v0 =	vand.u32 $0x7F, v0;
	v7 =	vld [tilespmem:$0x3290]  }
0x2c6: {  	v22 =	vor.u32 $0xE800, v2;
	v20 =	vor.u32 v19, v0;
	v5 =	vld [tilespmem:$0x3310]  }
0x2c7: {  	v24 =	vor.u32 $0x14800, v2;
	v21 =	vor.u32 v22, v0;
	v10 =	vld [tilespmem:$0x3390]  }
0x2c8: {  	v27 =	vor.u32 $0xC800, v2;
	v23 =	vor.u32 v24, v0;
	v14 =	vld [tilespmem:$0x3410]  }
0x2c9: {  	v16 =	vor.u32 $0xD800, v2;
	v25 =	vor.u32 v27, v0;
	v9 =	vld [tilespmem:$0x3490]  }
0x2ca: {  	v17 =	vor.u32 $0x10800, v2;
	v26 =	vor.u32 v16, v0;
	v8 =	vld [tilespmem:$0x3510]  }
0x2cb: {  	v18 =	vor.u32 $0x11800, v2;
	v30 =	vor.u32 v17, v0;
	v29 =	vld.idx.msk [tilespmem:v20+s18+$0x0], $0xffff  }
0x2cc: {  	v50 =	vor.u32 v18, v0;
	v20 =	vor.u32 $0x15800, v2;
	v31 =	vld.idx.msk [tilespmem:v21+s18+$0x0], $0xffff  }
0x2cd: {  	v21 =	vor.u32 $0x12800, v2;
	v33 =	vld.idx.msk [tilespmem:v23+s18+$0x0], $0xffff;
	v51 =	vor.u32 v20, v0  }
0x2ce: {  	s28 =	simm.s32 $0x0;
	v23 =	vor.u32 $0x16800, v2;
	v35 =	vld.idx.msk [tilespmem:v25+s18+$0x0], $0xffff;
	v52 =	vor.u32 v21, v0  }
0x2cf: {  	v28 =	vadd.s32 s28, v1;
	v25 =	vor.u32 $0x13800, v2;
	v53 =	vld.idx.msk [tilespmem:v26+s18+$0x0], $0xffff;
	v54 =	vor.u32 v23, v0  }
0x2d0: {  	v28 =	vand.u32 $0x7F, v28;
	v30 =	vld.idx.msk [tilespmem:v30+s18+$0x0], $0xffff;
	v55 =	vor.u32 v25, v0  }
0x2d1: {  	v56 =	vor.u32 v27, v28;
	v26 =	vor.u32 $0x17800, v2;
	v2 =	vld.idx.msk [tilespmem:v50+s18+$0x0], $0xffff  }
0x2d2: {  	v58 =	vor.u32 v26, v0;
	v57 =	vld.idx.msk [tilespmem:v51+s18+$0x0], $0xffff  }
0x2d3: {  	v42 =	vor.u32 v19, v28;
	v59 =	vor.u32 v22, v28;
	v61 =	vor.u32 v17, v28;
	v36 =	vld.idx.msk [tilespmem:v52+s18+$0x0], $0xffff  }
0x2d4: {  	v60 =	vor.u32 v16, v28;
	v44 =	vor.u32 v24, v28;
	v62 =	vor.u32 v18, v28;
	v38 =	vld.idx.msk [tilespmem:v54+s18+$0x0], $0xffff  }
0x2d5: {  	v47 =	vor.u32 v20, v28;
	v35 =	vmul.f32 v35, v11;
	v37 =	vmul.f32 v53, v12;
	v39 =	vld.idx.msk [tilespmem:v55+s18+$0x0], $0xffff  }
0x2d6: {  	v63 =	vor.u32 v21, v28;
	v40 =	vld.idx.msk [tilespmem:v56+s18+$0x0], $0xffff;
	v30 =	vmul.f32 v30, v13;
	v2 =	vmul.f32 v2, v15  }
0x2d7: {  	v31 =	vmul.f32 v31, v6;
	v33 =	vmul.f32 v33, v10;
	v34 =	vld.idx.msk [tilespmem:v58+s18+$0x0], $0xffff;
	v35 =	vadd.f32 v37, v35  }
0x2d8: {  	v45 =	vld.idx.msk [tilespmem:v61+s18+$0x0], $0xffff;
	v2 =	vadd.f32 v2, v30;
	v32 =	vmul.f32 v57, v14;
	v30 =	vmul.f32 v36, v7  }
0x2d9: {  	v43 =	vld.idx.msk [tilespmem:v60+s18+$0x0], $0xffff;
	v29 =	vmul.f32 v29, v4;
	v31 =	vadd.f32 v31, v35;
	v56 =	vmul.f32 v38, v9  }
0x2da: {  	v55 =	vld.idx.msk [tilespmem:v62+s18+$0x0], $0xffff;
	v32 =	vadd.f32 v32, v33;
	v2 =	vadd.f32 v30, v2;
	v30 =	vmul.f32 v39, v5  }
0x2db: {  	v49 =	vor.u32 v23, v28;
	v61 =	vld.idx.msk [tilespmem:v44+s18+$0x0], $0xffff;
	v0 =	vor.u32 v3, v0;
	v29 =	vadd.f32 v29, v31  }
0x2dc: {  	v32 =	vadd.f32 v56, v32;
	v2 =	vadd.f32 v30, v2;
	v30 =	vmul.f32 v34, v8  }
0x2dd: {  	v54 =	vor.u32 v25, v28;
	v51 =	vor.u32 v26, v28;
	v60 =	vld.idx.msk [tilespmem:v63+s18+$0x0], $0xffff;
	v62 =	vmul.f32 v45, v13  }
0x2de: {  	s28 =	simm.s32 $0x2;
	v57 =	vld.idx.msk [tilespmem:v59+s18+$0x0], $0xffff;
	v59 =	vmul.f32 v40, v11;
	v29 =	vmul.f32 v2, v29;
	v30 =	vadd.f32 v30, v32  }
0x2df: {  	v58 =	vadd.s32 s28, v1;
	s28 =	simm.s32 $0x3;
	v31 =	vmul.f32 v43, v12;
	v63 =	vmul.f32 v55, v15  }
0x2e0: {  	v40 =	vmul.f32 v61, v10;
	v30 =	vmul.f32 v30, v29;
	v29 =	vadd.s32 s28, v1  }
0x2e1: {  	v37 =	vld.idx.msk [tilespmem:v49+s18+$0x0], $0xffff;
	v36 =	vadd.f32 v31, v59;
	v41 =	vadd.f32 v63, v62;
	v29 =	vand.u32 $0x7F, v29  }
0x2e2: {  	v33 =	vld.idx.msk [tilespmem:v42+s18+$0x0], $0xffff;
	v42 =	vmul.f32 v60, v7;
	v2 =	vand.u32 $0x7F, v58;
	v45 =	vor.u32 v19, v29  }
0x2e3: {  	v35 =	vld.idx.msk [tilespmem:v47+s18+$0x0], $0xffff;
	v38 =	vmul.f32 v57, v6;
	v32 =	vor.u32 v22, v2;
	v46 =	vor.u32 v22, v29  }
0x2e4: {  	v39 =	vld.idx.msk [tilespmem:v51+s18+$0x0], $0xffff;
	v31 =	vor.u32 v24, v2;
	v43 =	vor.u32 v27, v2;
	v47 =	vor.u32 v24, v29  }
0x2e5: {  	v34 =	vld.idx.msk [tilespmem:v54+s18+$0x0], $0xffff;
	s28 =	simm.s32 $0x4;
	[tilespmem:v0+s24+$0x0] =	vst.idx.msk $0xffff, v30;
	v30 =	vor.u32 v19, v2;
	v44 =	vor.u32 v27, v29  }
.LBB2_11:
0x2e6: {  	p0 =	slt.u32 s28, $0x7E;
	v0 =	vor.u32 v16, v2;
	v48 =	vor.u32 v16, v29  }
0x2e7: {  	v49 =	vor.u32 v17, v2;
	v50 =	vor.u32 v17, v29;
	v45 =	vld.idx.msk [tilespmem:v45+s18+$0x0], $0xffff  }
0x2e8: {  	v51 =	vor.u32 v18, v2;
	v52 =	vor.u32 v18, v29;
	v46 =	vld.idx.msk [tilespmem:v46+s18+$0x0], $0xffff  }
0x2e9: {  	v53 =	vor.u32 v20, v2;
	v54 =	vor.u32 v20, v29;
	v47 =	vld.idx.msk [tilespmem:v47+s18+$0x0], $0xffff  }
0x2ea: {  	v55 =	vor.u32 v21, v2;
	v56 =	vor.u32 v21, v29;
	v44 =	vld.idx.msk [tilespmem:v44+s18+$0x0], $0xffff  }
0x2eb: {  	v57 =	vor.u32 v23, v2;
	v58 =	vor.u32 v23, v29;
	v48 =	vld.idx.msk [tilespmem:v48+s18+$0x0], $0xffff  }
0x2ec: {  	v59 =	vor.u32 v25, v2;
	v60 =	vor.u32 v25, v29;
	v35 =	vmul.f32 v35, v14;
	v50 =	vld.idx.msk [tilespmem:v50+s18+$0x0], $0xffff  }
0x2ed: {  	v36 =	vadd.f32 v38, v36;
	v38 =	vadd.f32 v42, v41;
	v52 =	vld.idx.msk [tilespmem:v52+s18+$0x0], $0xffff  }
0x2ee: {  	v61 =	vor.u32 v26, v2;
	v42 =	vor.u32 v26, v29;
	v35 =	vadd.f32 v35, v40;
	v41 =	vld.idx.msk [tilespmem:v54+s18+$0x0], $0xffff  }
0x2ef: {  	v33 =	vmul.f32 v33, v4;
	v34 =	vmul.f32 v34, v5;
	v40 =	vld.idx.msk [tilespmem:v56+s18+$0x0], $0xffff  }
0x2f0: {  	v37 =	vmul.f32 v37, v9;
	v39 =	vmul.f32 v39, v8;
	v54 =	vadd.s32 s28, v1;
	v56 =	vld.idx.msk [tilespmem:v58+s18+$0x0], $0xffff  }
0x2f1: {  	v33 =	vadd.f32 v33, v36;
	v34 =	vadd.f32 v34, v38;
	v46 =	vmul.f32 v46, v6;
	v58 =	vld.idx.msk [tilespmem:v60+s18+$0x0], $0xffff  }
0x2f2: {  	v35 =	vadd.f32 v37, v35;
	v38 =	vmul.f32 v44, v11;
	v36 =	vld.idx.msk [tilespmem:v43+s18+$0x0], $0xffff;
	v43 =	vmul.f32 v48, v12  }
0x2f3: {  	v28 =	vor.u32 v3, v28;
	v37 =	vmul.f32 v50, v13;
	v44 =	vmul.f32 v52, v15;
	v42 =	vld.idx.msk [tilespmem:v42+s18+$0x0], $0xffff  }
0x2f4: {  	v39 =	vadd.f32 v39, v35;
	v47 =	vmul.f32 v47, v10;
	v41 =	vmul.f32 v41, v14;
	v0 =	vld.idx.msk [tilespmem:v0+s18+$0x0], $0xffff  }
0x2f5: {  	v35 =	vadd.f32 v43, v38;
	v37 =	vadd.f32 v44, v37;
	v38 =	vmul.f32 v40, v7;
	v48 =	vld.idx.msk [tilespmem:v49+s18+$0x0], $0xffff  }
0x2f6: {  	v43 =	vmul.f32 v45, v4;
	v41 =	vadd.f32 v41, v47;
	v44 =	vmul.f32 v56, v9;
	v40 =	vld.idx.msk [tilespmem:v51+s18+$0x0], $0xffff  }
0x2f7: {  	v35 =	vadd.f32 v46, v35;
	v37 =	vadd.f32 v38, v37;
	v38 =	vmul.f32 v58, v5;
	v32 =	vld.idx.msk [tilespmem:v32+s18+$0x0], $0xffff  }
0x2f8: {  	v33 =	vmul.f32 v34, v33;
	v36 =	vmul.f32 v36, v11;
	v41 =	vadd.f32 v44, v41;
	v45 =	vld.idx.msk [tilespmem:v55+s18+$0x0], $0xffff  }
0x2f9: {  	v34 =	vadd.f32 v43, v35;
	v37 =	vadd.f32 v38, v37;
	v38 =	vmul.f32 v42, v8;
	v31 =	vld.idx.msk [tilespmem:v31+s18+$0x0], $0xffff  }
0x2fa: {  	v43 =	vor.u32 v3, v29;
	v29 =	vmul.f32 v39, v33;
	v0 =	vmul.f32 v0, v12;
	v35 =	vld.idx.msk [tilespmem:v53+s18+$0x0], $0xffff  }
0x2fb: {  	v39 =	vmul.f32 v37, v34;
	v41 =	vadd.f32 v38, v41;
	v33 =	vld.idx.msk [tilespmem:v30+s18+$0x0], $0xffff;
	v30 =	vmul.f32 v48, v13  }
0x2fc: {  	v36 =	vadd.f32 v0, v36;
	v0 =	vmul.f32 v40, v15;
	v34 =	vld.idx.msk [tilespmem:v59+s18+$0x0], $0xffff;
	[tilespmem:v28+s24+$0x0] =	vst.idx.msk $0xffff, v29  }
0x2fd: {  	s29 =	sadd.s32 $0x1, s28;
	v38 =	vmul.f32 v32, v6;
	v32 =	vmul.f32 v41, v39;
	v28 =	vmovc v2;
	v2 =	vand.u32 $0x7F, v54;
	v37 =	vld.idx.msk [tilespmem:v57+s18+$0x0], $0xffff  }
0x2fe: {  	v29 =	vadd.s32 s29, v1;
	v41 =	vadd.f32 v0, v30;
	v42 =	vmul.f32 v45, v7;
	v39 =	vld.idx.msk [tilespmem:v61+s18+$0x0], $0xffff  }
.Ltmp4:
0x2ff: {  	v29 =	vand.u32 $0x7F, v29;
	v40 =	vmul.f32 v31, v10;
	[tilespmem:v43+s24+$0x0] =	vst.idx.msk $0xffff, v32;
	(pc) =	sbr.rel @p0 .LBB2_11-.Ltmp4, $4  }
0x300: {  	v30 =	vor.u32 v19, v2;
	v45 =	vor.u32 v19, v29  }
0x301: {  	v46 =	vor.u32 v22, v29;
	v32 =	vor.u32 v22, v2  }
0x302: {  	v31 =	vor.u32 v24, v2;
	v47 =	vor.u32 v24, v29  }
0x303: {  	s28 =	sadd.s32 $0x2, s28;
	v44 =	vor.u32 v27, v29;
	v43 =	vor.u32 v27, v2  }
0x304: {  	_ =	sdelay $0x3  }
0x305: {  	v19 =	vld.idx.msk [tilespmem:v45+s18+$0x0], $0xffff  }
0x306: {  	v0 =	vor.u32 v16, v29;
	v24 =	vld.idx.msk [tilespmem:v46+s18+$0x0], $0xffff  }
0x307: {  	v22 =	vor.u32 v17, v29;
	v45 =	vld.idx.msk [tilespmem:v47+s18+$0x0], $0xffff  }
0x308: {  	v27 =	vor.u32 v18, v29;
	v44 =	vld.idx.msk [tilespmem:v44+s18+$0x0], $0xffff  }
0x309: {  	v58 =	vor.u32 v20, v29;
	v43 =	vld.idx.msk [tilespmem:v43+s18+$0x0], $0xffff  }
0x30a: {  	v59 =	vor.u32 v21, v29;
	v32 =	vld.idx.msk [tilespmem:v32+s18+$0x0], $0xffff  }
0x30b: {  	v48 =	vor.u32 v23, v29;
	v0 =	vld.idx.msk [tilespmem:v0+s18+$0x0], $0xffff  }
0x30c: {  	v49 =	vor.u32 v25, v29;
	v22 =	vld.idx.msk [tilespmem:v22+s18+$0x0], $0xffff  }
0x30d: {  	v60 =	vor.u32 v16, v2;
	v61 =	vor.u32 v17, v2;
	v27 =	vld.idx.msk [tilespmem:v27+s18+$0x0], $0xffff  }
0x30e: {  	v62 =	vor.u32 v18, v2;
	v20 =	vor.u32 v20, v2;
	v35 =	vmul.f32 v35, v14;
	v46 =	vld.idx.msk [tilespmem:v58+s18+$0x0], $0xffff  }
0x30f: {  	v63 =	vor.u32 v21, v2;
	v23 =	vor.u32 v23, v2;
	v52 =	vor.u32 v25, v2;
	v47 =	vld.idx.msk [tilespmem:v59+s18+$0x0], $0xffff  }
0x310: {  	v33 =	vmul.f32 v33, v4;
	v37 =	vmul.f32 v37, v9;
	v35 =	vadd.f32 v35, v40;
	v48 =	vld.idx.msk [tilespmem:v48+s18+$0x0], $0xffff  }
0x311: {  	v36 =	vadd.f32 v38, v36;
	v34 =	vmul.f32 v34, v5;
	v39 =	vmul.f32 v39, v8;
	v54 =	vld.idx.msk [tilespmem:v49+s18+$0x0], $0xffff  }
0x312: {  	v35 =	vadd.f32 v37, v35;
	v16 =	vld.idx.msk [tilespmem:v60+s18+$0x0], $0xffff;
	v24 =	vmul.f32 v24, v6;
	v57 =	vmul.f32 v44, v11  }
0x313: {  	v53 =	vadd.f32 v42, v41;
	v17 =	vld.idx.msk [tilespmem:v61+s18+$0x0], $0xffff;
	v58 =	vmul.f32 v45, v10;
	v19 =	vmul.f32 v19, v4  }
0x314: {  	v18 =	vld.idx.msk [tilespmem:v62+s18+$0x0], $0xffff;
	v49 =	vmul.f32 v32, v6;
	v35 =	vadd.f32 v39, v35;
	v39 =	vmul.f32 v43, v11  }
0x315: {  	v55 =	vor.u32 v26, v2;
	v60 =	vld.idx.msk [tilespmem:v31+s18+$0x0], $0xffff;
	v0 =	vmul.f32 v0, v12;
	v22 =	vmul.f32 v22, v13  }
0x316: {  	v56 =	vor.u32 v26, v29;
	v20 =	vld.idx.msk [tilespmem:v20+s18+$0x0], $0xffff;
	v27 =	vmul.f32 v27, v15;
	v59 =	vmul.f32 v46, v14  }
0x317: {  	v33 =	vadd.f32 v33, v36;
	v21 =	vld.idx.msk [tilespmem:v63+s18+$0x0], $0xffff;
	v61 =	vmul.f32 v47, v7;
	v63 =	vmul.f32 v48, v9  }
0x318: {  	v30 =	vld.idx.msk [tilespmem:v30+s18+$0x0], $0xffff;
	v34 =	vadd.f32 v34, v53;
	v38 =	vmul.f32 v54, v5;
	v40 =	vmul.f32 v16, v12  }
0x319: {  	v41 =	vld.idx.msk [tilespmem:v52+s18+$0x0], $0xffff;
	v44 =	vmul.f32 v17, v13;
	v45 =	vmul.f32 v18, v15  }
0x31a: {  	v28 =	vor.u32 v3, v28;
	v52 =	vld.idx.msk [tilespmem:v55+s18+$0x0], $0xffff;
	v48 =	vmul.f32 v34, v33;
	v54 =	vmul.f32 v60, v10  }
0x31b: {  	v46 =	vld.idx.msk [tilespmem:v23+s18+$0x0], $0xffff;
	v55 =	vmul.f32 v20, v14;
	v0 =	vadd.f32 v0, v57;
	v22 =	vadd.f32 v27, v22  }
0x31c: {  	v47 =	vld.idx.msk [tilespmem:v56+s18+$0x0], $0xffff;
	v51 =	vmul.f32 v21, v7;
	v62 =	vadd.f32 v59, v58;
	v11 =	vadd.f32 v40, v39  }
0x31d: {  	v56 =	vmul.f32 v30, v4;
	v50 =	vadd.f32 v45, v44;
	v10 =	vadd.f32 v55, v54  }
0x31e: {  	v60 =	vor.u32 v3, v29;
	v0 =	vadd.f32 v24, v0;
	v22 =	vadd.f32 v61, v22  }
0x31f: {  	v57 =	vmul.f32 v41, v5;
	v43 =	vadd.f32 v63, v62;
	v6 =	vadd.f32 v49, v11  }
0x320: {  	v7 =	vadd.f32 v51, v50;
	v58 =	vmul.f32 v46, v9;
	v0 =	vadd.f32 v19, v0  }
0x321: {  	v59 =	vmul.f32 v47, v8;
	v53 =	vadd.f32 v38, v22;
	v4 =	vadd.f32 v56, v6  }
0x322: {  	v61 =	vmul.f32 v52, v8;
	v5 =	vadd.f32 v57, v7;
	v62 =	vadd.f32 v58, v10  }
0x323: {  	v2 =	vor.u32 v3, v2;
	s25 =	sadd.s32 $0x1, s25;
	v63 =	vadd.f32 v59, v43;
	v0 =	vmul.f32 v53, v0  }
0x324: {  	p0 =	sne.s32 s25, $0x32;
	v3 =	vmul.f32 v35, v48;
	v4 =	vmul.f32 v5, v4;
	v6 =	vadd.f32 v61, v62  }
.Ltmp5:
0x325: {  	v0 =	vmul.f32 v63, v0;
	(pc) =	sbr.rel @p0 .LBB2_2-.Ltmp5, $4  }
0x326: {  	s26 =	sadd.s32 s4, s26;
	[tilespmem:v28+s24+$0x0] =	vst.idx.msk $0xffff, v3;
	v3 =	vmul.f32 v6, v4  }
0x327: {  	s26 =	sshll.u32 s26, $0x4;
	[tilespmem:v60+s24+$0x0] =	vst.idx.msk $0xffff, v0  }
0x328: {  	s26 =	sadd.s32 s7, s26;
	[tilespmem:v2+s24+$0x0] =	vst.idx.msk $0xffff, v3  }
0x329: {  	[hbm4b:s26+s3] =	stream.linear.scatter [tilespmem:s24], [sflag:$0x4], $0x1000, $0x38;
	[tilespmem:$0x1D580] =	vst v63  }
0x32a: {  	s25 =	simm.s32 $0x3  }
0x32b: {  	_ =	swait.ge [sflag:s25], $0x1000  }
0x32c: {  	[sflag:s25] =	ssyncset.done $0x0  }
0x32d: {  	s26 =	simm.s32 $0x4;
	[sflag:s25] =	ssyncadd.s32 $0xFFFFF000  }
0x32e: {  	_ =	swait.ge [sflag:s26], $0x1000  }
0x32f: {  	s28 =	rddreg [dreg:$0x7]  }
0x330: {  	s30 =	rddreg [dreg:$0x6];
	s28 =	sadd.s32 $0x1, s28  }
0x331: {  	p0 =	sne.s32 s28, s30  }
.Ltmp6:
0x332: {  	_ = 	snop;
	(pc) =	sbr.rel @p0 .LBB2_1-.Ltmp6, $3  }
0x333: {  	_ =	sdelay $0x1  }
0x334: {  	[sflag:s26] =	ssyncset.done $0x0  }
0x335: {  	[sflag:s26] =	ssyncadd.s32 $0xFFFFF000  }
0x336: {  	_ =	sfence.sel $0x180000  }
0x337: {  	[bflag:$0x0] =	sbarrier.arrive $0xFFFF  }
0x338: {  	_ =	strace $0x90000047  }
0x339: {  	s0 =	stileid.u32;
	[bflag:$0x2] =	sbarrier.arrive $0xFFFF  }
0x33a: {  	p0 =	sne.s32 s0, $0x0;
	s0 =	rddreg [dreg:$0x2]  }
0x33b: {  	s0 =	sadd.s32 @!p0 $0x100000, s0  }
0x33c: {  	[sflag:s0] =	ssyncadd.tile.s32 @!p0 $0x1;
	_ =	shalt  }
.Lfunc_end2:
_tile_overlayer_lowered:
.L_overlay_start_2:
0x33d: {  	(tag) =	ssettag $0x2  }
0x33e: {  	s0 =	rddreg [dreg:$0x0];
	s2 =	stileid.u32  }
0x33f: {  	s1 =	rddreg [dreg:$0x1];
	p0 =	sne.s32 s2, $0x0  }
0x340: {  	s3 =	rddreg [dreg:$0x2];
	[bflag:$0x3] =	sbarrier.arrive $0xFFFF;
	s2 =	simm.s32 @!p0 $0x1C05  }
0x341: {  	[timem:s3], [sflag:s2] =	dma.local @!p0 [hbm:s0], s1  }
0x342: {  	s0 =	simm.s32 @!p0 $0x5  }
0x343: {  	_ =	swait.ge @!p0 [sflag:s0], s1  }
0x344: {  	s1 =	ssub.s32 @!p0 $0x0, s1;
	[sflag:s0] =	ssyncset.done @!p0 $0x0  }
0x345: {  	[sflag:s0] =	ssyncadd.s32 @!p0 s1  }
0x346: {  	[bflag:$0x3] =	sbarrier.arrive $0xFFFF  }
0x347: {  	_ =	shalt  }

</sc_bundles>
